<compile_context>
chip_gen: v7x
topology: tpu7x:2x2x1
jax: 0.10.2.dev20260603
libtpu: 0.0.44.dev20260713+nightly
codegen_flags: <defaults>
</compile_context>

<pallas_src>
import functools

import jax
import jax.numpy as jnp
from jax import lax
from jax.experimental import pallas as pl
from jax.experimental.pallas import tpu as pltpu
from jax.experimental.pallas import tpu_sc as plsc

MAX_NODES = 64
MAX_EDGES = MAX_NODES * MAX_NODES
D_IN = 130
NODE_D = 64
EDGE_D = 8
B = 32
AUX_W = 512

_f32 = jnp.float32
_i32 = jnp.int32


def _a0_body(x_ref, w1n_ref, b1n_ref, w2n_ref, b2n_ref, w1e_ref, b1e_ref,
             wp1g_ref, bp1_ref, wp2g_ref, bp2_ref, wf1g_ref, bf1_ref,
             wf2g_ref, bf2_ref, wn1g_ref, wn2g_ref,
             wf2e_ref, wf2s_ref, wf2r_ref, bn1_ref,
             nodes_ref, h2_ref, aux_ref, nvec_ref):
    xx = x_ref[...]
    nf = xx[:, D_IN - 2:D_IN - 1]
    n_i = nf.astype(_i32)

    h1 = jnp.maximum(xx @ w1n_ref[...] + b1n_ref[...], 0.0)
    nodes = h1 @ w2n_ref[...] + b2n_ref[...]
    col = lax.broadcasted_iota(_i32, (B, MAX_NODES * NODE_D), 1)
    node_mask = (col // NODE_D) < n_i
    nodes_ref[...] = jnp.where(node_mask, nodes, 0.0)

    h2_ref[...] = jnp.maximum(xx @ w1e_ref[...] + b1e_ref[...], 0.0)

    g1 = xx @ wp1g_ref[...] + bp1_ref[...]
    ge1 = xx @ wf1g_ref[...] + bf1_ref[...]
    gn1 = xx @ wn1g_ref[...]
    gn2 = xx @ wn2g_ref[...]
    ge2 = xx @ wf2g_ref[...] + bf2_ref[...]
    g2 = xx @ wp2g_ref[...] + bp2_ref[...]
    const8 = (bf1_ref[...] @ wf2e_ref[...]
              + bn1_ref[...] @ wf2s_ref[...]
              + bn1_ref[...] @ wf2r_ref[...] + bf2_ref[...])
    const8b = jnp.broadcast_to(const8, (B, EDGE_D))
    pad = jnp.zeros((B, AUX_W - 274), _f32)
    aux_ref[...] = jnp.concatenate(
        [g1, ge1, gn1, gn2, ge2, const8b, g2, nf, pad], axis=1)
    nvec_ref[...] = jnp.broadcast_to(n_i, (B, 16))


def _a1_body(h2_ref, w_ref, b_ref, out_ref):
    out_ref[...] = h2_ref[...] @ w_ref[...] + b_ref[...]


def _scg_body(edges_hbm, nvec_hbm, epair_hbm, sidx_hbm,
              nb_v, gidx_v, sidx_v, ebuf, sem):
    wid = lax.axis_index("s") * 2 + lax.axis_index("c")
    base = wid * MAX_EDGES
    pltpu.sync_copy(nvec_hbm.at[wid], nb_v)
    nn = nb_v[...]

    def body(i, carry):
        p = i * 16 + lax.iota(_i32, 16)
        s = lax.shift_right_logical(p, 6)
        r = jnp.bitwise_and(p, 63)
        t = s + r
        ct = jnp.where(t <= nn, (t * (t + 1)) >> 1,
                       nn * nn - (((2 * nn - 1 - t) * (2 * nn - t)) >> 1))
        rank = ct + s - jnp.maximum(t - nn + 1, 0)
        valid = jnp.logical_and(s < nn, r < nn)
        inv_before = jnp.where(
            s < nn, s * (MAX_NODES - nn) + jnp.maximum(r - nn, 0),
            nn * (MAX_NODES - nn) + (s - nn) * MAX_NODES + r)
        inv_rank = nn * nn + inv_before
        j = lax.shift_right_logical(i, 3)
        off = jnp.bitwise_and(i, 7) * 16
        gidx_v[j, pl.ds(off, 16)] = jnp.clip(rank, 0, MAX_EDGES - 1) + base
        sidx_v[j, pl.ds(off, 16)] = jnp.where(valid, rank, inv_rank) + base
        return carry

    lax.fori_loop(0, MAX_EDGES // 16, body, jnp.int32(0))
    copies = [
        pltpu.async_copy(edges_hbm.at[gidx_v.at[j]],
                         ebuf.at[pl.ds(j * 128, 128)], sem)
        for j in range(MAX_EDGES // 128)
    ]
    for c in copies:
        c.wait()
    pltpu.sync_copy(ebuf, epair_hbm.at[pl.ds(base, MAX_EDGES)])
    pltpu.sync_copy(sidx_v, sidx_hbm.at[wid])


def _b_body(ep_ref, nodes_ref, aux_ref,
            wp1e_ref, wp1s_ref, wp1r_ref, wp2e_ref, wp2s_ref, wp2r_ref,
            wf1e_ref, wf1s_ref, wf1r_ref, wf2e_ref, wf2s_ref, wf2r_ref,
            wn1n_ref, wn1a_ref, bn1_ref, wn2n_ref, wn2a_ref, bn2_ref,
            rows_ref, nd2_ref):
    ep = ep_ref[0]
    nd0 = nodes_ref[0]
    av = aux_ref[0, 0]
    g1 = av[0:64]
    ge1 = av[64:128]
    gn1 = av[128:192]
    gn2 = av[192:256]
    ge2 = av[256:264]
    const8 = av[264:272]
    g2 = av[272:273]
    nfv = av[273:274]

    niv = nfv.astype(_i32)
    N = MAX_NODES
    si = lax.broadcasted_iota(_i32, (N, N), 0)
    ri = lax.broadcasted_iota(_i32, (N, N), 1)
    valid64 = jnp.logical_and(si < niv, ri < niv).astype(_f32)
    node_mask = (lax.broadcasted_iota(_i32, (MAX_NODES, 1), 0)
                 < niv).astype(_f32)
    inv_n = 1.0 / nfv

    ps1 = nd0 @ wp1s_ref[...] + g1[None, :]
    pr1 = nd0 @ wp1r_ref[...]
    h3 = ((ep @ wp1e_ref[...]).reshape(N, N, 64)
          + ps1[:, None, :] + pr1[None, :, :])
    ps2 = jnp.sum(nd0 * wp2s_ref[...], axis=1, keepdims=True)
    pr2 = jnp.sum(nd0 * wp2r_ref[...], axis=1, keepdims=True)
    logit64 = (jnp.sum(h3 * wp2e_ref[...][None, :, :], axis=-1)
               + ps2 + pr2.T + g2)
    w64 = jax.nn.sigmoid(logit64) * valid64
    w3 = lax.broadcast_in_dim(w64, (N, N, 64), (0, 1))
    w38 = lax.broadcast_in_dim(w64, (N, N, EDGE_D), (0, 1))

    qs = nd0 @ wf1s_ref[...] + ge1[None, :]
    qr = nd0 @ wf1r_ref[...]
    e2a3 = ((ep @ wf1e_ref[...]).reshape(N, N, 64)
            + qs[:, None, :] + qr[None, :, :])
    agg1 = jnp.sum(w3 * e2a3, axis=0) * inv_n
    nd1 = (nd0 @ wn1n_ref[...] + agg1 @ wn1a_ref[...]
           + node_mask * gn1[None, :] + bn1_ref[...])
    qs2 = nd1 @ wf2s_ref[...] + ge2[None, :]
    qr2 = nd1 @ wf2r_ref[...]
    e2b3 = ((e2a3.reshape(MAX_EDGES, 64) @ wf2e_ref[...]).reshape(
        N, N, EDGE_D) + qs2[:, None, :] + qr2[None, :, :])
    agg2 = jnp.sum(w38 * e2b3, axis=0) * inv_n
    nd2 = (nd1 @ wn2n_ref[...] + agg2 @ wn2a_ref[...]
           + node_mask * gn2[None, :] + bn2_ref[...])
    nd2_ref[0] = nd2

    valid3 = lax.broadcast_in_dim(valid64, (N, N, EDGE_D), (0, 1))
    e2sel = valid3 * e2b3 + (1.0 - valid3) * const8[None, None, :]
    onehot0 = (lax.broadcasted_iota(_i32, (1, 1, EDGE_D), 2) == 0
               ).astype(_f32)
    wcol = w38 * onehot0
    rows = jnp.concatenate([e2sel, wcol], axis=-1)
    rows_ref[0] = rows.reshape(MAX_EDGES, 16)


def _scs_body(rows_hbm, sidx_hbm, out_hbm, sidx_v, rbuf, sem):
    wid = lax.axis_index("s") * 2 + lax.axis_index("c")
    base = wid * MAX_EDGES
    pltpu.sync_copy(sidx_hbm.at[wid], sidx_v)
    pltpu.sync_copy(rows_hbm.at[pl.ds(base, MAX_EDGES)], rbuf)
    copies = [
        pltpu.async_copy(rbuf.at[pl.ds(j * 128, 128)],
                         out_hbm.at[sidx_v.at[j]], sem)
        for j in range(MAX_EDGES // 128)
    ]
    for c in copies:
        c.wait()


def _full_spec(shape):
    return pl.BlockSpec(shape, lambda *_: tuple(0 for _ in shape))


def kernel(x, params):
    (w1n, b1n), (w2n, b2n) = params['node_mlp']
    (w1e, b1e), (w2e, b2e) = params['edge_mlp']
    (wp1, bp1), = params['prob_edge'][0]
    (wp2, bp2), = params['prob_edge'][1]
    (wf1, bf1), = params['final_edge'][0]
    (wf2, bf2), = params['final_edge'][1]
    (wn1, bn1), = params['final_node'][0]
    (wn2, bn2), = params['final_node'][1]

    wp1e, wp1s, wp1r, wp1g = (wp1[:8], wp1[8:72], wp1[72:136], wp1[136:])
    wp2e, wp2s, wp2r, wp2g = (wp2[:64], wp2[64:128], wp2[128:192], wp2[192:])
    wf1e, wf1s, wf1r, wf1g = (wf1[:8], wf1[8:72], wf1[72:136], wf1[136:])
    wf2e, wf2s, wf2r, wf2g = (wf2[:64], wf2[64:128], wf2[128:192], wf2[192:])
    wn1n, wn1a, wn1g = (wn1[:64], wn1[64:128], wn1[128:])
    wn2n, wn2a, wn2g = (wn2[:64], wn2[64:72], wn2[72:])

    r2 = lambda v: v.reshape(1, -1)

    nodes_f, h2, aux, nvec = pl.pallas_call(
        _a0_body,
        out_shape=[
            jax.ShapeDtypeStruct((B, MAX_NODES * NODE_D), _f32),
            jax.ShapeDtypeStruct((B, 256), _f32),
            jax.ShapeDtypeStruct((B, AUX_W), _f32),
            jax.ShapeDtypeStruct((B, 16), _i32),
        ],
    )(x, w1n, r2(b1n), w2n, r2(b2n), w1e, r2(b1e),
      wp1g, r2(bp1), wp2g, r2(bp2), wf1g, r2(bf1), wf2g, r2(bf2),
      wn1g, wn2g, wf2e, wf2s, wf2r, r2(bn1))

    blk = 2048
    edges = pl.pallas_call(
        _a1_body,
        grid=(w2e.shape[1] // blk,),
        in_specs=[
            pl.BlockSpec((B, 256), lambda j: (0, 0)),
            pl.BlockSpec((256, blk), lambda j: (0, j)),
            pl.BlockSpec((1, blk), lambda j: (0, j)),
        ],
        out_specs=pl.BlockSpec((B, blk), lambda j: (0, j)),
        out_shape=jax.ShapeDtypeStruct((B, w2e.shape[1]), _f32),
    )(h2, w2e, r2(b2e))
    edges_rows = edges.reshape(B * MAX_EDGES, EDGE_D)

    mesh = plsc.VectorSubcoreMesh(core_axis_name="c", subcore_axis_name="s")
    epair_rows, sidx = pl.kernel(
        _scg_body,
        out_type=[
            jax.ShapeDtypeStruct((B * MAX_EDGES, EDGE_D), _f32),
            jax.ShapeDtypeStruct((B, MAX_EDGES // 128, 128), _i32),
        ],
        mesh=mesh,
        scratch_types=[
            pltpu.VMEM((16,), _i32),
            pltpu.VMEM((MAX_EDGES // 128, 128), _i32),
            pltpu.VMEM((MAX_EDGES // 128, 128), _i32),
            pltpu.VMEM((MAX_EDGES, EDGE_D), _f32),
            pltpu.SemaphoreType.DMA,
        ],
        compiler_params=pltpu.CompilerParams(use_tc_tiling_on_sc=False),
    )(edges_rows, nvec)

    epair3 = epair_rows.reshape(B, MAX_EDGES, EDGE_D)
    nodes3 = nodes_f.reshape(B, MAX_NODES, NODE_D)
    aux3 = aux.reshape(B, 1, AUX_W)
    rows, nd2 = pl.pallas_call(
        _b_body,
        grid=(B,),
        in_specs=[
            pl.BlockSpec((1, MAX_EDGES, EDGE_D), lambda b: (b, 0, 0)),
            pl.BlockSpec((1, MAX_NODES, NODE_D), lambda b: (b, 0, 0)),
            pl.BlockSpec((1, 1, AUX_W), lambda b: (b, 0, 0)),
            _full_spec((EDGE_D, 64)), _full_spec((NODE_D, 64)),
            _full_spec((NODE_D, 64)),
            _full_spec((1, 64)), _full_spec((1, 64)), _full_spec((1, 64)),
            _full_spec((EDGE_D, 64)), _full_spec((NODE_D, 64)),
            _full_spec((NODE_D, 64)),
            _full_spec((64, EDGE_D)), _full_spec((NODE_D, EDGE_D)),
            _full_spec((NODE_D, EDGE_D)),
            _full_spec((NODE_D, 64)), _full_spec((64, 64)),
            _full_spec((1, 64)),
            _full_spec((NODE_D, 64)), _full_spec((EDGE_D, 64)),
            _full_spec((1, 64)),
        ],
        out_specs=[
            pl.BlockSpec((1, MAX_EDGES, 16), lambda b: (b, 0, 0)),
            pl.BlockSpec((1, MAX_NODES, NODE_D), lambda b: (b, 0, 0)),
        ],
        out_shape=[
            jax.ShapeDtypeStruct((B, MAX_EDGES, 16), _f32),
            jax.ShapeDtypeStruct((B, MAX_NODES, NODE_D), _f32),
        ],
    )(epair3, nodes3, aux3,
      wp1e, wp1s, wp1r, r2(wp2e), r2(wp2s), r2(wp2r),
      wf1e, wf1s, wf1r, wf2e, wf2s, wf2r,
      wn1n, wn1a, r2(bn1), wn2n, wn2a, r2(bn2))

    out_rows = pl.kernel(
        _scs_body,
        out_type=jax.ShapeDtypeStruct((B * MAX_EDGES, 16), _f32),
        mesh=mesh,
        scratch_types=[
            pltpu.VMEM((MAX_EDGES // 128, 128), _i32),
            pltpu.VMEM((MAX_EDGES, 16), _f32),
            pltpu.SemaphoreType.DMA,
        ],
        compiler_params=pltpu.CompilerParams(use_tc_tiling_on_sc=False),
    )(rows.reshape(B * MAX_EDGES, 16), sidx)

    nd_out = nd2.reshape(B * MAX_NODES, NODE_D)
    e2_out = out_rows[:, :EDGE_D]
    ew_out = out_rows[:, EDGE_D].reshape(B, MAX_EDGES)
    return nd_out, e2_out, ew_out

# --- scband reference (transcript-rebuilt; emitter-appended) ---
"""Pipeline reference for scband-edge-weight-decoder-36223754174486 (READ-ONLY COPY).

The authoritative reference and input builder live on the scoring server;
editing this copy changes nothing except your own understanding.
"""

import jax, jax.numpy as jnp
import numpy as np

MAX_NODES = 64
MER = 1
MAX_EDGES = MAX_NODES * MAX_NODES * MER
D_IN = 130
NODE_D = 64
EDGE_D = 8
B = 32


def _mk_mlp(rng, d_in, sizes):
    params = []
    for d_out in sizes:
        W = (rng.standard_normal((d_in, d_out)) / np.sqrt(d_in)).astype(np.float32)
        b = np.zeros((d_out,), np.float32)
        params.append((jnp.asarray(W), jnp.asarray(b)))
        d_in = d_out
    return params


def mlp_apply(params, h):
    for i, (W, b) in enumerate(params):
        h = h @ W + b
        if i < len(params) - 1:
            h = jax.nn.relu(h)
    return h


def setup_inputs(seed: int = 0) -> dict:
    key = jax.random.key(seed)
    k1, k2 = jax.random.split(key)
    x = jax.random.normal(k1, (B, D_IN), dtype=jnp.float32)
    n = jax.random.randint(k2, (B,), 1, MAX_NODES + 1)
    x = x.at[:, -2].set(n.astype(jnp.float32))
    rng = np.random.default_rng(0)
    params = {
        'node_mlp': _mk_mlp(rng, D_IN, [256, MAX_NODES * NODE_D]),
        'edge_mlp': _mk_mlp(rng, D_IN, [256, MAX_EDGES * EDGE_D]),
        'prob_edge': [
            _mk_mlp(rng, EDGE_D + 2 * NODE_D + D_IN, [64]),
            _mk_mlp(rng, 64 + 2 * NODE_D + D_IN, [1]),
        ],
        'final_edge': [
            _mk_mlp(rng, EDGE_D + 2 * NODE_D + D_IN, [64]),
            _mk_mlp(rng, 64 + 2 * NODE_D + D_IN, [EDGE_D]),
        ],
        'final_node': [
            _mk_mlp(rng, NODE_D + 64 + D_IN, [NODE_D]),
            _mk_mlp(rng, NODE_D + EDGE_D + D_IN, [NODE_D]),
        ],
    }
    return {'x': x, 'params': params}


def _forward(x, params):
    bsz = x.shape[0]
    n = x[:, -2].astype(jnp.int32)
    er = jnp.arange(MAX_NODES, dtype=jnp.int32)
    s0 = jnp.repeat(er, MAX_NODES)
    r0 = jnp.tile(er, MAX_NODES)
    s0 = jnp.repeat(s0, MER)
    r0 = jnp.repeat(r0, MER)

    def build(nn_):
        logic = (s0 >= nn_) | (r0 >= nn_)
        s = jnp.where(logic, nn_, s0)
        r = jnp.where(logic, nn_, r0)
        idx = jnp.argsort(s + r, stable=True)
        return s[idx], r[idx]

    senders, receivers = jax.vmap(build)(n)
    offset = jnp.arange(bsz, dtype=jnp.int32)[:, None] * MAX_NODES
    senders = (senders + offset).reshape(-1)
    receivers = (receivers + offset).reshape(-1)

    nodes = mlp_apply(params['node_mlp'], x).reshape(bsz, MAX_NODES, NODE_D)
    node_mask = jnp.arange(MAX_NODES)[None, :] < n[:, None]
    nodes = nodes * node_mask[:, :, None]

    edges = mlp_apply(params['edge_mlp'], x).reshape(bsz, MAX_EDGES, EDGE_D)
    edge_mask = jnp.arange(MAX_EDGES)[None, :] < (n * n * MER)[:, None]
    edges = edges * edge_mask[:, :, None]

    nodes_f = nodes.reshape(bsz * MAX_NODES, NODE_D)
    edges_f = edges.reshape(bsz * MAX_EDGES, EDGE_D)

    glob_nodes = (node_mask[:, :, None] * x[:, None, :]).reshape(bsz * MAX_NODES, D_IN)
    glob_edges = (edge_mask[:, :, None] * x[:, None, :]).reshape(bsz * MAX_EDGES, D_IN)

    e = edges_f
    for p in params['prob_edge']:
        e_in = jnp.concatenate([e, nodes_f[senders], nodes_f[receivers], glob_edges], axis=-1)
        e = mlp_apply(p, e_in)
    probabilities = e.reshape(bsz, MAX_EDGES)
    ew = jax.nn.sigmoid(probabilities) * edge_mask
    w = ew.reshape(-1)

    n_tot = bsz * MAX_NODES
    deg = jax.ops.segment_sum(jnp.ones_like(w), receivers, num_segments=n_tot)
    deg = jnp.maximum(deg, 1.0)

    e2 = edges_f
    nd = nodes_f
    for pe, pn in zip(params['final_edge'], params['final_node']):
        e_in = jnp.concatenate([e2, nd[senders], nd[receivers], glob_edges], axis=-1)
        e2 = mlp_apply(pe, e_in)
        agg = jax.ops.segment_sum(w[:, None] * e2, receivers, num_segments=n_tot) / deg[:, None]
        n_in = jnp.concatenate([nd, agg, glob_nodes], axis=-1)
        nd = mlp_apply(pn, n_in)

    return nd, e2, ew


def reference(x, params):
    return _forward(x, params)

if __name__ == "__main__":
    import jax
    _d = setup_inputs()
    print(jax.jit(kernel)(*tuple(_d.values())))

</pallas_src>

<mosaic_0001>
#map = affine_map<(d0, d1) -> (0, 0)>
#map1 = affine_map<(d0, d1) -> (0, 0, 0)>
module attributes {stable_mosaic.version = 14 : i64} {
  func.func @_scg_body(%arg0: i32, %arg1: i32, %arg2: memref<131072x8xf32, #tpu.memory_space<hbm>>, %arg3: memref<32x16xi32, #tpu.memory_space<hbm>>, %arg4: memref<131072x8xf32, #tpu.memory_space<hbm>>, %arg5: memref<32x32x128xi32, #tpu.memory_space<hbm>>, %arg6: memref<16xi32, #tpu.memory_space<vmem>>, %arg7: memref<32x128xi32, #tpu.memory_space<vmem>>, %arg8: memref<32x128xi32, #tpu.memory_space<vmem>>, %arg9: memref<4096x8xf32, #tpu.memory_space<vmem>>, %arg10: memref<!tpu.dma_semaphore, #tpu.memory_space<semaphore_mem>>) attributes {dimension_semantics = [#tpu.dimension_semantics<core_parallel>, #tpu.dimension_semantics<subcore_parallel>], iteration_bounds = array<i64: 2, 16>, scalar_prefetch = 0 : i64, scratch_operands = 5 : i64, tpu.core_type = #tpu.core_type<sc_vector_subcore>, window_params = [{transform_indices = #map}, {transform_indices = #map}, {transform_indices = #map}, {transform_indices = #map1}]} {
    %mul3A = arith.constant 2 : i32
    %mul3A_0 = arith.muli %arg1, %mul3A : i32
    %add3A = arith.addi %mul3A_0, %arg0 : i32
    %mul3A_1 = arith.constant 4096 : i32
    %mul3A_2 = arith.muli %add3A, %mul3A_1 : i32
    "tpu.region"() ({
      %run_scoped3A = tpu.sem_alloc : memref<!tpu.dma_semaphore, #tpu.memory_space<semaphore_mem>>
      %dma_start3A_648 = arith.constant 0 : i32
      %dma_start3A_649 = tpu.memref_slice %arg3[%add3A, %dma_start3A_648] : memref<32x16xi32, #tpu.memory_space<hbm>> -> memref<1x16xi32, #tpu.memory_space<hbm>>
      %dma_start3A_650 = tpu.memref_squeeze %dma_start3A_649 : memref<1x16xi32, #tpu.memory_space<hbm>> -> memref<16xi32, #tpu.memory_space<hbm>>
      %dma_start3A_651 = arith.constant 0 : i32
      %dma_start3A_652 = tpu.memref_slice %arg3[%add3A, %dma_start3A_651] : memref<32x16xi32, #tpu.memory_space<hbm>> -> memref<1x16xi32, #tpu.memory_space<hbm>>
      %dma_start3A_653 = tpu.memref_squeeze %dma_start3A_652 : memref<1x16xi32, #tpu.memory_space<hbm>> -> memref<16xi32, #tpu.memory_space<hbm>>
      tpu.enqueue_dma source(%dma_start3A_653 : memref<16xi32, #tpu.memory_space<hbm>>) target(%arg6 : memref<16xi32, #tpu.memory_space<vmem>>) target_semaphore(%run_scoped3A : memref<!tpu.dma_semaphore, #tpu.memory_space<semaphore_mem>>)
      %dma_wait3A_654 = arith.constant 0 : i32
      %dma_wait3A_655 = tpu.memref_slice %arg3[%add3A, %dma_wait3A_654] : memref<32x16xi32, #tpu.memory_space<hbm>> -> memref<1x16xi32, #tpu.memory_space<hbm>>
      %dma_wait3A_656 = tpu.memref_squeeze %dma_wait3A_655 : memref<1x16xi32, #tpu.memory_space<hbm>> -> memref<16xi32, #tpu.memory_space<hbm>>
      %dma_wait3A_657 = arith.constant 0 : i32
      %dma_wait3A_658 = tpu.memref_slice %arg3[%add3A, %dma_wait3A_657] : memref<32x16xi32, #tpu.memory_space<hbm>> -> memref<1x16xi32, #tpu.memory_space<hbm>>
      %dma_wait3A_659 = tpu.memref_squeeze %dma_wait3A_658 : memref<1x16xi32, #tpu.memory_space<hbm>> -> memref<16xi32, #tpu.memory_space<hbm>>
      tpu.wait_dma2 semaphore(%run_scoped3A : memref<!tpu.dma_semaphore, #tpu.memory_space<semaphore_mem>>) src(%dma_wait3A_659 : memref<16xi32, #tpu.memory_space<hbm>>) dst(%arg6 : memref<16xi32, #tpu.memory_space<vmem>>)
      tpu.yield
    }) : () -> ()
    %get3A = arith.constant 0 : index
    %get3A_3 = tpu.vector_load %arg6[%get3A] {strides = array<i32>} : memref<16xi32, #tpu.memory_space<vmem>>, vector<16xi32>,
    %get3A_4 = vector.shape_cast %get3A_3 : vector<16xi32> to vector<16xi32>
    %scan3A = arith.constant 0 : i32
    %scan3A_5 = arith.constant 0 : i32
    %scan3A_6 = arith.constant 256 : i32
    %scan3A_7 = arith.addi %scan3A_5, %scan3A_6 : i32
    %scan3A_8 = arith.constant 1 : i32
    scf.for %scan3A_648 = %scan3A_5 to %scan3A_7 step %scan3A_8  : i32 {
      %mul3A_649 = arith.constant 16 : i32
      %mul3A_650 = arith.muli %scan3A_648, %mul3A_649 : i32
      %iota3A = tpu.iota {dimensions = array<i32: 0>} : vector<16xi32>
      %add3A_651 = vector.broadcast %mul3A_650 : i32 to vector<16xi32>
      %add3A_652 = arith.addi %add3A_651, %iota3A : vector<16xi32>
      %shift_right_logical3A = arith.constant 6 : i32
      %shift_right_logical3A_653 = vector.broadcast %shift_right_logical3A : i32 to vector<16xi32>
      %shift_right_logical3A_654 = arith.shrui %add3A_652, %shift_right_logical3A_653 : vector<16xi32>
      %and3A = arith.constant 63 : i32
      %and3A_655 = vector.broadcast %and3A : i32 to vector<16xi32>
      %and3A_656 = arith.andi %add3A_652, %and3A_655 : vector<16xi32>
      %add3A_657 = arith.addi %shift_right_logical3A_654, %and3A_656 : vector<16xi32>
      %le3A = arith.cmpi sle, %add3A_657, %get3A_4 : vector<16xi32>
      %add3A_658 = arith.constant 1 : i32
      %add3A_659 = vector.broadcast %add3A_658 : i32 to vector<16xi32>
      %add3A_660 = arith.addi %add3A_657, %add3A_659 : vector<16xi32>
      %mul3A_661 = arith.muli %add3A_657, %add3A_660 : vector<16xi32>
      %shift_right_arithmetic3A = arith.constant 1 : i32
      %shift_right_arithmetic3A_662 = vector.broadcast %shift_right_arithmetic3A : i32 to vector<16xi32>
      %shift_right_arithmetic3A_663 = arith.shrsi %mul3A_661, %shift_right_arithmetic3A_662 : vector<16xi32>
      %mul3A_664 = arith.muli %get3A_4, %get3A_4 : vector<16xi32>
      %mul3A_665 = arith.constant 2 : i32
      %mul3A_666 = vector.broadcast %mul3A_665 : i32 to vector<16xi32>
      %mul3A_667 = arith.muli %mul3A_666, %get3A_4 : vector<16xi32>
      %sub3A = arith.constant 1 : i32
      %sub3A_668 = vector.broadcast %sub3A : i32 to vector<16xi32>
      %sub3A_669 = arith.subi %mul3A_667, %sub3A_668 : vector<16xi32>
      %sub3A_670 = arith.subi %sub3A_669, %add3A_657 : vector<16xi32>
      %mul3A_671 = arith.constant 2 : i32
      %mul3A_672 = vector.broadcast %mul3A_671 : i32 to vector<16xi32>
      %mul3A_673 = arith.muli %mul3A_672, %get3A_4 : vector<16xi32>
      %sub3A_674 = arith.subi %mul3A_673, %add3A_657 : vector<16xi32>
      %mul3A_675 = arith.muli %sub3A_670, %sub3A_674 : vector<16xi32>
      %shift_right_arithmetic3A_676 = arith.constant 1 : i32
      %shift_right_arithmetic3A_677 = vector.broadcast %shift_right_arithmetic3A_676 : i32 to vector<16xi32>
      %shift_right_arithmetic3A_678 = arith.shrsi %mul3A_675, %shift_right_arithmetic3A_677 : vector<16xi32>
      %sub3A_679 = arith.subi %mul3A_664, %shift_right_arithmetic3A_678 : vector<16xi32>
      %select_n3A = arith.select %le3A, %shift_right_arithmetic3A_663, %sub3A_679 : vector<16xi1>, vector<16xi32>
      %add3A_680 = arith.addi %select_n3A, %shift_right_logical3A_654 : vector<16xi32>
      %sub3A_681 = arith.subi %add3A_657, %get3A_4 : vector<16xi32>
      %add3A_682 = arith.constant 1 : i32
      %add3A_683 = vector.broadcast %add3A_682 : i32 to vector<16xi32>
      %add3A_684 = arith.addi %sub3A_681, %add3A_683 : vector<16xi32>
      %max3A = arith.constant 0 : i32
      %max3A_685 = vector.broadcast %max3A : i32 to vector<16xi32>
      %max3A_686 = arith.maxsi %add3A_684, %max3A_685 : vector<16xi32>
      %sub3A_687 = arith.subi %add3A_680, %max3A_686 : vector<16xi32>
      %lt3A = arith.cmpi slt, %shift_right_logical3A_654, %get3A_4 : vector<16xi32>
      %lt3A_688 = arith.cmpi slt, %and3A_656, %get3A_4 : vector<16xi32>
      %and3A_689 = arith.andi %lt3A, %lt3A_688 : vector<16xi1>
      %lt3A_690 = arith.cmpi slt, %shift_right_logical3A_654, %get3A_4 : vector<16xi32>
      %sub3A_691 = arith.constant 64 : i32
      %sub3A_692 = vector.broadcast %sub3A_691 : i32 to vector<16xi32>
      %sub3A_693 = arith.subi %sub3A_692, %get3A_4 : vector<16xi32>
      %mul3A_694 = arith.muli %shift_right_logical3A_654, %sub3A_693 : vector<16xi32>
      %sub3A_695 = arith.subi %and3A_656, %get3A_4 : vector<16xi32>
      %max3A_696 = arith.constant 0 : i32
      %max3A_697 = vector.broadcast %max3A_696 : i32 to vector<16xi32>
      %max3A_698 = arith.maxsi %sub3A_695, %max3A_697 : vector<16xi32>
      %add3A_699 = arith.addi %mul3A_694, %max3A_698 : vector<16xi32>
      %sub3A_700 = arith.constant 64 : i32
      %sub3A_701 = vector.broadcast %sub3A_700 : i32 to vector<16xi32>
      %sub3A_702 = arith.subi %sub3A_701, %get3A_4 : vector<16xi32>
      %mul3A_703 = arith.muli %get3A_4, %sub3A_702 : vector<16xi32>
      %sub3A_704 = arith.subi %shift_right_logical3A_654, %get3A_4 : vector<16xi32>
      %mul3A_705 = arith.constant 64 : i32
      %mul3A_706 = vector.broadcast %mul3A_705 : i32 to vector<16xi32>
      %mul3A_707 = arith.muli %sub3A_704, %mul3A_706 : vector<16xi32>
      %add3A_708 = arith.addi %mul3A_703, %mul3A_707 : vector<16xi32>
      %add3A_709 = arith.addi %add3A_708, %and3A_656 : vector<16xi32>
      %select_n3A_710 = arith.select %lt3A_690, %add3A_699, %add3A_709 : vector<16xi1>, vector<16xi32>
      %mul3A_711 = arith.muli %get3A_4, %get3A_4 : vector<16xi32>
      %add3A_712 = arith.addi %mul3A_711, %select_n3A_710 : vector<16xi32>
      %shift_right_logical3A_713 = arith.constant 3 : i32
      %shift_right_logical3A_714 = arith.shrui %scan3A_648, %shift_right_logical3A_713 : i32
      %and3A_715 = arith.constant 7 : i32
      %and3A_716 = arith.andi %scan3A_648, %and3A_715 : i32
      %mul3A_717 = arith.constant 16 : i32
      %mul3A_718 = arith.muli %and3A_716, %mul3A_717 : i32
      %jit3A = arith.constant 0 : i32
      %jit3A_719 = arith.constant 4095 : i32
      %max3A_720 = vector.broadcast %jit3A : i32 to vector<16xi32>
      %max3A_721 = arith.maxsi %max3A_720, %sub3A_687 : vector<16xi32>
      %min3A = vector.broadcast %jit3A_719 : i32 to vector<16xi32>
      %min3A_722 = arith.minsi %min3A, %max3A_721 : vector<16xi32>
      %add3A_723 = vector.broadcast %mul3A_2 : i32 to vector<16xi32>
      %add3A_724 = arith.addi %min3A_722, %add3A_723 : vector<16xi32>
      %swap3A = arith.index_cast %shift_right_logical3A_714 : i32 to index
      %swap3A_725 = arith.index_cast %mul3A_718 : i32 to index
      %swap3A_726 = tpu.vector_load %arg7[%swap3A, %swap3A_725] {strides = array<i32>} : memref<32x128xi32, #tpu.memory_space<vmem>>, vector<1x16xi32>,
      %swap3A_727 = vector.shape_cast %swap3A_726 : vector<1x16xi32> to vector<16xi32>
      %swap3A_728 = vector.shape_cast %add3A_724 : vector<16xi32> to vector<1x16xi32>
      tpu.vector_store %arg7[%swap3A, %swap3A_725], %swap3A_728 {strides = array<i32>} : memref<32x128xi32, #tpu.memory_space<vmem>>, vector<1x16xi32>,
      %select_n3A_729 = arith.select %and3A_689, %sub3A_687, %add3A_712 : vector<16xi1>, vector<16xi32>
      %add3A_730 = vector.broadcast %mul3A_2 : i32 to vector<16xi32>
      %add3A_731 = arith.addi %select_n3A_729, %add3A_730 : vector<16xi32>
      %swap3A_732 = arith.index_cast %shift_right_logical3A_714 : i32 to index
      %swap3A_733 = arith.index_cast %mul3A_718 : i32 to index
      %swap3A_734 = tpu.vector_load %arg8[%swap3A_732, %swap3A_733] {strides = array<i32>} : memref<32x128xi32, #tpu.memory_space<vmem>>, vector<1x16xi32>,
      %swap3A_735 = vector.shape_cast %swap3A_734 : vector<1x16xi32> to vector<16xi32>
      %swap3A_736 = vector.shape_cast %add3A_731 : vector<16xi32> to vector<1x16xi32>
      tpu.vector_store %arg8[%swap3A_732, %swap3A_733], %swap3A_736 {strides = array<i32>} : memref<32x128xi32, #tpu.memory_space<vmem>>, vector<1x16xi32>,
    }
    %scan3A_9 = arith.constant 256 : i32
    %dma_start3A = arith.constant 0 : i32
    %dma_start3A_10 = arith.constant 0 : i32
    %dma_start3A_11 = arith.constant 0 : i32
    %dma_start3A_12 = tpu.memref_slice %arg9[%dma_start3A_10, %dma_start3A_11] : memref<4096x8xf32, #tpu.memory_space<vmem>> -> memref<128x8xf32, #tpu.memory_space<vmem>>
    %dma_start3A_13 = arith.constant 0 : i32
    %dma_start3A_14 = tpu.memref_slice %arg7[%dma_start3A, %dma_start3A_13] : memref<32x128xi32, #tpu.memory_space<vmem>> -> memref<1x128xi32, #tpu.memory_space<vmem>>
    %dma_start3A_15 = tpu.memref_squeeze %dma_start3A_14 : memref<1x128xi32, #tpu.memory_space<vmem>> -> memref<128xi32, #tpu.memory_space<vmem>>
    %dma_start3A_16 = arith.constant 0 : i32
    %dma_start3A_17 = arith.constant 0 : i32
    %dma_start3A_18 = tpu.memref_slice %arg2[%dma_start3A_16, %dma_start3A_17] : memref<131072x8xf32, #tpu.memory_space<hbm>> -> memref<131072x8xf32, #tpu.memory_space<hbm>>
    tpu.enqueue_indirect_dma source(%dma_start3A_18 : memref<131072x8xf32, #tpu.memory_space<hbm>>) target(%dma_start3A_12 : memref<128x8xf32, #tpu.memory_space<vmem>>) offsets(%dma_start3A_15 : memref<128xi32, #tpu.memory_space<vmem>>) semaphore(%arg10 : memref<!tpu.dma_semaphore, #tpu.memory_space<semaphore_mem>>)
    %dma_start3A_19 = arith.constant 1 : i32
    %dma_start3A_20 = arith.constant 128 : i32
    %dma_start3A_21 = arith.constant 0 : i32
    %dma_start3A_22 = tpu.memref_slice %arg9[%dma_start3A_20, %dma_start3A_21] : memref<4096x8xf32, #tpu.memory_space<vmem>> -> memref<128x8xf32, #tpu.memory_space<vmem>>
    %dma_start3A_23 = arith.constant 0 : i32
    %dma_start3A_24 = tpu.memref_slice %arg7[%dma_start3A_19, %dma_start3A_23] : memref<32x128xi32, #tpu.memory_space<vmem>> -> memref<1x128xi32, #tpu.memory_space<vmem>>
    %dma_start3A_25 = tpu.memref_squeeze %dma_start3A_24 : memref<1x128xi32, #tpu.memory_space<vmem>> -> memref<128xi32, #tpu.memory_space<vmem>>
    %dma_start3A_26 = arith.constant 0 : i32
    %dma_start3A_27 = arith.constant 0 : i32
    %dma_start3A_28 = tpu.memref_slice %arg2[%dma_start3A_26, %dma_start3A_27] : memref<131072x8xf32, #tpu.memory_space<hbm>> -> memref<131072x8xf32, #tpu.memory_space<hbm>>
    tpu.enqueue_indirect_dma source(%dma_start3A_28 : memref<131072x8xf32, #tpu.memory_space<hbm>>) target(%dma_start3A_22 : memref<128x8xf32, #tpu.memory_space<vmem>>) offsets(%dma_start3A_25 : memref<128xi32, #tpu.memory_space<vmem>>) semaphore(%arg10 : memref<!tpu.dma_semaphore, #tpu.memory_space<semaphore_mem>>)
    %dma_start3A_29 = arith.constant 2 : i32
    %dma_start3A_30 = arith.constant 256 : i32
    %dma_start3A_31 = arith.constant 0 : i32
    %dma_start3A_32 = tpu.memref_slice %arg9[%dma_start3A_30, %dma_start3A_31] : memref<4096x8xf32, #tpu.memory_space<vmem>> -> memref<128x8xf32, #tpu.memory_space<vmem>>
    %dma_start3A_33 = arith.constant 0 : i32
    %dma_start3A_34 = tpu.memref_slice %arg7[%dma_start3A_29, %dma_start3A_33] : memref<32x128xi32, #tpu.memory_space<vmem>> -> memref<1x128xi32, #tpu.memory_space<vmem>>
    %dma_start3A_35 = tpu.memref_squeeze %dma_start3A_34 : memref<1x128xi32, #tpu.memory_space<vmem>> -> memref<128xi32, #tpu.memory_space<vmem>>
    %dma_start3A_36 = arith.constant 0 : i32
    %dma_start3A_37 = arith.constant 0 : i32
    %dma_start3A_38 = tpu.memref_slice %arg2[%dma_start3A_36, %dma_start3A_37] : memref<131072x8xf32, #tpu.memory_space<hbm>> -> memref<131072x8xf32, #tpu.memory_space<hbm>>
    tpu.enqueue_indirect_dma source(%dma_start3A_38 : memref<131072x8xf32, #tpu.memory_space<hbm>>) target(%dma_start3A_32 : memref<128x8xf32, #tpu.memory_space<vmem>>) offsets(%dma_start3A_35 : memref<128xi32, #tpu.memory_space<vmem>>) semaphore(%arg10 : memref<!tpu.dma_semaphore, #tpu.memory_space<semaphore_mem>>)
    %dma_start3A_39 = arith.constant 3 : i32
    %dma_start3A_40 = arith.constant 384 : i32
    %dma_start3A_41 = arith.constant 0 : i32
    %dma_start3A_42 = tpu.memref_slice %arg9[%dma_start3A_40, %dma_start3A_41] : memref<4096x8xf32, #tpu.memory_space<vmem>> -> memref<128x8xf32, #tpu.memory_space<vmem>>
    %dma_start3A_43 = arith.constant 0 : i32
    %dma_start3A_44 = tpu.memref_slice %arg7[%dma_start3A_39, %dma_start3A_43] : memref<32x128xi32, #tpu.memory_space<vmem>> -> memref<1x128xi32, #tpu.memory_space<vmem>>
    %dma_start3A_45 = tpu.memref_squeeze %dma_start3A_44 : memref<1x128xi32, #tpu.memory_space<vmem>> -> memref<128xi32, #tpu.memory_space<vmem>>
    %dma_start3A_46 = arith.constant 0 : i32
    %dma_start3A_47 = arith.constant 0 : i32
    %dma_start3A_48 = tpu.memref_slice %arg2[%dma_start3A_46, %dma_start3A_47] : memref<131072x8xf32, #tpu.memory_space<hbm>> -> memref<131072x8xf32, #tpu.memory_space<hbm>>
    tpu.enqueue_indirect_dma source(%dma_start3A_48 : memref<131072x8xf32, #tpu.memory_space<hbm>>) target(%dma_start3A_42 : memref<128x8xf32, #tpu.memory_space<vmem>>) offsets(%dma_start3A_45 : memref<128xi32, #tpu.memory_space<vmem>>) semaphore(%arg10 : memref<!tpu.dma_semaphore, #tpu.memory_space<semaphore_mem>>)
    %dma_start3A_49 = arith.constant 4 : i32
    %dma_start3A_50 = arith.constant 512 : i32
    %dma_start3A_51 = arith.constant 0 : i32
    %dma_start3A_52 = tpu.memref_slice %arg9[%dma_start3A_50, %dma_start3A_51] : memref<4096x8xf32, #tpu.memory_space<vmem>> -> memref<128x8xf32, #tpu.memory_space<vmem>>
    %dma_start3A_53 = arith.constant 0 : i32
    %dma_start3A_54 = tpu.memref_slice %arg7[%dma_start3A_49, %dma_start3A_53] : memref<32x128xi32, #tpu.memory_space<vmem>> -> memref<1x128xi32, #tpu.memory_space<vmem>>
    %dma_start3A_55 = tpu.memref_squeeze %dma_start3A_54 : memref<1x128xi32, #tpu.memory_space<vmem>> -> memref<128xi32, #tpu.memory_space<vmem>>
    %dma_start3A_56 = arith.constant 0 : i32
    %dma_start3A_57 = arith.constant 0 : i32
    %dma_start3A_58 = tpu.memref_slice %arg2[%dma_start3A_56, %dma_start3A_57] : memref<131072x8xf32, #tpu.memory_space<hbm>> -> memref<131072x8xf32, #tpu.memory_space<hbm>>
    tpu.enqueue_indirect_dma source(%dma_start3A_58 : memref<131072x8xf32, #tpu.memory_space<hbm>>) target(%dma_start3A_52 : memref<128x8xf32, #tpu.memory_space<vmem>>) offsets(%dma_start3A_55 : memref<128xi32, #tpu.memory_space<vmem>>) semaphore(%arg10 : memref<!tpu.dma_semaphore, #tpu.memory_space<semaphore_mem>>)
    %dma_start3A_59 = arith.constant 5 : i32
    %dma_start3A_60 = arith.constant 640 : i32
    %dma_start3A_61 = arith.constant 0 : i32
    %dma_start3A_62 = tpu.memref_slice %arg9[%dma_start3A_60, %dma_start3A_61] : memref<4096x8xf32, #tpu.memory_space<vmem>> -> memref<128x8xf32, #tpu.memory_space<vmem>>
    %dma_start3A_63 = arith.constant 0 : i32
    %dma_start3A_64 = tpu.memref_slice %arg7[%dma_start3A_59, %dma_start3A_63] : memref<32x128xi32, #tpu.memory_space<vmem>> -> memref<1x128xi32, #tpu.memory_space<vmem>>
    %dma_start3A_65 = tpu.memref_squeeze %dma_start3A_64 : memref<1x128xi32, #tpu.memory_space<vmem>> -> memref<128xi32, #tpu.memory_space<vmem>>
    %dma_start3A_66 = arith.constant 0 : i32
    %dma_start3A_67 = arith.constant 0 : i32
    %dma_start3A_68 = tpu.memref_slice %arg2[%dma_start3A_66, %dma_start3A_67] : memref<131072x8xf32, #tpu.memory_space<hbm>> -> memref<131072x8xf32, #tpu.memory_space<hbm>>
    tpu.enqueue_indirect_dma source(%dma_start3A_68 : memref<131072x8xf32, #tpu.memory_space<hbm>>) target(%dma_start3A_62 : memref<128x8xf32, #tpu.memory_space<vmem>>) offsets(%dma_start3A_65 : memref<128xi32, #tpu.memory_space<vmem>>) semaphore(%arg10 : memref<!tpu.dma_semaphore, #tpu.memory_space<semaphore_mem>>)
    %dma_start3A_69 = arith.constant 6 : i32
    %dma_start3A_70 = arith.constant 768 : i32
    %dma_start3A_71 = arith.constant 0 : i32
    %dma_start3A_72 = tpu.memref_slice %arg9[%dma_start3A_70, %dma_start3A_71] : memref<4096x8xf32, #tpu.memory_space<vmem>> -> memref<128x8xf32, #tpu.memory_space<vmem>>
    %dma_start3A_73 = arith.constant 0 : i32
    %dma_start3A_74 = tpu.memref_slice %arg7[%dma_start3A_69, %dma_start3A_73] : memref<32x128xi32, #tpu.memory_space<vmem>> -> memref<1x128xi32, #tpu.memory_space<vmem>>
    %dma_start3A_75 = tpu.memref_squeeze %dma_start3A_74 : memref<1x128xi32, #tpu.memory_space<vmem>> -> memref<128xi32, #tpu.memory_space<vmem>>
    %dma_start3A_76 = arith.constant 0 : i32
    %dma_start3A_77 = arith.constant 0 : i32
    %dma_start3A_78 = tpu.memref_slice %arg2[%dma_start3A_76, %dma_start3A_77] : memref<131072x8xf32, #tpu.memory_space<hbm>> -> memref<131072x8xf32, #tpu.memory_space<hbm>>
    tpu.enqueue_indirect_dma source(%dma_start3A_78 : memref<131072x8xf32, #tpu.memory_space<hbm>>) target(%dma_start3A_72 : memref<128x8xf32, #tpu.memory_space<vmem>>) offsets(%dma_start3A_75 : memref<128xi32, #tpu.memory_space<vmem>>) semaphore(%arg10 : memref<!tpu.dma_semaphore, #tpu.memory_space<semaphore_mem>>)
    %dma_start3A_79 = arith.constant 7 : i32
    %dma_start3A_80 = arith.constant 896 : i32
    %dma_start3A_81 = arith.constant 0 : i32
    %dma_start3A_82 = tpu.memref_slice %arg9[%dma_start3A_80, %dma_start3A_81] : memref<4096x8xf32, #tpu.memory_space<vmem>> -> memref<128x8xf32, #tpu.memory_space<vmem>>
    %dma_start3A_83 = arith.constant 0 : i32
    %dma_start3A_84 = tpu.memref_slice %arg7[%dma_start3A_79, %dma_start3A_83] : memref<32x128xi32, #tpu.memory_space<vmem>> -> memref<1x128xi32, #tpu.memory_space<vmem>>
    %dma_start3A_85 = tpu.memref_squeeze %dma_start3A_84 : memref<1x128xi32, #tpu.memory_space<vmem>> -> memref<128xi32, #tpu.memory_space<vmem>>
    %dma_start3A_86 = arith.constant 0 : i32
    %dma_start3A_87 = arith.constant 0 : i32
    %dma_start3A_88 = tpu.memref_slice %arg2[%dma_start3A_86, %dma_start3A_87] : memref<131072x8xf32, #tpu.memory_space<hbm>> -> memref<131072x8xf32, #tpu.memory_space<hbm>>
    tpu.enqueue_indirect_dma source(%dma_start3A_88 : memref<131072x8xf32, #tpu.memory_space<hbm>>) target(%dma_start3A_82 : memref<128x8xf32, #tpu.memory_space<vmem>>) offsets(%dma_start3A_85 : memref<128xi32, #tpu.memory_space<vmem>>) semaphore(%arg10 : memref<!tpu.dma_semaphore, #tpu.memory_space<semaphore_mem>>)
    %dma_start3A_89 = arith.constant 8 : i32
    %dma_start3A_90 = arith.constant 1024 : i32
    %dma_start3A_91 = arith.constant 0 : i32
    %dma_start3A_92 = tpu.memref_slice %arg9[%dma_start3A_90, %dma_start3A_91] : memref<4096x8xf32, #tpu.memory_space<vmem>> -> memref<128x8xf32, #tpu.memory_space<vmem>>
    %dma_start3A_93 = arith.constant 0 : i32
    %dma_start3A_94 = tpu.memref_slice %arg7[%dma_start3A_89, %dma_start3A_93] : memref<32x128xi32, #tpu.memory_space<vmem>> -> memref<1x128xi32, #tpu.memory_space<vmem>>
    %dma_start3A_95 = tpu.memref_squeeze %dma_start3A_94 : memref<1x128xi32, #tpu.memory_space<vmem>> -> memref<128xi32, #tpu.memory_space<vmem>>
    %dma_start3A_96 = arith.constant 0 : i32
    %dma_start3A_97 = arith.constant 0 : i32
    %dma_start3A_98 = tpu.memref_slice %arg2[%dma_start3A_96, %dma_start3A_97] : memref<131072x8xf32, #tpu.memory_space<hbm>> -> memref<131072x8xf32, #tpu.memory_space<hbm>>
    tpu.enqueue_indirect_dma source(%dma_start3A_98 : memref<131072x8xf32, #tpu.memory_space<hbm>>) target(%dma_start3A_92 : memref<128x8xf32, #tpu.memory_space<vmem>>) offsets(%dma_start3A_95 : memref<128xi32, #tpu.memory_space<vmem>>) semaphore(%arg10 : memref<!tpu.dma_semaphore, #tpu.memory_space<semaphore_mem>>)
    %dma_start3A_99 = arith.constant 9 : i32
    %dma_start3A_100 = arith.constant 1152 : i32
    %dma_start3A_101 = arith.constant 0 : i32
    %dma_start3A_102 = tpu.memref_slice %arg9[%dma_start3A_100, %dma_start3A_101] : memref<4096x8xf32, #tpu.memory_space<vmem>> -> memref<128x8xf32, #tpu.memory_space<vmem>>
    %dma_start3A_103 = arith.constant 0 : i32
    %dma_start3A_104 = tpu.memref_slice %arg7[%dma_start3A_99, %dma_start3A_103] : memref<32x128xi32, #tpu.memory_space<vmem>> -> memref<1x128xi32, #tpu.memory_space<vmem>>
    %dma_start3A_105 = tpu.memref_squeeze %dma_start3A_104 : memref<1x128xi32, #tpu.memory_space<vmem>> -> memref<128xi32, #tpu.memory_space<vmem>>
    %dma_start3A_106 = arith.constant 0 : i32
    %dma_start3A_107 = arith.constant 0 : i32
    %dma_start3A_108 = tpu.memref_slice %arg2[%dma_start3A_106, %dma_start3A_107] : memref<131072x8xf32, #tpu.memory_space<hbm>> -> memref<131072x8xf32, #tpu.memory_space<hbm>>
    tpu.enqueue_indirect_dma source(%dma_start3A_108 : memref<131072x8xf32, #tpu.memory_space<hbm>>) target(%dma_start3A_102 : memref<128x8xf32, #tpu.memory_space<vmem>>) offsets(%dma_start3A_105 : memref<128xi32, #tpu.memory_space<vmem>>) semaphore(%arg10 : memref<!tpu.dma_semaphore, #tpu.memory_space<semaphore_mem>>)
    %dma_start3A_109 = arith.constant 10 : i32
    %dma_start3A_110 = arith.constant 1280 : i32
    %dma_start3A_111 = arith.constant 0 : i32
    %dma_start3A_112 = tpu.memref_slice %arg9[%dma_start3A_110, %dma_start3A_111] : memref<4096x8xf32, #tpu.memory_space<vmem>> -> memref<128x8xf32, #tpu.memory_space<vmem>>
    %dma_start3A_113 = arith.constant 0 : i32
    %dma_start3A_114 = tpu.memref_slice %arg7[%dma_start3A_109, %dma_start3A_113] : memref<32x128xi32, #tpu.memory_space<vmem>> -> memref<1x128xi32, #tpu.memory_space<vmem>>
    %dma_start3A_115 = tpu.memref_squeeze %dma_start3A_114 : memref<1x128xi32, #tpu.memory_space<vmem>> -> memref<128xi32, #tpu.memory_space<vmem>>
    %dma_start3A_116 = arith.constant 0 : i32
    %dma_start3A_117 = arith.constant 0 : i32
    %dma_start3A_118 = tpu.memref_slice %arg2[%dma_start3A_116, %dma_start3A_117] : memref<131072x8xf32, #tpu.memory_space<hbm>> -> memref<131072x8xf32, #tpu.memory_space<hbm>>
    tpu.enqueue_indirect_dma source(%dma_start3A_118 : memref<131072x8xf32, #tpu.memory_space<hbm>>) target(%dma_start3A_112 : memref<128x8xf32, #tpu.memory_space<vmem>>) offsets(%dma_start3A_115 : memref<128xi32, #tpu.memory_space<vmem>>) semaphore(%arg10 : memref<!tpu.dma_semaphore, #tpu.memory_space<semaphore_mem>>)
    %dma_start3A_119 = arith.constant 11 : i32
    %dma_start3A_120 = arith.constant 1408 : i32
    %dma_start3A_121 = arith.constant 0 : i32
    %dma_start3A_122 = tpu.memref_slice %arg9[%dma_start3A_120, %dma_start3A_121] : memref<4096x8xf32, #tpu.memory_space<vmem>> -> memref<128x8xf32, #tpu.memory_space<vmem>>
    %dma_start3A_123 = arith.constant 0 : i32
    %dma_start3A_124 = tpu.memref_slice %arg7[%dma_start3A_119, %dma_start3A_123] : memref<32x128xi32, #tpu.memory_space<vmem>> -> memref<1x128xi32, #tpu.memory_space<vmem>>
    %dma_start3A_125 = tpu.memref_squeeze %dma_start3A_124 : memref<1x128xi32, #tpu.memory_space<vmem>> -> memref<128xi32, #tpu.memory_space<vmem>>
    %dma_start3A_126 = arith.constant 0 : i32
    %dma_start3A_127 = arith.constant 0 : i32
    %dma_start3A_128 = tpu.memref_slice %arg2[%dma_start3A_126, %dma_start3A_127] : memref<131072x8xf32, #tpu.memory_space<hbm>> -> memref<131072x8xf32, #tpu.memory_space<hbm>>
    tpu.enqueue_indirect_dma source(%dma_start3A_128 : memref<131072x8xf32, #tpu.memory_space<hbm>>) target(%dma_start3A_122 : memref<128x8xf32, #tpu.memory_space<vmem>>) offsets(%dma_start3A_125 : memref<128xi32, #tpu.memory_space<vmem>>) semaphore(%arg10 : memref<!tpu.dma_semaphore, #tpu.memory_space<semaphore_mem>>)
    %dma_start3A_129 = arith.constant 12 : i32
    %dma_start3A_130 = arith.constant 1536 : i32
    %dma_start3A_131 = arith.constant 0 : i32
    %dma_start3A_132 = tpu.memref_slice %arg9[%dma_start3A_130, %dma_start3A_131] : memref<4096x8xf32, #tpu.memory_space<vmem>> -> memref<128x8xf32, #tpu.memory_space<vmem>>
    %dma_start3A_133 = arith.constant 0 : i32
    %dma_start3A_134 = tpu.memref_slice %arg7[%dma_start3A_129, %dma_start3A_133] : memref<32x128xi32, #tpu.memory_space<vmem>> -> memref<1x128xi32, #tpu.memory_space<vmem>>
    %dma_start3A_135 = tpu.memref_squeeze %dma_start3A_134 : memref<1x128xi32, #tpu.memory_space<vmem>> -> memref<128xi32, #tpu.memory_space<vmem>>
    %dma_start3A_136 = arith.constant 0 : i32
    %dma_start3A_137 = arith.constant 0 : i32
    %dma_start3A_138 = tpu.memref_slice %arg2[%dma_start3A_136, %dma_start3A_137] : memref<131072x8xf32, #tpu.memory_space<hbm>> -> memref<131072x8xf32, #tpu.memory_space<hbm>>
    tpu.enqueue_indirect_dma source(%dma_start3A_138 : memref<131072x8xf32, #tpu.memory_space<hbm>>) target(%dma_start3A_132 : memref<128x8xf32, #tpu.memory_space<vmem>>) offsets(%dma_start3A_135 : memref<128xi32, #tpu.memory_space<vmem>>) semaphore(%arg10 : memref<!tpu.dma_semaphore, #tpu.memory_space<semaphore_mem>>)
    %dma_start3A_139 = arith.constant 13 : i32
    %dma_start3A_140 = arith.constant 1664 : i32
    %dma_start3A_141 = arith.constant 0 : i32
    %dma_start3A_142 = tpu.memref_slice %arg9[%dma_start3A_140, %dma_start3A_141] : memref<4096x8xf32, #tpu.memory_space<vmem>> -> memref<128x8xf32, #tpu.memory_space<vmem>>
    %dma_start3A_143 = arith.constant 0 : i32
    %dma_start3A_144 = tpu.memref_slice %arg7[%dma_start3A_139, %dma_start3A_143] : memref<32x128xi32, #tpu.memory_space<vmem>> -> memref<1x128xi32, #tpu.memory_space<vmem>>
    %dma_start3A_145 = tpu.memref_squeeze %dma_start3A_144 : memref<1x128xi32, #tpu.memory_space<vmem>> -> memref<128xi32, #tpu.memory_space<vmem>>
    %dma_start3A_146 = arith.constant 0 : i32
    %dma_start3A_147 = arith.constant 0 : i32
    %dma_start3A_148 = tpu.memref_slice %arg2[%dma_start3A_146, %dma_start3A_147] : memref<131072x8xf32, #tpu.memory_space<hbm>> -> memref<131072x8xf32, #tpu.memory_space<hbm>>
    tpu.enqueue_indirect_dma source(%dma_start3A_148 : memref<131072x8xf32, #tpu.memory_space<hbm>>) target(%dma_start3A_142 : memref<128x8xf32, #tpu.memory_space<vmem>>) offsets(%dma_start3A_145 : memref<128xi32, #tpu.memory_space<vmem>>) semaphore(%arg10 : memref<!tpu.dma_semaphore, #tpu.memory_space<semaphore_mem>>)
    %dma_start3A_149 = arith.constant 14 : i32
    %dma_start3A_150 = arith.constant 1792 : i32
    %dma_start3A_151 = arith.constant 0 : i32
    %dma_start3A_152 = tpu.memref_slice %arg9[%dma_start3A_150, %dma_start3A_151] : memref<4096x8xf32, #tpu.memory_space<vmem>> -> memref<128x8xf32, #tpu.memory_space<vmem>>
    %dma_start3A_153 = arith.constant 0 : i32
    %dma_start3A_154 = tpu.memref_slice %arg7[%dma_start3A_149, %dma_start3A_153] : memref<32x128xi32, #tpu.memory_space<vmem>> -> memref<1x128xi32, #tpu.memory_space<vmem>>
    %dma_start3A_155 = tpu.memref_squeeze %dma_start3A_154 : memref<1x128xi32, #tpu.memory_space<vmem>> -> memref<128xi32, #tpu.memory_space<vmem>>
    %dma_start3A_156 = arith.constant 0 : i32
    %dma_start3A_157 = arith.constant 0 : i32
    %dma_start3A_158 = tpu.memref_slice %arg2[%dma_start3A_156, %dma_start3A_157] : memref<131072x8xf32, #tpu.memory_space<hbm>> -> memref<131072x8xf32, #tpu.memory_space<hbm>>
    tpu.enqueue_indirect_dma source(%dma_start3A_158 : memref<131072x8xf32, #tpu.memory_space<hbm>>) target(%dma_start3A_152 : memref<128x8xf32, #tpu.memory_space<vmem>>) offsets(%dma_start3A_155 : memref<128xi32, #tpu.memory_space<vmem>>) semaphore(%arg10 : memref<!tpu.dma_semaphore, #tpu.memory_space<semaphore_mem>>)
    %dma_start3A_159 = arith.constant 15 : i32
    %dma_start3A_160 = arith.constant 1920 : i32
    %dma_start3A_161 = arith.constant 0 : i32
    %dma_start3A_162 = tpu.memref_slice %arg9[%dma_start3A_160, %dma_start3A_161] : memref<4096x8xf32, #tpu.memory_space<vmem>> -> memref<128x8xf32, #tpu.memory_space<vmem>>
    %dma_start3A_163 = arith.constant 0 : i32
    %dma_start3A_164 = tpu.memref_slice %arg7[%dma_start3A_159, %dma_start3A_163] : memref<32x128xi32, #tpu.memory_space<vmem>> -> memref<1x128xi32, #tpu.memory_space<vmem>>
    %dma_start3A_165 = tpu.memref_squeeze %dma_start3A_164 : memref<1x128xi32, #tpu.memory_space<vmem>> -> memref<128xi32, #tpu.memory_space<vmem>>
    %dma_start3A_166 = arith.constant 0 : i32
    %dma_start3A_167 = arith.constant 0 : i32
    %dma_start3A_168 = tpu.memref_slice %arg2[%dma_start3A_166, %dma_start3A_167] : memref<131072x8xf32, #tpu.memory_space<hbm>> -> memref<131072x8xf32, #tpu.memory_space<hbm>>
    tpu.enqueue_indirect_dma source(%dma_start3A_168 : memref<131072x8xf32, #tpu.memory_space<hbm>>) target(%dma_start3A_162 : memref<128x8xf32, #tpu.memory_space<vmem>>) offsets(%dma_start3A_165 : memref<128xi32, #tpu.memory_space<vmem>>) semaphore(%arg10 : memref<!tpu.dma_semaphore, #tpu.memory_space<semaphore_mem>>)
    %dma_start3A_169 = arith.constant 16 : i32
    %dma_start3A_170 = arith.constant 2048 : i32
    %dma_start3A_171 = arith.constant 0 : i32
    %dma_start3A_172 = tpu.memref_slice %arg9[%dma_start3A_170, %dma_start3A_171] : memref<4096x8xf32, #tpu.memory_space<vmem>> -> memref<128x8xf32, #tpu.memory_space<vmem>>
    %dma_start3A_173 = arith.constant 0 : i32
    %dma_start3A_174 = tpu.memref_slice %arg7[%dma_start3A_169, %dma_start3A_173] : memref<32x128xi32, #tpu.memory_space<vmem>> -> memref<1x128xi32, #tpu.memory_space<vmem>>
    %dma_start3A_175 = tpu.memref_squeeze %dma_start3A_174 : memref<1x128xi32, #tpu.memory_space<vmem>> -> memref<128xi32, #tpu.memory_space<vmem>>
    %dma_start3A_176 = arith.constant 0 : i32
    %dma_start3A_177 = arith.constant 0 : i32
    %dma_start3A_178 = tpu.memref_slice %arg2[%dma_start3A_176, %dma_start3A_177] : memref<131072x8xf32, #tpu.memory_space<hbm>> -> memref<131072x8xf32, #tpu.memory_space<hbm>>
    tpu.enqueue_indirect_dma source(%dma_start3A_178 : memref<131072x8xf32, #tpu.memory_space<hbm>>) target(%dma_start3A_172 : memref<128x8xf32, #tpu.memory_space<vmem>>) offsets(%dma_start3A_175 : memref<128xi32, #tpu.memory_space<vmem>>) semaphore(%arg10 : memref<!tpu.dma_semaphore, #tpu.memory_space<semaphore_mem>>)
    %dma_start3A_179 = arith.constant 17 : i32
    %dma_start3A_180 = arith.constant 2176 : i32
    %dma_start3A_181 = arith.constant 0 : i32
    %dma_start3A_182 = tpu.memref_slice %arg9[%dma_start3A_180, %dma_start3A_181] : memref<4096x8xf32, #tpu.memory_space<vmem>> -> memref<128x8xf32, #tpu.memory_space<vmem>>
    %dma_start3A_183 = arith.constant 0 : i32
    %dma_start3A_184 = tpu.memref_slice %arg7[%dma_start3A_179, %dma_start3A_183] : memref<32x128xi32, #tpu.memory_space<vmem>> -> memref<1x128xi32, #tpu.memory_space<vmem>>
    %dma_start3A_185 = tpu.memref_squeeze %dma_start3A_184 : memref<1x128xi32, #tpu.memory_space<vmem>> -> memref<128xi32, #tpu.memory_space<vmem>>
    %dma_start3A_186 = arith.constant 0 : i32
    %dma_start3A_187 = arith.constant 0 : i32
    %dma_start3A_188 = tpu.memref_slice %arg2[%dma_start3A_186, %dma_start3A_187] : memref<131072x8xf32, #tpu.memory_space<hbm>> -> memref<131072x8xf32, #tpu.memory_space<hbm>>
    tpu.enqueue_indirect_dma source(%dma_start3A_188 : memref<131072x8xf32, #tpu.memory_space<hbm>>) target(%dma_start3A_182 : memref<128x8xf32, #tpu.memory_space<vmem>>) offsets(%dma_start3A_185 : memref<128xi32, #tpu.memory_space<vmem>>) semaphore(%arg10 : memref<!tpu.dma_semaphore, #tpu.memory_space<semaphore_mem>>)
    %dma_start3A_189 = arith.constant 18 : i32
    %dma_start3A_190 = arith.constant 2304 : i32
    %dma_start3A_191 = arith.constant 0 : i32
    %dma_start3A_192 = tpu.memref_slice %arg9[%dma_start3A_190, %dma_start3A_191] : memref<4096x8xf32, #tpu.memory_space<vmem>> -> memref<128x8xf32, #tpu.memory_space<vmem>>
    %dma_start3A_193 = arith.constant 0 : i32
    %dma_start3A_194 = tpu.memref_slice %arg7[%dma_start3A_189, %dma_start3A_193] : memref<32x128xi32, #tpu.memory_space<vmem>> -> memref<1x128xi32, #tpu.memory_space<vmem>>
    %dma_start3A_195 = tpu.memref_squeeze %dma_start3A_194 : memref<1x128xi32, #tpu.memory_space<vmem>> -> memref<128xi32, #tpu.memory_space<vmem>>
    %dma_start3A_196 = arith.constant 0 : i32
    %dma_start3A_197 = arith.constant 0 : i32
    %dma_start3A_198 = tpu.memref_slice %arg2[%dma_start3A_196, %dma_start3A_197] : memref<131072x8xf32, #tpu.memory_space<hbm>> -> memref<131072x8xf32, #tpu.memory_space<hbm>>
    tpu.enqueue_indirect_dma source(%dma_start3A_198 : memref<131072x8xf32, #tpu.memory_space<hbm>>) target(%dma_start3A_192 : memref<128x8xf32, #tpu.memory_space<vmem>>) offsets(%dma_start3A_195 : memref<128xi32, #tpu.memory_space<vmem>>) semaphore(%arg10 : memref<!tpu.dma_semaphore, #tpu.memory_space<semaphore_mem>>)
    %dma_start3A_199 = arith.constant 19 : i32
    %dma_start3A_200 = arith.constant 2432 : i32
    %dma_start3A_201 = arith.constant 0 : i32
    %dma_start3A_202 = tpu.memref_slice %arg9[%dma_start3A_200, %dma_start3A_201] : memref<4096x8xf32, #tpu.memory_space<vmem>> -> memref<128x8xf32, #tpu.memory_space<vmem>>
    %dma_start3A_203 = arith.constant 0 : i32
    %dma_start3A_204 = tpu.memref_slice %arg7[%dma_start3A_199, %dma_start3A_203] : memref<32x128xi32, #tpu.memory_space<vmem>> -> memref<1x128xi32, #tpu.memory_space<vmem>>
    %dma_start3A_205 = tpu.memref_squeeze %dma_start3A_204 : memref<1x128xi32, #tpu.memory_space<vmem>> -> memref<128xi32, #tpu.memory_space<vmem>>
    %dma_start3A_206 = arith.constant 0 : i32
    %dma_start3A_207 = arith.constant 0 : i32
    %dma_start3A_208 = tpu.memref_slice %arg2[%dma_start3A_206, %dma_start3A_207] : memref<131072x8xf32, #tpu.memory_space<hbm>> -> memref<131072x8xf32, #tpu.memory_space<hbm>>
    tpu.enqueue_indirect_dma source(%dma_start3A_208 : memref<131072x8xf32, #tpu.memory_space<hbm>>) target(%dma_start3A_202 : memref<128x8xf32, #tpu.memory_space<vmem>>) offsets(%dma_start3A_205 : memref<128xi32, #tpu.memory_space<vmem>>) semaphore(%arg10 : memref<!tpu.dma_semaphore, #tpu.memory_space<semaphore_mem>>)
    %dma_start3A_209 = arith.constant 20 : i32
    %dma_start3A_210 = arith.constant 2560 : i32
    %dma_start3A_211 = arith.constant 0 : i32
    %dma_start3A_212 = tpu.memref_slice %arg9[%dma_start3A_210, %dma_start3A_211] : memref<4096x8xf32, #tpu.memory_space<vmem>> -> memref<128x8xf32, #tpu.memory_space<vmem>>
    %dma_start3A_213 = arith.constant 0 : i32
    %dma_start3A_214 = tpu.memref_slice %arg7[%dma_start3A_209, %dma_start3A_213] : memref<32x128xi32, #tpu.memory_space<vmem>> -> memref<1x128xi32, #tpu.memory_space<vmem>>
    %dma_start3A_215 = tpu.memref_squeeze %dma_start3A_214 : memref<1x128xi32, #tpu.memory_space<vmem>> -> memref<128xi32, #tpu.memory_space<vmem>>
    %dma_start3A_216 = arith.constant 0 : i32
    %dma_start3A_217 = arith.constant 0 : i32
    %dma_start3A_218 = tpu.memref_slice %arg2[%dma_start3A_216, %dma_start3A_217] : memref<131072x8xf32, #tpu.memory_space<hbm>> -> memref<131072x8xf32, #tpu.memory_space<hbm>>
    tpu.enqueue_indirect_dma source(%dma_start3A_218 : memref<131072x8xf32, #tpu.memory_space<hbm>>) target(%dma_start3A_212 : memref<128x8xf32, #tpu.memory_space<vmem>>) offsets(%dma_start3A_215 : memref<128xi32, #tpu.memory_space<vmem>>) semaphore(%arg10 : memref<!tpu.dma_semaphore, #tpu.memory_space<semaphore_mem>>)
    %dma_start3A_219 = arith.constant 21 : i32
    %dma_start3A_220 = arith.constant 2688 : i32
    %dma_start3A_221 = arith.constant 0 : i32
    %dma_start3A_222 = tpu.memref_slice %arg9[%dma_start3A_220, %dma_start3A_221] : memref<4096x8xf32, #tpu.memory_space<vmem>> -> memref<128x8xf32, #tpu.memory_space<vmem>>
    %dma_start3A_223 = arith.constant 0 : i32
    %dma_start3A_224 = tpu.memref_slice %arg7[%dma_start3A_219, %dma_start3A_223] : memref<32x128xi32, #tpu.memory_space<vmem>> -> memref<1x128xi32, #tpu.memory_space<vmem>>
    %dma_start3A_225 = tpu.memref_squeeze %dma_start3A_224 : memref<1x128xi32, #tpu.memory_space<vmem>> -> memref<128xi32, #tpu.memory_space<vmem>>
    %dma_start3A_226 = arith.constant 0 : i32
    %dma_start3A_227 = arith.constant 0 : i32
    %dma_start3A_228 = tpu.memref_slice %arg2[%dma_start3A_226, %dma_start3A_227] : memref<131072x8xf32, #tpu.memory_space<hbm>> -> memref<131072x8xf32, #tpu.memory_space<hbm>>
    tpu.enqueue_indirect_dma source(%dma_start3A_228 : memref<131072x8xf32, #tpu.memory_space<hbm>>) target(%dma_start3A_222 : memref<128x8xf32, #tpu.memory_space<vmem>>) offsets(%dma_start3A_225 : memref<128xi32, #tpu.memory_space<vmem>>) semaphore(%arg10 : memref<!tpu.dma_semaphore, #tpu.memory_space<semaphore_mem>>)
    %dma_start3A_229 = arith.constant 22 : i32
    %dma_start3A_230 = arith.constant 2816 : i32
    %dma_start3A_231 = arith.constant 0 : i32
    %dma_start3A_232 = tpu.memref_slice %arg9[%dma_start3A_230, %dma_start3A_231] : memref<4096x8xf32, #tpu.memory_space<vmem>> -> memref<128x8xf32, #tpu.memory_space<vmem>>
    %dma_start3A_233 = arith.constant 0 : i32
    %dma_start3A_234 = tpu.memref_slice %arg7[%dma_start3A_229, %dma_start3A_233] : memref<32x128xi32, #tpu.memory_space<vmem>> -> memref<1x128xi32, #tpu.memory_space<vmem>>
    %dma_start3A_235 = tpu.memref_squeeze %dma_start3A_234 : memref<1x128xi32, #tpu.memory_space<vmem>> -> memref<128xi32, #tpu.memory_space<vmem>>
    %dma_start3A_236 = arith.constant 0 : i32
    %dma_start3A_237 = arith.constant 0 : i32
    %dma_start3A_238 = tpu.memref_slice %arg2[%dma_start3A_236, %dma_start3A_237] : memref<131072x8xf32, #tpu.memory_space<hbm>> -> memref<131072x8xf32, #tpu.memory_space<hbm>>
    tpu.enqueue_indirect_dma source(%dma_start3A_238 : memref<131072x8xf32, #tpu.memory_space<hbm>>) target(%dma_start3A_232 : memref<128x8xf32, #tpu.memory_space<vmem>>) offsets(%dma_start3A_235 : memref<128xi32, #tpu.memory_space<vmem>>) semaphore(%arg10 : memref<!tpu.dma_semaphore, #tpu.memory_space<semaphore_mem>>)
    %dma_start3A_239 = arith.constant 23 : i32
    %dma_start3A_240 = arith.constant 2944 : i32
    %dma_start3A_241 = arith.constant 0 : i32
    %dma_start3A_242 = tpu.memref_slice %arg9[%dma_start3A_240, %dma_start3A_241] : memref<4096x8xf32, #tpu.memory_space<vmem>> -> memref<128x8xf32, #tpu.memory_space<vmem>>
    %dma_start3A_243 = arith.constant 0 : i32
    %dma_start3A_244 = tpu.memref_slice %arg7[%dma_start3A_239, %dma_start3A_243] : memref<32x128xi32, #tpu.memory_space<vmem>> -> memref<1x128xi32, #tpu.memory_space<vmem>>
    %dma_start3A_245 = tpu.memref_squeeze %dma_start3A_244 : memref<1x128xi32, #tpu.memory_space<vmem>> -> memref<128xi32, #tpu.memory_space<vmem>>
    %dma_start3A_246 = arith.constant 0 : i32
    %dma_start3A_247 = arith.constant 0 : i32
    %dma_start3A_248 = tpu.memref_slice %arg2[%dma_start3A_246, %dma_start3A_247] : memref<131072x8xf32, #tpu.memory_space<hbm>> -> memref<131072x8xf32, #tpu.memory_space<hbm>>
    tpu.enqueue_indirect_dma source(%dma_start3A_248 : memref<131072x8xf32, #tpu.memory_space<hbm>>) target(%dma_start3A_242 : memref<128x8xf32, #tpu.memory_space<vmem>>) offsets(%dma_start3A_245 : memref<128xi32, #tpu.memory_space<vmem>>) semaphore(%arg10 : memref<!tpu.dma_semaphore, #tpu.memory_space<semaphore_mem>>)
    %dma_start3A_249 = arith.constant 24 : i32
    %dma_start3A_250 = arith.constant 3072 : i32
    %dma_start3A_251 = arith.constant 0 : i32
    %dma_start3A_252 = tpu.memref_slice %arg9[%dma_start3A_250, %dma_start3A_251] : memref<4096x8xf32, #tpu.memory_space<vmem>> -> memref<128x8xf32, #tpu.memory_space<vmem>>
    %dma_start3A_253 = arith.constant 0 : i32
    %dma_start3A_254 = tpu.memref_slice %arg7[%dma_start3A_249, %dma_start3A_253] : memref<32x128xi32, #tpu.memory_space<vmem>> -> memref<1x128xi32, #tpu.memory_space<vmem>>
    %dma_start3A_255 = tpu.memref_squeeze %dma_start3A_254 : memref<1x128xi32, #tpu.memory_space<vmem>> -> memref<128xi32, #tpu.memory_space<vmem>>
    %dma_start3A_256 = arith.constant 0 : i32
    %dma_start3A_257 = arith.constant 0 : i32
    %dma_start3A_258 = tpu.memref_slice %arg2[%dma_start3A_256, %dma_start3A_257] : memref<131072x8xf32, #tpu.memory_space<hbm>> -> memref<131072x8xf32, #tpu.memory_space<hbm>>
    tpu.enqueue_indirect_dma source(%dma_start3A_258 : memref<131072x8xf32, #tpu.memory_space<hbm>>) target(%dma_start3A_252 : memref<128x8xf32, #tpu.memory_space<vmem>>) offsets(%dma_start3A_255 : memref<128xi32, #tpu.memory_space<vmem>>) semaphore(%arg10 : memref<!tpu.dma_semaphore, #tpu.memory_space<semaphore_mem>>)
    %dma_start3A_259 = arith.constant 25 : i32
    %dma_start3A_260 = arith.constant 3200 : i32
    %dma_start3A_261 = arith.constant 0 : i32
    %dma_start3A_262 = tpu.memref_slice %arg9[%dma_start3A_260, %dma_start3A_261] : memref<4096x8xf32, #tpu.memory_space<vmem>> -> memref<128x8xf32, #tpu.memory_space<vmem>>
    %dma_start3A_263 = arith.constant 0 : i32
    %dma_start3A_264 = tpu.memref_slice %arg7[%dma_start3A_259, %dma_start3A_263] : memref<32x128xi32, #tpu.memory_space<vmem>> -> memref<1x128xi32, #tpu.memory_space<vmem>>
    %dma_start3A_265 = tpu.memref_squeeze %dma_start3A_264 : memref<1x128xi32, #tpu.memory_space<vmem>> -> memref<128xi32, #tpu.memory_space<vmem>>
    %dma_start3A_266 = arith.constant 0 : i32
    %dma_start3A_267 = arith.constant 0 : i32
    %dma_start3A_268 = tpu.memref_slice %arg2[%dma_start3A_266, %dma_start3A_267] : memref<131072x8xf32, #tpu.memory_space<hbm>> -> memref<131072x8xf32, #tpu.memory_space<hbm>>
    tpu.enqueue_indirect_dma source(%dma_start3A_268 : memref<131072x8xf32, #tpu.memory_space<hbm>>) target(%dma_start3A_262 : memref<128x8xf32, #tpu.memory_space<vmem>>) offsets(%dma_start3A_265 : memref<128xi32, #tpu.memory_space<vmem>>) semaphore(%arg10 : memref<!tpu.dma_semaphore, #tpu.memory_space<semaphore_mem>>)
    %dma_start3A_269 = arith.constant 26 : i32
    %dma_start3A_270 = arith.constant 3328 : i32
    %dma_start3A_271 = arith.constant 0 : i32
    %dma_start3A_272 = tpu.memref_slice %arg9[%dma_start3A_270, %dma_start3A_271] : memref<4096x8xf32, #tpu.memory_space<vmem>> -> memref<128x8xf32, #tpu.memory_space<vmem>>
    %dma_start3A_273 = arith.constant 0 : i32
    %dma_start3A_274 = tpu.memref_slice %arg7[%dma_start3A_269, %dma_start3A_273] : memref<32x128xi32, #tpu.memory_space<vmem>> -> memref<1x128xi32, #tpu.memory_space<vmem>>
    %dma_start3A_275 = tpu.memref_squeeze %dma_start3A_274 : memref<1x128xi32, #tpu.memory_space<vmem>> -> memref<128xi32, #tpu.memory_space<vmem>>
    %dma_start3A_276 = arith.constant 0 : i32
    %dma_start3A_277 = arith.constant 0 : i32
    %dma_start3A_278 = tpu.memref_slice %arg2[%dma_start3A_276, %dma_start3A_277] : memref<131072x8xf32, #tpu.memory_space<hbm>> -> memref<131072x8xf32, #tpu.memory_space<hbm>>
    tpu.enqueue_indirect_dma source(%dma_start3A_278 : memref<131072x8xf32, #tpu.memory_space<hbm>>) target(%dma_start3A_272 : memref<128x8xf32, #tpu.memory_space<vmem>>) offsets(%dma_start3A_275 : memref<128xi32, #tpu.memory_space<vmem>>) semaphore(%arg10 : memref<!tpu.dma_semaphore, #tpu.memory_space<semaphore_mem>>)
    %dma_start3A_279 = arith.constant 27 : i32
    %dma_start3A_280 = arith.constant 3456 : i32
    %dma_start3A_281 = arith.constant 0 : i32
    %dma_start3A_282 = tpu.memref_slice %arg9[%dma_start3A_280, %dma_start3A_281] : memref<4096x8xf32, #tpu.memory_space<vmem>> -> memref<128x8xf32, #tpu.memory_space<vmem>>
    %dma_start3A_283 = arith.constant 0 : i32
    %dma_start3A_284 = tpu.memref_slice %arg7[%dma_start3A_279, %dma_start3A_283] : memref<32x128xi32, #tpu.memory_space<vmem>> -> memref<1x128xi32, #tpu.memory_space<vmem>>
    %dma_start3A_285 = tpu.memref_squeeze %dma_start3A_284 : memref<1x128xi32, #tpu.memory_space<vmem>> -> memref<128xi32, #tpu.memory_space<vmem>>
    %dma_start3A_286 = arith.constant 0 : i32
    %dma_start3A_287 = arith.constant 0 : i32
    %dma_start3A_288 = tpu.memref_slice %arg2[%dma_start3A_286, %dma_start3A_287] : memref<131072x8xf32, #tpu.memory_space<hbm>> -> memref<131072x8xf32, #tpu.memory_space<hbm>>
    tpu.enqueue_indirect_dma source(%dma_start3A_288 : memref<131072x8xf32, #tpu.memory_space<hbm>>) target(%dma_start3A_282 : memref<128x8xf32, #tpu.memory_space<vmem>>) offsets(%dma_start3A_285 : memref<128xi32, #tpu.memory_space<vmem>>) semaphore(%arg10 : memref<!tpu.dma_semaphore, #tpu.memory_space<semaphore_mem>>)
    %dma_start3A_289 = arith.constant 28 : i32
    %dma_start3A_290 = arith.constant 3584 : i32
    %dma_start3A_291 = arith.constant 0 : i32
    %dma_start3A_292 = tpu.memref_slice %arg9[%dma_start3A_290, %dma_start3A_291] : memref<4096x8xf32, #tpu.memory_space<vmem>> -> memref<128x8xf32, #tpu.memory_space<vmem>>
    %dma_start3A_293 = arith.constant 0 : i32
    %dma_start3A_294 = tpu.memref_slice %arg7[%dma_start3A_289, %dma_start3A_293] : memref<32x128xi32, #tpu.memory_space<vmem>> -> memref<1x128xi32, #tpu.memory_space<vmem>>
    %dma_start3A_295 = tpu.memref_squeeze %dma_start3A_294 : memref<1x128xi32, #tpu.memory_space<vmem>> -> memref<128xi32, #tpu.memory_space<vmem>>
    %dma_start3A_296 = arith.constant 0 : i32
    %dma_start3A_297 = arith.constant 0 : i32
    %dma_start3A_298 = tpu.memref_slice %arg2[%dma_start3A_296, %dma_start3A_297] : memref<131072x8xf32, #tpu.memory_space<hbm>> -> memref<131072x8xf32, #tpu.memory_space<hbm>>
    tpu.enqueue_indirect_dma source(%dma_start3A_298 : memref<131072x8xf32, #tpu.memory_space<hbm>>) target(%dma_start3A_292 : memref<128x8xf32, #tpu.memory_space<vmem>>) offsets(%dma_start3A_295 : memref<128xi32, #tpu.memory_space<vmem>>) semaphore(%arg10 : memref<!tpu.dma_semaphore, #tpu.memory_space<semaphore_mem>>)
    %dma_start3A_299 = arith.constant 29 : i32
    %dma_start3A_300 = arith.constant 3712 : i32
    %dma_start3A_301 = arith.constant 0 : i32
    %dma_start3A_302 = tpu.memref_slice %arg9[%dma_start3A_300, %dma_start3A_301] : memref<4096x8xf32, #tpu.memory_space<vmem>> -> memref<128x8xf32, #tpu.memory_space<vmem>>
    %dma_start3A_303 = arith.constant 0 : i32
    %dma_start3A_304 = tpu.memref_slice %arg7[%dma_start3A_299, %dma_start3A_303] : memref<32x128xi32, #tpu.memory_space<vmem>> -> memref<1x128xi32, #tpu.memory_space<vmem>>
    %dma_start3A_305 = tpu.memref_squeeze %dma_start3A_304 : memref<1x128xi32, #tpu.memory_space<vmem>> -> memref<128xi32, #tpu.memory_space<vmem>>
    %dma_start3A_306 = arith.constant 0 : i32
    %dma_start3A_307 = arith.constant 0 : i32
    %dma_start3A_308 = tpu.memref_slice %arg2[%dma_start3A_306, %dma_start3A_307] : memref<131072x8xf32, #tpu.memory_space<hbm>> -> memref<131072x8xf32, #tpu.memory_space<hbm>>
    tpu.enqueue_indirect_dma source(%dma_start3A_308 : memref<131072x8xf32, #tpu.memory_space<hbm>>) target(%dma_start3A_302 : memref<128x8xf32, #tpu.memory_space<vmem>>) offsets(%dma_start3A_305 : memref<128xi32, #tpu.memory_space<vmem>>) semaphore(%arg10 : memref<!tpu.dma_semaphore, #tpu.memory_space<semaphore_mem>>)
    %dma_start3A_309 = arith.constant 30 : i32
    %dma_start3A_310 = arith.constant 3840 : i32
    %dma_start3A_311 = arith.constant 0 : i32
    %dma_start3A_312 = tpu.memref_slice %arg9[%dma_start3A_310, %dma_start3A_311] : memref<4096x8xf32, #tpu.memory_space<vmem>> -> memref<128x8xf32, #tpu.memory_space<vmem>>
    %dma_start3A_313 = arith.constant 0 : i32
    %dma_start3A_314 = tpu.memref_slice %arg7[%dma_start3A_309, %dma_start3A_313] : memref<32x128xi32, #tpu.memory_space<vmem>> -> memref<1x128xi32, #tpu.memory_space<vmem>>
    %dma_start3A_315 = tpu.memref_squeeze %dma_start3A_314 : memref<1x128xi32, #tpu.memory_space<vmem>> -> memref<128xi32, #tpu.memory_space<vmem>>
    %dma_start3A_316 = arith.constant 0 : i32
    %dma_start3A_317 = arith.constant 0 : i32
    %dma_start3A_318 = tpu.memref_slice %arg2[%dma_start3A_316, %dma_start3A_317] : memref<131072x8xf32, #tpu.memory_space<hbm>> -> memref<131072x8xf32, #tpu.memory_space<hbm>>
    tpu.enqueue_indirect_dma source(%dma_start3A_318 : memref<131072x8xf32, #tpu.memory_space<hbm>>) target(%dma_start3A_312 : memref<128x8xf32, #tpu.memory_space<vmem>>) offsets(%dma_start3A_315 : memref<128xi32, #tpu.memory_space<vmem>>) semaphore(%arg10 : memref<!tpu.dma_semaphore, #tpu.memory_space<semaphore_mem>>)
    %dma_start3A_319 = arith.constant 31 : i32
    %dma_start3A_320 = arith.constant 3968 : i32
    %dma_start3A_321 = arith.constant 0 : i32
    %dma_start3A_322 = tpu.memref_slice %arg9[%dma_start3A_320, %dma_start3A_321] : memref<4096x8xf32, #tpu.memory_space<vmem>> -> memref<128x8xf32, #tpu.memory_space<vmem>>
    %dma_start3A_323 = arith.constant 0 : i32
    %dma_start3A_324 = tpu.memref_slice %arg7[%dma_start3A_319, %dma_start3A_323] : memref<32x128xi32, #tpu.memory_space<vmem>> -> memref<1x128xi32, #tpu.memory_space<vmem>>
    %dma_start3A_325 = tpu.memref_squeeze %dma_start3A_324 : memref<1x128xi32, #tpu.memory_space<vmem>> -> memref<128xi32, #tpu.memory_space<vmem>>
    %dma_start3A_326 = arith.constant 0 : i32
    %dma_start3A_327 = arith.constant 0 : i32
    %dma_start3A_328 = tpu.memref_slice %arg2[%dma_start3A_326, %dma_start3A_327] : memref<131072x8xf32, #tpu.memory_space<hbm>> -> memref<131072x8xf32, #tpu.memory_space<hbm>>
    tpu.enqueue_indirect_dma source(%dma_start3A_328 : memref<131072x8xf32, #tpu.memory_space<hbm>>) target(%dma_start3A_322 : memref<128x8xf32, #tpu.memory_space<vmem>>) offsets(%dma_start3A_325 : memref<128xi32, #tpu.memory_space<vmem>>) semaphore(%arg10 : memref<!tpu.dma_semaphore, #tpu.memory_space<semaphore_mem>>)
    %dma_wait3A = arith.constant 0 : i32
    %dma_wait3A_329 = arith.constant 0 : i32
    %dma_wait3A_330 = arith.constant 0 : i32
    %dma_wait3A_331 = tpu.memref_slice %arg9[%dma_wait3A_329, %dma_wait3A_330] : memref<4096x8xf32, #tpu.memory_space<vmem>> -> memref<128x8xf32, #tpu.memory_space<vmem>>
    %dma_wait3A_332 = arith.constant 0 : i32
    %dma_wait3A_333 = tpu.memref_slice %arg7[%dma_wait3A, %dma_wait3A_332] : memref<32x128xi32, #tpu.memory_space<vmem>> -> memref<1x128xi32, #tpu.memory_space<vmem>>
    %dma_wait3A_334 = tpu.memref_squeeze %dma_wait3A_333 : memref<1x128xi32, #tpu.memory_space<vmem>> -> memref<128xi32, #tpu.memory_space<vmem>>
    %dma_wait3A_335 = arith.constant 0 : i32
    %dma_wait3A_336 = arith.constant 0 : i32
    %dma_wait3A_337 = tpu.memref_slice %arg2[%dma_wait3A_335, %dma_wait3A_336] : memref<131072x8xf32, #tpu.memory_space<hbm>> -> memref<131072x8xf32, #tpu.memory_space<hbm>>
    tpu.wait_indirect_dma semaphore(%arg10 : memref<!tpu.dma_semaphore, #tpu.memory_space<semaphore_mem>>) src(%dma_wait3A_337 : memref<131072x8xf32, #tpu.memory_space<hbm>>) dst(%dma_wait3A_331 : memref<128x8xf32, #tpu.memory_space<vmem>>)
    %dma_wait3A_338 = arith.constant 1 : i32
    %dma_wait3A_339 = arith.constant 128 : i32
    %dma_wait3A_340 = arith.constant 0 : i32
    %dma_wait3A_341 = tpu.memref_slice %arg9[%dma_wait3A_339, %dma_wait3A_340] : memref<4096x8xf32, #tpu.memory_space<vmem>> -> memref<128x8xf32, #tpu.memory_space<vmem>>
    %dma_wait3A_342 = arith.constant 0 : i32
    %dma_wait3A_343 = tpu.memref_slice %arg7[%dma_wait3A_338, %dma_wait3A_342] : memref<32x128xi32, #tpu.memory_space<vmem>> -> memref<1x128xi32, #tpu.memory_space<vmem>>
    %dma_wait3A_344 = tpu.memref_squeeze %dma_wait3A_343 : memref<1x128xi32, #tpu.memory_space<vmem>> -> memref<128xi32, #tpu.memory_space<vmem>>
    %dma_wait3A_345 = arith.constant 0 : i32
    %dma_wait3A_346 = arith.constant 0 : i32
    %dma_wait3A_347 = tpu.memref_slice %arg2[%dma_wait3A_345, %dma_wait3A_346] : memref<131072x8xf32, #tpu.memory_space<hbm>> -> memref<131072x8xf32, #tpu.memory_space<hbm>>
    tpu.wait_indirect_dma semaphore(%arg10 : memref<!tpu.dma_semaphore, #tpu.memory_space<semaphore_mem>>) src(%dma_wait3A_347 : memref<131072x8xf32, #tpu.memory_space<hbm>>) dst(%dma_wait3A_341 : memref<128x8xf32, #tpu.memory_space<vmem>>)
    %dma_wait3A_348 = arith.constant 2 : i32
    %dma_wait3A_349 = arith.constant 256 : i32
    %dma_wait3A_350 = arith.constant 0 : i32
    %dma_wait3A_351 = tpu.memref_slice %arg9[%dma_wait3A_349, %dma_wait3A_350] : memref<4096x8xf32, #tpu.memory_space<vmem>> -> memref<128x8xf32, #tpu.memory_space<vmem>>
    %dma_wait3A_352 = arith.constant 0 : i32
    %dma_wait3A_353 = tpu.memref_slice %arg7[%dma_wait3A_348, %dma_wait3A_352] : memref<32x128xi32, #tpu.memory_space<vmem>> -> memref<1x128xi32, #tpu.memory_space<vmem>>
    %dma_wait3A_354 = tpu.memref_squeeze %dma_wait3A_353 : memref<1x128xi32, #tpu.memory_space<vmem>> -> memref<128xi32, #tpu.memory_space<vmem>>
    %dma_wait3A_355 = arith.constant 0 : i32
    %dma_wait3A_356 = arith.constant 0 : i32
    %dma_wait3A_357 = tpu.memref_slice %arg2[%dma_wait3A_355, %dma_wait3A_356] : memref<131072x8xf32, #tpu.memory_space<hbm>> -> memref<131072x8xf32, #tpu.memory_space<hbm>>
    tpu.wait_indirect_dma semaphore(%arg10 : memref<!tpu.dma_semaphore, #tpu.memory_space<semaphore_mem>>) src(%dma_wait3A_357 : memref<131072x8xf32, #tpu.memory_space<hbm>>) dst(%dma_wait3A_351 : memref<128x8xf32, #tpu.memory_space<vmem>>)
    %dma_wait3A_358 = arith.constant 3 : i32
    %dma_wait3A_359 = arith.constant 384 : i32
    %dma_wait3A_360 = arith.constant 0 : i32
    %dma_wait3A_361 = tpu.memref_slice %arg9[%dma_wait3A_359, %dma_wait3A_360] : memref<4096x8xf32, #tpu.memory_space<vmem>> -> memref<128x8xf32, #tpu.memory_space<vmem>>
    %dma_wait3A_362 = arith.constant 0 : i32
    %dma_wait3A_363 = tpu.memref_slice %arg7[%dma_wait3A_358, %dma_wait3A_362] : memref<32x128xi32, #tpu.memory_space<vmem>> -> memref<1x128xi32, #tpu.memory_space<vmem>>
    %dma_wait3A_364 = tpu.memref_squeeze %dma_wait3A_363 : memref<1x128xi32, #tpu.memory_space<vmem>> -> memref<128xi32, #tpu.memory_space<vmem>>
    %dma_wait3A_365 = arith.constant 0 : i32
    %dma_wait3A_366 = arith.constant 0 : i32
    %dma_wait3A_367 = tpu.memref_slice %arg2[%dma_wait3A_365, %dma_wait3A_366] : memref<131072x8xf32, #tpu.memory_space<hbm>> -> memref<131072x8xf32, #tpu.memory_space<hbm>>
    tpu.wait_indirect_dma semaphore(%arg10 : memref<!tpu.dma_semaphore, #tpu.memory_space<semaphore_mem>>) src(%dma_wait3A_367 : memref<131072x8xf32, #tpu.memory_space<hbm>>) dst(%dma_wait3A_361 : memref<128x8xf32, #tpu.memory_space<vmem>>)
    %dma_wait3A_368 = arith.constant 4 : i32
    %dma_wait3A_369 = arith.constant 512 : i32
    %dma_wait3A_370 = arith.constant 0 : i32
    %dma_wait3A_371 = tpu.memref_slice %arg9[%dma_wait3A_369, %dma_wait3A_370] : memref<4096x8xf32, #tpu.memory_space<vmem>> -> memref<128x8xf32, #tpu.memory_space<vmem>>
    %dma_wait3A_372 = arith.constant 0 : i32
    %dma_wait3A_373 = tpu.memref_slice %arg7[%dma_wait3A_368, %dma_wait3A_372] : memref<32x128xi32, #tpu.memory_space<vmem>> -> memref<1x128xi32, #tpu.memory_space<vmem>>
    %dma_wait3A_374 = tpu.memref_squeeze %dma_wait3A_373 : memref<1x128xi32, #tpu.memory_space<vmem>> -> memref<128xi32, #tpu.memory_space<vmem>>
    %dma_wait3A_375 = arith.constant 0 : i32
    %dma_wait3A_376 = arith.constant 0 : i32
    %dma_wait3A_377 = tpu.memref_slice %arg2[%dma_wait3A_375, %dma_wait3A_376] : memref<131072x8xf32, #tpu.memory_space<hbm>> -> memref<131072x8xf32, #tpu.memory_space<hbm>>
    tpu.wait_indirect_dma semaphore(%arg10 : memref<!tpu.dma_semaphore, #tpu.memory_space<semaphore_mem>>) src(%dma_wait3A_377 : memref<131072x8xf32, #tpu.memory_space<hbm>>) dst(%dma_wait3A_371 : memref<128x8xf32, #tpu.memory_space<vmem>>)
    %dma_wait3A_378 = arith.constant 5 : i32
    %dma_wait3A_379 = arith.constant 640 : i32
    %dma_wait3A_380 = arith.constant 0 : i32
    %dma_wait3A_381 = tpu.memref_slice %arg9[%dma_wait3A_379, %dma_wait3A_380] : memref<4096x8xf32, #tpu.memory_space<vmem>> -> memref<128x8xf32, #tpu.memory_space<vmem>>
    %dma_wait3A_382 = arith.constant 0 : i32
    %dma_wait3A_383 = tpu.memref_slice %arg7[%dma_wait3A_378, %dma_wait3A_382] : memref<32x128xi32, #tpu.memory_space<vmem>> -> memref<1x128xi32, #tpu.memory_space<vmem>>
    %dma_wait3A_384 = tpu.memref_squeeze %dma_wait3A_383 : memref<1x128xi32, #tpu.memory_space<vmem>> -> memref<128xi32, #tpu.memory_space<vmem>>
    %dma_wait3A_385 = arith.constant 0 : i32
    %dma_wait3A_386 = arith.constant 0 : i32
    %dma_wait3A_387 = tpu.memref_slice %arg2[%dma_wait3A_385, %dma_wait3A_386] : memref<131072x8xf32, #tpu.memory_space<hbm>> -> memref<131072x8xf32, #tpu.memory_space<hbm>>
    tpu.wait_indirect_dma semaphore(%arg10 : memref<!tpu.dma_semaphore, #tpu.memory_space<semaphore_mem>>) src(%dma_wait3A_387 : memref<131072x8xf32, #tpu.memory_space<hbm>>) dst(%dma_wait3A_381 : memref<128x8xf32, #tpu.memory_space<vmem>>)
    %dma_wait3A_388 = arith.constant 6 : i32
    %dma_wait3A_389 = arith.constant 768 : i32
    %dma_wait3A_390 = arith.constant 0 : i32
    %dma_wait3A_391 = tpu.memref_slice %arg9[%dma_wait3A_389, %dma_wait3A_390] : memref<4096x8xf32, #tpu.memory_space<vmem>> -> memref<128x8xf32, #tpu.memory_space<vmem>>
    %dma_wait3A_392 = arith.constant 0 : i32
    %dma_wait3A_393 = tpu.memref_slice %arg7[%dma_wait3A_388, %dma_wait3A_392] : memref<32x128xi32, #tpu.memory_space<vmem>> -> memref<1x128xi32, #tpu.memory_space<vmem>>
    %dma_wait3A_394 = tpu.memref_squeeze %dma_wait3A_393 : memref<1x128xi32, #tpu.memory_space<vmem>> -> memref<128xi32, #tpu.memory_space<vmem>>
    %dma_wait3A_395 = arith.constant 0 : i32
    %dma_wait3A_396 = arith.constant 0 : i32
    %dma_wait3A_397 = tpu.memref_slice %arg2[%dma_wait3A_395, %dma_wait3A_396] : memref<131072x8xf32, #tpu.memory_space<hbm>> -> memref<131072x8xf32, #tpu.memory_space<hbm>>
    tpu.wait_indirect_dma semaphore(%arg10 : memref<!tpu.dma_semaphore, #tpu.memory_space<semaphore_mem>>) src(%dma_wait3A_397 : memref<131072x8xf32, #tpu.memory_space<hbm>>) dst(%dma_wait3A_391 : memref<128x8xf32, #tpu.memory_space<vmem>>)
    %dma_wait3A_398 = arith.constant 7 : i32
    %dma_wait3A_399 = arith.constant 896 : i32
    %dma_wait3A_400 = arith.constant 0 : i32
    %dma_wait3A_401 = tpu.memref_slice %arg9[%dma_wait3A_399, %dma_wait3A_400] : memref<4096x8xf32, #tpu.memory_space<vmem>> -> memref<128x8xf32, #tpu.memory_space<vmem>>
    %dma_wait3A_402 = arith.constant 0 : i32
    %dma_wait3A_403 = tpu.memref_slice %arg7[%dma_wait3A_398, %dma_wait3A_402] : memref<32x128xi32, #tpu.memory_space<vmem>> -> memref<1x128xi32, #tpu.memory_space<vmem>>
    %dma_wait3A_404 = tpu.memref_squeeze %dma_wait3A_403 : memref<1x128xi32, #tpu.memory_space<vmem>> -> memref<128xi32, #tpu.memory_space<vmem>>
    %dma_wait3A_405 = arith.constant 0 : i32
    %dma_wait3A_406 = arith.constant 0 : i32
    %dma_wait3A_407 = tpu.memref_slice %arg2[%dma_wait3A_405, %dma_wait3A_406] : memref<131072x8xf32, #tpu.memory_space<hbm>> -> memref<131072x8xf32, #tpu.memory_space<hbm>>
    tpu.wait_indirect_dma semaphore(%arg10 : memref<!tpu.dma_semaphore, #tpu.memory_space<semaphore_mem>>) src(%dma_wait3A_407 : memref<131072x8xf32, #tpu.memory_space<hbm>>) dst(%dma_wait3A_401 : memref<128x8xf32, #tpu.memory_space<vmem>>)
    %dma_wait3A_408 = arith.constant 8 : i32
    %dma_wait3A_409 = arith.constant 1024 : i32
    %dma_wait3A_410 = arith.constant 0 : i32
    %dma_wait3A_411 = tpu.memref_slice %arg9[%dma_wait3A_409, %dma_wait3A_410] : memref<4096x8xf32, #tpu.memory_space<vmem>> -> memref<128x8xf32, #tpu.memory_space<vmem>>
    %dma_wait3A_412 = arith.constant 0 : i32
    %dma_wait3A_413 = tpu.memref_slice %arg7[%dma_wait3A_408, %dma_wait3A_412] : memref<32x128xi32, #tpu.memory_space<vmem>> -> memref<1x128xi32, #tpu.memory_space<vmem>>
    %dma_wait3A_414 = tpu.memref_squeeze %dma_wait3A_413 : memref<1x128xi32, #tpu.memory_space<vmem>> -> memref<128xi32, #tpu.memory_space<vmem>>
    %dma_wait3A_415 = arith.constant 0 : i32
    %dma_wait3A_416 = arith.constant 0 : i32
    %dma_wait3A_417 = tpu.memref_slice %arg2[%dma_wait3A_415, %dma_wait3A_416] : memref<131072x8xf32, #tpu.memory_space<hbm>> -> memref<131072x8xf32, #tpu.memory_space<hbm>>
    tpu.wait_indirect_dma semaphore(%arg10 : memref<!tpu.dma_semaphore, #tpu.memory_space<semaphore_mem>>) src(%dma_wait3A_417 : memref<131072x8xf32, #tpu.memory_space<hbm>>) dst(%dma_wait3A_411 : memref<128x8xf32, #tpu.memory_space<vmem>>)
    %dma_wait3A_418 = arith.constant 9 : i32
    %dma_wait3A_419 = arith.constant 1152 : i32
    %dma_wait3A_420 = arith.constant 0 : i32
    %dma_wait3A_421 = tpu.memref_slice %arg9[%dma_wait3A_419, %dma_wait3A_420] : memref<4096x8xf32, #tpu.memory_space<vmem>> -> memref<128x8xf32, #tpu.memory_space<vmem>>
    %dma_wait3A_422 = arith.constant 0 : i32
    %dma_wait3A_423 = tpu.memref_slice %arg7[%dma_wait3A_418, %dma_wait3A_422] : memref<32x128xi32, #tpu.memory_space<vmem>> -> memref<1x128xi32, #tpu.memory_space<vmem>>
    %dma_wait3A_424 = tpu.memref_squeeze %dma_wait3A_423 : memref<1x128xi32, #tpu.memory_space<vmem>> -> memref<128xi32, #tpu.memory_space<vmem>>
    %dma_wait3A_425 = arith.constant 0 : i32
    %dma_wait3A_426 = arith.constant 0 : i32
    %dma_wait3A_427 = tpu.memref_slice %arg2[%dma_wait3A_425, %dma_wait3A_426] : memref<131072x8xf32, #tpu.memory_space<hbm>> -> memref<131072x8xf32, #tpu.memory_space<hbm>>
    tpu.wait_indirect_dma semaphore(%arg10 : memref<!tpu.dma_semaphore, #tpu.memory_space<semaphore_mem>>) src(%dma_wait3A_427 : memref<131072x8xf32, #tpu.memory_space<hbm>>) dst(%dma_wait3A_421 : memref<128x8xf32, #tpu.memory_space<vmem>>)
    %dma_wait3A_428 = arith.constant 10 : i32
    %dma_wait3A_429 = arith.constant 1280 : i32
    %dma_wait3A_430 = arith.constant 0 : i32
    %dma_wait3A_431 = tpu.memref_slice %arg9[%dma_wait3A_429, %dma_wait3A_430] : memref<4096x8xf32, #tpu.memory_space<vmem>> -> memref<128x8xf32, #tpu.memory_space<vmem>>
    %dma_wait3A_432 = arith.constant 0 : i32
    %dma_wait3A_433 = tpu.memref_slice %arg7[%dma_wait3A_428, %dma_wait3A_432] : memref<32x128xi32, #tpu.memory_space<vmem>> -> memref<1x128xi32, #tpu.memory_space<vmem>>
    %dma_wait3A_434 = tpu.memref_squeeze %dma_wait3A_433 : memref<1x128xi32, #tpu.memory_space<vmem>> -> memref<128xi32, #tpu.memory_space<vmem>>
    %dma_wait3A_435 = arith.constant 0 : i32
    %dma_wait3A_436 = arith.constant 0 : i32
    %dma_wait3A_437 = tpu.memref_slice %arg2[%dma_wait3A_435, %dma_wait3A_436] : memref<131072x8xf32, #tpu.memory_space<hbm>> -> memref<131072x8xf32, #tpu.memory_space<hbm>>
    tpu.wait_indirect_dma semaphore(%arg10 : memref<!tpu.dma_semaphore, #tpu.memory_space<semaphore_mem>>) src(%dma_wait3A_437 : memref<131072x8xf32, #tpu.memory_space<hbm>>) dst(%dma_wait3A_431 : memref<128x8xf32, #tpu.memory_space<vmem>>)
    %dma_wait3A_438 = arith.constant 11 : i32
    %dma_wait3A_439 = arith.constant 1408 : i32
    %dma_wait3A_440 = arith.constant 0 : i32
    %dma_wait3A_441 = tpu.memref_slice %arg9[%dma_wait3A_439, %dma_wait3A_440] : memref<4096x8xf32, #tpu.memory_space<vmem>> -> memref<128x8xf32, #tpu.memory_space<vmem>>
    %dma_wait3A_442 = arith.constant 0 : i32
    %dma_wait3A_443 = tpu.memref_slice %arg7[%dma_wait3A_438, %dma_wait3A_442] : memref<32x128xi32, #tpu.memory_space<vmem>> -> memref<1x128xi32, #tpu.memory_space<vmem>>
    %dma_wait3A_444 = tpu.memref_squeeze %dma_wait3A_443 : memref<1x128xi32, #tpu.memory_space<vmem>> -> memref<128xi32, #tpu.memory_space<vmem>>
    %dma_wait3A_445 = arith.constant 0 : i32
    %dma_wait3A_446 = arith.constant 0 : i32
    %dma_wait3A_447 = tpu.memref_slice %arg2[%dma_wait3A_445, %dma_wait3A_446] : memref<131072x8xf32, #tpu.memory_space<hbm>> -> memref<131072x8xf32, #tpu.memory_space<hbm>>
    tpu.wait_indirect_dma semaphore(%arg10 : memref<!tpu.dma_semaphore, #tpu.memory_space<semaphore_mem>>) src(%dma_wait3A_447 : memref<131072x8xf32, #tpu.memory_space<hbm>>) dst(%dma_wait3A_441 : memref<128x8xf32, #tpu.memory_space<vmem>>)
    %dma_wait3A_448 = arith.constant 12 : i32
    %dma_wait3A_449 = arith.constant 1536 : i32
    %dma_wait3A_450 = arith.constant 0 : i32
    %dma_wait3A_451 = tpu.memref_slice %arg9[%dma_wait3A_449, %dma_wait3A_450] : memref<4096x8xf32, #tpu.memory_space<vmem>> -> memref<128x8xf32, #tpu.memory_space<vmem>>
    %dma_wait3A_452 = arith.constant 0 : i32
    %dma_wait3A_453 = tpu.memref_slice %arg7[%dma_wait3A_448, %dma_wait3A_452] : memref<32x128xi32, #tpu.memory_space<vmem>> -> memref<1x128xi32, #tpu.memory_space<vmem>>
    %dma_wait3A_454 = tpu.memref_squeeze %dma_wait3A_453 : memref<1x128xi32, #tpu.memory_space<vmem>> -> memref<128xi32, #tpu.memory_space<vmem>>
    %dma_wait3A_455 = arith.constant 0 : i32
    %dma_wait3A_456 = arith.constant 0 : i32
    %dma_wait3A_457 = tpu.memref_slice %arg2[%dma_wait3A_455, %dma_wait3A_456] : memref<131072x8xf32, #tpu.memory_space<hbm>> -> memref<131072x8xf32, #tpu.memory_space<hbm>>
    tpu.wait_indirect_dma semaphore(%arg10 : memref<!tpu.dma_semaphore, #tpu.memory_space<semaphore_mem>>) src(%dma_wait3A_457 : memref<131072x8xf32, #tpu.memory_space<hbm>>) dst(%dma_wait3A_451 : memref<128x8xf32, #tpu.memory_space<vmem>>)
    %dma_wait3A_458 = arith.constant 13 : i32
    %dma_wait3A_459 = arith.constant 1664 : i32
    %dma_wait3A_460 = arith.constant 0 : i32
    %dma_wait3A_461 = tpu.memref_slice %arg9[%dma_wait3A_459, %dma_wait3A_460] : memref<4096x8xf32, #tpu.memory_space<vmem>> -> memref<128x8xf32, #tpu.memory_space<vmem>>
    %dma_wait3A_462 = arith.constant 0 : i32
    %dma_wait3A_463 = tpu.memref_slice %arg7[%dma_wait3A_458, %dma_wait3A_462] : memref<32x128xi32, #tpu.memory_space<vmem>> -> memref<1x128xi32, #tpu.memory_space<vmem>>
    %dma_wait3A_464 = tpu.memref_squeeze %dma_wait3A_463 : memref<1x128xi32, #tpu.memory_space<vmem>> -> memref<128xi32, #tpu.memory_space<vmem>>
    %dma_wait3A_465 = arith.constant 0 : i32
    %dma_wait3A_466 = arith.constant 0 : i32
    %dma_wait3A_467 = tpu.memref_slice %arg2[%dma_wait3A_465, %dma_wait3A_466] : memref<131072x8xf32, #tpu.memory_space<hbm>> -> memref<131072x8xf32, #tpu.memory_space<hbm>>
    tpu.wait_indirect_dma semaphore(%arg10 : memref<!tpu.dma_semaphore, #tpu.memory_space<semaphore_mem>>) src(%dma_wait3A_467 : memref<131072x8xf32, #tpu.memory_space<hbm>>) dst(%dma_wait3A_461 : memref<128x8xf32, #tpu.memory_space<vmem>>)
    %dma_wait3A_468 = arith.constant 14 : i32
    %dma_wait3A_469 = arith.constant 1792 : i32
    %dma_wait3A_470 = arith.constant 0 : i32
    %dma_wait3A_471 = tpu.memref_slice %arg9[%dma_wait3A_469, %dma_wait3A_470] : memref<4096x8xf32, #tpu.memory_space<vmem>> -> memref<128x8xf32, #tpu.memory_space<vmem>>
    %dma_wait3A_472 = arith.constant 0 : i32
    %dma_wait3A_473 = tpu.memref_slice %arg7[%dma_wait3A_468, %dma_wait3A_472] : memref<32x128xi32, #tpu.memory_space<vmem>> -> memref<1x128xi32, #tpu.memory_space<vmem>>
    %dma_wait3A_474 = tpu.memref_squeeze %dma_wait3A_473 : memref<1x128xi32, #tpu.memory_space<vmem>> -> memref<128xi32, #tpu.memory_space<vmem>>
    %dma_wait3A_475 = arith.constant 0 : i32
    %dma_wait3A_476 = arith.constant 0 : i32
    %dma_wait3A_477 = tpu.memref_slice %arg2[%dma_wait3A_475, %dma_wait3A_476] : memref<131072x8xf32, #tpu.memory_space<hbm>> -> memref<131072x8xf32, #tpu.memory_space<hbm>>
    tpu.wait_indirect_dma semaphore(%arg10 : memref<!tpu.dma_semaphore, #tpu.memory_space<semaphore_mem>>) src(%dma_wait3A_477 : memref<131072x8xf32, #tpu.memory_space<hbm>>) dst(%dma_wait3A_471 : memref<128x8xf32, #tpu.memory_space<vmem>>)
    %dma_wait3A_478 = arith.constant 15 : i32
    %dma_wait3A_479 = arith.constant 1920 : i32
    %dma_wait3A_480 = arith.constant 0 : i32
    %dma_wait3A_481 = tpu.memref_slice %arg9[%dma_wait3A_479, %dma_wait3A_480] : memref<4096x8xf32, #tpu.memory_space<vmem>> -> memref<128x8xf32, #tpu.memory_space<vmem>>
    %dma_wait3A_482 = arith.constant 0 : i32
    %dma_wait3A_483 = tpu.memref_slice %arg7[%dma_wait3A_478, %dma_wait3A_482] : memref<32x128xi32, #tpu.memory_space<vmem>> -> memref<1x128xi32, #tpu.memory_space<vmem>>
    %dma_wait3A_484 = tpu.memref_squeeze %dma_wait3A_483 : memref<1x128xi32, #tpu.memory_space<vmem>> -> memref<128xi32, #tpu.memory_space<vmem>>
    %dma_wait3A_485 = arith.constant 0 : i32
    %dma_wait3A_486 = arith.constant 0 : i32
    %dma_wait3A_487 = tpu.memref_slice %arg2[%dma_wait3A_485, %dma_wait3A_486] : memref<131072x8xf32, #tpu.memory_space<hbm>> -> memref<131072x8xf32, #tpu.memory_space<hbm>>
    tpu.wait_indirect_dma semaphore(%arg10 : memref<!tpu.dma_semaphore, #tpu.memory_space<semaphore_mem>>) src(%dma_wait3A_487 : memref<131072x8xf32, #tpu.memory_space<hbm>>) dst(%dma_wait3A_481 : memref<128x8xf32, #tpu.memory_space<vmem>>)
    %dma_wait3A_488 = arith.constant 16 : i32
    %dma_wait3A_489 = arith.constant 2048 : i32
    %dma_wait3A_490 = arith.constant 0 : i32
    %dma_wait3A_491 = tpu.memref_slice %arg9[%dma_wait3A_489, %dma_wait3A_490] : memref<4096x8xf32, #tpu.memory_space<vmem>> -> memref<128x8xf32, #tpu.memory_space<vmem>>
    %dma_wait3A_492 = arith.constant 0 : i32
    %dma_wait3A_493 = tpu.memref_slice %arg7[%dma_wait3A_488, %dma_wait3A_492] : memref<32x128xi32, #tpu.memory_space<vmem>> -> memref<1x128xi32, #tpu.memory_space<vmem>>
    %dma_wait3A_494 = tpu.memref_squeeze %dma_wait3A_493 : memref<1x128xi32, #tpu.memory_space<vmem>> -> memref<128xi32, #tpu.memory_space<vmem>>
    %dma_wait3A_495 = arith.constant 0 : i32
    %dma_wait3A_496 = arith.constant 0 : i32
    %dma_wait3A_497 = tpu.memref_slice %arg2[%dma_wait3A_495, %dma_wait3A_496] : memref<131072x8xf32, #tpu.memory_space<hbm>> -> memref<131072x8xf32, #tpu.memory_space<hbm>>
    tpu.wait_indirect_dma semaphore(%arg10 : memref<!tpu.dma_semaphore, #tpu.memory_space<semaphore_mem>>) src(%dma_wait3A_497 : memref<131072x8xf32, #tpu.memory_space<hbm>>) dst(%dma_wait3A_491 : memref<128x8xf32, #tpu.memory_space<vmem>>)
    %dma_wait3A_498 = arith.constant 17 : i32
    %dma_wait3A_499 = arith.constant 2176 : i32
    %dma_wait3A_500 = arith.constant 0 : i32
    %dma_wait3A_501 = tpu.memref_slice %arg9[%dma_wait3A_499, %dma_wait3A_500] : memref<4096x8xf32, #tpu.memory_space<vmem>> -> memref<128x8xf32, #tpu.memory_space<vmem>>
    %dma_wait3A_502 = arith.constant 0 : i32
    %dma_wait3A_503 = tpu.memref_slice %arg7[%dma_wait3A_498, %dma_wait3A_502] : memref<32x128xi32, #tpu.memory_space<vmem>> -> memref<1x128xi32, #tpu.memory_space<vmem>>
    %dma_wait3A_504 = tpu.memref_squeeze %dma_wait3A_503 : memref<1x128xi32, #tpu.memory_space<vmem>> -> memref<128xi32, #tpu.memory_space<vmem>>
    %dma_wait3A_505 = arith.constant 0 : i32
    %dma_wait3A_506 = arith.constant 0 : i32
    %dma_wait3A_507 = tpu.memref_slice %arg2[%dma_wait3A_505, %dma_wait3A_506] : memref<131072x8xf32, #tpu.memory_space<hbm>> -> memref<131072x8xf32, #tpu.memory_space<hbm>>
    tpu.wait_indirect_dma semaphore(%arg10 : memref<!tpu.dma_semaphore, #tpu.memory_space<semaphore_mem>>) src(%dma_wait3A_507 : memref<131072x8xf32, #tpu.memory_space<hbm>>) dst(%dma_wait3A_501 : memref<128x8xf32, #tpu.memory_space<vmem>>)
    %dma_wait3A_508 = arith.constant 18 : i32
    %dma_wait3A_509 = arith.constant 2304 : i32
    %dma_wait3A_510 = arith.constant 0 : i32
    %dma_wait3A_511 = tpu.memref_slice %arg9[%dma_wait3A_509, %dma_wait3A_510] : memref<4096x8xf32, #tpu.memory_space<vmem>> -> memref<128x8xf32, #tpu.memory_space<vmem>>
    %dma_wait3A_512 = arith.constant 0 : i32
    %dma_wait3A_513 = tpu.memref_slice %arg7[%dma_wait3A_508, %dma_wait3A_512] : memref<32x128xi32, #tpu.memory_space<vmem>> -> memref<1x128xi32, #tpu.memory_space<vmem>>
    %dma_wait3A_514 = tpu.memref_squeeze %dma_wait3A_513 : memref<1x128xi32, #tpu.memory_space<vmem>> -> memref<128xi32, #tpu.memory_space<vmem>>
    %dma_wait3A_515 = arith.constant 0 : i32
    %dma_wait3A_516 = arith.constant 0 : i32
    %dma_wait3A_517 = tpu.memref_slice %arg2[%dma_wait3A_515, %dma_wait3A_516] : memref<131072x8xf32, #tpu.memory_space<hbm>> -> memref<131072x8xf32, #tpu.memory_space<hbm>>
    tpu.wait_indirect_dma semaphore(%arg10 : memref<!tpu.dma_semaphore, #tpu.memory_space<semaphore_mem>>) src(%dma_wait3A_517 : memref<131072x8xf32, #tpu.memory_space<hbm>>) dst(%dma_wait3A_511 : memref<128x8xf32, #tpu.memory_space<vmem>>)
    %dma_wait3A_518 = arith.constant 19 : i32
    %dma_wait3A_519 = arith.constant 2432 : i32
    %dma_wait3A_520 = arith.constant 0 : i32
    %dma_wait3A_521 = tpu.memref_slice %arg9[%dma_wait3A_519, %dma_wait3A_520] : memref<4096x8xf32, #tpu.memory_space<vmem>> -> memref<128x8xf32, #tpu.memory_space<vmem>>
    %dma_wait3A_522 = arith.constant 0 : i32
    %dma_wait3A_523 = tpu.memref_slice %arg7[%dma_wait3A_518, %dma_wait3A_522] : memref<32x128xi32, #tpu.memory_space<vmem>> -> memref<1x128xi32, #tpu.memory_space<vmem>>
    %dma_wait3A_524 = tpu.memref_squeeze %dma_wait3A_523 : memref<1x128xi32, #tpu.memory_space<vmem>> -> memref<128xi32, #tpu.memory_space<vmem>>
    %dma_wait3A_525 = arith.constant 0 : i32
    %dma_wait3A_526 = arith.constant 0 : i32
    %dma_wait3A_527 = tpu.memref_slice %arg2[%dma_wait3A_525, %dma_wait3A_526] : memref<131072x8xf32, #tpu.memory_space<hbm>> -> memref<131072x8xf32, #tpu.memory_space<hbm>>
    tpu.wait_indirect_dma semaphore(%arg10 : memref<!tpu.dma_semaphore, #tpu.memory_space<semaphore_mem>>) src(%dma_wait3A_527 : memref<131072x8xf32, #tpu.memory_space<hbm>>) dst(%dma_wait3A_521 : memref<128x8xf32, #tpu.memory_space<vmem>>)
    %dma_wait3A_528 = arith.constant 20 : i32
    %dma_wait3A_529 = arith.constant 2560 : i32
    %dma_wait3A_530 = arith.constant 0 : i32
    %dma_wait3A_531 = tpu.memref_slice %arg9[%dma_wait3A_529, %dma_wait3A_530] : memref<4096x8xf32, #tpu.memory_space<vmem>> -> memref<128x8xf32, #tpu.memory_space<vmem>>
    %dma_wait3A_532 = arith.constant 0 : i32
    %dma_wait3A_533 = tpu.memref_slice %arg7[%dma_wait3A_528, %dma_wait3A_532] : memref<32x128xi32, #tpu.memory_space<vmem>> -> memref<1x128xi32, #tpu.memory_space<vmem>>
    %dma_wait3A_534 = tpu.memref_squeeze %dma_wait3A_533 : memref<1x128xi32, #tpu.memory_space<vmem>> -> memref<128xi32, #tpu.memory_space<vmem>>
    %dma_wait3A_535 = arith.constant 0 : i32
    %dma_wait3A_536 = arith.constant 0 : i32
    %dma_wait3A_537 = tpu.memref_slice %arg2[%dma_wait3A_535, %dma_wait3A_536] : memref<131072x8xf32, #tpu.memory_space<hbm>> -> memref<131072x8xf32, #tpu.memory_space<hbm>>
    tpu.wait_indirect_dma semaphore(%arg10 : memref<!tpu.dma_semaphore, #tpu.memory_space<semaphore_mem>>) src(%dma_wait3A_537 : memref<131072x8xf32, #tpu.memory_space<hbm>>) dst(%dma_wait3A_531 : memref<128x8xf32, #tpu.memory_space<vmem>>)
    %dma_wait3A_538 = arith.constant 21 : i32
    %dma_wait3A_539 = arith.constant 2688 : i32
    %dma_wait3A_540 = arith.constant 0 : i32
    %dma_wait3A_541 = tpu.memref_slice %arg9[%dma_wait3A_539, %dma_wait3A_540] : memref<4096x8xf32, #tpu.memory_space<vmem>> -> memref<128x8xf32, #tpu.memory_space<vmem>>
    %dma_wait3A_542 = arith.constant 0 : i32
    %dma_wait3A_543 = tpu.memref_slice %arg7[%dma_wait3A_538, %dma_wait3A_542] : memref<32x128xi32, #tpu.memory_space<vmem>> -> memref<1x128xi32, #tpu.memory_space<vmem>>
    %dma_wait3A_544 = tpu.memref_squeeze %dma_wait3A_543 : memref<1x128xi32, #tpu.memory_space<vmem>> -> memref<128xi32, #tpu.memory_space<vmem>>
    %dma_wait3A_545 = arith.constant 0 : i32
    %dma_wait3A_546 = arith.constant 0 : i32
    %dma_wait3A_547 = tpu.memref_slice %arg2[%dma_wait3A_545, %dma_wait3A_546] : memref<131072x8xf32, #tpu.memory_space<hbm>> -> memref<131072x8xf32, #tpu.memory_space<hbm>>
    tpu.wait_indirect_dma semaphore(%arg10 : memref<!tpu.dma_semaphore, #tpu.memory_space<semaphore_mem>>) src(%dma_wait3A_547 : memref<131072x8xf32, #tpu.memory_space<hbm>>) dst(%dma_wait3A_541 : memref<128x8xf32, #tpu.memory_space<vmem>>)
    %dma_wait3A_548 = arith.constant 22 : i32
    %dma_wait3A_549 = arith.constant 2816 : i32
    %dma_wait3A_550 = arith.constant 0 : i32
    %dma_wait3A_551 = tpu.memref_slice %arg9[%dma_wait3A_549, %dma_wait3A_550] : memref<4096x8xf32, #tpu.memory_space<vmem>> -> memref<128x8xf32, #tpu.memory_space<vmem>>
    %dma_wait3A_552 = arith.constant 0 : i32
    %dma_wait3A_553 = tpu.memref_slice %arg7[%dma_wait3A_548, %dma_wait3A_552] : memref<32x128xi32, #tpu.memory_space<vmem>> -> memref<1x128xi32, #tpu.memory_space<vmem>>
    %dma_wait3A_554 = tpu.memref_squeeze %dma_wait3A_553 : memref<1x128xi32, #tpu.memory_space<vmem>> -> memref<128xi32, #tpu.memory_space<vmem>>
    %dma_wait3A_555 = arith.constant 0 : i32
    %dma_wait3A_556 = arith.constant 0 : i32
    %dma_wait3A_557 = tpu.memref_slice %arg2[%dma_wait3A_555, %dma_wait3A_556] : memref<131072x8xf32, #tpu.memory_space<hbm>> -> memref<131072x8xf32, #tpu.memory_space<hbm>>
    tpu.wait_indirect_dma semaphore(%arg10 : memref<!tpu.dma_semaphore, #tpu.memory_space<semaphore_mem>>) src(%dma_wait3A_557 : memref<131072x8xf32, #tpu.memory_space<hbm>>) dst(%dma_wait3A_551 : memref<128x8xf32, #tpu.memory_space<vmem>>)
    %dma_wait3A_558 = arith.constant 23 : i32
    %dma_wait3A_559 = arith.constant 2944 : i32
    %dma_wait3A_560 = arith.constant 0 : i32
    %dma_wait3A_561 = tpu.memref_slice %arg9[%dma_wait3A_559, %dma_wait3A_560] : memref<4096x8xf32, #tpu.memory_space<vmem>> -> memref<128x8xf32, #tpu.memory_space<vmem>>
    %dma_wait3A_562 = arith.constant 0 : i32
    %dma_wait3A_563 = tpu.memref_slice %arg7[%dma_wait3A_558, %dma_wait3A_562] : memref<32x128xi32, #tpu.memory_space<vmem>> -> memref<1x128xi32, #tpu.memory_space<vmem>>
    %dma_wait3A_564 = tpu.memref_squeeze %dma_wait3A_563 : memref<1x128xi32, #tpu.memory_space<vmem>> -> memref<128xi32, #tpu.memory_space<vmem>>
    %dma_wait3A_565 = arith.constant 0 : i32
    %dma_wait3A_566 = arith.constant 0 : i32
    %dma_wait3A_567 = tpu.memref_slice %arg2[%dma_wait3A_565, %dma_wait3A_566] : memref<131072x8xf32, #tpu.memory_space<hbm>> -> memref<131072x8xf32, #tpu.memory_space<hbm>>
    tpu.wait_indirect_dma semaphore(%arg10 : memref<!tpu.dma_semaphore, #tpu.memory_space<semaphore_mem>>) src(%dma_wait3A_567 : memref<131072x8xf32, #tpu.memory_space<hbm>>) dst(%dma_wait3A_561 : memref<128x8xf32, #tpu.memory_space<vmem>>)
    %dma_wait3A_568 = arith.constant 24 : i32
    %dma_wait3A_569 = arith.constant 3072 : i32
    %dma_wait3A_570 = arith.constant 0 : i32
    %dma_wait3A_571 = tpu.memref_slice %arg9[%dma_wait3A_569, %dma_wait3A_570] : memref<4096x8xf32, #tpu.memory_space<vmem>> -> memref<128x8xf32, #tpu.memory_space<vmem>>
    %dma_wait3A_572 = arith.constant 0 : i32
    %dma_wait3A_573 = tpu.memref_slice %arg7[%dma_wait3A_568, %dma_wait3A_572] : memref<32x128xi32, #tpu.memory_space<vmem>> -> memref<1x128xi32, #tpu.memory_space<vmem>>
    %dma_wait3A_574 = tpu.memref_squeeze %dma_wait3A_573 : memref<1x128xi32, #tpu.memory_space<vmem>> -> memref<128xi32, #tpu.memory_space<vmem>>
    %dma_wait3A_575 = arith.constant 0 : i32
    %dma_wait3A_576 = arith.constant 0 : i32
    %dma_wait3A_577 = tpu.memref_slice %arg2[%dma_wait3A_575, %dma_wait3A_576] : memref<131072x8xf32, #tpu.memory_space<hbm>> -> memref<131072x8xf32, #tpu.memory_space<hbm>>
    tpu.wait_indirect_dma semaphore(%arg10 : memref<!tpu.dma_semaphore, #tpu.memory_space<semaphore_mem>>) src(%dma_wait3A_577 : memref<131072x8xf32, #tpu.memory_space<hbm>>) dst(%dma_wait3A_571 : memref<128x8xf32, #tpu.memory_space<vmem>>)
    %dma_wait3A_578 = arith.constant 25 : i32
    %dma_wait3A_579 = arith.constant 3200 : i32
    %dma_wait3A_580 = arith.constant 0 : i32
    %dma_wait3A_581 = tpu.memref_slice %arg9[%dma_wait3A_579, %dma_wait3A_580] : memref<4096x8xf32, #tpu.memory_space<vmem>> -> memref<128x8xf32, #tpu.memory_space<vmem>>
    %dma_wait3A_582 = arith.constant 0 : i32
    %dma_wait3A_583 = tpu.memref_slice %arg7[%dma_wait3A_578, %dma_wait3A_582] : memref<32x128xi32, #tpu.memory_space<vmem>> -> memref<1x128xi32, #tpu.memory_space<vmem>>
    %dma_wait3A_584 = tpu.memref_squeeze %dma_wait3A_583 : memref<1x128xi32, #tpu.memory_space<vmem>> -> memref<128xi32, #tpu.memory_space<vmem>>
    %dma_wait3A_585 = arith.constant 0 : i32
    %dma_wait3A_586 = arith.constant 0 : i32
    %dma_wait3A_587 = tpu.memref_slice %arg2[%dma_wait3A_585, %dma_wait3A_586] : memref<131072x8xf32, #tpu.memory_space<hbm>> -> memref<131072x8xf32, #tpu.memory_space<hbm>>
    tpu.wait_indirect_dma semaphore(%arg10 : memref<!tpu.dma_semaphore, #tpu.memory_space<semaphore_mem>>) src(%dma_wait3A_587 : memref<131072x8xf32, #tpu.memory_space<hbm>>) dst(%dma_wait3A_581 : memref<128x8xf32, #tpu.memory_space<vmem>>)
    %dma_wait3A_588 = arith.constant 26 : i32
    %dma_wait3A_589 = arith.constant 3328 : i32
    %dma_wait3A_590 = arith.constant 0 : i32
    %dma_wait3A_591 = tpu.memref_slice %arg9[%dma_wait3A_589, %dma_wait3A_590] : memref<4096x8xf32, #tpu.memory_space<vmem>> -> memref<128x8xf32, #tpu.memory_space<vmem>>
    %dma_wait3A_592 = arith.constant 0 : i32
    %dma_wait3A_593 = tpu.memref_slice %arg7[%dma_wait3A_588, %dma_wait3A_592] : memref<32x128xi32, #tpu.memory_space<vmem>> -> memref<1x128xi32, #tpu.memory_space<vmem>>
    %dma_wait3A_594 = tpu.memref_squeeze %dma_wait3A_593 : memref<1x128xi32, #tpu.memory_space<vmem>> -> memref<128xi32, #tpu.memory_space<vmem>>
    %dma_wait3A_595 = arith.constant 0 : i32
    %dma_wait3A_596 = arith.constant 0 : i32
    %dma_wait3A_597 = tpu.memref_slice %arg2[%dma_wait3A_595, %dma_wait3A_596] : memref<131072x8xf32, #tpu.memory_space<hbm>> -> memref<131072x8xf32, #tpu.memory_space<hbm>>
    tpu.wait_indirect_dma semaphore(%arg10 : memref<!tpu.dma_semaphore, #tpu.memory_space<semaphore_mem>>) src(%dma_wait3A_597 : memref<131072x8xf32, #tpu.memory_space<hbm>>) dst(%dma_wait3A_591 : memref<128x8xf32, #tpu.memory_space<vmem>>)
    %dma_wait3A_598 = arith.constant 27 : i32
    %dma_wait3A_599 = arith.constant 3456 : i32
    %dma_wait3A_600 = arith.constant 0 : i32
    %dma_wait3A_601 = tpu.memref_slice %arg9[%dma_wait3A_599, %dma_wait3A_600] : memref<4096x8xf32, #tpu.memory_space<vmem>> -> memref<128x8xf32, #tpu.memory_space<vmem>>
    %dma_wait3A_602 = arith.constant 0 : i32
    %dma_wait3A_603 = tpu.memref_slice %arg7[%dma_wait3A_598, %dma_wait3A_602] : memref<32x128xi32, #tpu.memory_space<vmem>> -> memref<1x128xi32, #tpu.memory_space<vmem>>
    %dma_wait3A_604 = tpu.memref_squeeze %dma_wait3A_603 : memref<1x128xi32, #tpu.memory_space<vmem>> -> memref<128xi32, #tpu.memory_space<vmem>>
    %dma_wait3A_605 = arith.constant 0 : i32
    %dma_wait3A_606 = arith.constant 0 : i32
    %dma_wait3A_607 = tpu.memref_slice %arg2[%dma_wait3A_605, %dma_wait3A_606] : memref<131072x8xf32, #tpu.memory_space<hbm>> -> memref<131072x8xf32, #tpu.memory_space<hbm>>
    tpu.wait_indirect_dma semaphore(%arg10 : memref<!tpu.dma_semaphore, #tpu.memory_space<semaphore_mem>>) src(%dma_wait3A_607 : memref<131072x8xf32, #tpu.memory_space<hbm>>) dst(%dma_wait3A_601 : memref<128x8xf32, #tpu.memory_space<vmem>>)
    %dma_wait3A_608 = arith.constant 28 : i32
    %dma_wait3A_609 = arith.constant 3584 : i32
    %dma_wait3A_610 = arith.constant 0 : i32
    %dma_wait3A_611 = tpu.memref_slice %arg9[%dma_wait3A_609, %dma_wait3A_610] : memref<4096x8xf32, #tpu.memory_space<vmem>> -> memref<128x8xf32, #tpu.memory_space<vmem>>
    %dma_wait3A_612 = arith.constant 0 : i32
    %dma_wait3A_613 = tpu.memref_slice %arg7[%dma_wait3A_608, %dma_wait3A_612] : memref<32x128xi32, #tpu.memory_space<vmem>> -> memref<1x128xi32, #tpu.memory_space<vmem>>
    %dma_wait3A_614 = tpu.memref_squeeze %dma_wait3A_613 : memref<1x128xi32, #tpu.memory_space<vmem>> -> memref<128xi32, #tpu.memory_space<vmem>>
    %dma_wait3A_615 = arith.constant 0 : i32
    %dma_wait3A_616 = arith.constant 0 : i32
    %dma_wait3A_617 = tpu.memref_slice %arg2[%dma_wait3A_615, %dma_wait3A_616] : memref<131072x8xf32, #tpu.memory_space<hbm>> -> memref<131072x8xf32, #tpu.memory_space<hbm>>
    tpu.wait_indirect_dma semaphore(%arg10 : memref<!tpu.dma_semaphore, #tpu.memory_space<semaphore_mem>>) src(%dma_wait3A_617 : memref<131072x8xf32, #tpu.memory_space<hbm>>) dst(%dma_wait3A_611 : memref<128x8xf32, #tpu.memory_space<vmem>>)
    %dma_wait3A_618 = arith.constant 29 : i32
    %dma_wait3A_619 = arith.constant 3712 : i32
    %dma_wait3A_620 = arith.constant 0 : i32
    %dma_wait3A_621 = tpu.memref_slice %arg9[%dma_wait3A_619, %dma_wait3A_620] : memref<4096x8xf32, #tpu.memory_space<vmem>> -> memref<128x8xf32, #tpu.memory_space<vmem>>
    %dma_wait3A_622 = arith.constant 0 : i32
    %dma_wait3A_623 = tpu.memref_slice %arg7[%dma_wait3A_618, %dma_wait3A_622] : memref<32x128xi32, #tpu.memory_space<vmem>> -> memref<1x128xi32, #tpu.memory_space<vmem>>
    %dma_wait3A_624 = tpu.memref_squeeze %dma_wait3A_623 : memref<1x128xi32, #tpu.memory_space<vmem>> -> memref<128xi32, #tpu.memory_space<vmem>>
    %dma_wait3A_625 = arith.constant 0 : i32
    %dma_wait3A_626 = arith.constant 0 : i32
    %dma_wait3A_627 = tpu.memref_slice %arg2[%dma_wait3A_625, %dma_wait3A_626] : memref<131072x8xf32, #tpu.memory_space<hbm>> -> memref<131072x8xf32, #tpu.memory_space<hbm>>
    tpu.wait_indirect_dma semaphore(%arg10 : memref<!tpu.dma_semaphore, #tpu.memory_space<semaphore_mem>>) src(%dma_wait3A_627 : memref<131072x8xf32, #tpu.memory_space<hbm>>) dst(%dma_wait3A_621 : memref<128x8xf32, #tpu.memory_space<vmem>>)
    %dma_wait3A_628 = arith.constant 30 : i32
    %dma_wait3A_629 = arith.constant 3840 : i32
    %dma_wait3A_630 = arith.constant 0 : i32
    %dma_wait3A_631 = tpu.memref_slice %arg9[%dma_wait3A_629, %dma_wait3A_630] : memref<4096x8xf32, #tpu.memory_space<vmem>> -> memref<128x8xf32, #tpu.memory_space<vmem>>
    %dma_wait3A_632 = arith.constant 0 : i32
    %dma_wait3A_633 = tpu.memref_slice %arg7[%dma_wait3A_628, %dma_wait3A_632] : memref<32x128xi32, #tpu.memory_space<vmem>> -> memref<1x128xi32, #tpu.memory_space<vmem>>
    %dma_wait3A_634 = tpu.memref_squeeze %dma_wait3A_633 : memref<1x128xi32, #tpu.memory_space<vmem>> -> memref<128xi32, #tpu.memory_space<vmem>>
    %dma_wait3A_635 = arith.constant 0 : i32
    %dma_wait3A_636 = arith.constant 0 : i32
    %dma_wait3A_637 = tpu.memref_slice %arg2[%dma_wait3A_635, %dma_wait3A_636] : memref<131072x8xf32, #tpu.memory_space<hbm>> -> memref<131072x8xf32, #tpu.memory_space<hbm>>
    tpu.wait_indirect_dma semaphore(%arg10 : memref<!tpu.dma_semaphore, #tpu.memory_space<semaphore_mem>>) src(%dma_wait3A_637 : memref<131072x8xf32, #tpu.memory_space<hbm>>) dst(%dma_wait3A_631 : memref<128x8xf32, #tpu.memory_space<vmem>>)
    %dma_wait3A_638 = arith.constant 31 : i32
    %dma_wait3A_639 = arith.constant 3968 : i32
    %dma_wait3A_640 = arith.constant 0 : i32
    %dma_wait3A_641 = tpu.memref_slice %arg9[%dma_wait3A_639, %dma_wait3A_640] : memref<4096x8xf32, #tpu.memory_space<vmem>> -> memref<128x8xf32, #tpu.memory_space<vmem>>
    %dma_wait3A_642 = arith.constant 0 : i32
    %dma_wait3A_643 = tpu.memref_slice %arg7[%dma_wait3A_638, %dma_wait3A_642] : memref<32x128xi32, #tpu.memory_space<vmem>> -> memref<1x128xi32, #tpu.memory_space<vmem>>
    %dma_wait3A_644 = tpu.memref_squeeze %dma_wait3A_643 : memref<1x128xi32, #tpu.memory_space<vmem>> -> memref<128xi32, #tpu.memory_space<vmem>>
    %dma_wait3A_645 = arith.constant 0 : i32
    %dma_wait3A_646 = arith.constant 0 : i32
    %dma_wait3A_647 = tpu.memref_slice %arg2[%dma_wait3A_645, %dma_wait3A_646] : memref<131072x8xf32, #tpu.memory_space<hbm>> -> memref<131072x8xf32, #tpu.memory_space<hbm>>
    tpu.wait_indirect_dma semaphore(%arg10 : memref<!tpu.dma_semaphore, #tpu.memory_space<semaphore_mem>>) src(%dma_wait3A_647 : memref<131072x8xf32, #tpu.memory_space<hbm>>) dst(%dma_wait3A_641 : memref<128x8xf32, #tpu.memory_space<vmem>>)
    "tpu.region"() ({
      %run_scoped3A = tpu.sem_alloc : memref<!tpu.dma_semaphore, #tpu.memory_space<semaphore_mem>>
      %dma_start3A_648 = arith.constant 0 : i32
      %dma_start3A_649 = tpu.memref_slice %arg4[%mul3A_2, %dma_start3A_648] : memref<131072x8xf32, #tpu.memory_space<hbm>> -> memref<4096x8xf32, #tpu.memory_space<hbm>>
      %dma_start3A_650 = arith.constant 0 : i32
      %dma_start3A_651 = tpu.memref_slice %arg4[%mul3A_2, %dma_start3A_650] : memref<131072x8xf32, #tpu.memory_space<hbm>> -> memref<4096x8xf32, #tpu.memory_space<hbm>>
      tpu.enqueue_dma source(%arg9 : memref<4096x8xf32, #tpu.memory_space<vmem>>) target(%dma_start3A_651 : memref<4096x8xf32, #tpu.memory_space<hbm>>) target_semaphore(%run_scoped3A : memref<!tpu.dma_semaphore, #tpu.memory_space<semaphore_mem>>)
      %dma_wait3A_652 = arith.constant 0 : i32
      %dma_wait3A_653 = tpu.memref_slice %arg4[%mul3A_2, %dma_wait3A_652] : memref<131072x8xf32, #tpu.memory_space<hbm>> -> memref<4096x8xf32, #tpu.memory_space<hbm>>
      %dma_wait3A_654 = arith.constant 0 : i32
      %dma_wait3A_655 = tpu.memref_slice %arg4[%mul3A_2, %dma_wait3A_654] : memref<131072x8xf32, #tpu.memory_space<hbm>> -> memref<4096x8xf32, #tpu.memory_space<hbm>>
      tpu.wait_dma2 semaphore(%run_scoped3A : memref<!tpu.dma_semaphore, #tpu.memory_space<semaphore_mem>>) src(%arg9 : memref<4096x8xf32, #tpu.memory_space<vmem>>) dst(%dma_wait3A_655 : memref<4096x8xf32, #tpu.memory_space<hbm>>)
      tpu.yield
    }) : () -> ()
    "tpu.region"() ({
      %run_scoped3A = tpu.sem_alloc : memref<!tpu.dma_semaphore, #tpu.memory_space<semaphore_mem>>
      %dma_start3A_648 = arith.constant 0 : i32
      %dma_start3A_649 = arith.constant 0 : i32
      %dma_start3A_650 = tpu.memref_slice %arg5[%add3A, %dma_start3A_648, %dma_start3A_649] : memref<32x32x128xi32, #tpu.memory_space<hbm>> -> memref<1x32x128xi32, #tpu.memory_space<hbm>>
      %dma_start3A_651 = tpu.memref_squeeze %dma_start3A_650 : memref<1x32x128xi32, #tpu.memory_space<hbm>> -> memref<32x128xi32, #tpu.memory_space<hbm>>
      %dma_start3A_652 = arith.constant 0 : i32
      %dma_start3A_653 = arith.constant 0 : i32
      %dma_start3A_654 = tpu.memref_slice %arg5[%add3A, %dma_start3A_652, %dma_start3A_653] : memref<32x32x128xi32, #tpu.memory_space<hbm>> -> memref<1x32x128xi32, #tpu.memory_space<hbm>>
      %dma_start3A_655 = tpu.memref_squeeze %dma_start3A_654 : memref<1x32x128xi32, #tpu.memory_space<hbm>> -> memref<32x128xi32, #tpu.memory_space<hbm>>
      tpu.enqueue_dma source(%arg8 : memref<32x128xi32, #tpu.memory_space<vmem>>) target(%dma_start3A_655 : memref<32x128xi32, #tpu.memory_space<hbm>>) target_semaphore(%run_scoped3A : memref<!tpu.dma_semaphore, #tpu.memory_space<semaphore_mem>>)
      %dma_wait3A_656 = arith.constant 0 : i32
      %dma_wait3A_657 = arith.constant 0 : i32
      %dma_wait3A_658 = tpu.memref_slice %arg5[%add3A, %dma_wait3A_656, %dma_wait3A_657] : memref<32x32x128xi32, #tpu.memory_space<hbm>> -> memref<1x32x128xi32, #tpu.memory_space<hbm>>
      %dma_wait3A_659 = tpu.memref_squeeze %dma_wait3A_658 : memref<1x32x128xi32, #tpu.memory_space<hbm>> -> memref<32x128xi32, #tpu.memory_space<hbm>>
      %dma_wait3A_660 = arith.constant 0 : i32
      %dma_wait3A_661 = arith.constant 0 : i32
      %dma_wait3A_662 = tpu.memref_slice %arg5[%add3A, %dma_wait3A_660, %dma_wait3A_661] : memref<32x32x128xi32, #tpu.memory_space<hbm>> -> memref<1x32x128xi32, #tpu.memory_space<hbm>>
      %dma_wait3A_663 = tpu.memref_squeeze %dma_wait3A_662 : memref<1x32x128xi32, #tpu.memory_space<hbm>> -> memref<32x128xi32, #tpu.memory_space<hbm>>
      tpu.wait_dma2 semaphore(%run_scoped3A : memref<!tpu.dma_semaphore, #tpu.memory_space<semaphore_mem>>) src(%arg8 : memref<32x128xi32, #tpu.memory_space<vmem>>) dst(%dma_wait3A_663 : memref<32x128xi32, #tpu.memory_space<hbm>>)
      tpu.yield
    }) : () -> ()
    return
  }
}

#map = affine_map<(d0, d1) -> (0, 0)>
#map1 = affine_map<(d0, d1) -> (0, 0, 0)>
module attributes {stable_mosaic.version = 14 : i64} {
  func.func @_scs_body(%arg0: i32, %arg1: i32, %arg2: memref<131072x16xf32, #tpu.memory_space<hbm>>, %arg3: memref<32x32x128xi32, #tpu.memory_space<hbm>>, %arg4: memref<131072x16xf32, #tpu.memory_space<hbm>>, %arg5: memref<32x128xi32, #tpu.memory_space<vmem>>, %arg6: memref<4096x16xf32, #tpu.memory_space<vmem>>, %arg7: memref<!tpu.dma_semaphore, #tpu.memory_space<semaphore_mem>>) attributes {dimension_semantics = [#tpu.dimension_semantics<core_parallel>, #tpu.dimension_semantics<subcore_parallel>], iteration_bounds = array<i64: 2, 16>, scalar_prefetch = 0 : i64, scratch_operands = 3 : i64, tpu.core_type = #tpu.core_type<sc_vector_subcore>, window_params = [{transform_indices = #map}, {transform_indices = #map1}, {transform_indices = #map}]} {
    %mul3A = arith.constant 2 : i32
    %mul3A_0 = arith.muli %arg1, %mul3A : i32
    %add3A = arith.addi %mul3A_0, %arg0 : i32
    %mul3A_1 = arith.constant 4096 : i32
    %mul3A_2 = arith.muli %add3A, %mul3A_1 : i32
    "tpu.region"() ({
      %run_scoped3A = tpu.sem_alloc : memref<!tpu.dma_semaphore, #tpu.memory_space<semaphore_mem>>
      %dma_start3A_641 = arith.constant 0 : i32
      %dma_start3A_642 = arith.constant 0 : i32
      %dma_start3A_643 = tpu.memref_slice %arg3[%add3A, %dma_start3A_641, %dma_start3A_642] : memref<32x32x128xi32, #tpu.memory_space<hbm>> -> memref<1x32x128xi32, #tpu.memory_space<hbm>>
      %dma_start3A_644 = tpu.memref_squeeze %dma_start3A_643 : memref<1x32x128xi32, #tpu.memory_space<hbm>> -> memref<32x128xi32, #tpu.memory_space<hbm>>
      %dma_start3A_645 = arith.constant 0 : i32
      %dma_start3A_646 = arith.constant 0 : i32
      %dma_start3A_647 = tpu.memref_slice %arg3[%add3A, %dma_start3A_645, %dma_start3A_646] : memref<32x32x128xi32, #tpu.memory_space<hbm>> -> memref<1x32x128xi32, #tpu.memory_space<hbm>>
      %dma_start3A_648 = tpu.memref_squeeze %dma_start3A_647 : memref<1x32x128xi32, #tpu.memory_space<hbm>> -> memref<32x128xi32, #tpu.memory_space<hbm>>
      tpu.enqueue_dma source(%dma_start3A_648 : memref<32x128xi32, #tpu.memory_space<hbm>>) target(%arg5 : memref<32x128xi32, #tpu.memory_space<vmem>>) target_semaphore(%run_scoped3A : memref<!tpu.dma_semaphore, #tpu.memory_space<semaphore_mem>>)
      %dma_wait3A_649 = arith.constant 0 : i32
      %dma_wait3A_650 = arith.constant 0 : i32
      %dma_wait3A_651 = tpu.memref_slice %arg3[%add3A, %dma_wait3A_649, %dma_wait3A_650] : memref<32x32x128xi32, #tpu.memory_space<hbm>> -> memref<1x32x128xi32, #tpu.memory_space<hbm>>
      %dma_wait3A_652 = tpu.memref_squeeze %dma_wait3A_651 : memref<1x32x128xi32, #tpu.memory_space<hbm>> -> memref<32x128xi32, #tpu.memory_space<hbm>>
      %dma_wait3A_653 = arith.constant 0 : i32
      %dma_wait3A_654 = arith.constant 0 : i32
      %dma_wait3A_655 = tpu.memref_slice %arg3[%add3A, %dma_wait3A_653, %dma_wait3A_654] : memref<32x32x128xi32, #tpu.memory_space<hbm>> -> memref<1x32x128xi32, #tpu.memory_space<hbm>>
      %dma_wait3A_656 = tpu.memref_squeeze %dma_wait3A_655 : memref<1x32x128xi32, #tpu.memory_space<hbm>> -> memref<32x128xi32, #tpu.memory_space<hbm>>
      tpu.wait_dma2 semaphore(%run_scoped3A : memref<!tpu.dma_semaphore, #tpu.memory_space<semaphore_mem>>) src(%dma_wait3A_656 : memref<32x128xi32, #tpu.memory_space<hbm>>) dst(%arg5 : memref<32x128xi32, #tpu.memory_space<vmem>>)
      tpu.yield
    }) : () -> ()
    "tpu.region"() ({
      %run_scoped3A = tpu.sem_alloc : memref<!tpu.dma_semaphore, #tpu.memory_space<semaphore_mem>>
      %dma_start3A_641 = arith.constant 0 : i32
      %dma_start3A_642 = tpu.memref_slice %arg2[%mul3A_2, %dma_start3A_641] : memref<131072x16xf32, #tpu.memory_space<hbm>> -> memref<4096x16xf32, #tpu.memory_space<hbm>>
      %dma_start3A_643 = arith.constant 0 : i32
      %dma_start3A_644 = tpu.memref_slice %arg2[%mul3A_2, %dma_start3A_643] : memref<131072x16xf32, #tpu.memory_space<hbm>> -> memref<4096x16xf32, #tpu.memory_space<hbm>>
      tpu.enqueue_dma source(%dma_start3A_644 : memref<4096x16xf32, #tpu.memory_space<hbm>>) target(%arg6 : memref<4096x16xf32, #tpu.memory_space<vmem>>) target_semaphore(%run_scoped3A : memref<!tpu.dma_semaphore, #tpu.memory_space<semaphore_mem>>)
      %dma_wait3A_645 = arith.constant 0 : i32
      %dma_wait3A_646 = tpu.memref_slice %arg2[%mul3A_2, %dma_wait3A_645] : memref<131072x16xf32, #tpu.memory_space<hbm>> -> memref<4096x16xf32, #tpu.memory_space<hbm>>
      %dma_wait3A_647 = arith.constant 0 : i32
      %dma_wait3A_648 = tpu.memref_slice %arg2[%mul3A_2, %dma_wait3A_647] : memref<131072x16xf32, #tpu.memory_space<hbm>> -> memref<4096x16xf32, #tpu.memory_space<hbm>>
      tpu.wait_dma2 semaphore(%run_scoped3A : memref<!tpu.dma_semaphore, #tpu.memory_space<semaphore_mem>>) src(%dma_wait3A_648 : memref<4096x16xf32, #tpu.memory_space<hbm>>) dst(%arg6 : memref<4096x16xf32, #tpu.memory_space<vmem>>)
      tpu.yield
    }) : () -> ()
    %dma_start3A = arith.constant 0 : i32
    %dma_start3A_3 = arith.constant 0 : i32
    %dma_start3A_4 = arith.constant 0 : i32
    %dma_start3A_5 = tpu.memref_slice %arg6[%dma_start3A_3, %dma_start3A_4] : memref<4096x16xf32, #tpu.memory_space<vmem>> -> memref<128x16xf32, #tpu.memory_space<vmem>>
    %dma_start3A_6 = arith.constant 0 : i32
    %dma_start3A_7 = tpu.memref_slice %arg5[%dma_start3A, %dma_start3A_6] : memref<32x128xi32, #tpu.memory_space<vmem>> -> memref<1x128xi32, #tpu.memory_space<vmem>>
    %dma_start3A_8 = tpu.memref_squeeze %dma_start3A_7 : memref<1x128xi32, #tpu.memory_space<vmem>> -> memref<128xi32, #tpu.memory_space<vmem>>
    %dma_start3A_9 = arith.constant 0 : i32
    %dma_start3A_10 = arith.constant 0 : i32
    %dma_start3A_11 = tpu.memref_slice %arg4[%dma_start3A_9, %dma_start3A_10] : memref<131072x16xf32, #tpu.memory_space<hbm>> -> memref<131072x16xf32, #tpu.memory_space<hbm>>
    tpu.enqueue_indirect_dma source(%dma_start3A_5 : memref<128x16xf32, #tpu.memory_space<vmem>>) target(%dma_start3A_11 : memref<131072x16xf32, #tpu.memory_space<hbm>>) offsets(%dma_start3A_8 : memref<128xi32, #tpu.memory_space<vmem>>) semaphore(%arg7 : memref<!tpu.dma_semaphore, #tpu.memory_space<semaphore_mem>>)
    %dma_start3A_12 = arith.constant 1 : i32
    %dma_start3A_13 = arith.constant 128 : i32
    %dma_start3A_14 = arith.constant 0 : i32
    %dma_start3A_15 = tpu.memref_slice %arg6[%dma_start3A_13, %dma_start3A_14] : memref<4096x16xf32, #tpu.memory_space<vmem>> -> memref<128x16xf32, #tpu.memory_space<vmem>>
    %dma_start3A_16 = arith.constant 0 : i32
    %dma_start3A_17 = tpu.memref_slice %arg5[%dma_start3A_12, %dma_start3A_16] : memref<32x128xi32, #tpu.memory_space<vmem>> -> memref<1x128xi32, #tpu.memory_space<vmem>>
    %dma_start3A_18 = tpu.memref_squeeze %dma_start3A_17 : memref<1x128xi32, #tpu.memory_space<vmem>> -> memref<128xi32, #tpu.memory_space<vmem>>
    %dma_start3A_19 = arith.constant 0 : i32
    %dma_start3A_20 = arith.constant 0 : i32
    %dma_start3A_21 = tpu.memref_slice %arg4[%dma_start3A_19, %dma_start3A_20] : memref<131072x16xf32, #tpu.memory_space<hbm>> -> memref<131072x16xf32, #tpu.memory_space<hbm>>
    tpu.enqueue_indirect_dma source(%dma_start3A_15 : memref<128x16xf32, #tpu.memory_space<vmem>>) target(%dma_start3A_21 : memref<131072x16xf32, #tpu.memory_space<hbm>>) offsets(%dma_start3A_18 : memref<128xi32, #tpu.memory_space<vmem>>) semaphore(%arg7 : memref<!tpu.dma_semaphore, #tpu.memory_space<semaphore_mem>>)
    %dma_start3A_22 = arith.constant 2 : i32
    %dma_start3A_23 = arith.constant 256 : i32
    %dma_start3A_24 = arith.constant 0 : i32
    %dma_start3A_25 = tpu.memref_slice %arg6[%dma_start3A_23, %dma_start3A_24] : memref<4096x16xf32, #tpu.memory_space<vmem>> -> memref<128x16xf32, #tpu.memory_space<vmem>>
    %dma_start3A_26 = arith.constant 0 : i32
    %dma_start3A_27 = tpu.memref_slice %arg5[%dma_start3A_22, %dma_start3A_26] : memref<32x128xi32, #tpu.memory_space<vmem>> -> memref<1x128xi32, #tpu.memory_space<vmem>>
    %dma_start3A_28 = tpu.memref_squeeze %dma_start3A_27 : memref<1x128xi32, #tpu.memory_space<vmem>> -> memref<128xi32, #tpu.memory_space<vmem>>
    %dma_start3A_29 = arith.constant 0 : i32
    %dma_start3A_30 = arith.constant 0 : i32
    %dma_start3A_31 = tpu.memref_slice %arg4[%dma_start3A_29, %dma_start3A_30] : memref<131072x16xf32, #tpu.memory_space<hbm>> -> memref<131072x16xf32, #tpu.memory_space<hbm>>
    tpu.enqueue_indirect_dma source(%dma_start3A_25 : memref<128x16xf32, #tpu.memory_space<vmem>>) target(%dma_start3A_31 : memref<131072x16xf32, #tpu.memory_space<hbm>>) offsets(%dma_start3A_28 : memref<128xi32, #tpu.memory_space<vmem>>) semaphore(%arg7 : memref<!tpu.dma_semaphore, #tpu.memory_space<semaphore_mem>>)
    %dma_start3A_32 = arith.constant 3 : i32
    %dma_start3A_33 = arith.constant 384 : i32
    %dma_start3A_34 = arith.constant 0 : i32
    %dma_start3A_35 = tpu.memref_slice %arg6[%dma_start3A_33, %dma_start3A_34] : memref<4096x16xf32, #tpu.memory_space<vmem>> -> memref<128x16xf32, #tpu.memory_space<vmem>>
    %dma_start3A_36 = arith.constant 0 : i32
    %dma_start3A_37 = tpu.memref_slice %arg5[%dma_start3A_32, %dma_start3A_36] : memref<32x128xi32, #tpu.memory_space<vmem>> -> memref<1x128xi32, #tpu.memory_space<vmem>>
    %dma_start3A_38 = tpu.memref_squeeze %dma_start3A_37 : memref<1x128xi32, #tpu.memory_space<vmem>> -> memref<128xi32, #tpu.memory_space<vmem>>
    %dma_start3A_39 = arith.constant 0 : i32
    %dma_start3A_40 = arith.constant 0 : i32
    %dma_start3A_41 = tpu.memref_slice %arg4[%dma_start3A_39, %dma_start3A_40] : memref<131072x16xf32, #tpu.memory_space<hbm>> -> memref<131072x16xf32, #tpu.memory_space<hbm>>
    tpu.enqueue_indirect_dma source(%dma_start3A_35 : memref<128x16xf32, #tpu.memory_space<vmem>>) target(%dma_start3A_41 : memref<131072x16xf32, #tpu.memory_space<hbm>>) offsets(%dma_start3A_38 : memref<128xi32, #tpu.memory_space<vmem>>) semaphore(%arg7 : memref<!tpu.dma_semaphore, #tpu.memory_space<semaphore_mem>>)
    %dma_start3A_42 = arith.constant 4 : i32
    %dma_start3A_43 = arith.constant 512 : i32
    %dma_start3A_44 = arith.constant 0 : i32
    %dma_start3A_45 = tpu.memref_slice %arg6[%dma_start3A_43, %dma_start3A_44] : memref<4096x16xf32, #tpu.memory_space<vmem>> -> memref<128x16xf32, #tpu.memory_space<vmem>>
    %dma_start3A_46 = arith.constant 0 : i32
    %dma_start3A_47 = tpu.memref_slice %arg5[%dma_start3A_42, %dma_start3A_46] : memref<32x128xi32, #tpu.memory_space<vmem>> -> memref<1x128xi32, #tpu.memory_space<vmem>>
    %dma_start3A_48 = tpu.memref_squeeze %dma_start3A_47 : memref<1x128xi32, #tpu.memory_space<vmem>> -> memref<128xi32, #tpu.memory_space<vmem>>
    %dma_start3A_49 = arith.constant 0 : i32
    %dma_start3A_50 = arith.constant 0 : i32
    %dma_start3A_51 = tpu.memref_slice %arg4[%dma_start3A_49, %dma_start3A_50] : memref<131072x16xf32, #tpu.memory_space<hbm>> -> memref<131072x16xf32, #tpu.memory_space<hbm>>
    tpu.enqueue_indirect_dma source(%dma_start3A_45 : memref<128x16xf32, #tpu.memory_space<vmem>>) target(%dma_start3A_51 : memref<131072x16xf32, #tpu.memory_space<hbm>>) offsets(%dma_start3A_48 : memref<128xi32, #tpu.memory_space<vmem>>) semaphore(%arg7 : memref<!tpu.dma_semaphore, #tpu.memory_space<semaphore_mem>>)
    %dma_start3A_52 = arith.constant 5 : i32
    %dma_start3A_53 = arith.constant 640 : i32
    %dma_start3A_54 = arith.constant 0 : i32
    %dma_start3A_55 = tpu.memref_slice %arg6[%dma_start3A_53, %dma_start3A_54] : memref<4096x16xf32, #tpu.memory_space<vmem>> -> memref<128x16xf32, #tpu.memory_space<vmem>>
    %dma_start3A_56 = arith.constant 0 : i32
    %dma_start3A_57 = tpu.memref_slice %arg5[%dma_start3A_52, %dma_start3A_56] : memref<32x128xi32, #tpu.memory_space<vmem>> -> memref<1x128xi32, #tpu.memory_space<vmem>>
    %dma_start3A_58 = tpu.memref_squeeze %dma_start3A_57 : memref<1x128xi32, #tpu.memory_space<vmem>> -> memref<128xi32, #tpu.memory_space<vmem>>
    %dma_start3A_59 = arith.constant 0 : i32
    %dma_start3A_60 = arith.constant 0 : i32
    %dma_start3A_61 = tpu.memref_slice %arg4[%dma_start3A_59, %dma_start3A_60] : memref<131072x16xf32, #tpu.memory_space<hbm>> -> memref<131072x16xf32, #tpu.memory_space<hbm>>
    tpu.enqueue_indirect_dma source(%dma_start3A_55 : memref<128x16xf32, #tpu.memory_space<vmem>>) target(%dma_start3A_61 : memref<131072x16xf32, #tpu.memory_space<hbm>>) offsets(%dma_start3A_58 : memref<128xi32, #tpu.memory_space<vmem>>) semaphore(%arg7 : memref<!tpu.dma_semaphore, #tpu.memory_space<semaphore_mem>>)
    %dma_start3A_62 = arith.constant 6 : i32
    %dma_start3A_63 = arith.constant 768 : i32
    %dma_start3A_64 = arith.constant 0 : i32
    %dma_start3A_65 = tpu.memref_slice %arg6[%dma_start3A_63, %dma_start3A_64] : memref<4096x16xf32, #tpu.memory_space<vmem>> -> memref<128x16xf32, #tpu.memory_space<vmem>>
    %dma_start3A_66 = arith.constant 0 : i32
    %dma_start3A_67 = tpu.memref_slice %arg5[%dma_start3A_62, %dma_start3A_66] : memref<32x128xi32, #tpu.memory_space<vmem>> -> memref<1x128xi32, #tpu.memory_space<vmem>>
    %dma_start3A_68 = tpu.memref_squeeze %dma_start3A_67 : memref<1x128xi32, #tpu.memory_space<vmem>> -> memref<128xi32, #tpu.memory_space<vmem>>
    %dma_start3A_69 = arith.constant 0 : i32
    %dma_start3A_70 = arith.constant 0 : i32
    %dma_start3A_71 = tpu.memref_slice %arg4[%dma_start3A_69, %dma_start3A_70] : memref<131072x16xf32, #tpu.memory_space<hbm>> -> memref<131072x16xf32, #tpu.memory_space<hbm>>
    tpu.enqueue_indirect_dma source(%dma_start3A_65 : memref<128x16xf32, #tpu.memory_space<vmem>>) target(%dma_start3A_71 : memref<131072x16xf32, #tpu.memory_space<hbm>>) offsets(%dma_start3A_68 : memref<128xi32, #tpu.memory_space<vmem>>) semaphore(%arg7 : memref<!tpu.dma_semaphore, #tpu.memory_space<semaphore_mem>>)
    %dma_start3A_72 = arith.constant 7 : i32
    %dma_start3A_73 = arith.constant 896 : i32
    %dma_start3A_74 = arith.constant 0 : i32
    %dma_start3A_75 = tpu.memref_slice %arg6[%dma_start3A_73, %dma_start3A_74] : memref<4096x16xf32, #tpu.memory_space<vmem>> -> memref<128x16xf32, #tpu.memory_space<vmem>>
    %dma_start3A_76 = arith.constant 0 : i32
    %dma_start3A_77 = tpu.memref_slice %arg5[%dma_start3A_72, %dma_start3A_76] : memref<32x128xi32, #tpu.memory_space<vmem>> -> memref<1x128xi32, #tpu.memory_space<vmem>>
    %dma_start3A_78 = tpu.memref_squeeze %dma_start3A_77 : memref<1x128xi32, #tpu.memory_space<vmem>> -> memref<128xi32, #tpu.memory_space<vmem>>
    %dma_start3A_79 = arith.constant 0 : i32
    %dma_start3A_80 = arith.constant 0 : i32
    %dma_start3A_81 = tpu.memref_slice %arg4[%dma_start3A_79, %dma_start3A_80] : memref<131072x16xf32, #tpu.memory_space<hbm>> -> memref<131072x16xf32, #tpu.memory_space<hbm>>
    tpu.enqueue_indirect_dma source(%dma_start3A_75 : memref<128x16xf32, #tpu.memory_space<vmem>>) target(%dma_start3A_81 : memref<131072x16xf32, #tpu.memory_space<hbm>>) offsets(%dma_start3A_78 : memref<128xi32, #tpu.memory_space<vmem>>) semaphore(%arg7 : memref<!tpu.dma_semaphore, #tpu.memory_space<semaphore_mem>>)
    %dma_start3A_82 = arith.constant 8 : i32
    %dma_start3A_83 = arith.constant 1024 : i32
    %dma_start3A_84 = arith.constant 0 : i32
    %dma_start3A_85 = tpu.memref_slice %arg6[%dma_start3A_83, %dma_start3A_84] : memref<4096x16xf32, #tpu.memory_space<vmem>> -> memref<128x16xf32, #tpu.memory_space<vmem>>
    %dma_start3A_86 = arith.constant 0 : i32
    %dma_start3A_87 = tpu.memref_slice %arg5[%dma_start3A_82, %dma_start3A_86] : memref<32x128xi32, #tpu.memory_space<vmem>> -> memref<1x128xi32, #tpu.memory_space<vmem>>
    %dma_start3A_88 = tpu.memref_squeeze %dma_start3A_87 : memref<1x128xi32, #tpu.memory_space<vmem>> -> memref<128xi32, #tpu.memory_space<vmem>>
    %dma_start3A_89 = arith.constant 0 : i32
    %dma_start3A_90 = arith.constant 0 : i32
    %dma_start3A_91 = tpu.memref_slice %arg4[%dma_start3A_89, %dma_start3A_90] : memref<131072x16xf32, #tpu.memory_space<hbm>> -> memref<131072x16xf32, #tpu.memory_space<hbm>>
    tpu.enqueue_indirect_dma source(%dma_start3A_85 : memref<128x16xf32, #tpu.memory_space<vmem>>) target(%dma_start3A_91 : memref<131072x16xf32, #tpu.memory_space<hbm>>) offsets(%dma_start3A_88 : memref<128xi32, #tpu.memory_space<vmem>>) semaphore(%arg7 : memref<!tpu.dma_semaphore, #tpu.memory_space<semaphore_mem>>)
    %dma_start3A_92 = arith.constant 9 : i32
    %dma_start3A_93 = arith.constant 1152 : i32
    %dma_start3A_94 = arith.constant 0 : i32
    %dma_start3A_95 = tpu.memref_slice %arg6[%dma_start3A_93, %dma_start3A_94] : memref<4096x16xf32, #tpu.memory_space<vmem>> -> memref<128x16xf32, #tpu.memory_space<vmem>>
    %dma_start3A_96 = arith.constant 0 : i32
    %dma_start3A_97 = tpu.memref_slice %arg5[%dma_start3A_92, %dma_start3A_96] : memref<32x128xi32, #tpu.memory_space<vmem>> -> memref<1x128xi32, #tpu.memory_space<vmem>>
    %dma_start3A_98 = tpu.memref_squeeze %dma_start3A_97 : memref<1x128xi32, #tpu.memory_space<vmem>> -> memref<128xi32, #tpu.memory_space<vmem>>
    %dma_start3A_99 = arith.constant 0 : i32
    %dma_start3A_100 = arith.constant 0 : i32
    %dma_start3A_101 = tpu.memref_slice %arg4[%dma_start3A_99, %dma_start3A_100] : memref<131072x16xf32, #tpu.memory_space<hbm>> -> memref<131072x16xf32, #tpu.memory_space<hbm>>
    tpu.enqueue_indirect_dma source(%dma_start3A_95 : memref<128x16xf32, #tpu.memory_space<vmem>>) target(%dma_start3A_101 : memref<131072x16xf32, #tpu.memory_space<hbm>>) offsets(%dma_start3A_98 : memref<128xi32, #tpu.memory_space<vmem>>) semaphore(%arg7 : memref<!tpu.dma_semaphore, #tpu.memory_space<semaphore_mem>>)
    %dma_start3A_102 = arith.constant 10 : i32
    %dma_start3A_103 = arith.constant 1280 : i32
    %dma_start3A_104 = arith.constant 0 : i32
    %dma_start3A_105 = tpu.memref_slice %arg6[%dma_start3A_103, %dma_start3A_104] : memref<4096x16xf32, #tpu.memory_space<vmem>> -> memref<128x16xf32, #tpu.memory_space<vmem>>
    %dma_start3A_106 = arith.constant 0 : i32
    %dma_start3A_107 = tpu.memref_slice %arg5[%dma_start3A_102, %dma_start3A_106] : memref<32x128xi32, #tpu.memory_space<vmem>> -> memref<1x128xi32, #tpu.memory_space<vmem>>
    %dma_start3A_108 = tpu.memref_squeeze %dma_start3A_107 : memref<1x128xi32, #tpu.memory_space<vmem>> -> memref<128xi32, #tpu.memory_space<vmem>>
    %dma_start3A_109 = arith.constant 0 : i32
    %dma_start3A_110 = arith.constant 0 : i32
    %dma_start3A_111 = tpu.memref_slice %arg4[%dma_start3A_109, %dma_start3A_110] : memref<131072x16xf32, #tpu.memory_space<hbm>> -> memref<131072x16xf32, #tpu.memory_space<hbm>>
    tpu.enqueue_indirect_dma source(%dma_start3A_105 : memref<128x16xf32, #tpu.memory_space<vmem>>) target(%dma_start3A_111 : memref<131072x16xf32, #tpu.memory_space<hbm>>) offsets(%dma_start3A_108 : memref<128xi32, #tpu.memory_space<vmem>>) semaphore(%arg7 : memref<!tpu.dma_semaphore, #tpu.memory_space<semaphore_mem>>)
    %dma_start3A_112 = arith.constant 11 : i32
    %dma_start3A_113 = arith.constant 1408 : i32
    %dma_start3A_114 = arith.constant 0 : i32
    %dma_start3A_115 = tpu.memref_slice %arg6[%dma_start3A_113, %dma_start3A_114] : memref<4096x16xf32, #tpu.memory_space<vmem>> -> memref<128x16xf32, #tpu.memory_space<vmem>>
    %dma_start3A_116 = arith.constant 0 : i32
    %dma_start3A_117 = tpu.memref_slice %arg5[%dma_start3A_112, %dma_start3A_116] : memref<32x128xi32, #tpu.memory_space<vmem>> -> memref<1x128xi32, #tpu.memory_space<vmem>>
    %dma_start3A_118 = tpu.memref_squeeze %dma_start3A_117 : memref<1x128xi32, #tpu.memory_space<vmem>> -> memref<128xi32, #tpu.memory_space<vmem>>
    %dma_start3A_119 = arith.constant 0 : i32
    %dma_start3A_120 = arith.constant 0 : i32
    %dma_start3A_121 = tpu.memref_slice %arg4[%dma_start3A_119, %dma_start3A_120] : memref<131072x16xf32, #tpu.memory_space<hbm>> -> memref<131072x16xf32, #tpu.memory_space<hbm>>
    tpu.enqueue_indirect_dma source(%dma_start3A_115 : memref<128x16xf32, #tpu.memory_space<vmem>>) target(%dma_start3A_121 : memref<131072x16xf32, #tpu.memory_space<hbm>>) offsets(%dma_start3A_118 : memref<128xi32, #tpu.memory_space<vmem>>) semaphore(%arg7 : memref<!tpu.dma_semaphore, #tpu.memory_space<semaphore_mem>>)
    %dma_start3A_122 = arith.constant 12 : i32
    %dma_start3A_123 = arith.constant 1536 : i32
    %dma_start3A_124 = arith.constant 0 : i32
    %dma_start3A_125 = tpu.memref_slice %arg6[%dma_start3A_123, %dma_start3A_124] : memref<4096x16xf32, #tpu.memory_space<vmem>> -> memref<128x16xf32, #tpu.memory_space<vmem>>
    %dma_start3A_126 = arith.constant 0 : i32
    %dma_start3A_127 = tpu.memref_slice %arg5[%dma_start3A_122, %dma_start3A_126] : memref<32x128xi32, #tpu.memory_space<vmem>> -> memref<1x128xi32, #tpu.memory_space<vmem>>
    %dma_start3A_128 = tpu.memref_squeeze %dma_start3A_127 : memref<1x128xi32, #tpu.memory_space<vmem>> -> memref<128xi32, #tpu.memory_space<vmem>>
    %dma_start3A_129 = arith.constant 0 : i32
    %dma_start3A_130 = arith.constant 0 : i32
    %dma_start3A_131 = tpu.memref_slice %arg4[%dma_start3A_129, %dma_start3A_130] : memref<131072x16xf32, #tpu.memory_space<hbm>> -> memref<131072x16xf32, #tpu.memory_space<hbm>>
    tpu.enqueue_indirect_dma source(%dma_start3A_125 : memref<128x16xf32, #tpu.memory_space<vmem>>) target(%dma_start3A_131 : memref<131072x16xf32, #tpu.memory_space<hbm>>) offsets(%dma_start3A_128 : memref<128xi32, #tpu.memory_space<vmem>>) semaphore(%arg7 : memref<!tpu.dma_semaphore, #tpu.memory_space<semaphore_mem>>)
    %dma_start3A_132 = arith.constant 13 : i32
    %dma_start3A_133 = arith.constant 1664 : i32
    %dma_start3A_134 = arith.constant 0 : i32
    %dma_start3A_135 = tpu.memref_slice %arg6[%dma_start3A_133, %dma_start3A_134] : memref<4096x16xf32, #tpu.memory_space<vmem>> -> memref<128x16xf32, #tpu.memory_space<vmem>>
    %dma_start3A_136 = arith.constant 0 : i32
    %dma_start3A_137 = tpu.memref_slice %arg5[%dma_start3A_132, %dma_start3A_136] : memref<32x128xi32, #tpu.memory_space<vmem>> -> memref<1x128xi32, #tpu.memory_space<vmem>>
    %dma_start3A_138 = tpu.memref_squeeze %dma_start3A_137 : memref<1x128xi32, #tpu.memory_space<vmem>> -> memref<128xi32, #tpu.memory_space<vmem>>
    %dma_start3A_139 = arith.constant 0 : i32
    %dma_start3A_140 = arith.constant 0 : i32
    %dma_start3A_141 = tpu.memref_slice %arg4[%dma_start3A_139, %dma_start3A_140] : memref<131072x16xf32, #tpu.memory_space<hbm>> -> memref<131072x16xf32, #tpu.memory_space<hbm>>
    tpu.enqueue_indirect_dma source(%dma_start3A_135 : memref<128x16xf32, #tpu.memory_space<vmem>>) target(%dma_start3A_141 : memref<131072x16xf32, #tpu.memory_space<hbm>>) offsets(%dma_start3A_138 : memref<128xi32, #tpu.memory_space<vmem>>) semaphore(%arg7 : memref<!tpu.dma_semaphore, #tpu.memory_space<semaphore_mem>>)
    %dma_start3A_142 = arith.constant 14 : i32
    %dma_start3A_143 = arith.constant 1792 : i32
    %dma_start3A_144 = arith.constant 0 : i32
    %dma_start3A_145 = tpu.memref_slice %arg6[%dma_start3A_143, %dma_start3A_144] : memref<4096x16xf32, #tpu.memory_space<vmem>> -> memref<128x16xf32, #tpu.memory_space<vmem>>
    %dma_start3A_146 = arith.constant 0 : i32
    %dma_start3A_147 = tpu.memref_slice %arg5[%dma_start3A_142, %dma_start3A_146] : memref<32x128xi32, #tpu.memory_space<vmem>> -> memref<1x128xi32, #tpu.memory_space<vmem>>
    %dma_start3A_148 = tpu.memref_squeeze %dma_start3A_147 : memref<1x128xi32, #tpu.memory_space<vmem>> -> memref<128xi32, #tpu.memory_space<vmem>>
    %dma_start3A_149 = arith.constant 0 : i32
    %dma_start3A_150 = arith.constant 0 : i32
    %dma_start3A_151 = tpu.memref_slice %arg4[%dma_start3A_149, %dma_start3A_150] : memref<131072x16xf32, #tpu.memory_space<hbm>> -> memref<131072x16xf32, #tpu.memory_space<hbm>>
    tpu.enqueue_indirect_dma source(%dma_start3A_145 : memref<128x16xf32, #tpu.memory_space<vmem>>) target(%dma_start3A_151 : memref<131072x16xf32, #tpu.memory_space<hbm>>) offsets(%dma_start3A_148 : memref<128xi32, #tpu.memory_space<vmem>>) semaphore(%arg7 : memref<!tpu.dma_semaphore, #tpu.memory_space<semaphore_mem>>)
    %dma_start3A_152 = arith.constant 15 : i32
    %dma_start3A_153 = arith.constant 1920 : i32
    %dma_start3A_154 = arith.constant 0 : i32
    %dma_start3A_155 = tpu.memref_slice %arg6[%dma_start3A_153, %dma_start3A_154] : memref<4096x16xf32, #tpu.memory_space<vmem>> -> memref<128x16xf32, #tpu.memory_space<vmem>>
    %dma_start3A_156 = arith.constant 0 : i32
    %dma_start3A_157 = tpu.memref_slice %arg5[%dma_start3A_152, %dma_start3A_156] : memref<32x128xi32, #tpu.memory_space<vmem>> -> memref<1x128xi32, #tpu.memory_space<vmem>>
    %dma_start3A_158 = tpu.memref_squeeze %dma_start3A_157 : memref<1x128xi32, #tpu.memory_space<vmem>> -> memref<128xi32, #tpu.memory_space<vmem>>
    %dma_start3A_159 = arith.constant 0 : i32
    %dma_start3A_160 = arith.constant 0 : i32
    %dma_start3A_161 = tpu.memref_slice %arg4[%dma_start3A_159, %dma_start3A_160] : memref<131072x16xf32, #tpu.memory_space<hbm>> -> memref<131072x16xf32, #tpu.memory_space<hbm>>
    tpu.enqueue_indirect_dma source(%dma_start3A_155 : memref<128x16xf32, #tpu.memory_space<vmem>>) target(%dma_start3A_161 : memref<131072x16xf32, #tpu.memory_space<hbm>>) offsets(%dma_start3A_158 : memref<128xi32, #tpu.memory_space<vmem>>) semaphore(%arg7 : memref<!tpu.dma_semaphore, #tpu.memory_space<semaphore_mem>>)
    %dma_start3A_162 = arith.constant 16 : i32
    %dma_start3A_163 = arith.constant 2048 : i32
    %dma_start3A_164 = arith.constant 0 : i32
    %dma_start3A_165 = tpu.memref_slice %arg6[%dma_start3A_163, %dma_start3A_164] : memref<4096x16xf32, #tpu.memory_space<vmem>> -> memref<128x16xf32, #tpu.memory_space<vmem>>
    %dma_start3A_166 = arith.constant 0 : i32
    %dma_start3A_167 = tpu.memref_slice %arg5[%dma_start3A_162, %dma_start3A_166] : memref<32x128xi32, #tpu.memory_space<vmem>> -> memref<1x128xi32, #tpu.memory_space<vmem>>
    %dma_start3A_168 = tpu.memref_squeeze %dma_start3A_167 : memref<1x128xi32, #tpu.memory_space<vmem>> -> memref<128xi32, #tpu.memory_space<vmem>>
    %dma_start3A_169 = arith.constant 0 : i32
    %dma_start3A_170 = arith.constant 0 : i32
    %dma_start3A_171 = tpu.memref_slice %arg4[%dma_start3A_169, %dma_start3A_170] : memref<131072x16xf32, #tpu.memory_space<hbm>> -> memref<131072x16xf32, #tpu.memory_space<hbm>>
    tpu.enqueue_indirect_dma source(%dma_start3A_165 : memref<128x16xf32, #tpu.memory_space<vmem>>) target(%dma_start3A_171 : memref<131072x16xf32, #tpu.memory_space<hbm>>) offsets(%dma_start3A_168 : memref<128xi32, #tpu.memory_space<vmem>>) semaphore(%arg7 : memref<!tpu.dma_semaphore, #tpu.memory_space<semaphore_mem>>)
    %dma_start3A_172 = arith.constant 17 : i32
    %dma_start3A_173 = arith.constant 2176 : i32
    %dma_start3A_174 = arith.constant 0 : i32
    %dma_start3A_175 = tpu.memref_slice %arg6[%dma_start3A_173, %dma_start3A_174] : memref<4096x16xf32, #tpu.memory_space<vmem>> -> memref<128x16xf32, #tpu.memory_space<vmem>>
    %dma_start3A_176 = arith.constant 0 : i32
    %dma_start3A_177 = tpu.memref_slice %arg5[%dma_start3A_172, %dma_start3A_176] : memref<32x128xi32, #tpu.memory_space<vmem>> -> memref<1x128xi32, #tpu.memory_space<vmem>>
    %dma_start3A_178 = tpu.memref_squeeze %dma_start3A_177 : memref<1x128xi32, #tpu.memory_space<vmem>> -> memref<128xi32, #tpu.memory_space<vmem>>
    %dma_start3A_179 = arith.constant 0 : i32
    %dma_start3A_180 = arith.constant 0 : i32
    %dma_start3A_181 = tpu.memref_slice %arg4[%dma_start3A_179, %dma_start3A_180] : memref<131072x16xf32, #tpu.memory_space<hbm>> -> memref<131072x16xf32, #tpu.memory_space<hbm>>
    tpu.enqueue_indirect_dma source(%dma_start3A_175 : memref<128x16xf32, #tpu.memory_space<vmem>>) target(%dma_start3A_181 : memref<131072x16xf32, #tpu.memory_space<hbm>>) offsets(%dma_start3A_178 : memref<128xi32, #tpu.memory_space<vmem>>) semaphore(%arg7 : memref<!tpu.dma_semaphore, #tpu.memory_space<semaphore_mem>>)
    %dma_start3A_182 = arith.constant 18 : i32
    %dma_start3A_183 = arith.constant 2304 : i32
    %dma_start3A_184 = arith.constant 0 : i32
    %dma_start3A_185 = tpu.memref_slice %arg6[%dma_start3A_183, %dma_start3A_184] : memref<4096x16xf32, #tpu.memory_space<vmem>> -> memref<128x16xf32, #tpu.memory_space<vmem>>
    %dma_start3A_186 = arith.constant 0 : i32
    %dma_start3A_187 = tpu.memref_slice %arg5[%dma_start3A_182, %dma_start3A_186] : memref<32x128xi32, #tpu.memory_space<vmem>> -> memref<1x128xi32, #tpu.memory_space<vmem>>
    %dma_start3A_188 = tpu.memref_squeeze %dma_start3A_187 : memref<1x128xi32, #tpu.memory_space<vmem>> -> memref<128xi32, #tpu.memory_space<vmem>>
    %dma_start3A_189 = arith.constant 0 : i32
    %dma_start3A_190 = arith.constant 0 : i32
    %dma_start3A_191 = tpu.memref_slice %arg4[%dma_start3A_189, %dma_start3A_190] : memref<131072x16xf32, #tpu.memory_space<hbm>> -> memref<131072x16xf32, #tpu.memory_space<hbm>>
    tpu.enqueue_indirect_dma source(%dma_start3A_185 : memref<128x16xf32, #tpu.memory_space<vmem>>) target(%dma_start3A_191 : memref<131072x16xf32, #tpu.memory_space<hbm>>) offsets(%dma_start3A_188 : memref<128xi32, #tpu.memory_space<vmem>>) semaphore(%arg7 : memref<!tpu.dma_semaphore, #tpu.memory_space<semaphore_mem>>)
    %dma_start3A_192 = arith.constant 19 : i32
    %dma_start3A_193 = arith.constant 2432 : i32
    %dma_start3A_194 = arith.constant 0 : i32
    %dma_start3A_195 = tpu.memref_slice %arg6[%dma_start3A_193, %dma_start3A_194] : memref<4096x16xf32, #tpu.memory_space<vmem>> -> memref<128x16xf32, #tpu.memory_space<vmem>>
    %dma_start3A_196 = arith.constant 0 : i32
    %dma_start3A_197 = tpu.memref_slice %arg5[%dma_start3A_192, %dma_start3A_196] : memref<32x128xi32, #tpu.memory_space<vmem>> -> memref<1x128xi32, #tpu.memory_space<vmem>>
    %dma_start3A_198 = tpu.memref_squeeze %dma_start3A_197 : memref<1x128xi32, #tpu.memory_space<vmem>> -> memref<128xi32, #tpu.memory_space<vmem>>
    %dma_start3A_199 = arith.constant 0 : i32
    %dma_start3A_200 = arith.constant 0 : i32
    %dma_start3A_201 = tpu.memref_slice %arg4[%dma_start3A_199, %dma_start3A_200] : memref<131072x16xf32, #tpu.memory_space<hbm>> -> memref<131072x16xf32, #tpu.memory_space<hbm>>
    tpu.enqueue_indirect_dma source(%dma_start3A_195 : memref<128x16xf32, #tpu.memory_space<vmem>>) target(%dma_start3A_201 : memref<131072x16xf32, #tpu.memory_space<hbm>>) offsets(%dma_start3A_198 : memref<128xi32, #tpu.memory_space<vmem>>) semaphore(%arg7 : memref<!tpu.dma_semaphore, #tpu.memory_space<semaphore_mem>>)
    %dma_start3A_202 = arith.constant 20 : i32
    %dma_start3A_203 = arith.constant 2560 : i32
    %dma_start3A_204 = arith.constant 0 : i32
    %dma_start3A_205 = tpu.memref_slice %arg6[%dma_start3A_203, %dma_start3A_204] : memref<4096x16xf32, #tpu.memory_space<vmem>> -> memref<128x16xf32, #tpu.memory_space<vmem>>
    %dma_start3A_206 = arith.constant 0 : i32
    %dma_start3A_207 = tpu.memref_slice %arg5[%dma_start3A_202, %dma_start3A_206] : memref<32x128xi32, #tpu.memory_space<vmem>> -> memref<1x128xi32, #tpu.memory_space<vmem>>
    %dma_start3A_208 = tpu.memref_squeeze %dma_start3A_207 : memref<1x128xi32, #tpu.memory_space<vmem>> -> memref<128xi32, #tpu.memory_space<vmem>>
    %dma_start3A_209 = arith.constant 0 : i32
    %dma_start3A_210 = arith.constant 0 : i32
    %dma_start3A_211 = tpu.memref_slice %arg4[%dma_start3A_209, %dma_start3A_210] : memref<131072x16xf32, #tpu.memory_space<hbm>> -> memref<131072x16xf32, #tpu.memory_space<hbm>>
    tpu.enqueue_indirect_dma source(%dma_start3A_205 : memref<128x16xf32, #tpu.memory_space<vmem>>) target(%dma_start3A_211 : memref<131072x16xf32, #tpu.memory_space<hbm>>) offsets(%dma_start3A_208 : memref<128xi32, #tpu.memory_space<vmem>>) semaphore(%arg7 : memref<!tpu.dma_semaphore, #tpu.memory_space<semaphore_mem>>)
    %dma_start3A_212 = arith.constant 21 : i32
    %dma_start3A_213 = arith.constant 2688 : i32
    %dma_start3A_214 = arith.constant 0 : i32
    %dma_start3A_215 = tpu.memref_slice %arg6[%dma_start3A_213, %dma_start3A_214] : memref<4096x16xf32, #tpu.memory_space<vmem>> -> memref<128x16xf32, #tpu.memory_space<vmem>>
    %dma_start3A_216 = arith.constant 0 : i32
    %dma_start3A_217 = tpu.memref_slice %arg5[%dma_start3A_212, %dma_start3A_216] : memref<32x128xi32, #tpu.memory_space<vmem>> -> memref<1x128xi32, #tpu.memory_space<vmem>>
    %dma_start3A_218 = tpu.memref_squeeze %dma_start3A_217 : memref<1x128xi32, #tpu.memory_space<vmem>> -> memref<128xi32, #tpu.memory_space<vmem>>
    %dma_start3A_219 = arith.constant 0 : i32
    %dma_start3A_220 = arith.constant 0 : i32
    %dma_start3A_221 = tpu.memref_slice %arg4[%dma_start3A_219, %dma_start3A_220] : memref<131072x16xf32, #tpu.memory_space<hbm>> -> memref<131072x16xf32, #tpu.memory_space<hbm>>
    tpu.enqueue_indirect_dma source(%dma_start3A_215 : memref<128x16xf32, #tpu.memory_space<vmem>>) target(%dma_start3A_221 : memref<131072x16xf32, #tpu.memory_space<hbm>>) offsets(%dma_start3A_218 : memref<128xi32, #tpu.memory_space<vmem>>) semaphore(%arg7 : memref<!tpu.dma_semaphore, #tpu.memory_space<semaphore_mem>>)
    %dma_start3A_222 = arith.constant 22 : i32
    %dma_start3A_223 = arith.constant 2816 : i32
    %dma_start3A_224 = arith.constant 0 : i32
    %dma_start3A_225 = tpu.memref_slice %arg6[%dma_start3A_223, %dma_start3A_224] : memref<4096x16xf32, #tpu.memory_space<vmem>> -> memref<128x16xf32, #tpu.memory_space<vmem>>
    %dma_start3A_226 = arith.constant 0 : i32
    %dma_start3A_227 = tpu.memref_slice %arg5[%dma_start3A_222, %dma_start3A_226] : memref<32x128xi32, #tpu.memory_space<vmem>> -> memref<1x128xi32, #tpu.memory_space<vmem>>
    %dma_start3A_228 = tpu.memref_squeeze %dma_start3A_227 : memref<1x128xi32, #tpu.memory_space<vmem>> -> memref<128xi32, #tpu.memory_space<vmem>>
    %dma_start3A_229 = arith.constant 0 : i32
    %dma_start3A_230 = arith.constant 0 : i32
    %dma_start3A_231 = tpu.memref_slice %arg4[%dma_start3A_229, %dma_start3A_230] : memref<131072x16xf32, #tpu.memory_space<hbm>> -> memref<131072x16xf32, #tpu.memory_space<hbm>>
    tpu.enqueue_indirect_dma source(%dma_start3A_225 : memref<128x16xf32, #tpu.memory_space<vmem>>) target(%dma_start3A_231 : memref<131072x16xf32, #tpu.memory_space<hbm>>) offsets(%dma_start3A_228 : memref<128xi32, #tpu.memory_space<vmem>>) semaphore(%arg7 : memref<!tpu.dma_semaphore, #tpu.memory_space<semaphore_mem>>)
    %dma_start3A_232 = arith.constant 23 : i32
    %dma_start3A_233 = arith.constant 2944 : i32
    %dma_start3A_234 = arith.constant 0 : i32
    %dma_start3A_235 = tpu.memref_slice %arg6[%dma_start3A_233, %dma_start3A_234] : memref<4096x16xf32, #tpu.memory_space<vmem>> -> memref<128x16xf32, #tpu.memory_space<vmem>>
    %dma_start3A_236 = arith.constant 0 : i32
    %dma_start3A_237 = tpu.memref_slice %arg5[%dma_start3A_232, %dma_start3A_236] : memref<32x128xi32, #tpu.memory_space<vmem>> -> memref<1x128xi32, #tpu.memory_space<vmem>>
    %dma_start3A_238 = tpu.memref_squeeze %dma_start3A_237 : memref<1x128xi32, #tpu.memory_space<vmem>> -> memref<128xi32, #tpu.memory_space<vmem>>
    %dma_start3A_239 = arith.constant 0 : i32
    %dma_start3A_240 = arith.constant 0 : i32
    %dma_start3A_241 = tpu.memref_slice %arg4[%dma_start3A_239, %dma_start3A_240] : memref<131072x16xf32, #tpu.memory_space<hbm>> -> memref<131072x16xf32, #tpu.memory_space<hbm>>
    tpu.enqueue_indirect_dma source(%dma_start3A_235 : memref<128x16xf32, #tpu.memory_space<vmem>>) target(%dma_start3A_241 : memref<131072x16xf32, #tpu.memory_space<hbm>>) offsets(%dma_start3A_238 : memref<128xi32, #tpu.memory_space<vmem>>) semaphore(%arg7 : memref<!tpu.dma_semaphore, #tpu.memory_space<semaphore_mem>>)
    %dma_start3A_242 = arith.constant 24 : i32
    %dma_start3A_243 = arith.constant 3072 : i32
    %dma_start3A_244 = arith.constant 0 : i32
    %dma_start3A_245 = tpu.memref_slice %arg6[%dma_start3A_243, %dma_start3A_244] : memref<4096x16xf32, #tpu.memory_space<vmem>> -> memref<128x16xf32, #tpu.memory_space<vmem>>
    %dma_start3A_246 = arith.constant 0 : i32
    %dma_start3A_247 = tpu.memref_slice %arg5[%dma_start3A_242, %dma_start3A_246] : memref<32x128xi32, #tpu.memory_space<vmem>> -> memref<1x128xi32, #tpu.memory_space<vmem>>
    %dma_start3A_248 = tpu.memref_squeeze %dma_start3A_247 : memref<1x128xi32, #tpu.memory_space<vmem>> -> memref<128xi32, #tpu.memory_space<vmem>>
    %dma_start3A_249 = arith.constant 0 : i32
    %dma_start3A_250 = arith.constant 0 : i32
    %dma_start3A_251 = tpu.memref_slice %arg4[%dma_start3A_249, %dma_start3A_250] : memref<131072x16xf32, #tpu.memory_space<hbm>> -> memref<131072x16xf32, #tpu.memory_space<hbm>>
    tpu.enqueue_indirect_dma source(%dma_start3A_245 : memref<128x16xf32, #tpu.memory_space<vmem>>) target(%dma_start3A_251 : memref<131072x16xf32, #tpu.memory_space<hbm>>) offsets(%dma_start3A_248 : memref<128xi32, #tpu.memory_space<vmem>>) semaphore(%arg7 : memref<!tpu.dma_semaphore, #tpu.memory_space<semaphore_mem>>)
    %dma_start3A_252 = arith.constant 25 : i32
    %dma_start3A_253 = arith.constant 3200 : i32
    %dma_start3A_254 = arith.constant 0 : i32
    %dma_start3A_255 = tpu.memref_slice %arg6[%dma_start3A_253, %dma_start3A_254] : memref<4096x16xf32, #tpu.memory_space<vmem>> -> memref<128x16xf32, #tpu.memory_space<vmem>>
    %dma_start3A_256 = arith.constant 0 : i32
    %dma_start3A_257 = tpu.memref_slice %arg5[%dma_start3A_252, %dma_start3A_256] : memref<32x128xi32, #tpu.memory_space<vmem>> -> memref<1x128xi32, #tpu.memory_space<vmem>>
    %dma_start3A_258 = tpu.memref_squeeze %dma_start3A_257 : memref<1x128xi32, #tpu.memory_space<vmem>> -> memref<128xi32, #tpu.memory_space<vmem>>
    %dma_start3A_259 = arith.constant 0 : i32
    %dma_start3A_260 = arith.constant 0 : i32
    %dma_start3A_261 = tpu.memref_slice %arg4[%dma_start3A_259, %dma_start3A_260] : memref<131072x16xf32, #tpu.memory_space<hbm>> -> memref<131072x16xf32, #tpu.memory_space<hbm>>
    tpu.enqueue_indirect_dma source(%dma_start3A_255 : memref<128x16xf32, #tpu.memory_space<vmem>>) target(%dma_start3A_261 : memref<131072x16xf32, #tpu.memory_space<hbm>>) offsets(%dma_start3A_258 : memref<128xi32, #tpu.memory_space<vmem>>) semaphore(%arg7 : memref<!tpu.dma_semaphore, #tpu.memory_space<semaphore_mem>>)
    %dma_start3A_262 = arith.constant 26 : i32
    %dma_start3A_263 = arith.constant 3328 : i32
    %dma_start3A_264 = arith.constant 0 : i32
    %dma_start3A_265 = tpu.memref_slice %arg6[%dma_start3A_263, %dma_start3A_264] : memref<4096x16xf32, #tpu.memory_space<vmem>> -> memref<128x16xf32, #tpu.memory_space<vmem>>
    %dma_start3A_266 = arith.constant 0 : i32
    %dma_start3A_267 = tpu.memref_slice %arg5[%dma_start3A_262, %dma_start3A_266] : memref<32x128xi32, #tpu.memory_space<vmem>> -> memref<1x128xi32, #tpu.memory_space<vmem>>
    %dma_start3A_268 = tpu.memref_squeeze %dma_start3A_267 : memref<1x128xi32, #tpu.memory_space<vmem>> -> memref<128xi32, #tpu.memory_space<vmem>>
    %dma_start3A_269 = arith.constant 0 : i32
    %dma_start3A_270 = arith.constant 0 : i32
    %dma_start3A_271 = tpu.memref_slice %arg4[%dma_start3A_269, %dma_start3A_270] : memref<131072x16xf32, #tpu.memory_space<hbm>> -> memref<131072x16xf32, #tpu.memory_space<hbm>>
    tpu.enqueue_indirect_dma source(%dma_start3A_265 : memref<128x16xf32, #tpu.memory_space<vmem>>) target(%dma_start3A_271 : memref<131072x16xf32, #tpu.memory_space<hbm>>) offsets(%dma_start3A_268 : memref<128xi32, #tpu.memory_space<vmem>>) semaphore(%arg7 : memref<!tpu.dma_semaphore, #tpu.memory_space<semaphore_mem>>)
    %dma_start3A_272 = arith.constant 27 : i32
    %dma_start3A_273 = arith.constant 3456 : i32
    %dma_start3A_274 = arith.constant 0 : i32
    %dma_start3A_275 = tpu.memref_slice %arg6[%dma_start3A_273, %dma_start3A_274] : memref<4096x16xf32, #tpu.memory_space<vmem>> -> memref<128x16xf32, #tpu.memory_space<vmem>>
    %dma_start3A_276 = arith.constant 0 : i32
    %dma_start3A_277 = tpu.memref_slice %arg5[%dma_start3A_272, %dma_start3A_276] : memref<32x128xi32, #tpu.memory_space<vmem>> -> memref<1x128xi32, #tpu.memory_space<vmem>>
    %dma_start3A_278 = tpu.memref_squeeze %dma_start3A_277 : memref<1x128xi32, #tpu.memory_space<vmem>> -> memref<128xi32, #tpu.memory_space<vmem>>
    %dma_start3A_279 = arith.constant 0 : i32
    %dma_start3A_280 = arith.constant 0 : i32
    %dma_start3A_281 = tpu.memref_slice %arg4[%dma_start3A_279, %dma_start3A_280] : memref<131072x16xf32, #tpu.memory_space<hbm>> -> memref<131072x16xf32, #tpu.memory_space<hbm>>
    tpu.enqueue_indirect_dma source(%dma_start3A_275 : memref<128x16xf32, #tpu.memory_space<vmem>>) target(%dma_start3A_281 : memref<131072x16xf32, #tpu.memory_space<hbm>>) offsets(%dma_start3A_278 : memref<128xi32, #tpu.memory_space<vmem>>) semaphore(%arg7 : memref<!tpu.dma_semaphore, #tpu.memory_space<semaphore_mem>>)
    %dma_start3A_282 = arith.constant 28 : i32
    %dma_start3A_283 = arith.constant 3584 : i32
    %dma_start3A_284 = arith.constant 0 : i32
    %dma_start3A_285 = tpu.memref_slice %arg6[%dma_start3A_283, %dma_start3A_284] : memref<4096x16xf32, #tpu.memory_space<vmem>> -> memref<128x16xf32, #tpu.memory_space<vmem>>
    %dma_start3A_286 = arith.constant 0 : i32
    %dma_start3A_287 = tpu.memref_slice %arg5[%dma_start3A_282, %dma_start3A_286] : memref<32x128xi32, #tpu.memory_space<vmem>> -> memref<1x128xi32, #tpu.memory_space<vmem>>
    %dma_start3A_288 = tpu.memref_squeeze %dma_start3A_287 : memref<1x128xi32, #tpu.memory_space<vmem>> -> memref<128xi32, #tpu.memory_space<vmem>>
    %dma_start3A_289 = arith.constant 0 : i32
    %dma_start3A_290 = arith.constant 0 : i32
    %dma_start3A_291 = tpu.memref_slice %arg4[%dma_start3A_289, %dma_start3A_290] : memref<131072x16xf32, #tpu.memory_space<hbm>> -> memref<131072x16xf32, #tpu.memory_space<hbm>>
    tpu.enqueue_indirect_dma source(%dma_start3A_285 : memref<128x16xf32, #tpu.memory_space<vmem>>) target(%dma_start3A_291 : memref<131072x16xf32, #tpu.memory_space<hbm>>) offsets(%dma_start3A_288 : memref<128xi32, #tpu.memory_space<vmem>>) semaphore(%arg7 : memref<!tpu.dma_semaphore, #tpu.memory_space<semaphore_mem>>)
    %dma_start3A_292 = arith.constant 29 : i32
    %dma_start3A_293 = arith.constant 3712 : i32
    %dma_start3A_294 = arith.constant 0 : i32
    %dma_start3A_295 = tpu.memref_slice %arg6[%dma_start3A_293, %dma_start3A_294] : memref<4096x16xf32, #tpu.memory_space<vmem>> -> memref<128x16xf32, #tpu.memory_space<vmem>>
    %dma_start3A_296 = arith.constant 0 : i32
    %dma_start3A_297 = tpu.memref_slice %arg5[%dma_start3A_292, %dma_start3A_296] : memref<32x128xi32, #tpu.memory_space<vmem>> -> memref<1x128xi32, #tpu.memory_space<vmem>>
    %dma_start3A_298 = tpu.memref_squeeze %dma_start3A_297 : memref<1x128xi32, #tpu.memory_space<vmem>> -> memref<128xi32, #tpu.memory_space<vmem>>
    %dma_start3A_299 = arith.constant 0 : i32
    %dma_start3A_300 = arith.constant 0 : i32
    %dma_start3A_301 = tpu.memref_slice %arg4[%dma_start3A_299, %dma_start3A_300] : memref<131072x16xf32, #tpu.memory_space<hbm>> -> memref<131072x16xf32, #tpu.memory_space<hbm>>
    tpu.enqueue_indirect_dma source(%dma_start3A_295 : memref<128x16xf32, #tpu.memory_space<vmem>>) target(%dma_start3A_301 : memref<131072x16xf32, #tpu.memory_space<hbm>>) offsets(%dma_start3A_298 : memref<128xi32, #tpu.memory_space<vmem>>) semaphore(%arg7 : memref<!tpu.dma_semaphore, #tpu.memory_space<semaphore_mem>>)
    %dma_start3A_302 = arith.constant 30 : i32
    %dma_start3A_303 = arith.constant 3840 : i32
    %dma_start3A_304 = arith.constant 0 : i32
    %dma_start3A_305 = tpu.memref_slice %arg6[%dma_start3A_303, %dma_start3A_304] : memref<4096x16xf32, #tpu.memory_space<vmem>> -> memref<128x16xf32, #tpu.memory_space<vmem>>
    %dma_start3A_306 = arith.constant 0 : i32
    %dma_start3A_307 = tpu.memref_slice %arg5[%dma_start3A_302, %dma_start3A_306] : memref<32x128xi32, #tpu.memory_space<vmem>> -> memref<1x128xi32, #tpu.memory_space<vmem>>
    %dma_start3A_308 = tpu.memref_squeeze %dma_start3A_307 : memref<1x128xi32, #tpu.memory_space<vmem>> -> memref<128xi32, #tpu.memory_space<vmem>>
    %dma_start3A_309 = arith.constant 0 : i32
    %dma_start3A_310 = arith.constant 0 : i32
    %dma_start3A_311 = tpu.memref_slice %arg4[%dma_start3A_309, %dma_start3A_310] : memref<131072x16xf32, #tpu.memory_space<hbm>> -> memref<131072x16xf32, #tpu.memory_space<hbm>>
    tpu.enqueue_indirect_dma source(%dma_start3A_305 : memref<128x16xf32, #tpu.memory_space<vmem>>) target(%dma_start3A_311 : memref<131072x16xf32, #tpu.memory_space<hbm>>) offsets(%dma_start3A_308 : memref<128xi32, #tpu.memory_space<vmem>>) semaphore(%arg7 : memref<!tpu.dma_semaphore, #tpu.memory_space<semaphore_mem>>)
    %dma_start3A_312 = arith.constant 31 : i32
    %dma_start3A_313 = arith.constant 3968 : i32
    %dma_start3A_314 = arith.constant 0 : i32
    %dma_start3A_315 = tpu.memref_slice %arg6[%dma_start3A_313, %dma_start3A_314] : memref<4096x16xf32, #tpu.memory_space<vmem>> -> memref<128x16xf32, #tpu.memory_space<vmem>>
    %dma_start3A_316 = arith.constant 0 : i32
    %dma_start3A_317 = tpu.memref_slice %arg5[%dma_start3A_312, %dma_start3A_316] : memref<32x128xi32, #tpu.memory_space<vmem>> -> memref<1x128xi32, #tpu.memory_space<vmem>>
    %dma_start3A_318 = tpu.memref_squeeze %dma_start3A_317 : memref<1x128xi32, #tpu.memory_space<vmem>> -> memref<128xi32, #tpu.memory_space<vmem>>
    %dma_start3A_319 = arith.constant 0 : i32
    %dma_start3A_320 = arith.constant 0 : i32
    %dma_start3A_321 = tpu.memref_slice %arg4[%dma_start3A_319, %dma_start3A_320] : memref<131072x16xf32, #tpu.memory_space<hbm>> -> memref<131072x16xf32, #tpu.memory_space<hbm>>
    tpu.enqueue_indirect_dma source(%dma_start3A_315 : memref<128x16xf32, #tpu.memory_space<vmem>>) target(%dma_start3A_321 : memref<131072x16xf32, #tpu.memory_space<hbm>>) offsets(%dma_start3A_318 : memref<128xi32, #tpu.memory_space<vmem>>) semaphore(%arg7 : memref<!tpu.dma_semaphore, #tpu.memory_space<semaphore_mem>>)
    %dma_wait3A = arith.constant 0 : i32
    %dma_wait3A_322 = arith.constant 0 : i32
    %dma_wait3A_323 = arith.constant 0 : i32
    %dma_wait3A_324 = tpu.memref_slice %arg6[%dma_wait3A_322, %dma_wait3A_323] : memref<4096x16xf32, #tpu.memory_space<vmem>> -> memref<128x16xf32, #tpu.memory_space<vmem>>
    %dma_wait3A_325 = arith.constant 0 : i32
    %dma_wait3A_326 = tpu.memref_slice %arg5[%dma_wait3A, %dma_wait3A_325] : memref<32x128xi32, #tpu.memory_space<vmem>> -> memref<1x128xi32, #tpu.memory_space<vmem>>
    %dma_wait3A_327 = tpu.memref_squeeze %dma_wait3A_326 : memref<1x128xi32, #tpu.memory_space<vmem>> -> memref<128xi32, #tpu.memory_space<vmem>>
    %dma_wait3A_328 = arith.constant 0 : i32
    %dma_wait3A_329 = arith.constant 0 : i32
    %dma_wait3A_330 = tpu.memref_slice %arg4[%dma_wait3A_328, %dma_wait3A_329] : memref<131072x16xf32, #tpu.memory_space<hbm>> -> memref<131072x16xf32, #tpu.memory_space<hbm>>
    tpu.wait_indirect_dma semaphore(%arg7 : memref<!tpu.dma_semaphore, #tpu.memory_space<semaphore_mem>>) src(%dma_wait3A_324 : memref<128x16xf32, #tpu.memory_space<vmem>>) dst(%dma_wait3A_330 : memref<131072x16xf32, #tpu.memory_space<hbm>>)
    %dma_wait3A_331 = arith.constant 1 : i32
    %dma_wait3A_332 = arith.constant 128 : i32
    %dma_wait3A_333 = arith.constant 0 : i32
    %dma_wait3A_334 = tpu.memref_slice %arg6[%dma_wait3A_332, %dma_wait3A_333] : memref<4096x16xf32, #tpu.memory_space<vmem>> -> memref<128x16xf32, #tpu.memory_space<vmem>>
    %dma_wait3A_335 = arith.constant 0 : i32
    %dma_wait3A_336 = tpu.memref_slice %arg5[%dma_wait3A_331, %dma_wait3A_335] : memref<32x128xi32, #tpu.memory_space<vmem>> -> memref<1x128xi32, #tpu.memory_space<vmem>>
    %dma_wait3A_337 = tpu.memref_squeeze %dma_wait3A_336 : memref<1x128xi32, #tpu.memory_space<vmem>> -> memref<128xi32, #tpu.memory_space<vmem>>
    %dma_wait3A_338 = arith.constant 0 : i32
    %dma_wait3A_339 = arith.constant 0 : i32
    %dma_wait3A_340 = tpu.memref_slice %arg4[%dma_wait3A_338, %dma_wait3A_339] : memref<131072x16xf32, #tpu.memory_space<hbm>> -> memref<131072x16xf32, #tpu.memory_space<hbm>>
    tpu.wait_indirect_dma semaphore(%arg7 : memref<!tpu.dma_semaphore, #tpu.memory_space<semaphore_mem>>) src(%dma_wait3A_334 : memref<128x16xf32, #tpu.memory_space<vmem>>) dst(%dma_wait3A_340 : memref<131072x16xf32, #tpu.memory_space<hbm>>)
    %dma_wait3A_341 = arith.constant 2 : i32
    %dma_wait3A_342 = arith.constant 256 : i32
    %dma_wait3A_343 = arith.constant 0 : i32
    %dma_wait3A_344 = tpu.memref_slice %arg6[%dma_wait3A_342, %dma_wait3A_343] : memref<4096x16xf32, #tpu.memory_space<vmem>> -> memref<128x16xf32, #tpu.memory_space<vmem>>
    %dma_wait3A_345 = arith.constant 0 : i32
    %dma_wait3A_346 = tpu.memref_slice %arg5[%dma_wait3A_341, %dma_wait3A_345] : memref<32x128xi32, #tpu.memory_space<vmem>> -> memref<1x128xi32, #tpu.memory_space<vmem>>
    %dma_wait3A_347 = tpu.memref_squeeze %dma_wait3A_346 : memref<1x128xi32, #tpu.memory_space<vmem>> -> memref<128xi32, #tpu.memory_space<vmem>>
    %dma_wait3A_348 = arith.constant 0 : i32
    %dma_wait3A_349 = arith.constant 0 : i32
    %dma_wait3A_350 = tpu.memref_slice %arg4[%dma_wait3A_348, %dma_wait3A_349] : memref<131072x16xf32, #tpu.memory_space<hbm>> -> memref<131072x16xf32, #tpu.memory_space<hbm>>
    tpu.wait_indirect_dma semaphore(%arg7 : memref<!tpu.dma_semaphore, #tpu.memory_space<semaphore_mem>>) src(%dma_wait3A_344 : memref<128x16xf32, #tpu.memory_space<vmem>>) dst(%dma_wait3A_350 : memref<131072x16xf32, #tpu.memory_space<hbm>>)
    %dma_wait3A_351 = arith.constant 3 : i32
    %dma_wait3A_352 = arith.constant 384 : i32
    %dma_wait3A_353 = arith.constant 0 : i32
    %dma_wait3A_354 = tpu.memref_slice %arg6[%dma_wait3A_352, %dma_wait3A_353] : memref<4096x16xf32, #tpu.memory_space<vmem>> -> memref<128x16xf32, #tpu.memory_space<vmem>>
    %dma_wait3A_355 = arith.constant 0 : i32
    %dma_wait3A_356 = tpu.memref_slice %arg5[%dma_wait3A_351, %dma_wait3A_355] : memref<32x128xi32, #tpu.memory_space<vmem>> -> memref<1x128xi32, #tpu.memory_space<vmem>>
    %dma_wait3A_357 = tpu.memref_squeeze %dma_wait3A_356 : memref<1x128xi32, #tpu.memory_space<vmem>> -> memref<128xi32, #tpu.memory_space<vmem>>
    %dma_wait3A_358 = arith.constant 0 : i32
    %dma_wait3A_359 = arith.constant 0 : i32
    %dma_wait3A_360 = tpu.memref_slice %arg4[%dma_wait3A_358, %dma_wait3A_359] : memref<131072x16xf32, #tpu.memory_space<hbm>> -> memref<131072x16xf32, #tpu.memory_space<hbm>>
    tpu.wait_indirect_dma semaphore(%arg7 : memref<!tpu.dma_semaphore, #tpu.memory_space<semaphore_mem>>) src(%dma_wait3A_354 : memref<128x16xf32, #tpu.memory_space<vmem>>) dst(%dma_wait3A_360 : memref<131072x16xf32, #tpu.memory_space<hbm>>)
    %dma_wait3A_361 = arith.constant 4 : i32
    %dma_wait3A_362 = arith.constant 512 : i32
    %dma_wait3A_363 = arith.constant 0 : i32
    %dma_wait3A_364 = tpu.memref_slice %arg6[%dma_wait3A_362, %dma_wait3A_363] : memref<4096x16xf32, #tpu.memory_space<vmem>> -> memref<128x16xf32, #tpu.memory_space<vmem>>
    %dma_wait3A_365 = arith.constant 0 : i32
    %dma_wait3A_366 = tpu.memref_slice %arg5[%dma_wait3A_361, %dma_wait3A_365] : memref<32x128xi32, #tpu.memory_space<vmem>> -> memref<1x128xi32, #tpu.memory_space<vmem>>
    %dma_wait3A_367 = tpu.memref_squeeze %dma_wait3A_366 : memref<1x128xi32, #tpu.memory_space<vmem>> -> memref<128xi32, #tpu.memory_space<vmem>>
    %dma_wait3A_368 = arith.constant 0 : i32
    %dma_wait3A_369 = arith.constant 0 : i32
    %dma_wait3A_370 = tpu.memref_slice %arg4[%dma_wait3A_368, %dma_wait3A_369] : memref<131072x16xf32, #tpu.memory_space<hbm>> -> memref<131072x16xf32, #tpu.memory_space<hbm>>
    tpu.wait_indirect_dma semaphore(%arg7 : memref<!tpu.dma_semaphore, #tpu.memory_space<semaphore_mem>>) src(%dma_wait3A_364 : memref<128x16xf32, #tpu.memory_space<vmem>>) dst(%dma_wait3A_370 : memref<131072x16xf32, #tpu.memory_space<hbm>>)
    %dma_wait3A_371 = arith.constant 5 : i32
    %dma_wait3A_372 = arith.constant 640 : i32
    %dma_wait3A_373 = arith.constant 0 : i32
    %dma_wait3A_374 = tpu.memref_slice %arg6[%dma_wait3A_372, %dma_wait3A_373] : memref<4096x16xf32, #tpu.memory_space<vmem>> -> memref<128x16xf32, #tpu.memory_space<vmem>>
    %dma_wait3A_375 = arith.constant 0 : i32
    %dma_wait3A_376 = tpu.memref_slice %arg5[%dma_wait3A_371, %dma_wait3A_375] : memref<32x128xi32, #tpu.memory_space<vmem>> -> memref<1x128xi32, #tpu.memory_space<vmem>>
    %dma_wait3A_377 = tpu.memref_squeeze %dma_wait3A_376 : memref<1x128xi32, #tpu.memory_space<vmem>> -> memref<128xi32, #tpu.memory_space<vmem>>
    %dma_wait3A_378 = arith.constant 0 : i32
    %dma_wait3A_379 = arith.constant 0 : i32
    %dma_wait3A_380 = tpu.memref_slice %arg4[%dma_wait3A_378, %dma_wait3A_379] : memref<131072x16xf32, #tpu.memory_space<hbm>> -> memref<131072x16xf32, #tpu.memory_space<hbm>>
    tpu.wait_indirect_dma semaphore(%arg7 : memref<!tpu.dma_semaphore, #tpu.memory_space<semaphore_mem>>) src(%dma_wait3A_374 : memref<128x16xf32, #tpu.memory_space<vmem>>) dst(%dma_wait3A_380 : memref<131072x16xf32, #tpu.memory_space<hbm>>)
    %dma_wait3A_381 = arith.constant 6 : i32
    %dma_wait3A_382 = arith.constant 768 : i32
    %dma_wait3A_383 = arith.constant 0 : i32
    %dma_wait3A_384 = tpu.memref_slice %arg6[%dma_wait3A_382, %dma_wait3A_383] : memref<4096x16xf32, #tpu.memory_space<vmem>> -> memref<128x16xf32, #tpu.memory_space<vmem>>
    %dma_wait3A_385 = arith.constant 0 : i32
    %dma_wait3A_386 = tpu.memref_slice %arg5[%dma_wait3A_381, %dma_wait3A_385] : memref<32x128xi32, #tpu.memory_space<vmem>> -> memref<1x128xi32, #tpu.memory_space<vmem>>
    %dma_wait3A_387 = tpu.memref_squeeze %dma_wait3A_386 : memref<1x128xi32, #tpu.memory_space<vmem>> -> memref<128xi32, #tpu.memory_space<vmem>>
    %dma_wait3A_388 = arith.constant 0 : i32
    %dma_wait3A_389 = arith.constant 0 : i32
    %dma_wait3A_390 = tpu.memref_slice %arg4[%dma_wait3A_388, %dma_wait3A_389] : memref<131072x16xf32, #tpu.memory_space<hbm>> -> memref<131072x16xf32, #tpu.memory_space<hbm>>
    tpu.wait_indirect_dma semaphore(%arg7 : memref<!tpu.dma_semaphore, #tpu.memory_space<semaphore_mem>>) src(%dma_wait3A_384 : memref<128x16xf32, #tpu.memory_space<vmem>>) dst(%dma_wait3A_390 : memref<131072x16xf32, #tpu.memory_space<hbm>>)
    %dma_wait3A_391 = arith.constant 7 : i32
    %dma_wait3A_392 = arith.constant 896 : i32
    %dma_wait3A_393 = arith.constant 0 : i32
    %dma_wait3A_394 = tpu.memref_slice %arg6[%dma_wait3A_392, %dma_wait3A_393] : memref<4096x16xf32, #tpu.memory_space<vmem>> -> memref<128x16xf32, #tpu.memory_space<vmem>>
    %dma_wait3A_395 = arith.constant 0 : i32
    %dma_wait3A_396 = tpu.memref_slice %arg5[%dma_wait3A_391, %dma_wait3A_395] : memref<32x128xi32, #tpu.memory_space<vmem>> -> memref<1x128xi32, #tpu.memory_space<vmem>>
    %dma_wait3A_397 = tpu.memref_squeeze %dma_wait3A_396 : memref<1x128xi32, #tpu.memory_space<vmem>> -> memref<128xi32, #tpu.memory_space<vmem>>
    %dma_wait3A_398 = arith.constant 0 : i32
    %dma_wait3A_399 = arith.constant 0 : i32
    %dma_wait3A_400 = tpu.memref_slice %arg4[%dma_wait3A_398, %dma_wait3A_399] : memref<131072x16xf32, #tpu.memory_space<hbm>> -> memref<131072x16xf32, #tpu.memory_space<hbm>>
    tpu.wait_indirect_dma semaphore(%arg7 : memref<!tpu.dma_semaphore, #tpu.memory_space<semaphore_mem>>) src(%dma_wait3A_394 : memref<128x16xf32, #tpu.memory_space<vmem>>) dst(%dma_wait3A_400 : memref<131072x16xf32, #tpu.memory_space<hbm>>)
    %dma_wait3A_401 = arith.constant 8 : i32
    %dma_wait3A_402 = arith.constant 1024 : i32
    %dma_wait3A_403 = arith.constant 0 : i32
    %dma_wait3A_404 = tpu.memref_slice %arg6[%dma_wait3A_402, %dma_wait3A_403] : memref<4096x16xf32, #tpu.memory_space<vmem>> -> memref<128x16xf32, #tpu.memory_space<vmem>>
    %dma_wait3A_405 = arith.constant 0 : i32
    %dma_wait3A_406 = tpu.memref_slice %arg5[%dma_wait3A_401, %dma_wait3A_405] : memref<32x128xi32, #tpu.memory_space<vmem>> -> memref<1x128xi32, #tpu.memory_space<vmem>>
    %dma_wait3A_407 = tpu.memref_squeeze %dma_wait3A_406 : memref<1x128xi32, #tpu.memory_space<vmem>> -> memref<128xi32, #tpu.memory_space<vmem>>
    %dma_wait3A_408 = arith.constant 0 : i32
    %dma_wait3A_409 = arith.constant 0 : i32
    %dma_wait3A_410 = tpu.memref_slice %arg4[%dma_wait3A_408, %dma_wait3A_409] : memref<131072x16xf32, #tpu.memory_space<hbm>> -> memref<131072x16xf32, #tpu.memory_space<hbm>>
    tpu.wait_indirect_dma semaphore(%arg7 : memref<!tpu.dma_semaphore, #tpu.memory_space<semaphore_mem>>) src(%dma_wait3A_404 : memref<128x16xf32, #tpu.memory_space<vmem>>) dst(%dma_wait3A_410 : memref<131072x16xf32, #tpu.memory_space<hbm>>)
    %dma_wait3A_411 = arith.constant 9 : i32
    %dma_wait3A_412 = arith.constant 1152 : i32
    %dma_wait3A_413 = arith.constant 0 : i32
    %dma_wait3A_414 = tpu.memref_slice %arg6[%dma_wait3A_412, %dma_wait3A_413] : memref<4096x16xf32, #tpu.memory_space<vmem>> -> memref<128x16xf32, #tpu.memory_space<vmem>>
    %dma_wait3A_415 = arith.constant 0 : i32
    %dma_wait3A_416 = tpu.memref_slice %arg5[%dma_wait3A_411, %dma_wait3A_415] : memref<32x128xi32, #tpu.memory_space<vmem>> -> memref<1x128xi32, #tpu.memory_space<vmem>>
    %dma_wait3A_417 = tpu.memref_squeeze %dma_wait3A_416 : memref<1x128xi32, #tpu.memory_space<vmem>> -> memref<128xi32, #tpu.memory_space<vmem>>
    %dma_wait3A_418 = arith.constant 0 : i32
    %dma_wait3A_419 = arith.constant 0 : i32
    %dma_wait3A_420 = tpu.memref_slice %arg4[%dma_wait3A_418, %dma_wait3A_419] : memref<131072x16xf32, #tpu.memory_space<hbm>> -> memref<131072x16xf32, #tpu.memory_space<hbm>>
    tpu.wait_indirect_dma semaphore(%arg7 : memref<!tpu.dma_semaphore, #tpu.memory_space<semaphore_mem>>) src(%dma_wait3A_414 : memref<128x16xf32, #tpu.memory_space<vmem>>) dst(%dma_wait3A_420 : memref<131072x16xf32, #tpu.memory_space<hbm>>)
    %dma_wait3A_421 = arith.constant 10 : i32
    %dma_wait3A_422 = arith.constant 1280 : i32
    %dma_wait3A_423 = arith.constant 0 : i32
    %dma_wait3A_424 = tpu.memref_slice %arg6[%dma_wait3A_422, %dma_wait3A_423] : memref<4096x16xf32, #tpu.memory_space<vmem>> -> memref<128x16xf32, #tpu.memory_space<vmem>>
    %dma_wait3A_425 = arith.constant 0 : i32
    %dma_wait3A_426 = tpu.memref_slice %arg5[%dma_wait3A_421, %dma_wait3A_425] : memref<32x128xi32, #tpu.memory_space<vmem>> -> memref<1x128xi32, #tpu.memory_space<vmem>>
    %dma_wait3A_427 = tpu.memref_squeeze %dma_wait3A_426 : memref<1x128xi32, #tpu.memory_space<vmem>> -> memref<128xi32, #tpu.memory_space<vmem>>
    %dma_wait3A_428 = arith.constant 0 : i32
    %dma_wait3A_429 = arith.constant 0 : i32
    %dma_wait3A_430 = tpu.memref_slice %arg4[%dma_wait3A_428, %dma_wait3A_429] : memref<131072x16xf32, #tpu.memory_space<hbm>> -> memref<131072x16xf32, #tpu.memory_space<hbm>>
    tpu.wait_indirect_dma semaphore(%arg7 : memref<!tpu.dma_semaphore, #tpu.memory_space<semaphore_mem>>) src(%dma_wait3A_424 : memref<128x16xf32, #tpu.memory_space<vmem>>) dst(%dma_wait3A_430 : memref<131072x16xf32, #tpu.memory_space<hbm>>)
    %dma_wait3A_431 = arith.constant 11 : i32
    %dma_wait3A_432 = arith.constant 1408 : i32
    %dma_wait3A_433 = arith.constant 0 : i32
    %dma_wait3A_434 = tpu.memref_slice %arg6[%dma_wait3A_432, %dma_wait3A_433] : memref<4096x16xf32, #tpu.memory_space<vmem>> -> memref<128x16xf32, #tpu.memory_space<vmem>>
    %dma_wait3A_435 = arith.constant 0 : i32
    %dma_wait3A_436 = tpu.memref_slice %arg5[%dma_wait3A_431, %dma_wait3A_435] : memref<32x128xi32, #tpu.memory_space<vmem>> -> memref<1x128xi32, #tpu.memory_space<vmem>>
    %dma_wait3A_437 = tpu.memref_squeeze %dma_wait3A_436 : memref<1x128xi32, #tpu.memory_space<vmem>> -> memref<128xi32, #tpu.memory_space<vmem>>
    %dma_wait3A_438 = arith.constant 0 : i32
    %dma_wait3A_439 = arith.constant 0 : i32
    %dma_wait3A_440 = tpu.memref_slice %arg4[%dma_wait3A_438, %dma_wait3A_439] : memref<131072x16xf32, #tpu.memory_space<hbm>> -> memref<131072x16xf32, #tpu.memory_space<hbm>>
    tpu.wait_indirect_dma semaphore(%arg7 : memref<!tpu.dma_semaphore, #tpu.memory_space<semaphore_mem>>) src(%dma_wait3A_434 : memref<128x16xf32, #tpu.memory_space<vmem>>) dst(%dma_wait3A_440 : memref<131072x16xf32, #tpu.memory_space<hbm>>)
    %dma_wait3A_441 = arith.constant 12 : i32
    %dma_wait3A_442 = arith.constant 1536 : i32
    %dma_wait3A_443 = arith.constant 0 : i32
    %dma_wait3A_444 = tpu.memref_slice %arg6[%dma_wait3A_442, %dma_wait3A_443] : memref<4096x16xf32, #tpu.memory_space<vmem>> -> memref<128x16xf32, #tpu.memory_space<vmem>>
    %dma_wait3A_445 = arith.constant 0 : i32
    %dma_wait3A_446 = tpu.memref_slice %arg5[%dma_wait3A_441, %dma_wait3A_445] : memref<32x128xi32, #tpu.memory_space<vmem>> -> memref<1x128xi32, #tpu.memory_space<vmem>>
    %dma_wait3A_447 = tpu.memref_squeeze %dma_wait3A_446 : memref<1x128xi32, #tpu.memory_space<vmem>> -> memref<128xi32, #tpu.memory_space<vmem>>
    %dma_wait3A_448 = arith.constant 0 : i32
    %dma_wait3A_449 = arith.constant 0 : i32
    %dma_wait3A_450 = tpu.memref_slice %arg4[%dma_wait3A_448, %dma_wait3A_449] : memref<131072x16xf32, #tpu.memory_space<hbm>> -> memref<131072x16xf32, #tpu.memory_space<hbm>>
    tpu.wait_indirect_dma semaphore(%arg7 : memref<!tpu.dma_semaphore, #tpu.memory_space<semaphore_mem>>) src(%dma_wait3A_444 : memref<128x16xf32, #tpu.memory_space<vmem>>) dst(%dma_wait3A_450 : memref<131072x16xf32, #tpu.memory_space<hbm>>)
    %dma_wait3A_451 = arith.constant 13 : i32
    %dma_wait3A_452 = arith.constant 1664 : i32
    %dma_wait3A_453 = arith.constant 0 : i32
    %dma_wait3A_454 = tpu.memref_slice %arg6[%dma_wait3A_452, %dma_wait3A_453] : memref<4096x16xf32, #tpu.memory_space<vmem>> -> memref<128x16xf32, #tpu.memory_space<vmem>>
    %dma_wait3A_455 = arith.constant 0 : i32
    %dma_wait3A_456 = tpu.memref_slice %arg5[%dma_wait3A_451, %dma_wait3A_455] : memref<32x128xi32, #tpu.memory_space<vmem>> -> memref<1x128xi32, #tpu.memory_space<vmem>>
    %dma_wait3A_457 = tpu.memref_squeeze %dma_wait3A_456 : memref<1x128xi32, #tpu.memory_space<vmem>> -> memref<128xi32, #tpu.memory_space<vmem>>
    %dma_wait3A_458 = arith.constant 0 : i32
    %dma_wait3A_459 = arith.constant 0 : i32
    %dma_wait3A_460 = tpu.memref_slice %arg4[%dma_wait3A_458, %dma_wait3A_459] : memref<131072x16xf32, #tpu.memory_space<hbm>> -> memref<131072x16xf32, #tpu.memory_space<hbm>>
    tpu.wait_indirect_dma semaphore(%arg7 : memref<!tpu.dma_semaphore, #tpu.memory_space<semaphore_mem>>) src(%dma_wait3A_454 : memref<128x16xf32, #tpu.memory_space<vmem>>) dst(%dma_wait3A_460 : memref<131072x16xf32, #tpu.memory_space<hbm>>)
    %dma_wait3A_461 = arith.constant 14 : i32
    %dma_wait3A_462 = arith.constant 1792 : i32
    %dma_wait3A_463 = arith.constant 0 : i32
    %dma_wait3A_464 = tpu.memref_slice %arg6[%dma_wait3A_462, %dma_wait3A_463] : memref<4096x16xf32, #tpu.memory_space<vmem>> -> memref<128x16xf32, #tpu.memory_space<vmem>>
    %dma_wait3A_465 = arith.constant 0 : i32
    %dma_wait3A_466 = tpu.memref_slice %arg5[%dma_wait3A_461, %dma_wait3A_465] : memref<32x128xi32, #tpu.memory_space<vmem>> -> memref<1x128xi32, #tpu.memory_space<vmem>>
    %dma_wait3A_467 = tpu.memref_squeeze %dma_wait3A_466 : memref<1x128xi32, #tpu.memory_space<vmem>> -> memref<128xi32, #tpu.memory_space<vmem>>
    %dma_wait3A_468 = arith.constant 0 : i32
    %dma_wait3A_469 = arith.constant 0 : i32
    %dma_wait3A_470 = tpu.memref_slice %arg4[%dma_wait3A_468, %dma_wait3A_469] : memref<131072x16xf32, #tpu.memory_space<hbm>> -> memref<131072x16xf32, #tpu.memory_space<hbm>>
    tpu.wait_indirect_dma semaphore(%arg7 : memref<!tpu.dma_semaphore, #tpu.memory_space<semaphore_mem>>) src(%dma_wait3A_464 : memref<128x16xf32, #tpu.memory_space<vmem>>) dst(%dma_wait3A_470 : memref<131072x16xf32, #tpu.memory_space<hbm>>)
    %dma_wait3A_471 = arith.constant 15 : i32
    %dma_wait3A_472 = arith.constant 1920 : i32
    %dma_wait3A_473 = arith.constant 0 : i32
    %dma_wait3A_474 = tpu.memref_slice %arg6[%dma_wait3A_472, %dma_wait3A_473] : memref<4096x16xf32, #tpu.memory_space<vmem>> -> memref<128x16xf32, #tpu.memory_space<vmem>>
    %dma_wait3A_475 = arith.constant 0 : i32
    %dma_wait3A_476 = tpu.memref_slice %arg5[%dma_wait3A_471, %dma_wait3A_475] : memref<32x128xi32, #tpu.memory_space<vmem>> -> memref<1x128xi32, #tpu.memory_space<vmem>>
    %dma_wait3A_477 = tpu.memref_squeeze %dma_wait3A_476 : memref<1x128xi32, #tpu.memory_space<vmem>> -> memref<128xi32, #tpu.memory_space<vmem>>
    %dma_wait3A_478 = arith.constant 0 : i32
    %dma_wait3A_479 = arith.constant 0 : i32
    %dma_wait3A_480 = tpu.memref_slice %arg4[%dma_wait3A_478, %dma_wait3A_479] : memref<131072x16xf32, #tpu.memory_space<hbm>> -> memref<131072x16xf32, #tpu.memory_space<hbm>>
    tpu.wait_indirect_dma semaphore(%arg7 : memref<!tpu.dma_semaphore, #tpu.memory_space<semaphore_mem>>) src(%dma_wait3A_474 : memref<128x16xf32, #tpu.memory_space<vmem>>) dst(%dma_wait3A_480 : memref<131072x16xf32, #tpu.memory_space<hbm>>)
    %dma_wait3A_481 = arith.constant 16 : i32
    %dma_wait3A_482 = arith.constant 2048 : i32
    %dma_wait3A_483 = arith.constant 0 : i32
    %dma_wait3A_484 = tpu.memref_slice %arg6[%dma_wait3A_482, %dma_wait3A_483] : memref<4096x16xf32, #tpu.memory_space<vmem>> -> memref<128x16xf32, #tpu.memory_space<vmem>>
    %dma_wait3A_485 = arith.constant 0 : i32
    %dma_wait3A_486 = tpu.memref_slice %arg5[%dma_wait3A_481, %dma_wait3A_485] : memref<32x128xi32, #tpu.memory_space<vmem>> -> memref<1x128xi32, #tpu.memory_space<vmem>>
    %dma_wait3A_487 = tpu.memref_squeeze %dma_wait3A_486 : memref<1x128xi32, #tpu.memory_space<vmem>> -> memref<128xi32, #tpu.memory_space<vmem>>
    %dma_wait3A_488 = arith.constant 0 : i32
    %dma_wait3A_489 = arith.constant 0 : i32
    %dma_wait3A_490 = tpu.memref_slice %arg4[%dma_wait3A_488, %dma_wait3A_489] : memref<131072x16xf32, #tpu.memory_space<hbm>> -> memref<131072x16xf32, #tpu.memory_space<hbm>>
    tpu.wait_indirect_dma semaphore(%arg7 : memref<!tpu.dma_semaphore, #tpu.memory_space<semaphore_mem>>) src(%dma_wait3A_484 : memref<128x16xf32, #tpu.memory_space<vmem>>) dst(%dma_wait3A_490 : memref<131072x16xf32, #tpu.memory_space<hbm>>)
    %dma_wait3A_491 = arith.constant 17 : i32
    %dma_wait3A_492 = arith.constant 2176 : i32
    %dma_wait3A_493 = arith.constant 0 : i32
    %dma_wait3A_494 = tpu.memref_slice %arg6[%dma_wait3A_492, %dma_wait3A_493] : memref<4096x16xf32, #tpu.memory_space<vmem>> -> memref<128x16xf32, #tpu.memory_space<vmem>>
    %dma_wait3A_495 = arith.constant 0 : i32
    %dma_wait3A_496 = tpu.memref_slice %arg5[%dma_wait3A_491, %dma_wait3A_495] : memref<32x128xi32, #tpu.memory_space<vmem>> -> memref<1x128xi32, #tpu.memory_space<vmem>>
    %dma_wait3A_497 = tpu.memref_squeeze %dma_wait3A_496 : memref<1x128xi32, #tpu.memory_space<vmem>> -> memref<128xi32, #tpu.memory_space<vmem>>
    %dma_wait3A_498 = arith.constant 0 : i32
    %dma_wait3A_499 = arith.constant 0 : i32
    %dma_wait3A_500 = tpu.memref_slice %arg4[%dma_wait3A_498, %dma_wait3A_499] : memref<131072x16xf32, #tpu.memory_space<hbm>> -> memref<131072x16xf32, #tpu.memory_space<hbm>>
    tpu.wait_indirect_dma semaphore(%arg7 : memref<!tpu.dma_semaphore, #tpu.memory_space<semaphore_mem>>) src(%dma_wait3A_494 : memref<128x16xf32, #tpu.memory_space<vmem>>) dst(%dma_wait3A_500 : memref<131072x16xf32, #tpu.memory_space<hbm>>)
    %dma_wait3A_501 = arith.constant 18 : i32
    %dma_wait3A_502 = arith.constant 2304 : i32
    %dma_wait3A_503 = arith.constant 0 : i32
    %dma_wait3A_504 = tpu.memref_slice %arg6[%dma_wait3A_502, %dma_wait3A_503] : memref<4096x16xf32, #tpu.memory_space<vmem>> -> memref<128x16xf32, #tpu.memory_space<vmem>>
    %dma_wait3A_505 = arith.constant 0 : i32
    %dma_wait3A_506 = tpu.memref_slice %arg5[%dma_wait3A_501, %dma_wait3A_505] : memref<32x128xi32, #tpu.memory_space<vmem>> -> memref<1x128xi32, #tpu.memory_space<vmem>>
    %dma_wait3A_507 = tpu.memref_squeeze %dma_wait3A_506 : memref<1x128xi32, #tpu.memory_space<vmem>> -> memref<128xi32, #tpu.memory_space<vmem>>
    %dma_wait3A_508 = arith.constant 0 : i32
    %dma_wait3A_509 = arith.constant 0 : i32
    %dma_wait3A_510 = tpu.memref_slice %arg4[%dma_wait3A_508, %dma_wait3A_509] : memref<131072x16xf32, #tpu.memory_space<hbm>> -> memref<131072x16xf32, #tpu.memory_space<hbm>>
    tpu.wait_indirect_dma semaphore(%arg7 : memref<!tpu.dma_semaphore, #tpu.memory_space<semaphore_mem>>) src(%dma_wait3A_504 : memref<128x16xf32, #tpu.memory_space<vmem>>) dst(%dma_wait3A_510 : memref<131072x16xf32, #tpu.memory_space<hbm>>)
    %dma_wait3A_511 = arith.constant 19 : i32
    %dma_wait3A_512 = arith.constant 2432 : i32
    %dma_wait3A_513 = arith.constant 0 : i32
    %dma_wait3A_514 = tpu.memref_slice %arg6[%dma_wait3A_512, %dma_wait3A_513] : memref<4096x16xf32, #tpu.memory_space<vmem>> -> memref<128x16xf32, #tpu.memory_space<vmem>>
    %dma_wait3A_515 = arith.constant 0 : i32
    %dma_wait3A_516 = tpu.memref_slice %arg5[%dma_wait3A_511, %dma_wait3A_515] : memref<32x128xi32, #tpu.memory_space<vmem>> -> memref<1x128xi32, #tpu.memory_space<vmem>>
    %dma_wait3A_517 = tpu.memref_squeeze %dma_wait3A_516 : memref<1x128xi32, #tpu.memory_space<vmem>> -> memref<128xi32, #tpu.memory_space<vmem>>
    %dma_wait3A_518 = arith.constant 0 : i32
    %dma_wait3A_519 = arith.constant 0 : i32
    %dma_wait3A_520 = tpu.memref_slice %arg4[%dma_wait3A_518, %dma_wait3A_519] : memref<131072x16xf32, #tpu.memory_space<hbm>> -> memref<131072x16xf32, #tpu.memory_space<hbm>>
    tpu.wait_indirect_dma semaphore(%arg7 : memref<!tpu.dma_semaphore, #tpu.memory_space<semaphore_mem>>) src(%dma_wait3A_514 : memref<128x16xf32, #tpu.memory_space<vmem>>) dst(%dma_wait3A_520 : memref<131072x16xf32, #tpu.memory_space<hbm>>)
    %dma_wait3A_521 = arith.constant 20 : i32
    %dma_wait3A_522 = arith.constant 2560 : i32
    %dma_wait3A_523 = arith.constant 0 : i32
    %dma_wait3A_524 = tpu.memref_slice %arg6[%dma_wait3A_522, %dma_wait3A_523] : memref<4096x16xf32, #tpu.memory_space<vmem>> -> memref<128x16xf32, #tpu.memory_space<vmem>>
    %dma_wait3A_525 = arith.constant 0 : i32
    %dma_wait3A_526 = tpu.memref_slice %arg5[%dma_wait3A_521, %dma_wait3A_525] : memref<32x128xi32, #tpu.memory_space<vmem>> -> memref<1x128xi32, #tpu.memory_space<vmem>>
    %dma_wait3A_527 = tpu.memref_squeeze %dma_wait3A_526 : memref<1x128xi32, #tpu.memory_space<vmem>> -> memref<128xi32, #tpu.memory_space<vmem>>
    %dma_wait3A_528 = arith.constant 0 : i32
    %dma_wait3A_529 = arith.constant 0 : i32
    %dma_wait3A_530 = tpu.memref_slice %arg4[%dma_wait3A_528, %dma_wait3A_529] : memref<131072x16xf32, #tpu.memory_space<hbm>> -> memref<131072x16xf32, #tpu.memory_space<hbm>>
    tpu.wait_indirect_dma semaphore(%arg7 : memref<!tpu.dma_semaphore, #tpu.memory_space<semaphore_mem>>) src(%dma_wait3A_524 : memref<128x16xf32, #tpu.memory_space<vmem>>) dst(%dma_wait3A_530 : memref<131072x16xf32, #tpu.memory_space<hbm>>)
    %dma_wait3A_531 = arith.constant 21 : i32
    %dma_wait3A_532 = arith.constant 2688 : i32
    %dma_wait3A_533 = arith.constant 0 : i32
    %dma_wait3A_534 = tpu.memref_slice %arg6[%dma_wait3A_532, %dma_wait3A_533] : memref<4096x16xf32, #tpu.memory_space<vmem>> -> memref<128x16xf32, #tpu.memory_space<vmem>>
    %dma_wait3A_535 = arith.constant 0 : i32
    %dma_wait3A_536 = tpu.memref_slice %arg5[%dma_wait3A_531, %dma_wait3A_535] : memref<32x128xi32, #tpu.memory_space<vmem>> -> memref<1x128xi32, #tpu.memory_space<vmem>>
    %dma_wait3A_537 = tpu.memref_squeeze %dma_wait3A_536 : memref<1x128xi32, #tpu.memory_space<vmem>> -> memref<128xi32, #tpu.memory_space<vmem>>
    %dma_wait3A_538 = arith.constant 0 : i32
    %dma_wait3A_539 = arith.constant 0 : i32
    %dma_wait3A_540 = tpu.memref_slice %arg4[%dma_wait3A_538, %dma_wait3A_539] : memref<131072x16xf32, #tpu.memory_space<hbm>> -> memref<131072x16xf32, #tpu.memory_space<hbm>>
    tpu.wait_indirect_dma semaphore(%arg7 : memref<!tpu.dma_semaphore, #tpu.memory_space<semaphore_mem>>) src(%dma_wait3A_534 : memref<128x16xf32, #tpu.memory_space<vmem>>) dst(%dma_wait3A_540 : memref<131072x16xf32, #tpu.memory_space<hbm>>)
    %dma_wait3A_541 = arith.constant 22 : i32
    %dma_wait3A_542 = arith.constant 2816 : i32
    %dma_wait3A_543 = arith.constant 0 : i32
    %dma_wait3A_544 = tpu.memref_slice %arg6[%dma_wait3A_542, %dma_wait3A_543] : memref<4096x16xf32, #tpu.memory_space<vmem>> -> memref<128x16xf32, #tpu.memory_space<vmem>>
    %dma_wait3A_545 = arith.constant 0 : i32
    %dma_wait3A_546 = tpu.memref_slice %arg5[%dma_wait3A_541, %dma_wait3A_545] : memref<32x128xi32, #tpu.memory_space<vmem>> -> memref<1x128xi32, #tpu.memory_space<vmem>>
    %dma_wait3A_547 = tpu.memref_squeeze %dma_wait3A_546 : memref<1x128xi32, #tpu.memory_space<vmem>> -> memref<128xi32, #tpu.memory_space<vmem>>
    %dma_wait3A_548 = arith.constant 0 : i32
    %dma_wait3A_549 = arith.constant 0 : i32
    %dma_wait3A_550 = tpu.memref_slice %arg4[%dma_wait3A_548, %dma_wait3A_549] : memref<131072x16xf32, #tpu.memory_space<hbm>> -> memref<131072x16xf32, #tpu.memory_space<hbm>>
    tpu.wait_indirect_dma semaphore(%arg7 : memref<!tpu.dma_semaphore, #tpu.memory_space<semaphore_mem>>) src(%dma_wait3A_544 : memref<128x16xf32, #tpu.memory_space<vmem>>) dst(%dma_wait3A_550 : memref<131072x16xf32, #tpu.memory_space<hbm>>)
    %dma_wait3A_551 = arith.constant 23 : i32
    %dma_wait3A_552 = arith.constant 2944 : i32
    %dma_wait3A_553 = arith.constant 0 : i32
    %dma_wait3A_554 = tpu.memref_slice %arg6[%dma_wait3A_552, %dma_wait3A_553] : memref<4096x16xf32, #tpu.memory_space<vmem>> -> memref<128x16xf32, #tpu.memory_space<vmem>>
    %dma_wait3A_555 = arith.constant 0 : i32
    %dma_wait3A_556 = tpu.memref_slice %arg5[%dma_wait3A_551, %dma_wait3A_555] : memref<32x128xi32, #tpu.memory_space<vmem>> -> memref<1x128xi32, #tpu.memory_space<vmem>>
    %dma_wait3A_557 = tpu.memref_squeeze %dma_wait3A_556 : memref<1x128xi32, #tpu.memory_space<vmem>> -> memref<128xi32, #tpu.memory_space<vmem>>
    %dma_wait3A_558 = arith.constant 0 : i32
    %dma_wait3A_559 = arith.constant 0 : i32
    %dma_wait3A_560 = tpu.memref_slice %arg4[%dma_wait3A_558, %dma_wait3A_559] : memref<131072x16xf32, #tpu.memory_space<hbm>> -> memref<131072x16xf32, #tpu.memory_space<hbm>>
    tpu.wait_indirect_dma semaphore(%arg7 : memref<!tpu.dma_semaphore, #tpu.memory_space<semaphore_mem>>) src(%dma_wait3A_554 : memref<128x16xf32, #tpu.memory_space<vmem>>) dst(%dma_wait3A_560 : memref<131072x16xf32, #tpu.memory_space<hbm>>)
    %dma_wait3A_561 = arith.constant 24 : i32
    %dma_wait3A_562 = arith.constant 3072 : i32
    %dma_wait3A_563 = arith.constant 0 : i32
    %dma_wait3A_564 = tpu.memref_slice %arg6[%dma_wait3A_562, %dma_wait3A_563] : memref<4096x16xf32, #tpu.memory_space<vmem>> -> memref<128x16xf32, #tpu.memory_space<vmem>>
    %dma_wait3A_565 = arith.constant 0 : i32
    %dma_wait3A_566 = tpu.memref_slice %arg5[%dma_wait3A_561, %dma_wait3A_565] : memref<32x128xi32, #tpu.memory_space<vmem>> -> memref<1x128xi32, #tpu.memory_space<vmem>>
    %dma_wait3A_567 = tpu.memref_squeeze %dma_wait3A_566 : memref<1x128xi32, #tpu.memory_space<vmem>> -> memref<128xi32, #tpu.memory_space<vmem>>
    %dma_wait3A_568 = arith.constant 0 : i32
    %dma_wait3A_569 = arith.constant 0 : i32
    %dma_wait3A_570 = tpu.memref_slice %arg4[%dma_wait3A_568, %dma_wait3A_569] : memref<131072x16xf32, #tpu.memory_space<hbm>> -> memref<131072x16xf32, #tpu.memory_space<hbm>>
    tpu.wait_indirect_dma semaphore(%arg7 : memref<!tpu.dma_semaphore, #tpu.memory_space<semaphore_mem>>) src(%dma_wait3A_564 : memref<128x16xf32, #tpu.memory_space<vmem>>) dst(%dma_wait3A_570 : memref<131072x16xf32, #tpu.memory_space<hbm>>)
    %dma_wait3A_571 = arith.constant 25 : i32
    %dma_wait3A_572 = arith.constant 3200 : i32
    %dma_wait3A_573 = arith.constant 0 : i32
    %dma_wait3A_574 = tpu.memref_slice %arg6[%dma_wait3A_572, %dma_wait3A_573] : memref<4096x16xf32, #tpu.memory_space<vmem>> -> memref<128x16xf32, #tpu.memory_space<vmem>>
    %dma_wait3A_575 = arith.constant 0 : i32
    %dma_wait3A_576 = tpu.memref_slice %arg5[%dma_wait3A_571, %dma_wait3A_575] : memref<32x128xi32, #tpu.memory_space<vmem>> -> memref<1x128xi32, #tpu.memory_space<vmem>>
    %dma_wait3A_577 = tpu.memref_squeeze %dma_wait3A_576 : memref<1x128xi32, #tpu.memory_space<vmem>> -> memref<128xi32, #tpu.memory_space<vmem>>
    %dma_wait3A_578 = arith.constant 0 : i32
    %dma_wait3A_579 = arith.constant 0 : i32
    %dma_wait3A_580 = tpu.memref_slice %arg4[%dma_wait3A_578, %dma_wait3A_579] : memref<131072x16xf32, #tpu.memory_space<hbm>> -> memref<131072x16xf32, #tpu.memory_space<hbm>>
    tpu.wait_indirect_dma semaphore(%arg7 : memref<!tpu.dma_semaphore, #tpu.memory_space<semaphore_mem>>) src(%dma_wait3A_574 : memref<128x16xf32, #tpu.memory_space<vmem>>) dst(%dma_wait3A_580 : memref<131072x16xf32, #tpu.memory_space<hbm>>)
    %dma_wait3A_581 = arith.constant 26 : i32
    %dma_wait3A_582 = arith.constant 3328 : i32
    %dma_wait3A_583 = arith.constant 0 : i32
    %dma_wait3A_584 = tpu.memref_slice %arg6[%dma_wait3A_582, %dma_wait3A_583] : memref<4096x16xf32, #tpu.memory_space<vmem>> -> memref<128x16xf32, #tpu.memory_space<vmem>>
    %dma_wait3A_585 = arith.constant 0 : i32
    %dma_wait3A_586 = tpu.memref_slice %arg5[%dma_wait3A_581, %dma_wait3A_585] : memref<32x128xi32, #tpu.memory_space<vmem>> -> memref<1x128xi32, #tpu.memory_space<vmem>>
    %dma_wait3A_587 = tpu.memref_squeeze %dma_wait3A_586 : memref<1x128xi32, #tpu.memory_space<vmem>> -> memref<128xi32, #tpu.memory_space<vmem>>
    %dma_wait3A_588 = arith.constant 0 : i32
    %dma_wait3A_589 = arith.constant 0 : i32
    %dma_wait3A_590 = tpu.memref_slice %arg4[%dma_wait3A_588, %dma_wait3A_589] : memref<131072x16xf32, #tpu.memory_space<hbm>> -> memref<131072x16xf32, #tpu.memory_space<hbm>>
    tpu.wait_indirect_dma semaphore(%arg7 : memref<!tpu.dma_semaphore, #tpu.memory_space<semaphore_mem>>) src(%dma_wait3A_584 : memref<128x16xf32, #tpu.memory_space<vmem>>) dst(%dma_wait3A_590 : memref<131072x16xf32, #tpu.memory_space<hbm>>)
    %dma_wait3A_591 = arith.constant 27 : i32
    %dma_wait3A_592 = arith.constant 3456 : i32
    %dma_wait3A_593 = arith.constant 0 : i32
    %dma_wait3A_594 = tpu.memref_slice %arg6[%dma_wait3A_592, %dma_wait3A_593] : memref<4096x16xf32, #tpu.memory_space<vmem>> -> memref<128x16xf32, #tpu.memory_space<vmem>>
    %dma_wait3A_595 = arith.constant 0 : i32
    %dma_wait3A_596 = tpu.memref_slice %arg5[%dma_wait3A_591, %dma_wait3A_595] : memref<32x128xi32, #tpu.memory_space<vmem>> -> memref<1x128xi32, #tpu.memory_space<vmem>>
    %dma_wait3A_597 = tpu.memref_squeeze %dma_wait3A_596 : memref<1x128xi32, #tpu.memory_space<vmem>> -> memref<128xi32, #tpu.memory_space<vmem>>
    %dma_wait3A_598 = arith.constant 0 : i32
    %dma_wait3A_599 = arith.constant 0 : i32
    %dma_wait3A_600 = tpu.memref_slice %arg4[%dma_wait3A_598, %dma_wait3A_599] : memref<131072x16xf32, #tpu.memory_space<hbm>> -> memref<131072x16xf32, #tpu.memory_space<hbm>>
    tpu.wait_indirect_dma semaphore(%arg7 : memref<!tpu.dma_semaphore, #tpu.memory_space<semaphore_mem>>) src(%dma_wait3A_594 : memref<128x16xf32, #tpu.memory_space<vmem>>) dst(%dma_wait3A_600 : memref<131072x16xf32, #tpu.memory_space<hbm>>)
    %dma_wait3A_601 = arith.constant 28 : i32
    %dma_wait3A_602 = arith.constant 3584 : i32
    %dma_wait3A_603 = arith.constant 0 : i32
    %dma_wait3A_604 = tpu.memref_slice %arg6[%dma_wait3A_602, %dma_wait3A_603] : memref<4096x16xf32, #tpu.memory_space<vmem>> -> memref<128x16xf32, #tpu.memory_space<vmem>>
    %dma_wait3A_605 = arith.constant 0 : i32
    %dma_wait3A_606 = tpu.memref_slice %arg5[%dma_wait3A_601, %dma_wait3A_605] : memref<32x128xi32, #tpu.memory_space<vmem>> -> memref<1x128xi32, #tpu.memory_space<vmem>>
    %dma_wait3A_607 = tpu.memref_squeeze %dma_wait3A_606 : memref<1x128xi32, #tpu.memory_space<vmem>> -> memref<128xi32, #tpu.memory_space<vmem>>
    %dma_wait3A_608 = arith.constant 0 : i32
    %dma_wait3A_609 = arith.constant 0 : i32
    %dma_wait3A_610 = tpu.memref_slice %arg4[%dma_wait3A_608, %dma_wait3A_609] : memref<131072x16xf32, #tpu.memory_space<hbm>> -> memref<131072x16xf32, #tpu.memory_space<hbm>>
    tpu.wait_indirect_dma semaphore(%arg7 : memref<!tpu.dma_semaphore, #tpu.memory_space<semaphore_mem>>) src(%dma_wait3A_604 : memref<128x16xf32, #tpu.memory_space<vmem>>) dst(%dma_wait3A_610 : memref<131072x16xf32, #tpu.memory_space<hbm>>)
    %dma_wait3A_611 = arith.constant 29 : i32
    %dma_wait3A_612 = arith.constant 3712 : i32
    %dma_wait3A_613 = arith.constant 0 : i32
    %dma_wait3A_614 = tpu.memref_slice %arg6[%dma_wait3A_612, %dma_wait3A_613] : memref<4096x16xf32, #tpu.memory_space<vmem>> -> memref<128x16xf32, #tpu.memory_space<vmem>>
    %dma_wait3A_615 = arith.constant 0 : i32
    %dma_wait3A_616 = tpu.memref_slice %arg5[%dma_wait3A_611, %dma_wait3A_615] : memref<32x128xi32, #tpu.memory_space<vmem>> -> memref<1x128xi32, #tpu.memory_space<vmem>>
    %dma_wait3A_617 = tpu.memref_squeeze %dma_wait3A_616 : memref<1x128xi32, #tpu.memory_space<vmem>> -> memref<128xi32, #tpu.memory_space<vmem>>
    %dma_wait3A_618 = arith.constant 0 : i32
    %dma_wait3A_619 = arith.constant 0 : i32
    %dma_wait3A_620 = tpu.memref_slice %arg4[%dma_wait3A_618, %dma_wait3A_619] : memref<131072x16xf32, #tpu.memory_space<hbm>> -> memref<131072x16xf32, #tpu.memory_space<hbm>>
    tpu.wait_indirect_dma semaphore(%arg7 : memref<!tpu.dma_semaphore, #tpu.memory_space<semaphore_mem>>) src(%dma_wait3A_614 : memref<128x16xf32, #tpu.memory_space<vmem>>) dst(%dma_wait3A_620 : memref<131072x16xf32, #tpu.memory_space<hbm>>)
    %dma_wait3A_621 = arith.constant 30 : i32
    %dma_wait3A_622 = arith.constant 3840 : i32
    %dma_wait3A_623 = arith.constant 0 : i32
    %dma_wait3A_624 = tpu.memref_slice %arg6[%dma_wait3A_622, %dma_wait3A_623] : memref<4096x16xf32, #tpu.memory_space<vmem>> -> memref<128x16xf32, #tpu.memory_space<vmem>>
    %dma_wait3A_625 = arith.constant 0 : i32
    %dma_wait3A_626 = tpu.memref_slice %arg5[%dma_wait3A_621, %dma_wait3A_625] : memref<32x128xi32, #tpu.memory_space<vmem>> -> memref<1x128xi32, #tpu.memory_space<vmem>>
    %dma_wait3A_627 = tpu.memref_squeeze %dma_wait3A_626 : memref<1x128xi32, #tpu.memory_space<vmem>> -> memref<128xi32, #tpu.memory_space<vmem>>
    %dma_wait3A_628 = arith.constant 0 : i32
    %dma_wait3A_629 = arith.constant 0 : i32
    %dma_wait3A_630 = tpu.memref_slice %arg4[%dma_wait3A_628, %dma_wait3A_629] : memref<131072x16xf32, #tpu.memory_space<hbm>> -> memref<131072x16xf32, #tpu.memory_space<hbm>>
    tpu.wait_indirect_dma semaphore(%arg7 : memref<!tpu.dma_semaphore, #tpu.memory_space<semaphore_mem>>) src(%dma_wait3A_624 : memref<128x16xf32, #tpu.memory_space<vmem>>) dst(%dma_wait3A_630 : memref<131072x16xf32, #tpu.memory_space<hbm>>)
    %dma_wait3A_631 = arith.constant 31 : i32
    %dma_wait3A_632 = arith.constant 3968 : i32
    %dma_wait3A_633 = arith.constant 0 : i32
    %dma_wait3A_634 = tpu.memref_slice %arg6[%dma_wait3A_632, %dma_wait3A_633] : memref<4096x16xf32, #tpu.memory_space<vmem>> -> memref<128x16xf32, #tpu.memory_space<vmem>>
    %dma_wait3A_635 = arith.constant 0 : i32
    %dma_wait3A_636 = tpu.memref_slice %arg5[%dma_wait3A_631, %dma_wait3A_635] : memref<32x128xi32, #tpu.memory_space<vmem>> -> memref<1x128xi32, #tpu.memory_space<vmem>>
    %dma_wait3A_637 = tpu.memref_squeeze %dma_wait3A_636 : memref<1x128xi32, #tpu.memory_space<vmem>> -> memref<128xi32, #tpu.memory_space<vmem>>
    %dma_wait3A_638 = arith.constant 0 : i32
    %dma_wait3A_639 = arith.constant 0 : i32
    %dma_wait3A_640 = tpu.memref_slice %arg4[%dma_wait3A_638, %dma_wait3A_639] : memref<131072x16xf32, #tpu.memory_space<hbm>> -> memref<131072x16xf32, #tpu.memory_space<hbm>>
    tpu.wait_indirect_dma semaphore(%arg7 : memref<!tpu.dma_semaphore, #tpu.memory_space<semaphore_mem>>) src(%dma_wait3A_634 : memref<128x16xf32, #tpu.memory_space<vmem>>) dst(%dma_wait3A_640 : memref<131072x16xf32, #tpu.memory_space<hbm>>)
    return
  }
}

module attributes {stable_mosaic.version = 14 : i64} {
  func.func @_a0_body(%arg0: memref<32x130xf32, #tpu.memory_space<vmem>>, %arg1: memref<130x256xf32, #tpu.memory_space<vmem>>, %arg2: memref<1x256xf32, #tpu.memory_space<vmem>>, %arg3: memref<256x4096xf32, #tpu.memory_space<vmem>>, %arg4: memref<1x4096xf32, #tpu.memory_space<vmem>>, %arg5: memref<130x256xf32, #tpu.memory_space<vmem>>, %arg6: memref<1x256xf32, #tpu.memory_space<vmem>>, %arg7: memref<130x64xf32, #tpu.memory_space<vmem>>, %arg8: memref<1x64xf32, #tpu.memory_space<vmem>>, %arg9: memref<130x1xf32, #tpu.memory_space<vmem>>, %arg10: memref<1x1xf32, #tpu.memory_space<vmem>>, %arg11: memref<130x64xf32, #tpu.memory_space<vmem>>, %arg12: memref<1x64xf32, #tpu.memory_space<vmem>>, %arg13: memref<130x8xf32, #tpu.memory_space<vmem>>, %arg14: memref<1x8xf32, #tpu.memory_space<vmem>>, %arg15: memref<130x64xf32, #tpu.memory_space<vmem>>, %arg16: memref<130x64xf32, #tpu.memory_space<vmem>>, %arg17: memref<64x8xf32, #tpu.memory_space<vmem>>, %arg18: memref<64x8xf32, #tpu.memory_space<vmem>>, %arg19: memref<64x8xf32, #tpu.memory_space<vmem>>, %arg20: memref<1x64xf32, #tpu.memory_space<vmem>>, %arg21: memref<32x4096xf32, #tpu.memory_space<vmem>>, %arg22: memref<32x256xf32, #tpu.memory_space<vmem>>, %arg23: memref<32x512xf32, #tpu.memory_space<vmem>>, %arg24: memref<32x16xi32, #tpu.memory_space<vmem>>) attributes {dimension_semantics = [], scalar_prefetch = 0 : i64, scratch_operands = 0 : i64, tpu.core_type = #tpu.core_type<tc>} {
    %get3A = arith.constant 0 : index
    %get3A_0 = arith.constant 0 : index
    %get3A_1 = vector.load %arg0[%get3A, %get3A_0] : memref<32x130xf32, #tpu.memory_space<vmem>>, vector<32x130xf32>
    %slice3A = vector.extract_strided_slice %get3A_1 {offsets = [0, 128], sizes = [32, 1], strides = [1, 1]} : vector<32x130xf32> to vector<32x1xf32>
    %convert_element_type3A = arith.fptosi %slice3A : vector<32x1xf32> to vector<32x1xi32>
    %get3A_2 = arith.constant 0 : index
    %get3A_3 = arith.constant 0 : index
    %get3A_4 = vector.load %arg1[%get3A_2, %get3A_3] : memref<130x256xf32, #tpu.memory_space<vmem>>, vector<130x256xf32>
    %dot_general3A = arith.constant dense<0.000000e+00> : vector<32x256xf32>
    %dot_general3A_5 = tpu.matmul %get3A_1, %get3A_4, %dot_general3A {dimension_numbers = #tpu.dot_dimension_numbers<[1], [0], [0], [1], [0, 0, 1, 1], [], []>, transpose_lhs_hint = false} : vector<32x130xf32>, vector<130x256xf32>, vector<32x256xf32> -> vector<32x256xf32>
    %get3A_6 = arith.constant 0 : index
    %get3A_7 = arith.constant 0 : index
    %get3A_8 = vector.load %arg2[%get3A_6, %get3A_7] : memref<1x256xf32, #tpu.memory_space<vmem>>, vector<1x256xf32>
    %add3A = vector.broadcast %get3A_8 : vector<1x256xf32> to vector<32x256xf32>
    %add3A_9 = arith.addf %dot_general3A_5, %add3A : vector<32x256xf32>
    %max3A = arith.constant 0.000000e+00 : f32
    %max3A_10 = vector.broadcast %max3A : f32 to vector<32x256xf32>
    %max3A_11 = arith.maximumf %add3A_9, %max3A_10 : vector<32x256xf32>
    %get3A_12 = arith.constant 0 : index
    %get3A_13 = arith.constant 0 : index
    %get3A_14 = vector.load %arg3[%get3A_12, %get3A_13] : memref<256x4096xf32, #tpu.memory_space<vmem>>, vector<256x4096xf32>
    %dot_general3A_15 = arith.constant dense<0.000000e+00> : vector<32x4096xf32>
    %dot_general3A_16 = tpu.matmul %max3A_11, %get3A_14, %dot_general3A_15 {dimension_numbers = #tpu.dot_dimension_numbers<[1], [0], [0], [1], [0, 0, 1, 1], [], []>, transpose_lhs_hint = false} : vector<32x256xf32>, vector<256x4096xf32>, vector<32x4096xf32> -> vector<32x4096xf32>
    %get3A_17 = arith.constant 0 : index
    %get3A_18 = arith.constant 0 : index
    %get3A_19 = vector.load %arg4[%get3A_17, %get3A_18] : memref<1x4096xf32, #tpu.memory_space<vmem>>, vector<1x4096xf32>
    %add3A_20 = vector.broadcast %get3A_19 : vector<1x4096xf32> to vector<32x4096xf32>
    %add3A_21 = arith.addf %dot_general3A_16, %add3A_20 : vector<32x4096xf32>
    %iota3A = tpu.iota {dimensions = array<i32: 1>} : vector<32x4096xi32>
    %jit3A = arith.constant 64 : i32
    %div3A = vector.broadcast %jit3A : i32 to vector<32x4096xi32>
    %div3A_22 = arith.divsi %iota3A, %div3A : vector<32x4096xi32>
    %sign3A = arith.constant 0 : i32
    %sign3A_23 = vector.broadcast %sign3A : i32 to vector<32x4096xi32>
    %sign3A_24 = arith.cmpi sgt, %iota3A, %sign3A_23 : vector<32x4096xi32>
    %sign3A_25 = arith.extui %sign3A_24 : vector<32x4096xi1> to vector<32x4096xi32>
    %sign3A_26 = arith.constant 0 : i32
    %sign3A_27 = vector.broadcast %sign3A_26 : i32 to vector<32x4096xi32>
    %sign3A_28 = arith.cmpi slt, %iota3A, %sign3A_27 : vector<32x4096xi32>
    %sign3A_29 = arith.extui %sign3A_28 : vector<32x4096xi1> to vector<32x4096xi32>
    %sign3A_30 = arith.subi %sign3A_25, %sign3A_29 : vector<32x4096xi32>
    %sign3A_31 = arith.constant 0 : i32
    %sign3A_32 = arith.cmpi sgt, %jit3A, %sign3A_31 : i32
    %sign3A_33 = arith.extui %sign3A_32 : i1 to i32
    %sign3A_34 = arith.constant 0 : i32
    %sign3A_35 = arith.cmpi slt, %jit3A, %sign3A_34 : i32
    %sign3A_36 = arith.extui %sign3A_35 : i1 to i32
    %sign3A_37 = arith.subi %sign3A_33, %sign3A_36 : i32
    %ne3A = vector.broadcast %sign3A_37 : i32 to vector<32x4096xi32>
    %ne3A_38 = arith.cmpi ne, %sign3A_30, %ne3A : vector<32x4096xi32>
    %rem3A = vector.broadcast %jit3A : i32 to vector<32x4096xi32>
    %rem3A_39 = arith.remsi %iota3A, %rem3A : vector<32x4096xi32>
    %ne3A_40 = arith.constant 0 : i32
    %ne3A_41 = vector.broadcast %ne3A_40 : i32 to vector<32x4096xi32>
    %ne3A_42 = arith.cmpi ne, %rem3A_39, %ne3A_41 : vector<32x4096xi32>
    %and3A = arith.andi %ne3A_38, %ne3A_42 : vector<32x4096xi1>
    %sub3A = arith.constant 1 : i32
    %sub3A_43 = vector.broadcast %sub3A : i32 to vector<32x4096xi32>
    %sub3A_44 = arith.subi %div3A_22, %sub3A_43 : vector<32x4096xi32>
    %select_n3A = arith.select %and3A, %sub3A_44, %div3A_22 : vector<32x4096xi1>, vector<32x4096xi32>
    %lt3A = vector.broadcast %convert_element_type3A : vector<32x1xi32> to vector<32x4096xi32>
    %lt3A_45 = arith.cmpi slt, %select_n3A, %lt3A : vector<32x4096xi32>
    %jit3A_46 = arith.constant 0.000000e+00 : f32
    %broadcast_in_dim3A = vector.broadcast %jit3A_46 : f32 to vector<32x4096xf32>
    %select_n3A_47 = arith.select %lt3A_45, %add3A_21, %broadcast_in_dim3A : vector<32x4096xi1>, vector<32x4096xf32>
    %swap3A = arith.constant 0 : index
    %swap3A_48 = arith.constant 0 : index
    %swap3A_49 = vector.load %arg21[%swap3A, %swap3A_48] : memref<32x4096xf32, #tpu.memory_space<vmem>>, vector<32x4096xf32>
    tpu.vector_store %arg21[%swap3A, %swap3A_48], %select_n3A_47 {strides = array<i32>} : memref<32x4096xf32, #tpu.memory_space<vmem>>, vector<32x4096xf32>,
    %get3A_50 = arith.constant 0 : index
    %get3A_51 = arith.constant 0 : index
    %get3A_52 = vector.load %arg5[%get3A_50, %get3A_51] : memref<130x256xf32, #tpu.memory_space<vmem>>, vector<130x256xf32>
    %dot_general3A_53 = arith.constant dense<0.000000e+00> : vector<32x256xf32>
    %dot_general3A_54 = tpu.matmul %get3A_1, %get3A_52, %dot_general3A_53 {dimension_numbers = #tpu.dot_dimension_numbers<[1], [0], [0], [1], [0, 0, 1, 1], [], []>, transpose_lhs_hint = false} : vector<32x130xf32>, vector<130x256xf32>, vector<32x256xf32> -> vector<32x256xf32>
    %get3A_55 = arith.constant 0 : index
    %get3A_56 = arith.constant 0 : index
    %get3A_57 = vector.load %arg6[%get3A_55, %get3A_56] : memref<1x256xf32, #tpu.memory_space<vmem>>, vector<1x256xf32>
    %add3A_58 = vector.broadcast %get3A_57 : vector<1x256xf32> to vector<32x256xf32>
    %add3A_59 = arith.addf %dot_general3A_54, %add3A_58 : vector<32x256xf32>
    %max3A_60 = arith.constant 0.000000e+00 : f32
    %max3A_61 = vector.broadcast %max3A_60 : f32 to vector<32x256xf32>
    %max3A_62 = arith.maximumf %add3A_59, %max3A_61 : vector<32x256xf32>
    %swap3A_63 = arith.constant 0 : index
    %swap3A_64 = arith.constant 0 : index
    %swap3A_65 = vector.load %arg22[%swap3A_63, %swap3A_64] : memref<32x256xf32, #tpu.memory_space<vmem>>, vector<32x256xf32>
    tpu.vector_store %arg22[%swap3A_63, %swap3A_64], %max3A_62 {strides = array<i32>} : memref<32x256xf32, #tpu.memory_space<vmem>>, vector<32x256xf32>,
    %get3A_66 = arith.constant 0 : index
    %get3A_67 = arith.constant 0 : index
    %get3A_68 = vector.load %arg7[%get3A_66, %get3A_67] : memref<130x64xf32, #tpu.memory_space<vmem>>, vector<130x64xf32>
    %dot_general3A_69 = arith.constant dense<0.000000e+00> : vector<32x64xf32>
    %dot_general3A_70 = tpu.matmul %get3A_1, %get3A_68, %dot_general3A_69 {dimension_numbers = #tpu.dot_dimension_numbers<[1], [0], [0], [1], [0, 0, 1, 1], [], []>, transpose_lhs_hint = false} : vector<32x130xf32>, vector<130x64xf32>, vector<32x64xf32> -> vector<32x64xf32>
    %get3A_71 = arith.constant 0 : index
    %get3A_72 = arith.constant 0 : index
    %get3A_73 = vector.load %arg8[%get3A_71, %get3A_72] : memref<1x64xf32, #tpu.memory_space<vmem>>, vector<1x64xf32>
    %add3A_74 = vector.broadcast %get3A_73 : vector<1x64xf32> to vector<32x64xf32>
    %add3A_75 = arith.addf %dot_general3A_70, %add3A_74 : vector<32x64xf32>
    %get3A_76 = arith.constant 0 : index
    %get3A_77 = arith.constant 0 : index
    %get3A_78 = vector.load %arg11[%get3A_76, %get3A_77] : memref<130x64xf32, #tpu.memory_space<vmem>>, vector<130x64xf32>
    %dot_general3A_79 = arith.constant dense<0.000000e+00> : vector<32x64xf32>
    %dot_general3A_80 = tpu.matmul %get3A_1, %get3A_78, %dot_general3A_79 {dimension_numbers = #tpu.dot_dimension_numbers<[1], [0], [0], [1], [0, 0, 1, 1], [], []>, transpose_lhs_hint = false} : vector<32x130xf32>, vector<130x64xf32>, vector<32x64xf32> -> vector<32x64xf32>
    %get3A_81 = arith.constant 0 : index
    %get3A_82 = arith.constant 0 : index
    %get3A_83 = vector.load %arg12[%get3A_81, %get3A_82] : memref<1x64xf32, #tpu.memory_space<vmem>>, vector<1x64xf32>
    %add3A_84 = vector.broadcast %get3A_83 : vector<1x64xf32> to vector<32x64xf32>
    %add3A_85 = arith.addf %dot_general3A_80, %add3A_84 : vector<32x64xf32>
    %get3A_86 = arith.constant 0 : index
    %get3A_87 = arith.constant 0 : index
    %get3A_88 = vector.load %arg15[%get3A_86, %get3A_87] : memref<130x64xf32, #tpu.memory_space<vmem>>, vector<130x64xf32>
    %dot_general3A_89 = arith.constant dense<0.000000e+00> : vector<32x64xf32>
    %dot_general3A_90 = tpu.matmul %get3A_1, %get3A_88, %dot_general3A_89 {dimension_numbers = #tpu.dot_dimension_numbers<[1], [0], [0], [1], [0, 0, 1, 1], [], []>, transpose_lhs_hint = false} : vector<32x130xf32>, vector<130x64xf32>, vector<32x64xf32> -> vector<32x64xf32>
    %get3A_91 = arith.constant 0 : index
    %get3A_92 = arith.constant 0 : index
    %get3A_93 = vector.load %arg16[%get3A_91, %get3A_92] : memref<130x64xf32, #tpu.memory_space<vmem>>, vector<130x64xf32>
    %dot_general3A_94 = arith.constant dense<0.000000e+00> : vector<32x64xf32>
    %dot_general3A_95 = tpu.matmul %get3A_1, %get3A_93, %dot_general3A_94 {dimension_numbers = #tpu.dot_dimension_numbers<[1], [0], [0], [1], [0, 0, 1, 1], [], []>, transpose_lhs_hint = false} : vector<32x130xf32>, vector<130x64xf32>, vector<32x64xf32> -> vector<32x64xf32>
    %get3A_96 = arith.constant 0 : index
    %get3A_97 = arith.constant 0 : index
    %get3A_98 = vector.load %arg13[%get3A_96, %get3A_97] : memref<130x8xf32, #tpu.memory_space<vmem>>, vector<130x8xf32>
    %dot_general3A_99 = arith.constant dense<0.000000e+00> : vector<32x8xf32>
    %dot_general3A_100 = tpu.matmul %get3A_1, %get3A_98, %dot_general3A_99 {dimension_numbers = #tpu.dot_dimension_numbers<[1], [0], [0], [1], [0, 0, 1, 1], [], []>, transpose_lhs_hint = false} : vector<32x130xf32>, vector<130x8xf32>, vector<32x8xf32> -> vector<32x8xf32>
    %get3A_101 = arith.constant 0 : index
    %get3A_102 = arith.constant 0 : index
    %get3A_103 = vector.load %arg14[%get3A_101, %get3A_102] : memref<1x8xf32, #tpu.memory_space<vmem>>, vector<1x8xf32>
    %add3A_104 = vector.broadcast %get3A_103 : vector<1x8xf32> to vector<32x8xf32>
    %add3A_105 = arith.addf %dot_general3A_100, %add3A_104 : vector<32x8xf32>
    %get3A_106 = arith.constant 0 : index
    %get3A_107 = arith.constant 0 : index
    %get3A_108 = vector.load %arg9[%get3A_106, %get3A_107] : memref<130x1xf32, #tpu.memory_space<vmem>>, vector<130x1xf32>
    %dot_general3A_109 = arith.constant dense<0.000000e+00> : vector<32x1xf32>
    %dot_general3A_110 = tpu.matmul %get3A_1, %get3A_108, %dot_general3A_109 {dimension_numbers = #tpu.dot_dimension_numbers<[1], [0], [0], [1], [0, 0, 1, 1], [], []>, transpose_lhs_hint = false} : vector<32x130xf32>, vector<130x1xf32>, vector<32x1xf32> -> vector<32x1xf32>
    %get3A_111 = arith.constant 0 : index
    %get3A_112 = arith.constant 0 : index
    %get3A_113 = vector.load %arg10[%get3A_111, %get3A_112] : memref<1x1xf32, #tpu.memory_space<vmem>>, vector<1x1xf32>
    %add3A_114 = vector.broadcast %get3A_113 : vector<1x1xf32> to vector<32x1xf32>
    %add3A_115 = arith.addf %dot_general3A_110, %add3A_114 : vector<32x1xf32>
    %get3A_116 = arith.constant 0 : index
    %get3A_117 = arith.constant 0 : index
    %get3A_118 = vector.load %arg12[%get3A_116, %get3A_117] : memref<1x64xf32, #tpu.memory_space<vmem>>, vector<1x64xf32>
    %get3A_119 = arith.constant 0 : index
    %get3A_120 = arith.constant 0 : index
    %get3A_121 = vector.load %arg17[%get3A_119, %get3A_120] : memref<64x8xf32, #tpu.memory_space<vmem>>, vector<64x8xf32>
    %dot_general3A_122 = arith.constant dense<0.000000e+00> : vector<1x8xf32>
    %dot_general3A_123 = tpu.matmul %get3A_118, %get3A_121, %dot_general3A_122 {dimension_numbers = #tpu.dot_dimension_numbers<[1], [0], [0], [1], [0, 0, 1, 1], [], []>, transpose_lhs_hint = false} : vector<1x64xf32>, vector<64x8xf32>, vector<1x8xf32> -> vector<1x8xf32>
    %get3A_124 = arith.constant 0 : index
    %get3A_125 = arith.constant 0 : index
    %get3A_126 = vector.load %arg20[%get3A_124, %get3A_125] : memref<1x64xf32, #tpu.memory_space<vmem>>, vector<1x64xf32>
    %get3A_127 = arith.constant 0 : index
    %get3A_128 = arith.constant 0 : index
    %get3A_129 = vector.load %arg18[%get3A_127, %get3A_128] : memref<64x8xf32, #tpu.memory_space<vmem>>, vector<64x8xf32>
    %dot_general3A_130 = arith.constant dense<0.000000e+00> : vector<1x8xf32>
    %dot_general3A_131 = tpu.matmul %get3A_126, %get3A_129, %dot_general3A_130 {dimension_numbers = #tpu.dot_dimension_numbers<[1], [0], [0], [1], [0, 0, 1, 1], [], []>, transpose_lhs_hint = false} : vector<1x64xf32>, vector<64x8xf32>, vector<1x8xf32> -> vector<1x8xf32>
    %add3A_132 = arith.addf %dot_general3A_123, %dot_general3A_131 : vector<1x8xf32>
    %get3A_133 = arith.constant 0 : index
    %get3A_134 = arith.constant 0 : index
    %get3A_135 = vector.load %arg20[%get3A_133, %get3A_134] : memref<1x64xf32, #tpu.memory_space<vmem>>, vector<1x64xf32>
    %get3A_136 = arith.constant 0 : index
    %get3A_137 = arith.constant 0 : index
    %get3A_138 = vector.load %arg19[%get3A_136, %get3A_137] : memref<64x8xf32, #tpu.memory_space<vmem>>, vector<64x8xf32>
    %dot_general3A_139 = arith.constant dense<0.000000e+00> : vector<1x8xf32>
    %dot_general3A_140 = tpu.matmul %get3A_135, %get3A_138, %dot_general3A_139 {dimension_numbers = #tpu.dot_dimension_numbers<[1], [0], [0], [1], [0, 0, 1, 1], [], []>, transpose_lhs_hint = false} : vector<1x64xf32>, vector<64x8xf32>, vector<1x8xf32> -> vector<1x8xf32>
    %add3A_141 = arith.addf %add3A_132, %dot_general3A_140 : vector<1x8xf32>
    %get3A_142 = arith.constant 0 : index
    %get3A_143 = arith.constant 0 : index
    %get3A_144 = vector.load %arg14[%get3A_142, %get3A_143] : memref<1x8xf32, #tpu.memory_space<vmem>>, vector<1x8xf32>
    %add3A_145 = arith.addf %add3A_141, %get3A_144 : vector<1x8xf32>
    %broadcast_in_dim3A_146 = vector.shape_cast %add3A_145 : vector<1x8xf32> to vector<1x8xf32>
    %broadcast_in_dim3A_147 = vector.broadcast %broadcast_in_dim3A_146 : vector<1x8xf32> to vector<32x8xf32>
    %broadcast_in_dim3A_148 = arith.constant 0.000000e+00 : f32
    %broadcast_in_dim3A_149 = vector.broadcast %broadcast_in_dim3A_148 : f32 to vector<32x238xf32>
    %concatenate3A = tpu.concatenate %add3A_75, %add3A_85, %dot_general3A_90, %dot_general3A_95, %add3A_105, %broadcast_in_dim3A_147, %add3A_115, %slice3A, %broadcast_in_dim3A_149 in 1 : vector<32x64xf32>, vector<32x64xf32>, vector<32x64xf32>, vector<32x64xf32>, vector<32x8xf32>, vector<32x8xf32>, vector<32x1xf32>, vector<32x1xf32>, vector<32x238xf32> -> vector<32x512xf32>
    %swap3A_150 = arith.constant 0 : index
    %swap3A_151 = arith.constant 0 : index
    %swap3A_152 = vector.load %arg23[%swap3A_150, %swap3A_151] : memref<32x512xf32, #tpu.memory_space<vmem>>, vector<32x512xf32>
    tpu.vector_store %arg23[%swap3A_150, %swap3A_151], %concatenate3A {strides = array<i32>} : memref<32x512xf32, #tpu.memory_space<vmem>>, vector<32x512xf32>,
    %broadcast_in_dim3A_153 = vector.shape_cast %convert_element_type3A : vector<32x1xi32> to vector<32x1xi32>
    %broadcast_in_dim3A_154 = vector.broadcast %broadcast_in_dim3A_153 : vector<32x1xi32> to vector<32x16xi32>
    %swap3A_155 = arith.constant 0 : index
    %swap3A_156 = arith.constant 0 : index
    %swap3A_157 = vector.load %arg24[%swap3A_155, %swap3A_156] : memref<32x16xi32, #tpu.memory_space<vmem>>, vector<32x16xi32>
    tpu.vector_store %arg24[%swap3A_155, %swap3A_156], %broadcast_in_dim3A_154 {strides = array<i32>} : memref<32x16xi32, #tpu.memory_space<vmem>>, vector<32x16xi32>,
    return
  }
}

module attributes {stable_mosaic.version = 14 : i64} {
  func.func @_a1_body(%arg0: i32, %arg1: memref<32x256xf32, #tpu.memory_space<vmem>>, %arg2: memref<256x2048xf32, #tpu.memory_space<vmem>>, %arg3: memref<1x2048xf32, #tpu.memory_space<vmem>>, %arg4: memref<32x2048xf32, #tpu.memory_space<vmem>>) attributes {dimension_semantics = [#tpu.dimension_semantics<arbitrary>], iteration_bounds = array<i64: 16>, scalar_prefetch = 0 : i64, scratch_operands = 0 : i64, tpu.core_type = #tpu.core_type<tc>, window_params = [{pipeline_mode = #tpu.pipeline_mode<synchronous>, transform_indices = @transform_0, window_bounds = array<i64: 32, 256>}, {transform_indices = @transform_1, window_bounds = array<i64: 256, 2048>}, {transform_indices = @transform_2, window_bounds = array<i64: 1, 2048>}, {transform_indices = @transform_3, window_bounds = array<i64: 32, 2048>}]} {
    %get3A = arith.constant 0 : index
    %get3A_0 = arith.constant 0 : index
    %get3A_1 = vector.load %arg1[%get3A, %get3A_0] : memref<32x256xf32, #tpu.memory_space<vmem>>, vector<32x256xf32>
    %get3A_2 = arith.constant 0 : index
    %get3A_3 = arith.constant 0 : index
    %get3A_4 = vector.load %arg2[%get3A_2, %get3A_3] : memref<256x2048xf32, #tpu.memory_space<vmem>>, vector<256x2048xf32>
    %dot_general3A = arith.constant dense<0.000000e+00> : vector<32x2048xf32>
    %dot_general3A_5 = tpu.matmul %get3A_1, %get3A_4, %dot_general3A {dimension_numbers = #tpu.dot_dimension_numbers<[1], [0], [0], [1], [0, 0, 1, 1], [], []>, transpose_lhs_hint = false} : vector<32x256xf32>, vector<256x2048xf32>, vector<32x2048xf32> -> vector<32x2048xf32>
    %get3A_6 = arith.constant 0 : index
    %get3A_7 = arith.constant 0 : index
    %get3A_8 = vector.load %arg3[%get3A_6, %get3A_7] : memref<1x2048xf32, #tpu.memory_space<vmem>>, vector<1x2048xf32>
    %add3A = vector.broadcast %get3A_8 : vector<1x2048xf32> to vector<32x2048xf32>
    %add3A_9 = arith.addf %dot_general3A_5, %add3A : vector<32x2048xf32>
    %swap3A = arith.constant 0 : index
    %swap3A_10 = arith.constant 0 : index
    %swap3A_11 = vector.load %arg4[%swap3A, %swap3A_10] : memref<32x2048xf32, #tpu.memory_space<vmem>>, vector<32x2048xf32>
    tpu.vector_store %arg4[%swap3A, %swap3A_10], %add3A_9 {strides = array<i32>} : memref<32x2048xf32, #tpu.memory_space<vmem>>, vector<32x2048xf32>,
    return
  }
  func.func @transform_0(%arg0: i32) -> (i32, i32) {
    %c0_i32 = arith.constant 0 : i32
    %c0_i32_0 = arith.constant 0 : i32
    %c0_i32_1 = arith.constant 0 : i32
    return %c0_i32, %c0_i32_0 : i32, i32
  }
  func.func @transform_1(%arg0: i32) -> (i32, i32) {
    %c0_i32 = arith.constant 0 : i32
    %c0_i32_0 = arith.constant 0 : i32
    return %c0_i32, %arg0 : i32, i32
  }
  func.func @transform_2(%arg0: i32) -> (i32, i32) {
    %c0_i32 = arith.constant 0 : i32
    %c0_i32_0 = arith.constant 0 : i32
    return %c0_i32, %arg0 : i32, i32
  }
  func.func @transform_3(%arg0: i32) -> (i32, i32) {
    %c0_i32 = arith.constant 0 : i32
    %c0_i32_0 = arith.constant 0 : i32
    return %c0_i32, %arg0 : i32, i32
  }
}

module attributes {stable_mosaic.version = 14 : i64} {
  func.func @_b_body(%arg0: i32, %arg1: memref<1x4096x8xf32, #tpu.memory_space<vmem>>, %arg2: memref<1x64x64xf32, #tpu.memory_space<vmem>>, %arg3: memref<1x1x512xf32, #tpu.memory_space<vmem>>, %arg4: memref<8x64xf32, #tpu.memory_space<vmem>>, %arg5: memref<64x64xf32, #tpu.memory_space<vmem>>, %arg6: memref<64x64xf32, #tpu.memory_space<vmem>>, %arg7: memref<1x64xf32, #tpu.memory_space<vmem>>, %arg8: memref<1x64xf32, #tpu.memory_space<vmem>>, %arg9: memref<1x64xf32, #tpu.memory_space<vmem>>, %arg10: memref<8x64xf32, #tpu.memory_space<vmem>>, %arg11: memref<64x64xf32, #tpu.memory_space<vmem>>, %arg12: memref<64x64xf32, #tpu.memory_space<vmem>>, %arg13: memref<64x8xf32, #tpu.memory_space<vmem>>, %arg14: memref<64x8xf32, #tpu.memory_space<vmem>>, %arg15: memref<64x8xf32, #tpu.memory_space<vmem>>, %arg16: memref<64x64xf32, #tpu.memory_space<vmem>>, %arg17: memref<64x64xf32, #tpu.memory_space<vmem>>, %arg18: memref<1x64xf32, #tpu.memory_space<vmem>>, %arg19: memref<64x64xf32, #tpu.memory_space<vmem>>, %arg20: memref<8x64xf32, #tpu.memory_space<vmem>>, %arg21: memref<1x64xf32, #tpu.memory_space<vmem>>, %arg22: memref<1x4096x16xf32, #tpu.memory_space<vmem>>, %arg23: memref<1x64x64xf32, #tpu.memory_space<vmem>>) attributes {dimension_semantics = [#tpu.dimension_semantics<arbitrary>], iteration_bounds = array<i64: 32>, scalar_prefetch = 0 : i64, scratch_operands = 0 : i64, tpu.core_type = #tpu.core_type<tc>, window_params = [{transform_indices = @transform_0, window_bounds = array<i64: 1, 4096, 8>}, {transform_indices = @transform_1, window_bounds = array<i64: 1, 64, 64>}, {transform_indices = @transform_2, window_bounds = array<i64: 1, 1, 512>}, {pipeline_mode = #tpu.pipeline_mode<synchronous>, transform_indices = @transform_3, window_bounds = array<i64: 8, 64>}, {pipeline_mode = #tpu.pipeline_mode<synchronous>, transform_indices = @transform_4, window_bounds = array<i64: 64, 64>}, {pipeline_mode = #tpu.pipeline_mode<synchronous>, transform_indices = @transform_5, window_bounds = array<i64: 64, 64>}, {pipeline_mode = #tpu.pipeline_mode<synchronous>, transform_indices = @transform_6, window_bounds = array<i64: 1, 64>}, {pipeline_mode = #tpu.pipeline_mode<synchronous>, transform_indices = @transform_7, window_bounds = array<i64: 1, 64>}, {pipeline_mode = #tpu.pipeline_mode<synchronous>, transform_indices = @transform_8, window_bounds = array<i64: 1, 64>}, {pipeline_mode = #tpu.pipeline_mode<synchronous>, transform_indices = @transform_9, window_bounds = array<i64: 8, 64>}, {pipeline_mode = #tpu.pipeline_mode<synchronous>, transform_indices = @transform_10, window_bounds = array<i64: 64, 64>}, {pipeline_mode = #tpu.pipeline_mode<synchronous>, transform_indices = @transform_11, window_bounds = array<i64: 64, 64>}, {pipeline_mode = #tpu.pipeline_mode<synchronous>, transform_indices = @transform_12, window_bounds = array<i64: 64, 8>}, {pipeline_mode = #tpu.pipeline_mode<synchronous>, transform_indices = @transform_13, window_bounds = array<i64: 64, 8>}, {pipeline_mode = #tpu.pipeline_mode<synchronous>, transform_indices = @transform_14, window_bounds = array<i64: 64, 8>}, {pipeline_mode = #tpu.pipeline_mode<synchronous>, transform_indices = @transform_15, window_bounds = array<i64: 64, 64>}, {pipeline_mode = #tpu.pipeline_mode<synchronous>, transform_indices = @transform_16, window_bounds = array<i64: 64, 64>}, {pipeline_mode = #tpu.pipeline_mode<synchronous>, transform_indices = @transform_17, window_bounds = array<i64: 1, 64>}, {pipeline_mode = #tpu.pipeline_mode<synchronous>, transform_indices = @transform_18, window_bounds = array<i64: 64, 64>}, {pipeline_mode = #tpu.pipeline_mode<synchronous>, transform_indices = @transform_19, window_bounds = array<i64: 8, 64>}, {pipeline_mode = #tpu.pipeline_mode<synchronous>, transform_indices = @transform_20, window_bounds = array<i64: 1, 64>}, {transform_indices = @transform_21, window_bounds = array<i64: 1, 4096, 16>}, {transform_indices = @transform_22, window_bounds = array<i64: 1, 64, 64>}]} {
    %get3A = arith.constant 0 : index
    %get3A_0 = arith.constant 0 : index
    %get3A_1 = arith.constant 0 : index
    %get3A_2 = vector.load %arg1[%get3A, %get3A_0, %get3A_1] : memref<1x4096x8xf32, #tpu.memory_space<vmem>>, vector<1x4096x8xf32>
    %get3A_3 = vector.shape_cast %get3A_2 : vector<1x4096x8xf32> to vector<4096x8xf32>
    %get3A_4 = arith.constant 0 : index
    %get3A_5 = arith.constant 0 : index
    %get3A_6 = arith.constant 0 : index
    %get3A_7 = vector.load %arg2[%get3A_4, %get3A_5, %get3A_6] : memref<1x64x64xf32, #tpu.memory_space<vmem>>, vector<1x64x64xf32>
    %get3A_8 = vector.shape_cast %get3A_7 : vector<1x64x64xf32> to vector<64x64xf32>
    %get3A_9 = arith.constant 0 : index
    %get3A_10 = arith.constant 0 : index
    %get3A_11 = arith.constant 0 : index
    %get3A_12 = vector.load %arg3[%get3A_9, %get3A_10, %get3A_11] : memref<1x1x512xf32, #tpu.memory_space<vmem>>, vector<1x1x512xf32>
    %get3A_13 = vector.shape_cast %get3A_12 : vector<1x1x512xf32> to vector<512xf32>
    %slice3A = vector.extract_strided_slice %get3A_13 {offsets = [0], sizes = [64], strides = [1]} : vector<512xf32> to vector<64xf32>
    %slice3A_14 = vector.extract_strided_slice %get3A_13 {offsets = [64], sizes = [64], strides = [1]} : vector<512xf32> to vector<64xf32>
    %slice3A_15 = vector.extract_strided_slice %get3A_13 {offsets = [128], sizes = [64], strides = [1]} : vector<512xf32> to vector<64xf32>
    %slice3A_16 = vector.extract_strided_slice %get3A_13 {offsets = [192], sizes = [64], strides = [1]} : vector<512xf32> to vector<64xf32>
    %slice3A_17 = vector.extract_strided_slice %get3A_13 {offsets = [256], sizes = [8], strides = [1]} : vector<512xf32> to vector<8xf32>
    %slice3A_18 = vector.extract_strided_slice %get3A_13 {offsets = [264], sizes = [8], strides = [1]} : vector<512xf32> to vector<8xf32>
    %slice3A_19 = vector.extract_strided_slice %get3A_13 {offsets = [272], sizes = [1], strides = [1]} : vector<512xf32> to vector<1xf32>
    %slice3A_20 = vector.extract_strided_slice %get3A_13 {offsets = [273], sizes = [1], strides = [1]} : vector<512xf32> to vector<1xf32>
    %convert_element_type3A = arith.fptosi %slice3A_20 : vector<1xf32> to vector<1xi32>
    %iota3A = tpu.iota {dimensions = array<i32: 0>} : vector<64x64xi32>
    %iota3A_21 = tpu.iota {dimensions = array<i32: 1>} : vector<64x64xi32>
    %broadcast_in_dim3A = vector.shape_cast %convert_element_type3A : vector<1xi32> to vector<1x1xi32>
    %lt3A = vector.broadcast %broadcast_in_dim3A : vector<1x1xi32> to vector<64x64xi32>
    %lt3A_22 = arith.cmpi slt, %iota3A, %lt3A : vector<64x64xi32>
    %broadcast_in_dim3A_23 = vector.shape_cast %convert_element_type3A : vector<1xi32> to vector<1x1xi32>
    %lt3A_24 = vector.broadcast %broadcast_in_dim3A_23 : vector<1x1xi32> to vector<64x64xi32>
    %lt3A_25 = arith.cmpi slt, %iota3A_21, %lt3A_24 : vector<64x64xi32>
    %and3A = arith.andi %lt3A_22, %lt3A_25 : vector<64x64xi1>
    %convert_element_type3A_26 = arith.extui %and3A : vector<64x64xi1> to vector<64x64xi32>
    %convert_element_type3A_27 = arith.sitofp %convert_element_type3A_26 : vector<64x64xi32> to vector<64x64xf32>
    %iota3A_28 = tpu.iota {dimensions = array<i32: 0>} : vector<64x1xi32>
    %broadcast_in_dim3A_29 = vector.shape_cast %convert_element_type3A : vector<1xi32> to vector<1x1xi32>
    %lt3A_30 = vector.broadcast %broadcast_in_dim3A_29 : vector<1x1xi32> to vector<64x1xi32>
    %lt3A_31 = arith.cmpi slt, %iota3A_28, %lt3A_30 : vector<64x1xi32>
    %convert_element_type3A_32 = arith.extui %lt3A_31 : vector<64x1xi1> to vector<64x1xi32>
    %convert_element_type3A_33 = arith.sitofp %convert_element_type3A_32 : vector<64x1xi32> to vector<64x1xf32>
    %div3A = arith.constant 1.000000e+00 : f32
    %div3A_34 = vector.broadcast %div3A : f32 to vector<1xf32>
    %div3A_35 = arith.divf %div3A_34, %slice3A_20 : vector<1xf32>
    %get3A_36 = arith.constant 0 : index
    %get3A_37 = arith.constant 0 : index
    %get3A_38 = vector.load %arg5[%get3A_36, %get3A_37] : memref<64x64xf32, #tpu.memory_space<vmem>>, vector<64x64xf32>
    %dot_general3A = arith.constant dense<0.000000e+00> : vector<64x64xf32>
    %dot_general3A_39 = tpu.matmul %get3A_8, %get3A_38, %dot_general3A {dimension_numbers = #tpu.dot_dimension_numbers<[1], [0], [0], [1], [0, 0, 1, 1], [], []>, transpose_lhs_hint = false} : vector<64x64xf32>, vector<64x64xf32>, vector<64x64xf32> -> vector<64x64xf32>
    %broadcast_in_dim3A_40 = vector.shape_cast %slice3A : vector<64xf32> to vector<1x64xf32>
    %add3A = vector.broadcast %broadcast_in_dim3A_40 : vector<1x64xf32> to vector<64x64xf32>
    %add3A_41 = arith.addf %dot_general3A_39, %add3A : vector<64x64xf32>
    %get3A_42 = arith.constant 0 : index
    %get3A_43 = arith.constant 0 : index
    %get3A_44 = vector.load %arg6[%get3A_42, %get3A_43] : memref<64x64xf32, #tpu.memory_space<vmem>>, vector<64x64xf32>
    %dot_general3A_45 = arith.constant dense<0.000000e+00> : vector<64x64xf32>
    %dot_general3A_46 = tpu.matmul %get3A_8, %get3A_44, %dot_general3A_45 {dimension_numbers = #tpu.dot_dimension_numbers<[1], [0], [0], [1], [0, 0, 1, 1], [], []>, transpose_lhs_hint = false} : vector<64x64xf32>, vector<64x64xf32>, vector<64x64xf32> -> vector<64x64xf32>
    %get3A_47 = arith.constant 0 : index
    %get3A_48 = arith.constant 0 : index
    %get3A_49 = vector.load %arg4[%get3A_47, %get3A_48] : memref<8x64xf32, #tpu.memory_space<vmem>>, vector<8x64xf32>
    %dot_general3A_50 = arith.constant dense<0.000000e+00> : vector<4096x64xf32>
    %dot_general3A_51 = tpu.matmul %get3A_3, %get3A_49, %dot_general3A_50 {dimension_numbers = #tpu.dot_dimension_numbers<[1], [0], [0], [1], [0, 0, 1, 1], [], []>, transpose_lhs_hint = false} : vector<4096x8xf32>, vector<8x64xf32>, vector<4096x64xf32> -> vector<4096x64xf32>
    %reshape3A = vector.shape_cast %dot_general3A_51 : vector<4096x64xf32> to vector<64x64x64xf32>
    %broadcast_in_dim3A_52 = vector.shape_cast %add3A_41 : vector<64x64xf32> to vector<64x1x64xf32>
    %add3A_53 = vector.broadcast %broadcast_in_dim3A_52 : vector<64x1x64xf32> to vector<64x64x64xf32>
    %add3A_54 = arith.addf %reshape3A, %add3A_53 : vector<64x64x64xf32>
    %broadcast_in_dim3A_55 = vector.shape_cast %dot_general3A_46 : vector<64x64xf32> to vector<1x64x64xf32>
    %add3A_56 = vector.broadcast %broadcast_in_dim3A_55 : vector<1x64x64xf32> to vector<64x64x64xf32>
    %add3A_57 = arith.addf %add3A_54, %add3A_56 : vector<64x64x64xf32>
    %get3A_58 = arith.constant 0 : index
    %get3A_59 = arith.constant 0 : index
    %get3A_60 = vector.load %arg8[%get3A_58, %get3A_59] : memref<1x64xf32, #tpu.memory_space<vmem>>, vector<1x64xf32>
    %mul3A = vector.broadcast %get3A_60 : vector<1x64xf32> to vector<64x64xf32>
    %mul3A_61 = arith.mulf %get3A_8, %mul3A : vector<64x64xf32>
    %reduce_sum3A = arith.constant dense<0.000000e+00> : vector<64xf32>
    %reduce_sum3A_62 = vector.multi_reduction <add>, %mul3A_61, %reduce_sum3A [1] : vector<64x64xf32> to vector<64xf32>
    %broadcast_in_dim3A_63 = vector.shape_cast %reduce_sum3A_62 : vector<64xf32> to vector<64x1xf32>
    %get3A_64 = arith.constant 0 : index
    %get3A_65 = arith.constant 0 : index
    %get3A_66 = vector.load %arg9[%get3A_64, %get3A_65] : memref<1x64xf32, #tpu.memory_space<vmem>>, vector<1x64xf32>
    %mul3A_67 = vector.broadcast %get3A_66 : vector<1x64xf32> to vector<64x64xf32>
    %mul3A_68 = arith.mulf %get3A_8, %mul3A_67 : vector<64x64xf32>
    %reduce_sum3A_69 = arith.constant dense<0.000000e+00> : vector<64xf32>
    %reduce_sum3A_70 = vector.multi_reduction <add>, %mul3A_68, %reduce_sum3A_69 [1] : vector<64x64xf32> to vector<64xf32>
    %broadcast_in_dim3A_71 = vector.shape_cast %reduce_sum3A_70 : vector<64xf32> to vector<64x1xf32>
    %get3A_72 = arith.constant 0 : index
    %get3A_73 = arith.constant 0 : index
    %get3A_74 = vector.load %arg7[%get3A_72, %get3A_73] : memref<1x64xf32, #tpu.memory_space<vmem>>, vector<1x64xf32>
    %broadcast_in_dim3A_75 = vector.shape_cast %get3A_74 : vector<1x64xf32> to vector<1x1x64xf32>
    %mul3A_76 = vector.broadcast %broadcast_in_dim3A_75 : vector<1x1x64xf32> to vector<64x64x64xf32>
    %mul3A_77 = arith.mulf %add3A_57, %mul3A_76 : vector<64x64x64xf32>
    %reduce_sum3A_78 = arith.constant dense<0.000000e+00> : vector<64x64xf32>
    %reduce_sum3A_79 = vector.multi_reduction <add>, %mul3A_77, %reduce_sum3A_78 [2] : vector<64x64x64xf32> to vector<64x64xf32>
    %add3A_80 = vector.broadcast %broadcast_in_dim3A_63 : vector<64x1xf32> to vector<64x64xf32>
    %add3A_81 = arith.addf %reduce_sum3A_79, %add3A_80 : vector<64x64xf32>
    %transpose3A = tpu.transpose %broadcast_in_dim3A_71, [1, 0] : vector<64x1xf32> -> vector<1x64xf32>
    %add3A_82 = vector.broadcast %transpose3A : vector<1x64xf32> to vector<64x64xf32>
    %add3A_83 = arith.addf %add3A_81, %add3A_82 : vector<64x64xf32>
    %broadcast_in_dim3A_84 = vector.shape_cast %slice3A_19 : vector<1xf32> to vector<1x1xf32>
    %add3A_85 = vector.broadcast %broadcast_in_dim3A_84 : vector<1x1xf32> to vector<64x64xf32>
    %add3A_86 = arith.addf %add3A_83, %add3A_85 : vector<64x64xf32>
    %logistic3A = arith.negf %add3A_86 : vector<64x64xf32>
    %logistic3A_87 = math.exp %logistic3A : vector<64x64xf32>
    %logistic3A_88 = arith.constant 1.000000e+00 : f32
    %logistic3A_89 = vector.broadcast %logistic3A_88 : f32 to vector<64x64xf32>
    %logistic3A_90 = arith.addf %logistic3A_89, %logistic3A_87 : vector<64x64xf32>
    %logistic3A_91 = arith.divf %logistic3A_89, %logistic3A_90 : vector<64x64xf32>
    %mul3A_92 = arith.mulf %logistic3A_91, %convert_element_type3A_27 : vector<64x64xf32>
    %broadcast_in_dim3A_93 = vector.shape_cast %mul3A_92 : vector<64x64xf32> to vector<64x64x1xf32>
    %broadcast_in_dim3A_94 = vector.broadcast %broadcast_in_dim3A_93 : vector<64x64x1xf32> to vector<64x64x64xf32>
    %broadcast_in_dim3A_95 = vector.shape_cast %mul3A_92 : vector<64x64xf32> to vector<64x64x1xf32>
    %broadcast_in_dim3A_96 = vector.broadcast %broadcast_in_dim3A_95 : vector<64x64x1xf32> to vector<64x64x8xf32>
    %get3A_97 = arith.constant 0 : index
    %get3A_98 = arith.constant 0 : index
    %get3A_99 = vector.load %arg11[%get3A_97, %get3A_98] : memref<64x64xf32, #tpu.memory_space<vmem>>, vector<64x64xf32>
    %dot_general3A_100 = arith.constant dense<0.000000e+00> : vector<64x64xf32>
    %dot_general3A_101 = tpu.matmul %get3A_8, %get3A_99, %dot_general3A_100 {dimension_numbers = #tpu.dot_dimension_numbers<[1], [0], [0], [1], [0, 0, 1, 1], [], []>, transpose_lhs_hint = false} : vector<64x64xf32>, vector<64x64xf32>, vector<64x64xf32> -> vector<64x64xf32>
    %broadcast_in_dim3A_102 = vector.shape_cast %slice3A_14 : vector<64xf32> to vector<1x64xf32>
    %add3A_103 = vector.broadcast %broadcast_in_dim3A_102 : vector<1x64xf32> to vector<64x64xf32>
    %add3A_104 = arith.addf %dot_general3A_101, %add3A_103 : vector<64x64xf32>
    %get3A_105 = arith.constant 0 : index
    %get3A_106 = arith.constant 0 : index
    %get3A_107 = vector.load %arg12[%get3A_105, %get3A_106] : memref<64x64xf32, #tpu.memory_space<vmem>>, vector<64x64xf32>
    %dot_general3A_108 = arith.constant dense<0.000000e+00> : vector<64x64xf32>
    %dot_general3A_109 = tpu.matmul %get3A_8, %get3A_107, %dot_general3A_108 {dimension_numbers = #tpu.dot_dimension_numbers<[1], [0], [0], [1], [0, 0, 1, 1], [], []>, transpose_lhs_hint = false} : vector<64x64xf32>, vector<64x64xf32>, vector<64x64xf32> -> vector<64x64xf32>
    %get3A_110 = arith.constant 0 : index
    %get3A_111 = arith.constant 0 : index
    %get3A_112 = vector.load %arg10[%get3A_110, %get3A_111] : memref<8x64xf32, #tpu.memory_space<vmem>>, vector<8x64xf32>
    %dot_general3A_113 = arith.constant dense<0.000000e+00> : vector<4096x64xf32>
    %dot_general3A_114 = tpu.matmul %get3A_3, %get3A_112, %dot_general3A_113 {dimension_numbers = #tpu.dot_dimension_numbers<[1], [0], [0], [1], [0, 0, 1, 1], [], []>, transpose_lhs_hint = false} : vector<4096x8xf32>, vector<8x64xf32>, vector<4096x64xf32> -> vector<4096x64xf32>
    %reshape3A_115 = vector.shape_cast %dot_general3A_114 : vector<4096x64xf32> to vector<64x64x64xf32>
    %broadcast_in_dim3A_116 = vector.shape_cast %add3A_104 : vector<64x64xf32> to vector<64x1x64xf32>
    %add3A_117 = vector.broadcast %broadcast_in_dim3A_116 : vector<64x1x64xf32> to vector<64x64x64xf32>
    %add3A_118 = arith.addf %reshape3A_115, %add3A_117 : vector<64x64x64xf32>
    %broadcast_in_dim3A_119 = vector.shape_cast %dot_general3A_109 : vector<64x64xf32> to vector<1x64x64xf32>
    %add3A_120 = vector.broadcast %broadcast_in_dim3A_119 : vector<1x64x64xf32> to vector<64x64x64xf32>
    %add3A_121 = arith.addf %add3A_118, %add3A_120 : vector<64x64x64xf32>
    %mul3A_122 = arith.mulf %broadcast_in_dim3A_94, %add3A_121 : vector<64x64x64xf32>
    %reduce_sum3A_123 = arith.constant dense<0.000000e+00> : vector<64x64xf32>
    %reduce_sum3A_124 = vector.multi_reduction <add>, %mul3A_122, %reduce_sum3A_123 [0] : vector<64x64x64xf32> to vector<64x64xf32>
    %broadcast_in_dim3A_125 = vector.shape_cast %div3A_35 : vector<1xf32> to vector<1x1xf32>
    %mul3A_126 = vector.broadcast %broadcast_in_dim3A_125 : vector<1x1xf32> to vector<64x64xf32>
    %mul3A_127 = arith.mulf %reduce_sum3A_124, %mul3A_126 : vector<64x64xf32>
    %get3A_128 = arith.constant 0 : index
    %get3A_129 = arith.constant 0 : index
    %get3A_130 = vector.load %arg16[%get3A_128, %get3A_129] : memref<64x64xf32, #tpu.memory_space<vmem>>, vector<64x64xf32>
    %dot_general3A_131 = arith.constant dense<0.000000e+00> : vector<64x64xf32>
    %dot_general3A_132 = tpu.matmul %get3A_8, %get3A_130, %dot_general3A_131 {dimension_numbers = #tpu.dot_dimension_numbers<[1], [0], [0], [1], [0, 0, 1, 1], [], []>, transpose_lhs_hint = false} : vector<64x64xf32>, vector<64x64xf32>, vector<64x64xf32> -> vector<64x64xf32>
    %get3A_133 = arith.constant 0 : index
    %get3A_134 = arith.constant 0 : index
    %get3A_135 = vector.load %arg17[%get3A_133, %get3A_134] : memref<64x64xf32, #tpu.memory_space<vmem>>, vector<64x64xf32>
    %dot_general3A_136 = arith.constant dense<0.000000e+00> : vector<64x64xf32>
    %dot_general3A_137 = tpu.matmul %mul3A_127, %get3A_135, %dot_general3A_136 {dimension_numbers = #tpu.dot_dimension_numbers<[1], [0], [0], [1], [0, 0, 1, 1], [], []>, transpose_lhs_hint = false} : vector<64x64xf32>, vector<64x64xf32>, vector<64x64xf32> -> vector<64x64xf32>
    %add3A_138 = arith.addf %dot_general3A_132, %dot_general3A_137 : vector<64x64xf32>
    %broadcast_in_dim3A_139 = vector.shape_cast %slice3A_15 : vector<64xf32> to vector<1x64xf32>
    %mul3A_140 = vector.broadcast %convert_element_type3A_33 : vector<64x1xf32> to vector<64x64xf32>
    %mul3A_141 = vector.broadcast %broadcast_in_dim3A_139 : vector<1x64xf32> to vector<64x64xf32>
    %mul3A_142 = arith.mulf %mul3A_140, %mul3A_141 : vector<64x64xf32>
    %add3A_143 = arith.addf %add3A_138, %mul3A_142 : vector<64x64xf32>
    %get3A_144 = arith.constant 0 : index
    %get3A_145 = arith.constant 0 : index
    %get3A_146 = vector.load %arg18[%get3A_144, %get3A_145] : memref<1x64xf32, #tpu.memory_space<vmem>>, vector<1x64xf32>
    %add3A_147 = vector.broadcast %get3A_146 : vector<1x64xf32> to vector<64x64xf32>
    %add3A_148 = arith.addf %add3A_143, %add3A_147 : vector<64x64xf32>
    %get3A_149 = arith.constant 0 : index
    %get3A_150 = arith.constant 0 : index
    %get3A_151 = vector.load %arg14[%get3A_149, %get3A_150] : memref<64x8xf32, #tpu.memory_space<vmem>>, vector<64x8xf32>
    %dot_general3A_152 = arith.constant dense<0.000000e+00> : vector<64x8xf32>
    %dot_general3A_153 = tpu.matmul %add3A_148, %get3A_151, %dot_general3A_152 {dimension_numbers = #tpu.dot_dimension_numbers<[1], [0], [0], [1], [0, 0, 1, 1], [], []>, transpose_lhs_hint = false} : vector<64x64xf32>, vector<64x8xf32>, vector<64x8xf32> -> vector<64x8xf32>
    %broadcast_in_dim3A_154 = vector.shape_cast %slice3A_17 : vector<8xf32> to vector<1x8xf32>
    %add3A_155 = vector.broadcast %broadcast_in_dim3A_154 : vector<1x8xf32> to vector<64x8xf32>
    %add3A_156 = arith.addf %dot_general3A_153, %add3A_155 : vector<64x8xf32>
    %get3A_157 = arith.constant 0 : index
    %get3A_158 = arith.constant 0 : index
    %get3A_159 = vector.load %arg15[%get3A_157, %get3A_158] : memref<64x8xf32, #tpu.memory_space<vmem>>, vector<64x8xf32>
    %dot_general3A_160 = arith.constant dense<0.000000e+00> : vector<64x8xf32>
    %dot_general3A_161 = tpu.matmul %add3A_148, %get3A_159, %dot_general3A_160 {dimension_numbers = #tpu.dot_dimension_numbers<[1], [0], [0], [1], [0, 0, 1, 1], [], []>, transpose_lhs_hint = false} : vector<64x64xf32>, vector<64x8xf32>, vector<64x8xf32> -> vector<64x8xf32>
    %reshape3A_162 = vector.shape_cast %add3A_121 : vector<64x64x64xf32> to vector<4096x64xf32>
    %get3A_163 = arith.constant 0 : index
    %get3A_164 = arith.constant 0 : index
    %get3A_165 = vector.load %arg13[%get3A_163, %get3A_164] : memref<64x8xf32, #tpu.memory_space<vmem>>, vector<64x8xf32>
    %dot_general3A_166 = arith.constant dense<0.000000e+00> : vector<4096x8xf32>
    %dot_general3A_167 = tpu.matmul %reshape3A_162, %get3A_165, %dot_general3A_166 {dimension_numbers = #tpu.dot_dimension_numbers<[1], [0], [0], [1], [0, 0, 1, 1], [], []>, transpose_lhs_hint = false} : vector<4096x64xf32>, vector<64x8xf32>, vector<4096x8xf32> -> vector<4096x8xf32>
    %reshape3A_168 = vector.shape_cast %dot_general3A_167 : vector<4096x8xf32> to vector<64x64x8xf32>
    %broadcast_in_dim3A_169 = vector.shape_cast %add3A_156 : vector<64x8xf32> to vector<64x1x8xf32>
    %add3A_170 = vector.broadcast %broadcast_in_dim3A_169 : vector<64x1x8xf32> to vector<64x64x8xf32>
    %add3A_171 = arith.addf %reshape3A_168, %add3A_170 : vector<64x64x8xf32>
    %broadcast_in_dim3A_172 = vector.shape_cast %dot_general3A_161 : vector<64x8xf32> to vector<1x64x8xf32>
    %add3A_173 = vector.broadcast %broadcast_in_dim3A_172 : vector<1x64x8xf32> to vector<64x64x8xf32>
    %add3A_174 = arith.addf %add3A_171, %add3A_173 : vector<64x64x8xf32>
    %mul3A_175 = arith.mulf %broadcast_in_dim3A_96, %add3A_174 : vector<64x64x8xf32>
    %reduce_sum3A_176 = arith.constant dense<0.000000e+00> : vector<64x8xf32>
    %reduce_sum3A_177 = vector.multi_reduction <add>, %mul3A_175, %reduce_sum3A_176 [0] : vector<64x64x8xf32> to vector<64x8xf32>
    %broadcast_in_dim3A_178 = vector.shape_cast %div3A_35 : vector<1xf32> to vector<1x1xf32>
    %mul3A_179 = vector.broadcast %broadcast_in_dim3A_178 : vector<1x1xf32> to vector<64x8xf32>
    %mul3A_180 = arith.mulf %reduce_sum3A_177, %mul3A_179 : vector<64x8xf32>
    %get3A_181 = arith.constant 0 : index
    %get3A_182 = arith.constant 0 : index
    %get3A_183 = vector.load %arg19[%get3A_181, %get3A_182] : memref<64x64xf32, #tpu.memory_space<vmem>>, vector<64x64xf32>
    %dot_general3A_184 = arith.constant dense<0.000000e+00> : vector<64x64xf32>
    %dot_general3A_185 = tpu.matmul %add3A_148, %get3A_183, %dot_general3A_184 {dimension_numbers = #tpu.dot_dimension_numbers<[1], [0], [0], [1], [0, 0, 1, 1], [], []>, transpose_lhs_hint = false} : vector<64x64xf32>, vector<64x64xf32>, vector<64x64xf32> -> vector<64x64xf32>
    %get3A_186 = arith.constant 0 : index
    %get3A_187 = arith.constant 0 : index
    %get3A_188 = vector.load %arg20[%get3A_186, %get3A_187] : memref<8x64xf32, #tpu.memory_space<vmem>>, vector<8x64xf32>
    %dot_general3A_189 = arith.constant dense<0.000000e+00> : vector<64x64xf32>
    %dot_general3A_190 = tpu.matmul %mul3A_180, %get3A_188, %dot_general3A_189 {dimension_numbers = #tpu.dot_dimension_numbers<[1], [0], [0], [1], [0, 0, 1, 1], [], []>, transpose_lhs_hint = false} : vector<64x8xf32>, vector<8x64xf32>, vector<64x64xf32> -> vector<64x64xf32>
    %add3A_191 = arith.addf %dot_general3A_185, %dot_general3A_190 : vector<64x64xf32>
    %broadcast_in_dim3A_192 = vector.shape_cast %slice3A_16 : vector<64xf32> to vector<1x64xf32>
    %mul3A_193 = vector.broadcast %convert_element_type3A_33 : vector<64x1xf32> to vector<64x64xf32>
    %mul3A_194 = vector.broadcast %broadcast_in_dim3A_192 : vector<1x64xf32> to vector<64x64xf32>
    %mul3A_195 = arith.mulf %mul3A_193, %mul3A_194 : vector<64x64xf32>
    %add3A_196 = arith.addf %add3A_191, %mul3A_195 : vector<64x64xf32>
    %get3A_197 = arith.constant 0 : index
    %get3A_198 = arith.constant 0 : index
    %get3A_199 = vector.load %arg21[%get3A_197, %get3A_198] : memref<1x64xf32, #tpu.memory_space<vmem>>, vector<1x64xf32>
    %add3A_200 = vector.broadcast %get3A_199 : vector<1x64xf32> to vector<64x64xf32>
    %add3A_201 = arith.addf %add3A_196, %add3A_200 : vector<64x64xf32>
    %swap3A = arith.constant 0 : index
    %swap3A_202 = arith.constant 0 : index
    %swap3A_203 = arith.constant 0 : index
    %swap3A_204 = vector.load %arg23[%swap3A, %swap3A_202, %swap3A_203] : memref<1x64x64xf32, #tpu.memory_space<vmem>>, vector<1x64x64xf32>
    %swap3A_205 = vector.shape_cast %swap3A_204 : vector<1x64x64xf32> to vector<64x64xf32>
    %swap3A_206 = vector.shape_cast %add3A_201 : vector<64x64xf32> to vector<1x64x64xf32>
    tpu.vector_store %arg23[%swap3A, %swap3A_202, %swap3A_203], %swap3A_206 {strides = array<i32>} : memref<1x64x64xf32, #tpu.memory_space<vmem>>, vector<1x64x64xf32>,
    %broadcast_in_dim3A_207 = vector.shape_cast %convert_element_type3A_27 : vector<64x64xf32> to vector<64x64x1xf32>
    %broadcast_in_dim3A_208 = vector.broadcast %broadcast_in_dim3A_207 : vector<64x64x1xf32> to vector<64x64x8xf32>
    %mul3A_209 = arith.mulf %broadcast_in_dim3A_208, %add3A_174 : vector<64x64x8xf32>
    %sub3A = arith.constant 1.000000e+00 : f32
    %sub3A_210 = vector.broadcast %sub3A : f32 to vector<64x64x8xf32>
    %sub3A_211 = arith.subf %sub3A_210, %broadcast_in_dim3A_208 : vector<64x64x8xf32>
    %broadcast_in_dim3A_212 = vector.shape_cast %slice3A_18 : vector<8xf32> to vector<1x1x8xf32>
    %mul3A_213 = vector.broadcast %broadcast_in_dim3A_212 : vector<1x1x8xf32> to vector<64x64x8xf32>
    %mul3A_214 = arith.mulf %sub3A_211, %mul3A_213 : vector<64x64x8xf32>
    %add3A_215 = arith.addf %mul3A_209, %mul3A_214 : vector<64x64x8xf32>
    %iota3A_216 = tpu.iota {dimensions = array<i32: 2>} : vector<1x1x8xi32>
    %eq3A = arith.constant 0 : i32
    %eq3A_217 = vector.broadcast %eq3A : i32 to vector<1x1x8xi32>
    %eq3A_218 = arith.cmpi eq, %iota3A_216, %eq3A_217 : vector<1x1x8xi32>
    %convert_element_type3A_219 = arith.extui %eq3A_218 : vector<1x1x8xi1> to vector<1x1x8xi32>
    %convert_element_type3A_220 = arith.sitofp %convert_element_type3A_219 : vector<1x1x8xi32> to vector<1x1x8xf32>
    %mul3A_221 = vector.broadcast %convert_element_type3A_220 : vector<1x1x8xf32> to vector<64x64x8xf32>
    %mul3A_222 = arith.mulf %broadcast_in_dim3A_96, %mul3A_221 : vector<64x64x8xf32>
    %concatenate3A = tpu.concatenate %add3A_215, %mul3A_222 in 2 : vector<64x64x8xf32>, vector<64x64x8xf32> -> vector<64x64x16xf32>
    %reshape3A_223 = vector.shape_cast %concatenate3A : vector<64x64x16xf32> to vector<4096x16xf32>
    %swap3A_224 = arith.constant 0 : index
    %swap3A_225 = arith.constant 0 : index
    %swap3A_226 = arith.constant 0 : index
    %swap3A_227 = vector.load %arg22[%swap3A_224, %swap3A_225, %swap3A_226] : memref<1x4096x16xf32, #tpu.memory_space<vmem>>, vector<1x4096x16xf32>
    %swap3A_228 = vector.shape_cast %swap3A_227 : vector<1x4096x16xf32> to vector<4096x16xf32>
    %swap3A_229 = vector.shape_cast %reshape3A_223 : vector<4096x16xf32> to vector<1x4096x16xf32>
    tpu.vector_store %arg22[%swap3A_224, %swap3A_225, %swap3A_226], %swap3A_229 {strides = array<i32>} : memref<1x4096x16xf32, #tpu.memory_space<vmem>>, vector<1x4096x16xf32>,
    return
  }
  func.func @transform_0(%arg0: i32) -> (i32, i32, i32) {
    %c0_i32 = arith.constant 0 : i32
    %c0_i32_0 = arith.constant 0 : i32
    %c0_i32_1 = arith.constant 0 : i32
    return %arg0, %c0_i32, %c0_i32_0 : i32, i32, i32
  }
  func.func @transform_1(%arg0: i32) -> (i32, i32, i32) {
    %c0_i32 = arith.constant 0 : i32
    %c0_i32_0 = arith.constant 0 : i32
    %c0_i32_1 = arith.constant 0 : i32
    return %arg0, %c0_i32, %c0_i32_0 : i32, i32, i32
  }
  func.func @transform_2(%arg0: i32) -> (i32, i32, i32) {
    %c0_i32 = arith.constant 0 : i32
    %c0_i32_0 = arith.constant 0 : i32
    %c0_i32_1 = arith.constant 0 : i32
    return %arg0, %c0_i32, %c0_i32_0 : i32, i32, i32
  }
  func.func @transform_3(%arg0: i32) -> (i32, i32) {
    %c0_i32 = arith.constant 0 : i32
    %c0_i32_0 = arith.constant 0 : i32
    %c0_i32_1 = arith.constant 0 : i32
    return %c0_i32, %c0_i32_0 : i32, i32
  }
  func.func @transform_4(%arg0: i32) -> (i32, i32) {
    %c0_i32 = arith.constant 0 : i32
    %c0_i32_0 = arith.constant 0 : i32
    %c0_i32_1 = arith.constant 0 : i32
    return %c0_i32, %c0_i32_0 : i32, i32
  }
  func.func @transform_5(%arg0: i32) -> (i32, i32) {
    %c0_i32 = arith.constant 0 : i32
    %c0_i32_0 = arith.constant 0 : i32
    %c0_i32_1 = arith.constant 0 : i32
    return %c0_i32, %c0_i32_0 : i32, i32
  }
  func.func @transform_6(%arg0: i32) -> (i32, i32) {
    %c0_i32 = arith.constant 0 : i32
    %c0_i32_0 = arith.constant 0 : i32
    %c0_i32_1 = arith.constant 0 : i32
    return %c0_i32, %c0_i32_0 : i32, i32
  }
  func.func @transform_7(%arg0: i32) -> (i32, i32) {
    %c0_i32 = arith.constant 0 : i32
    %c0_i32_0 = arith.constant 0 : i32
    %c0_i32_1 = arith.constant 0 : i32
    return %c0_i32, %c0_i32_0 : i32, i32
  }
  func.func @transform_8(%arg0: i32) -> (i32, i32) {
    %c0_i32 = arith.constant 0 : i32
    %c0_i32_0 = arith.constant 0 : i32
    %c0_i32_1 = arith.constant 0 : i32
    return %c0_i32, %c0_i32_0 : i32, i32
  }
  func.func @transform_9(%arg0: i32) -> (i32, i32) {
    %c0_i32 = arith.constant 0 : i32
    %c0_i32_0 = arith.constant 0 : i32
    %c0_i32_1 = arith.constant 0 : i32
    return %c0_i32, %c0_i32_0 : i32, i32
  }
  func.func @transform_10(%arg0: i32) -> (i32, i32) {
    %c0_i32 = arith.constant 0 : i32
    %c0_i32_0 = arith.constant 0 : i32
    %c0_i32_1 = arith.constant 0 : i32
    return %c0_i32, %c0_i32_0 : i32, i32
  }
  func.func @transform_11(%arg0: i32) -> (i32, i32) {
    %c0_i32 = arith.constant 0 : i32
    %c0_i32_0 = arith.constant 0 : i32
    %c0_i32_1 = arith.constant 0 : i32
    return %c0_i32, %c0_i32_0 : i32, i32
  }
  func.func @transform_12(%arg0: i32) -> (i32, i32) {
    %c0_i32 = arith.constant 0 : i32
    %c0_i32_0 = arith.constant 0 : i32
    %c0_i32_1 = arith.constant 0 : i32
    return %c0_i32, %c0_i32_0 : i32, i32
  }
  func.func @transform_13(%arg0: i32) -> (i32, i32) {
    %c0_i32 = arith.constant 0 : i32
    %c0_i32_0 = arith.constant 0 : i32
    %c0_i32_1 = arith.constant 0 : i32
    return %c0_i32, %c0_i32_0 : i32, i32
  }
  func.func @transform_14(%arg0: i32) -> (i32, i32) {
    %c0_i32 = arith.constant 0 : i32
    %c0_i32_0 = arith.constant 0 : i32
    %c0_i32_1 = arith.constant 0 : i32
    return %c0_i32, %c0_i32_0 : i32, i32
  }
  func.func @transform_15(%arg0: i32) -> (i32, i32) {
    %c0_i32 = arith.constant 0 : i32
    %c0_i32_0 = arith.constant 0 : i32
    %c0_i32_1 = arith.constant 0 : i32
    return %c0_i32, %c0_i32_0 : i32, i32
  }
  func.func @transform_16(%arg0: i32) -> (i32, i32) {
    %c0_i32 = arith.constant 0 : i32
    %c0_i32_0 = arith.constant 0 : i32
    %c0_i32_1 = arith.constant 0 : i32
    return %c0_i32, %c0_i32_0 : i32, i32
  }
  func.func @transform_17(%arg0: i32) -> (i32, i32) {
    %c0_i32 = arith.constant 0 : i32
    %c0_i32_0 = arith.constant 0 : i32
    %c0_i32_1 = arith.constant 0 : i32
    return %c0_i32, %c0_i32_0 : i32, i32
  }
  func.func @transform_18(%arg0: i32) -> (i32, i32) {
    %c0_i32 = arith.constant 0 : i32
    %c0_i32_0 = arith.constant 0 : i32
    %c0_i32_1 = arith.constant 0 : i32
    return %c0_i32, %c0_i32_0 : i32, i32
  }
  func.func @transform_19(%arg0: i32) -> (i32, i32) {
    %c0_i32 = arith.constant 0 : i32
    %c0_i32_0 = arith.constant 0 : i32
    %c0_i32_1 = arith.constant 0 : i32
    return %c0_i32, %c0_i32_0 : i32, i32
  }
  func.func @transform_20(%arg0: i32) -> (i32, i32) {
    %c0_i32 = arith.constant 0 : i32
    %c0_i32_0 = arith.constant 0 : i32
    %c0_i32_1 = arith.constant 0 : i32
    return %c0_i32, %c0_i32_0 : i32, i32
  }
  func.func @transform_21(%arg0: i32) -> (i32, i32, i32) {
    %c0_i32 = arith.constant 0 : i32
    %c0_i32_0 = arith.constant 0 : i32
    %c0_i32_1 = arith.constant 0 : i32
    return %arg0, %c0_i32, %c0_i32_0 : i32, i32, i32
  }
  func.func @transform_22(%arg0: i32) -> (i32, i32, i32) {
    %c0_i32 = arith.constant 0 : i32
    %c0_i32_0 = arith.constant 0 : i32
    %c0_i32_1 = arith.constant 0 : i32
    return %arg0, %c0_i32, %c0_i32_0 : i32, i32, i32
  }
}

</mosaic_0001>

<sc_bundles>
// kernel: kernel.10.cloned.1.call-start
scs
__scs_entry_jumppad:
0x0: {  	(pc) =	sbr.rel $0x88, $3  }
0x1: {  	(tag) =	ssettag $0x0;
	lr =	simm.s32 $0x1  }
0x2: {  	[smem:$0x3F8C] =	sst lr;
	_ =	strace $0xD0000000  }
0x3: {  	_ = 	snop  }
0x4: {  	_ = 	snop  }
0x5: {  	_ = 	snop  }
0x6: {  	_ = 	snop  }
0x7: {  	_ = 	snop  }
__scs_overlays_trampoline_lowered:
0x8: {  	[smem:$0x3F9B] =	sst s0  }
0x9: {  	[smem:$0x3F9C] =	sst s1  }
0xa: {  	[smem:$0x3F9D] =	sst s2  }
0xb: {  	[smem:$0x3F9E] =	sst s3  }
0xc: {  	[smem:$0x3F9F] =	sst s4  }
0xd: {  	[smem:$0x3FA0] =	sst s5  }
0xe: {  	[smem:$0x3FA1] =	sst s6  }
0xf: {  	[smem:$0x3FA2] =	sst s7  }
0x10: {  	[smem:$0x3FA3] =	sst s8  }
0x11: {  	[smem:$0x3FA4] =	sst s9;
	s0 =	simm.s32 @!p0 $0x0  }
0x12: {  	s1 =	sld [smem:$0x3F8A];
	s0 =	simm.s32 @p0 $0x1  }
0x13: {  	[smem:$0x3FA5] =	sst s0;
	s0 =	simm.s32 @!p1 $0x0  }
0x14: {  	s2 =	sld [smem:$0x3F89];
	s0 =	simm.s32 @p1 $0x1  }
0x15: {  	[smem:$0x3FA6] =	sst s0;
	s0 =	simm.s32 @!p2 $0x0  }
0x16: {  	s3 =	sld [smem:$0x3FDB];
	s0 =	simm.s32 @p2 $0x1  }
0x17: {  	s4 =	simm.s32 $0x1BF5;
	[smem:$0x3FA8] =	sst s0  }
0x18: {  	s0 =	sld [smem:$0x3F8B];
	_ =	swait.ge [sflag:s4], $0x0  }
0x19: {  	s7 =	sld [smem:$0x3F8C]  }
0x1a: {  	s8 =	sadd.s32 $0xFFFFE003, lr  }
0x1b: {  	s9 =	sadd.s32 $0xFFFFFEF7, lr;
	s5 =	simm.s32 $0xFFFFFFFF;
	p2 =	slt.u32 s8, $0xFFFFF086  }
0x1c: {  	p1 =	slt.u32 s9, $0xF7A;
	s5 =	simm.s32 @!p2 $0x0  }
0x1d: {  	s5 =	simm.s32 @p1 $0x1;
	p0 =	seq.s32 s7, s2  }
0x1e: {  	s7 =	smul.u32 @!p0 $0xF7A, s2;
	p2 =	seq.s32 @!p0 s5, $0x0  }
0x1f: {  	s9 =	smul.u32 $0xF7A, s1;
	s8 =	simm.s32 @!p0 $0x1BF5;
	p2 =	por !p2, p0  }
0x20: {  	[sflag:s8] =	ssyncset.s32 @!p0 $0xFFFFF086;
	s6 =	sadd.s32 @!p0 s3, s7;
	s7 =	simm.s32 @!p0 $0x108  }
0x21: {  	s3 =	sadd.s32 s3, s9;
	s6 =	sadd.s32 @!p0 $0x88, s6;
	s7 =	simm.s32 @p2 $0x1082  }
0x22: {  	[simem:s7], [sflag:s8] =	dma.local @!p0 [hbm:s6], $0xF7A  }
0x23: {  	s9 =	sor.u32 $0xD0000000, s2;
	s6 =	simm.s32 $0x108;
	_ =	swait.ge @!p0 [sflag:s8], $0x0  }
0x24: {  	s3 =	sadd.s32 $0x88, s3;
	s6 =	simm.s32 @!p1 $0x1082;
	[sflag:s4] =	ssyncset.s32 $0xFFFFF086  }
0x25: {  	[simem:s6], [sflag:s4] =	dma.local [hbm:s3], $0xF7A  }
0x26: {  	[smem:$0x3F8C] =	sst s1;
	(tag) =	ssettag s2;
	_ =	strace s9  }
0x27: {  	s1 =	sld [smem:$0x3F9C]  }
0x28: {  	s2 =	sld [smem:$0x3F9D]  }
0x29: {  	s4 =	sld [smem:$0x3F9F]  }
0x2a: {  	p0 =	seq.s32 s5, $0x0;
	s5 =	sld [smem:$0x3FA0]  }
0x2b: {  	s6 =	sld [smem:$0x3FA1]  }
0x2c: {  	s7 =	sld [smem:$0x3FA2]  }
0x2d: {  	s3 =	simm.s32 $0x108;
	s8 =	sld [smem:$0x3FA3]  }
0x2e: {  	s3 =	simm.s32 @!p0 $0x1082;
	s9 =	sld [smem:$0x3FA4]  }
0x2f: {  	lr =	sadd.s32 s0, s3;
	s0 =	sld [smem:$0x3F9B]  }
0x30: {  	s3 =	sld [smem:$0x3F9E]  }
0x31: {  	[smem:$0x3FA7] =	sst s10  }
0x32: {  	s10 =	sld [smem:$0x3FA5];
	_ =	sdelay $0x3  }
0x33: {  	p0 =	seq.s32 s10, $0x1;
	s10 =	sld [smem:$0x3FA7];
	_ =	sdelay $0x3  }
0x34: {  	[smem:$0x3FA7] =	sst s10  }
0x35: {  	s10 =	sld [smem:$0x3FA6];
	_ =	sdelay $0x3  }
0x36: {  	p1 =	seq.s32 s10, $0x1;
	s10 =	sld [smem:$0x3FA7];
	_ =	sdelay $0x3  }
0x37: {  	[smem:$0x3FA7] =	sst s10  }
0x38: {  	s10 =	sld [smem:$0x3FA8]  }
0x39: {  	_ = 	snop;
	(pc) =	sbr.ind lr, $3  }
0x3a: {  	_ = 	snop  }
0x3b: {  	_ = 	snop  }
0x3c: {  	p2 =	seq.s32 s10, $0x1;
	s10 =	sld [smem:$0x3FA7]  }
0x3d: {  	_ =	shalt  }
0x3e: {  	_ =	shalt  }
0x3f: {  	_ =	shalt  }
0x40: {  	_ =	shalt  }
0x41: {  	_ =	shalt  }
0x42: {  	_ =	shalt  }
0x43: {  	_ =	shalt  }
0x44: {  	_ =	shalt  }
0x45: {  	_ =	shalt  }
0x46: {  	_ =	shalt  }
0x47: {  	_ =	shalt  }
0x48: {  	_ =	shalt  }
0x49: {  	_ =	shalt  }
0x4a: {  	_ =	shalt  }
0x4b: {  	_ =	shalt  }
0x4c: {  	_ =	shalt  }
0x4d: {  	_ =	shalt  }
0x4e: {  	_ =	shalt  }
0x4f: {  	_ =	shalt  }
0x50: {  	_ =	shalt  }
0x51: {  	_ =	shalt  }
0x52: {  	_ =	shalt  }
0x53: {  	_ =	shalt  }
0x54: {  	_ =	shalt  }
0x55: {  	_ =	shalt  }
0x56: {  	_ =	shalt  }
0x57: {  	_ =	shalt  }
0x58: {  	_ =	shalt  }
0x59: {  	_ =	shalt  }
0x5a: {  	_ =	shalt  }
0x5b: {  	_ =	shalt  }
0x5c: {  	_ =	shalt  }
0x5d: {  	_ =	shalt  }
0x5e: {  	_ =	shalt  }
0x5f: {  	_ =	shalt  }
0x60: {  	_ =	shalt  }
0x61: {  	_ =	shalt  }
0x62: {  	_ =	shalt  }
0x63: {  	_ =	shalt  }
0x64: {  	_ =	shalt  }
0x65: {  	_ =	shalt  }
0x66: {  	_ =	shalt  }
0x67: {  	_ =	shalt  }
0x68: {  	_ =	shalt  }
0x69: {  	_ =	shalt  }
0x6a: {  	_ =	shalt  }
0x6b: {  	_ =	shalt  }
0x6c: {  	_ =	shalt  }
0x6d: {  	_ =	shalt  }
0x6e: {  	_ =	shalt  }
0x6f: {  	_ =	shalt  }
0x70: {  	_ =	shalt  }
0x71: {  	_ =	shalt  }
0x72: {  	_ =	shalt  }
0x73: {  	_ =	shalt  }
0x74: {  	_ =	shalt  }
0x75: {  	_ =	shalt  }
0x76: {  	_ =	shalt  }
0x77: {  	_ =	shalt  }
0x78: {  	_ =	shalt  }
0x79: {  	_ =	shalt  }
0x7a: {  	_ =	shalt  }
0x7b: {  	_ =	shalt  }
0x7c: {  	_ =	shalt  }
0x7d: {  	_ =	shalt  }
0x7e: {  	_ =	shalt  }
0x7f: {  	_ =	shalt  }
0x80: {  	_ =	shalt  }
0x81: {  	_ =	shalt  }
0x82: {  	_ =	shalt  }
0x83: {  	_ =	shalt  }
0x84: {  	_ =	shalt  }
0x85: {  	_ =	shalt  }
0x86: {  	_ =	shalt  }
0x87: {  	_ =	shalt  }
.Lfunc_end0:
.L_simem_size_0:
called_computation.1_lowered:
.L_overlay_start_0:
0x88: {  	s2 =	sld [smem:$0x3FD9]  }
0x89: {  	s3 =	sld [smem:$0x3FFE];
	_ =	sdelay $0x1  }
0x8a: {  	s1 =	srdreg.scid  }
0x8b: {  	s0 =	sand.u32 $0x1, s1  }
0x8c: {  	s14 =	sshll.u32 s0, $0xA;
	s2 =	sadd.s32 s3, s2  }
0x8d: {  	s2 =	sadd.s32 s2, s14  }
0x8e: {  	[smem:$0x3FB3] =	sst s2  }
0x8f: {  	_ = 	snop  }
0x90: {  	s2 =	sld [smem:$0x3FD0];
	_ =	sdelay $0x2  }
0x91: {  	s15 =	simm.s32 $0xA;
	s4 =	simm.s32 $0x10  }
0x92: {  	[smem:s4], [sflag:s15] =	dma.local [hbm:s2], $0x1  }
0x93: {  	_ =	swait.eq [sflag:s15], $0x1  }
0x94: {  	[sflag:s15] =	ssyncset.done $0x0  }
0x95: {  	[sflag:s15] =	ssyncadd.s32 $0xFFFFFFFF  }
0x96: {  	s16 =	sld [smem:$0x12];
	(tm) =	ssettm $0x1  }
0x97: {  	s17 =	sld [smem:$0x3FFB];
	_ =	sdelay $0x3  }
0x98: {  	_ =	strace s17  }
0x99: {  	s3 =	sld [smem:$0x3FFC];
	_ =	sdelay $0x3  }
0x9a: {  	_ =	strace s3  }
0x9b: {  	s3 =	sld [smem:$0x3FFD];
	_ =	sdelay $0x3  }
0x9c: {  	_ =	strace s3  }
0x9d: {  	_ =	strace $0x8FFFFFFF  }
0x9e: {  	s18 =	sld [smem:$0x3FDB];
	_ =	sdelay $0x1  }
0x9f: {  	s19 =	simm.s32 $_scs_section_size  }
0xa0: {  	s5 =	simm.s32 $_size__tile_overlayer_lowered;
	s6 =	simm.s32 $_tile_overlayer_lowered  }
0xa1: {  	s22 =	simm.s32 $0x1BFF;
	s21 =	sshll.u32 s6, $0x1;
	s3 =	sadd.s32 s19, s18  }
0xa2: {  	s7 =	simm.s32 $0x0;
	s20 =	sshll.u32 s5, $0x1;
	s5 =	sadd.s32 s21, s3  }
0xa3: {  	[timem:s7], [sflag:s22] =	dma.local [hbm:s5], s20  }
0xa4: {  	_ =	swait.ge [sflag:s22], s20  }
0xa5: {  	s4 =	ssub.s32 $0x0, s20;
	[sflag:s22] =	ssyncset.done $0x0  }
0xa6: {  	[sflag:s22] =	ssyncadd.s32 s4;
	_ =	sdelay $0x1  }
0xa7: {  	s23 =	simm.s32 $0x1B8B  }
0xa8: {  	_ =	swait.ge [sflag:s23], $0x1  }
0xa9: {  	[sflag:s23] =	ssyncset.done $0x0  }
0xaa: {  	s25 =	simm.s32 $0x1B8E;
	s24 =	sld [smem:$0x3FFE];
	[sflag:s23] =	ssyncadd.s32 $0xFFFFFFFF  }
0xab: {  	s26 =	simm.s32 $execute0_lowered;
	[smem:$0x3FD2] =	sst s25  }
0xac: {  	s5 =	sshll.u32 s26, $0x1;
	_ =	strace $0x80000049;
	[dreg:$0x1] =	wrdreg $0xFFFFFFFF  }
0xad: {  	s28 =	simm.s32 $_size_execute0_lowered;
	s3 =	sadd.s32 s3, s5;
	[dreg:$0x0] =	wrdreg $0x0  }
0xae: {  	s5 =	sshll.u32 s28, $0x1;
	[dreg:$0x2] =	wrdreg s3  }
0xaf: {  	[dreg:$0x3] =	wrdreg s5  }
0xb0: {  	[dreg:$0x4] =	wrdreg $0xC0  }
0xb1: {  	_ =	task [dreg:s7], $0x5FFFF  }
0xb2: {  	[dreg:$0x1] =	wrdreg $0xFFFFFFFF  }
0xb3: {  	[dreg:$0x0] =	wrdreg $0x60  }
0xb4: {  	[dreg:$0x2] =	wrdreg s24  }
0xb5: {  	[dreg:$0x3] =	wrdreg s16  }
0xb6: {  	[dreg:$0x4] =	wrdreg $0x9  }
0xb7: {  	_ =	task.clear_ibuf [dreg:s7], $0x5FFFF;
	_ =	strace $0x90000049  }
0xb8: {  	s29 =	simm.s32 $0x9;
	_ =	strace $0x8000004B  }
0xb9: {  	_ =	swait.ge [sflag:s29], $0x1  }
0xba: {  	[sflag:s29] =	ssyncadd.s32 $0xFFFFFFFF  }
0xbb: {  	_ =	strace $0x9000004B  }
0xbc: {  	_ =	sfence  }
0xbd: {  	s30 =	sld [smem:$0x0];
	_ =	sdelay $0x2  }
0xbe: {  	s31 =	sshll.u32 s1, $0xD;
	s1 =	sshrl.u32 s1, $0x2  }
0xbf: {  	s3 =	sand.u32 $0x4000, s31;
	s1 =	sadd.s32 s1, s30  }
0xc0: {  	s0 =	sor.u32 s3, s0;
	s1 =	sshll.u32 s1, $0x11  }
0xc1: {  	s0 =	sor.u32 s1, s0  }
0xc2: {  	s0 =	sadd.s32 $0x8F2B, s0  }
0xc3: {  	[sflag:s0] =	ssyncadd.remote.s32 $0x1  }
0xc4: {  	_ =	sfence.sel $0xFFFF  }
0xc5: {  	[dreg:$0x0] =	wrdreg $0xFFFFFFFF;
	(pc) =	sbr.abs _section_cstart, $3  }
0xc6: {  	[dreg:$0x1] =	wrdreg $0xFFFFFFFF  }
0xc7: {  	_ =	task.clear_ibuf [dreg:s7], $0x2FFFF;
	_ =	strace $0x9FFFFFFF  }
0xc8: {  	(tm) =	ssettm $0x7FFFFFFF  }
0xc9: {  	_ =	shalt  }
tec
execute0_lowered:
.L_overlay_start_1:
0x0: {  	(tag) =	ssettag $0x1  }
0x1: {  	s5 =	rddreg [dreg:$0x0];
	s2 =	stileid.u32  }
0x2: {  	s6 =	rddreg [dreg:$0x1];
	s3 =	sshll.u32 s2, $0xD;
	s2 =	simm.s32 $0x0  }
0x3: {  	s8 =	simm.s32 $0x1800;
	[smem:$0x7FF] =	sst s2  }
0x4: {  	s9 =	simm.s32 $0x100;
	_ =	strace $0x8000004A;
	[dreg:$0x5] =	wrdreg s8  }
0x5: {  	s10 =	simm.s32 $0x2000;
	[dreg:$0x6] =	wrdreg s9  }
0x6: {  	s11 =	simm.s32 $0x180;
	[dreg:$0x7] =	wrdreg s10  }
0x7: {  	s12 =	simm.s32 $0x2800;
	[dreg:$0x8] =	wrdreg s11  }
0x8: {  	s13 =	simm.s32 $0x200;
	[dreg:$0x9] =	wrdreg s12  }
0x9: {  	s14 =	simm.s32 $0x3000;
	[dreg:$0xa] =	wrdreg s13  }
0xa: {  	s15 =	simm.s32 $0x280;
	[dreg:$0xb] =	wrdreg s14  }
0xb: {  	s16 =	simm.s32 $0x3800;
	[dreg:$0xc] =	wrdreg s15  }
0xc: {  	s17 =	simm.s32 $0x300;
	[dreg:$0xd] =	wrdreg s16  }
0xd: {  	s18 =	simm.s32 $0x4000;
	[dreg:$0xe] =	wrdreg s17  }
0xe: {  	s19 =	simm.s32 $0x380;
	[dreg:$0xf] =	wrdreg s18  }
0xf: {  	s20 =	simm.s32 $0x4800;
	[dreg:$0x10] =	wrdreg s19  }
0x10: {  	s21 =	simm.s32 $0x400;
	[dreg:$0x11] =	wrdreg s20  }
0x11: {  	s22 =	simm.s32 $0x5000;
	[dreg:$0x12] =	wrdreg s21  }
0x12: {  	s23 =	simm.s32 $0x480;
	[dreg:$0x13] =	wrdreg s22  }
0x13: {  	s24 =	simm.s32 $0x5800;
	[dreg:$0x14] =	wrdreg s23  }
0x14: {  	s25 =	simm.s32 $0x500;
	[dreg:$0x15] =	wrdreg s24  }
0x15: {  	s26 =	simm.s32 $0x6000;
	[dreg:$0x16] =	wrdreg s25  }
0x16: {  	[dreg:$0x17] =	wrdreg s26;
	s8 =	simm.s32 $0x680  }
0x17: {  	s9 =	simm.s32 $0x7800;
	[dreg:$0x1c] =	wrdreg s8  }
0x18: {  	s10 =	simm.s32 $0x700;
	[dreg:$0x1d] =	wrdreg s9  }
0x19: {  	s11 =	simm.s32 $0x8000;
	[dreg:$0x1e] =	wrdreg s10  }
0x1a: {  	s12 =	simm.s32 $0x780;
	[dreg:$0x1f] =	wrdreg s11  }
0x1b: {  	s13 =	simm.s32 $0x8800;
	[smem:$0x7F8] =	sst s12  }
0x1c: {  	s14 =	simm.s32 $0x800;
	[smem:$0x7F7] =	sst s13  }
0x1d: {  	s15 =	simm.s32 $0x9000;
	[smem:$0x7F9] =	sst s14  }
0x1e: {  	s16 =	simm.s32 $0x880;
	[smem:$0x7F6] =	sst s15  }
0x1f: {  	s0 =	srdreg.scid;
	s17 =	simm.s32 $0x9800;
	[smem:$0x7FA] =	sst s16  }
0x20: {  	s1 =	sand.u32 $0x1, s0;
	s18 =	simm.s32 $0x900;
	[smem:$0x7F5] =	sst s17  }
0x21: {  	s4 =	sshll.u32 s1, $0xC;
	s19 =	simm.s32 $0xA000;
	[smem:$0x7FB] =	sst s18  }
0x22: {  	s3 =	sor.u32 s4, s3;
	s20 =	simm.s32 $0x980;
	[smem:$0x7F4] =	sst s19  }
0x23: {  	s21 =	simm.s32 $0xA800;
	s23 =	simm.s32 $0xA00;
	[smem:$0x7FC] =	sst s20  }
0x24: {  	s4 =	sshll.u32 s3, $0x1;
	s3 =	sshrl.u32 s3, $0x3;
	[smem:$0x7F3] =	sst s21  }
0x25: {  	[smem:$0x7FD] =	sst s23;
	s0 =	sadd.s32 s6, s3  }
0x26: {  	s3 =	simm.s32 $0x580;
	[dreg:$0x3] =	wrdreg s0  }
0x27: {  	s4 =	sadd.s32 s4, s5;
	s6 =	simm.s32 $0x600;
	[dreg:$0x18] =	wrdreg s3  }
0x28: {  	s7 =	sadd.s32 $0x4600, s4;
	[dreg:$0x1a] =	wrdreg s6  }
0x29: {  	s4 =	simm.s32 $0x6800;
	[dreg:$0x4] =	wrdreg s7  }
0x2a: {  	[dreg:$0x19] =	wrdreg s4  }
0x2b: {  	s7 =	simm.s32 $0x7000;
	s22 =	rddreg [dreg:$0x3]  }
0x2c: {  	s3 =	simm.s32 $0x2;
	[dreg:$0x1b] =	wrdreg s7  }
0x2d: {  	[tilespmem:s2], [sflag:$0x2] =	stream.linear.gather [hbm4b:s22+s2], $0x1000, $0x38;
	[tilespmem:$0x11000] =	vst v63  }
0x2e: {  	_ =	swait.ge [sflag:s3], $0x1000  }
0x2f: {  	[sflag:s3] =	ssyncset.done $0x0  }
0x30: {  	s4 =	simm.s32 $0x1000;
	s24 =	rddreg [dreg:$0x4];
	[sflag:s3] =	ssyncadd.s32 $0xFFFFF000  }
0x31: {  	[tilespmem:s4], [sflag:$0x2] =	stream.linear.gather [hbm4b:s24+s2], $0x10000, $0x38;
	[tilespmem:$0x11000] =	vst v63  }
0x32: {  	_ =	swait.ge [sflag:s3], $0x10000  }
0x33: {  	s0 =	sld [smem:$0x7F3]  }
0x34: {  	s7 =	sld [smem:$0x7F4]  }
0x35: {  	s8 =	sld [smem:$0x7F5]  }
0x36: {  	s9 =	sld [smem:$0x7F6]  }
0x37: {  	s10 =	sld [smem:$0x7F7]  }
0x38: {  	s11 =	rddreg [dreg:$0x1f]  }
0x39: {  	s12 =	rddreg [dreg:$0x1d]  }
0x3a: {  	s13 =	rddreg [dreg:$0x1b]  }
0x3b: {  	s14 =	rddreg [dreg:$0x19]  }
0x3c: {  	s15 =	rddreg [dreg:$0x17]  }
0x3d: {  	s16 =	rddreg [dreg:$0x15]  }
0x3e: {  	s17 =	rddreg [dreg:$0x13]  }
0x3f: {  	s18 =	rddreg [dreg:$0x11]  }
0x40: {  	s19 =	rddreg [dreg:$0xf]  }
0x41: {  	s20 =	rddreg [dreg:$0x6]  }
0x42: {  	s21 =	rddreg [dreg:$0x5]  }
0x43: {  	s22 =	rddreg [dreg:$0x7]  }
0x44: {  	s5 =	sadd.s32 $0x44600, s5;
	[sflag:s3] =	ssyncset.done $0x0;
	s23 =	rddreg [dreg:$0x9]  }
0x45: {  	s6 =	simm.s32 $0x80;
	s25 =	rddreg [dreg:$0x8];
	[sflag:s3] =	ssyncadd.s32 $0xFFFF0000  }
0x46: {  	[hbm4b:s5+s6] =	stream.indirect.scatter [tilespmem:s4], [sflag:$0x1], $0x10, s2, s6, $0xb8;
	[tilespmem:$0x11000] =	vst v63  }
0x47: {  	s26 =	rddreg [dreg:$0xa]  }
0x48: {  	[hbm4b:s5+s6] =	stream.indirect.scatter [tilespmem:s21], [sflag:$0x1], $0x10, s6, s6, $0xb8;
	[tilespmem:$0x11000] =	vst v63  }
0x49: {  	s24 =	rddreg [dreg:$0xd]  }
0x4a: {  	[hbm4b:s5+s6] =	stream.indirect.scatter [tilespmem:s22], [sflag:$0x1], $0x10, s20, s6, $0xb8;
	[tilespmem:$0x11000] =	vst v63  }
0x4b: {  	s22 =	rddreg [dreg:$0xb]  }
0x4c: {  	[hbm4b:s5+s6] =	stream.indirect.scatter [tilespmem:s23], [sflag:$0x1], $0x10, s25, s6, $0xb8;
	[tilespmem:$0x11000] =	vst v63  }
0x4d: {  	s20 =	sld [smem:$0x7F8]  }
0x4e: {  	[hbm4b:s5+s6] =	stream.indirect.scatter [tilespmem:s22], [sflag:$0x1], $0x10, s26, s6, $0xb8;
	[tilespmem:$0x11000] =	vst v63  }
0x4f: {  	s25 =	rddreg [dreg:$0xc]  }
0x50: {  	[hbm4b:s5+s6] =	stream.indirect.scatter [tilespmem:s24], [sflag:$0x1], $0x10, s25, s6, $0xb8;
	[tilespmem:$0x11000] =	vst v63  }
0x51: {  	s26 =	rddreg [dreg:$0xe]  }
0x52: {  	[hbm4b:s5+s6] =	stream.indirect.scatter [tilespmem:s19], [sflag:$0x1], $0x10, s26, s6, $0xb8;
	[tilespmem:$0x11000] =	vst v63  }
0x53: {  	s22 =	rddreg [dreg:$0x10]  }
0x54: {  	[hbm4b:s5+s6] =	stream.indirect.scatter [tilespmem:s18], [sflag:$0x1], $0x10, s22, s6, $0xb8;
	[tilespmem:$0x11000] =	vst v63  }
0x55: {  	s23 =	rddreg [dreg:$0x12]  }
0x56: {  	[hbm4b:s5+s6] =	stream.indirect.scatter [tilespmem:s17], [sflag:$0x1], $0x10, s23, s6, $0xb8;
	[tilespmem:$0x11000] =	vst v63  }
0x57: {  	s24 =	rddreg [dreg:$0x14]  }
0x58: {  	[hbm4b:s5+s6] =	stream.indirect.scatter [tilespmem:s16], [sflag:$0x1], $0x10, s24, s6, $0xb8;
	[tilespmem:$0x11000] =	vst v63  }
0x59: {  	s25 =	rddreg [dreg:$0x16]  }
0x5a: {  	[hbm4b:s5+s6] =	stream.indirect.scatter [tilespmem:s15], [sflag:$0x1], $0x10, s25, s6, $0xb8;
	[tilespmem:$0x11000] =	vst v63  }
0x5b: {  	s26 =	rddreg [dreg:$0x18]  }
0x5c: {  	[hbm4b:s5+s6] =	stream.indirect.scatter [tilespmem:s14], [sflag:$0x1], $0x10, s26, s6, $0xb8;
	[tilespmem:$0x11000] =	vst v63  }
0x5d: {  	s17 =	rddreg [dreg:$0x1a]  }
0x5e: {  	[hbm4b:s5+s6] =	stream.indirect.scatter [tilespmem:s13], [sflag:$0x1], $0x10, s17, s6, $0xb8;
	[tilespmem:$0x11000] =	vst v63  }
0x5f: {  	s18 =	rddreg [dreg:$0x1c]  }
0x60: {  	[hbm4b:s5+s6] =	stream.indirect.scatter [tilespmem:s12], [sflag:$0x1], $0x10, s18, s6, $0xb8;
	[tilespmem:$0x11000] =	vst v63  }
0x61: {  	s19 =	rddreg [dreg:$0x1e]  }
0x62: {  	[hbm4b:s5+s6] =	stream.indirect.scatter [tilespmem:s11], [sflag:$0x1], $0x10, s19, s6, $0xb8;
	[tilespmem:$0x11000] =	vst v63  }
0x63: {  	s21 =	sld [smem:$0x7F9]  }
0x64: {  	[hbm4b:s5+s6] =	stream.indirect.scatter [tilespmem:s10], [sflag:$0x1], $0x10, s20, s6, $0xb8;
	[tilespmem:$0x11000] =	vst v63  }
0x65: {  	s22 =	sld [smem:$0x7FA]  }
0x66: {  	[hbm4b:s5+s6] =	stream.indirect.scatter [tilespmem:s9], [sflag:$0x1], $0x10, s21, s6, $0xb8;
	[tilespmem:$0x11000] =	vst v63  }
0x67: {  	s23 =	sld [smem:$0x7FB]  }
0x68: {  	[hbm4b:s5+s6] =	stream.indirect.scatter [tilespmem:s8], [sflag:$0x1], $0x10, s22, s6, $0xb8;
	[tilespmem:$0x11000] =	vst v63  }
0x69: {  	s24 =	sld [smem:$0x7FC]  }
0x6a: {  	[hbm4b:s5+s6] =	stream.indirect.scatter [tilespmem:s7], [sflag:$0x1], $0x10, s23, s6, $0xb8;
	[tilespmem:$0x11000] =	vst v63  }
0x6b: {  	s25 =	sld [smem:$0x7FD]  }
0x6c: {  	[hbm4b:s5+s6] =	stream.indirect.scatter [tilespmem:s0], [sflag:$0x1], $0x10, s24, s6, $0xb8;
	[tilespmem:$0x11000] =	vst v63  }
0x6d: {  	s26 =	simm.s32 $0xB000  }
0x6e: {  	[hbm4b:s5+s6] =	stream.indirect.scatter [tilespmem:s26], [sflag:$0x1], $0x10, s25, s6, $0xb8;
	[tilespmem:$0x11000] =	vst v63  }
0x6f: {  	s9 =	simm.s32 $0xB800;
	s8 =	simm.s32 $0xA80  }
0x70: {  	[hbm4b:s5+s6] =	stream.indirect.scatter [tilespmem:s9], [sflag:$0x1], $0x10, s8, s6, $0xb8;
	[tilespmem:$0x11000] =	vst v63  }
0x71: {  	s11 =	simm.s32 $0xC000;
	s10 =	simm.s32 $0xB00  }
0x72: {  	[hbm4b:s5+s6] =	stream.indirect.scatter [tilespmem:s11], [sflag:$0x1], $0x10, s10, s6, $0xb8;
	[tilespmem:$0x11000] =	vst v63  }
0x73: {  	s13 =	simm.s32 $0xC800;
	s12 =	simm.s32 $0xB80  }
0x74: {  	[hbm4b:s5+s6] =	stream.indirect.scatter [tilespmem:s13], [sflag:$0x1], $0x10, s12, s6, $0xb8;
	[tilespmem:$0x11000] =	vst v63  }
0x75: {  	s15 =	simm.s32 $0xD000;
	s14 =	simm.s32 $0xC00  }
0x76: {  	[hbm4b:s5+s6] =	stream.indirect.scatter [tilespmem:s15], [sflag:$0x1], $0x10, s14, s6, $0xb8;
	[tilespmem:$0x11000] =	vst v63  }
0x77: {  	s16 =	simm.s32 $0xC80;
	s17 =	simm.s32 $0xD800  }
0x78: {  	[hbm4b:s5+s6] =	stream.indirect.scatter [tilespmem:s17], [sflag:$0x1], $0x10, s16, s6, $0xb8;
	[tilespmem:$0x11000] =	vst v63  }
0x79: {  	s18 =	simm.s32 $0xD00;
	s19 =	simm.s32 $0xE000  }
0x7a: {  	[hbm4b:s5+s6] =	stream.indirect.scatter [tilespmem:s19], [sflag:$0x1], $0x10, s18, s6, $0xb8;
	[tilespmem:$0x11000] =	vst v63  }
0x7b: {  	s20 =	simm.s32 $0xD80;
	s21 =	simm.s32 $0xE800  }
0x7c: {  	[hbm4b:s5+s6] =	stream.indirect.scatter [tilespmem:s21], [sflag:$0x1], $0x10, s20, s6, $0xb8;
	[tilespmem:$0x11000] =	vst v63  }
0x7d: {  	s22 =	simm.s32 $0xE00;
	s23 =	simm.s32 $0xF000  }
0x7e: {  	[hbm4b:s5+s6] =	stream.indirect.scatter [tilespmem:s23], [sflag:$0x1], $0x10, s22, s6, $0xb8;
	[tilespmem:$0x11000] =	vst v63  }
0x7f: {  	s24 =	simm.s32 $0xE80;
	s25 =	simm.s32 $0xF800  }
0x80: {  	[hbm4b:s5+s6] =	stream.indirect.scatter [tilespmem:s25], [sflag:$0x1], $0x10, s24, s6, $0xb8;
	[tilespmem:$0x11000] =	vst v63  }
0x81: {  	s28 =	simm.s32 $0xF00;
	s29 =	simm.s32 $0x10000  }
0x82: {  	[hbm4b:s5+s6] =	stream.indirect.scatter [tilespmem:s29], [sflag:$0x1], $0x10, s28, s6, $0xb8;
	[tilespmem:$0x11000] =	vst v63  }
0x83: {  	s30 =	simm.s32 $0xF80;
	s31 =	simm.s32 $0x10800;
	s18 =	simm.s32 $0x1  }
0x84: {  	[hbm4b:s5+s6] =	stream.indirect.scatter [tilespmem:s31], [sflag:$0x1], $0x10, s30, s6, $0xb8;
	[tilespmem:$0x11000] =	vst v63  }
0x85: {  	_ =	swait.ge [sflag:s18], $0x800  }
0x86: {  	[sflag:s18] =	ssyncset.done $0x0  }
0x87: {  	[sflag:s18] =	ssyncadd.s32 $0xFFFFF800  }
0x88: {  	_ =	swait.ge [sflag:s18], $0x800  }
0x89: {  	[sflag:s18] =	ssyncset.done $0x0  }
0x8a: {  	[sflag:s18] =	ssyncadd.s32 $0xFFFFF800  }
0x8b: {  	_ =	swait.ge [sflag:s18], $0x800  }
0x8c: {  	[sflag:s18] =	ssyncset.done $0x0  }
0x8d: {  	[sflag:s18] =	ssyncadd.s32 $0xFFFFF800  }
0x8e: {  	_ =	swait.ge [sflag:s18], $0x800  }
0x8f: {  	[sflag:s18] =	ssyncset.done $0x0  }
0x90: {  	[sflag:s18] =	ssyncadd.s32 $0xFFFFF800  }
0x91: {  	_ =	swait.ge [sflag:s18], $0x800  }
0x92: {  	[sflag:s18] =	ssyncset.done $0x0  }
0x93: {  	[sflag:s18] =	ssyncadd.s32 $0xFFFFF800  }
0x94: {  	_ =	swait.ge [sflag:s18], $0x800  }
0x95: {  	[sflag:s18] =	ssyncset.done $0x0  }
0x96: {  	[sflag:s18] =	ssyncadd.s32 $0xFFFFF800  }
0x97: {  	_ =	swait.ge [sflag:s18], $0x800  }
0x98: {  	[sflag:s18] =	ssyncset.done $0x0  }
0x99: {  	[sflag:s18] =	ssyncadd.s32 $0xFFFFF800  }
0x9a: {  	_ =	swait.ge [sflag:s18], $0x800  }
0x9b: {  	[sflag:s18] =	ssyncset.done $0x0  }
0x9c: {  	[sflag:s18] =	ssyncadd.s32 $0xFFFFF800  }
0x9d: {  	_ =	swait.ge [sflag:s18], $0x800  }
0x9e: {  	[sflag:s18] =	ssyncset.done $0x0  }
0x9f: {  	[sflag:s18] =	ssyncadd.s32 $0xFFFFF800  }
0xa0: {  	_ =	swait.ge [sflag:s18], $0x800  }
0xa1: {  	[sflag:s18] =	ssyncset.done $0x0  }
0xa2: {  	[sflag:s18] =	ssyncadd.s32 $0xFFFFF800  }
0xa3: {  	_ =	swait.ge [sflag:s18], $0x800  }
0xa4: {  	[sflag:s18] =	ssyncset.done $0x0  }
0xa5: {  	[sflag:s18] =	ssyncadd.s32 $0xFFFFF800  }
0xa6: {  	_ =	swait.ge [sflag:s18], $0x800  }
0xa7: {  	[sflag:s18] =	ssyncset.done $0x0  }
0xa8: {  	[sflag:s18] =	ssyncadd.s32 $0xFFFFF800  }
0xa9: {  	_ =	swait.ge [sflag:s18], $0x800  }
0xaa: {  	[sflag:s18] =	ssyncset.done $0x0  }
0xab: {  	[sflag:s18] =	ssyncadd.s32 $0xFFFFF800  }
0xac: {  	_ =	swait.ge [sflag:s18], $0x800  }
0xad: {  	[sflag:s18] =	ssyncset.done $0x0  }
0xae: {  	[sflag:s18] =	ssyncadd.s32 $0xFFFFF800  }
0xaf: {  	_ =	swait.ge [sflag:s18], $0x800  }
0xb0: {  	[sflag:s18] =	ssyncset.done $0x0  }
0xb1: {  	[sflag:s18] =	ssyncadd.s32 $0xFFFFF800  }
0xb2: {  	_ =	swait.ge [sflag:s18], $0x800  }
0xb3: {  	[sflag:s18] =	ssyncset.done $0x0  }
0xb4: {  	[sflag:s18] =	ssyncadd.s32 $0xFFFFF800  }
0xb5: {  	_ =	swait.ge [sflag:s18], $0x800  }
0xb6: {  	[sflag:s18] =	ssyncset.done $0x0  }
0xb7: {  	[sflag:s18] =	ssyncadd.s32 $0xFFFFF800  }
0xb8: {  	_ =	swait.ge [sflag:s18], $0x800  }
0xb9: {  	[sflag:s18] =	ssyncset.done $0x0  }
0xba: {  	[sflag:s18] =	ssyncadd.s32 $0xFFFFF800  }
0xbb: {  	_ =	swait.ge [sflag:s18], $0x800  }
0xbc: {  	[sflag:s18] =	ssyncset.done $0x0  }
0xbd: {  	[sflag:s18] =	ssyncadd.s32 $0xFFFFF800  }
0xbe: {  	_ =	swait.ge [sflag:s18], $0x800  }
0xbf: {  	[sflag:s18] =	ssyncset.done $0x0  }
0xc0: {  	[sflag:s18] =	ssyncadd.s32 $0xFFFFF800  }
0xc1: {  	_ =	swait.ge [sflag:s18], $0x800  }
0xc2: {  	[sflag:s18] =	ssyncset.done $0x0  }
0xc3: {  	[sflag:s18] =	ssyncadd.s32 $0xFFFFF800  }
0xc4: {  	_ =	swait.ge [sflag:s18], $0x800  }
0xc5: {  	[sflag:s18] =	ssyncset.done $0x0  }
0xc6: {  	[sflag:s18] =	ssyncadd.s32 $0xFFFFF800  }
0xc7: {  	_ =	swait.ge [sflag:s18], $0x800  }
0xc8: {  	s26 =	ssub.s32 $0x2, s1;
	[sflag:s18] =	ssyncset.done $0x0  }
0xc9: {  	s1 =	sshrl.u32 s26, $0x1;
	[sflag:s18] =	ssyncadd.s32 $0xFFFFF800  }
0xca: {  	s0 =	ssub.s32 s26, s1;
	_ =	swait.ge [sflag:s18], $0x800  }
0xcb: {  	s0 =	smax.u32 s0, $0x1;
	[sflag:s18] =	ssyncset.done $0x0  }
0xcc: {  	p0 =	sne.s32 s0, $0x1;
	[sflag:s18] =	ssyncadd.s32 $0xFFFFF800  }
.Ltmp0:
0xcd: {  	_ =	swait.ge [sflag:s18], $0x800;
	(pc) =	sbr.rel @!p0 .LBB2_2-.Ltmp0, $4  }
0xce: {  	[sflag:s18] =	ssyncset.done $0x0  }
0xcf: {  	[sflag:s18] =	ssyncadd.s32 $0xFFFFF800  }
0xd0: {  	_ =	swait.ge [sflag:s18], $0x800  }
0xd1: {  	s1 =	sadd.s32 $0xFFFFFFFF, s0;
	[sflag:s18] =	ssyncset.done $0x0  }
.LBB2_1:
0xd2: {  	[sflag:s18] =	ssyncadd.s32 $0xFFFFF800  }
0xd3: {  	_ =	swait.ge [sflag:s18], $0x800  }
0xd4: {  	[sflag:s18] =	ssyncset.done $0x0  }
0xd5: {  	[sflag:s18] =	ssyncadd.s32 $0xFFFFF800  }
0xd6: {  	_ =	swait.ge [sflag:s18], $0x800  }
0xd7: {  	[sflag:s18] =	ssyncset.done $0x0  }
0xd8: {  	[sflag:s18] =	ssyncadd.s32 $0xFFFFF800  }
0xd9: {  	_ =	swait.ge [sflag:s18], $0x800  }
0xda: {  	[sflag:s18] =	ssyncset.done $0x0  }
0xdb: {  	[sflag:s18] =	ssyncadd.s32 $0xFFFFF800  }
0xdc: {  	_ =	swait.ge [sflag:s18], $0x800  }
0xdd: {  	[sflag:s18] =	ssyncset.done $0x0  }
0xde: {  	[sflag:s18] =	ssyncadd.s32 $0xFFFFF800  }
0xdf: {  	_ =	swait.ge [sflag:s18], $0x800  }
0xe0: {  	[sflag:s18] =	ssyncset.done $0x0  }
0xe1: {  	[sflag:s18] =	ssyncadd.s32 $0xFFFFF800  }
0xe2: {  	_ =	swait.ge [sflag:s18], $0x800  }
0xe3: {  	[sflag:s18] =	ssyncset.done $0x0  }
0xe4: {  	s0 =	rddreg [dreg:$0x3];
	[sflag:s18] =	ssyncadd.s32 $0xFFFFF800  }
0xe5: {  	[tilespmem:s2], [sflag:$0x2] =	stream.linear.gather [hbm4b:s0+s2], $0x1000, $0x38;
	[tilespmem:$0x11000] =	vst v63  }
0xe6: {  	_ =	swait.ge [sflag:s3], $0x1000  }
0xe7: {  	[sflag:s3] =	ssyncset.done $0x0  }
0xe8: {  	s24 =	rddreg [dreg:$0x4];
	[sflag:s3] =	ssyncadd.s32 $0xFFFFF000  }
0xe9: {  	[tilespmem:s4], [sflag:$0x2] =	stream.linear.gather [hbm4b:s24+s2], $0x10000, $0x38;
	[tilespmem:$0x11000] =	vst v63  }
0xea: {  	_ =	swait.ge [sflag:s3], $0x10000  }
0xeb: {  	s0 =	sld [smem:$0x7F3]  }
0xec: {  	s7 =	sld [smem:$0x7F4]  }
0xed: {  	s8 =	sld [smem:$0x7F5]  }
0xee: {  	s9 =	sld [smem:$0x7F6]  }
0xef: {  	s10 =	sld [smem:$0x7F7]  }
0xf0: {  	s11 =	rddreg [dreg:$0x1f]  }
0xf1: {  	s12 =	rddreg [dreg:$0x1d]  }
0xf2: {  	s13 =	rddreg [dreg:$0x1b]  }
0xf3: {  	s14 =	rddreg [dreg:$0x19]  }
0xf4: {  	s15 =	rddreg [dreg:$0x17]  }
0xf5: {  	s16 =	rddreg [dreg:$0x15]  }
0xf6: {  	s17 =	rddreg [dreg:$0x13]  }
0xf7: {  	s19 =	rddreg [dreg:$0x11]  }
0xf8: {  	s20 =	rddreg [dreg:$0xf]  }
0xf9: {  	s21 =	rddreg [dreg:$0xd]  }
0xfa: {  	s22 =	rddreg [dreg:$0xb]  }
0xfb: {  	s23 =	rddreg [dreg:$0x6]  }
0xfc: {  	[sflag:s3] =	ssyncset.done $0x0;
	s24 =	rddreg [dreg:$0x5]  }
0xfd: {  	s25 =	rddreg [dreg:$0x7];
	[sflag:s3] =	ssyncadd.s32 $0xFFFF0000  }
0xfe: {  	[hbm4b:s5+s6] =	stream.indirect.scatter [tilespmem:s4], [sflag:$0x1], $0x10, s2, s6, $0xb8;
	[tilespmem:$0x11000] =	vst v63  }
0xff: {  	s26 =	rddreg [dreg:$0x9]  }
0x100: {  	[hbm4b:s5+s6] =	stream.indirect.scatter [tilespmem:s24], [sflag:$0x1], $0x10, s6, s6, $0xb8;
	[tilespmem:$0x11000] =	vst v63  }
0x101: {  	s24 =	rddreg [dreg:$0x8]  }
0x102: {  	[hbm4b:s5+s6] =	stream.indirect.scatter [tilespmem:s25], [sflag:$0x1], $0x10, s23, s6, $0xb8;
	[tilespmem:$0x11000] =	vst v63  }
0x103: {  	s25 =	rddreg [dreg:$0xa]  }
0x104: {  	[hbm4b:s5+s6] =	stream.indirect.scatter [tilespmem:s26], [sflag:$0x1], $0x10, s24, s6, $0xb8;
	[tilespmem:$0x11000] =	vst v63  }
0x105: {  	s23 =	rddreg [dreg:$0x14]  }
0x106: {  	[hbm4b:s5+s6] =	stream.indirect.scatter [tilespmem:s22], [sflag:$0x1], $0x10, s25, s6, $0xb8;
	[tilespmem:$0x11000] =	vst v63  }
0x107: {  	s26 =	rddreg [dreg:$0xc]  }
0x108: {  	[hbm4b:s5+s6] =	stream.indirect.scatter [tilespmem:s21], [sflag:$0x1], $0x10, s26, s6, $0xb8;
	[tilespmem:$0x11000] =	vst v63  }
0x109: {  	s25 =	rddreg [dreg:$0xe]  }
0x10a: {  	[hbm4b:s5+s6] =	stream.indirect.scatter [tilespmem:s20], [sflag:$0x1], $0x10, s25, s6, $0xb8;
	[tilespmem:$0x11000] =	vst v63  }
0x10b: {  	s26 =	rddreg [dreg:$0x10]  }
0x10c: {  	[hbm4b:s5+s6] =	stream.indirect.scatter [tilespmem:s19], [sflag:$0x1], $0x10, s26, s6, $0xb8;
	[tilespmem:$0x11000] =	vst v63  }
0x10d: {  	s22 =	rddreg [dreg:$0x12]  }
0x10e: {  	[hbm4b:s5+s6] =	stream.indirect.scatter [tilespmem:s17], [sflag:$0x1], $0x10, s22, s6, $0xb8;
	[tilespmem:$0x11000] =	vst v63  }
0x10f: {  	s24 =	rddreg [dreg:$0x16]  }
0x110: {  	[hbm4b:s5+s6] =	stream.indirect.scatter [tilespmem:s16], [sflag:$0x1], $0x10, s23, s6, $0xb8;
	[tilespmem:$0x11000] =	vst v63  }
0x111: {  	s25 =	rddreg [dreg:$0x18]  }
0x112: {  	[hbm4b:s5+s6] =	stream.indirect.scatter [tilespmem:s15], [sflag:$0x1], $0x10, s24, s6, $0xb8;
	[tilespmem:$0x11000] =	vst v63  }
0x113: {  	s20 =	sld [smem:$0x7F8]  }
0x114: {  	[hbm4b:s5+s6] =	stream.indirect.scatter [tilespmem:s14], [sflag:$0x1], $0x10, s25, s6, $0xb8;
	[tilespmem:$0x11000] =	vst v63  }
0x115: {  	s26 =	rddreg [dreg:$0x1a]  }
0x116: {  	[hbm4b:s5+s6] =	stream.indirect.scatter [tilespmem:s13], [sflag:$0x1], $0x10, s26, s6, $0xb8;
	[tilespmem:$0x11000] =	vst v63  }
0x117: {  	s17 =	rddreg [dreg:$0x1c]  }
0x118: {  	[hbm4b:s5+s6] =	stream.indirect.scatter [tilespmem:s12], [sflag:$0x1], $0x10, s17, s6, $0xb8;
	[tilespmem:$0x11000] =	vst v63  }
0x119: {  	s19 =	rddreg [dreg:$0x1e]  }
0x11a: {  	[hbm4b:s5+s6] =	stream.indirect.scatter [tilespmem:s11], [sflag:$0x1], $0x10, s19, s6, $0xb8;
	[tilespmem:$0x11000] =	vst v63  }
0x11b: {  	s21 =	sld [smem:$0x7F9]  }
0x11c: {  	[hbm4b:s5+s6] =	stream.indirect.scatter [tilespmem:s10], [sflag:$0x1], $0x10, s20, s6, $0xb8;
	[tilespmem:$0x11000] =	vst v63  }
0x11d: {  	s22 =	sld [smem:$0x7FA]  }
0x11e: {  	[hbm4b:s5+s6] =	stream.indirect.scatter [tilespmem:s9], [sflag:$0x1], $0x10, s21, s6, $0xb8;
	[tilespmem:$0x11000] =	vst v63  }
0x11f: {  	s23 =	sld [smem:$0x7FB]  }
0x120: {  	[hbm4b:s5+s6] =	stream.indirect.scatter [tilespmem:s8], [sflag:$0x1], $0x10, s22, s6, $0xb8;
	[tilespmem:$0x11000] =	vst v63  }
0x121: {  	s24 =	sld [smem:$0x7FC]  }
0x122: {  	[hbm4b:s5+s6] =	stream.indirect.scatter [tilespmem:s7], [sflag:$0x1], $0x10, s23, s6, $0xb8;
	[tilespmem:$0x11000] =	vst v63  }
0x123: {  	s25 =	sld [smem:$0x7FD]  }
0x124: {  	[hbm4b:s5+s6] =	stream.indirect.scatter [tilespmem:s0], [sflag:$0x1], $0x10, s24, s6, $0xb8;
	[tilespmem:$0x11000] =	vst v63  }
0x125: {  	s26 =	simm.s32 $0xB000  }
0x126: {  	[hbm4b:s5+s6] =	stream.indirect.scatter [tilespmem:s26], [sflag:$0x1], $0x10, s25, s6, $0xb8;
	[tilespmem:$0x11000] =	vst v63  }
0x127: {  	s9 =	simm.s32 $0xB800;
	s8 =	simm.s32 $0xA80  }
0x128: {  	[hbm4b:s5+s6] =	stream.indirect.scatter [tilespmem:s9], [sflag:$0x1], $0x10, s8, s6, $0xb8;
	[tilespmem:$0x11000] =	vst v63  }
0x129: {  	s11 =	simm.s32 $0xC000;
	s10 =	simm.s32 $0xB00  }
0x12a: {  	[hbm4b:s5+s6] =	stream.indirect.scatter [tilespmem:s11], [sflag:$0x1], $0x10, s10, s6, $0xb8;
	[tilespmem:$0x11000] =	vst v63  }
0x12b: {  	s13 =	simm.s32 $0xC800;
	s12 =	simm.s32 $0xB80  }
0x12c: {  	[hbm4b:s5+s6] =	stream.indirect.scatter [tilespmem:s13], [sflag:$0x1], $0x10, s12, s6, $0xb8;
	[tilespmem:$0x11000] =	vst v63  }
0x12d: {  	s15 =	simm.s32 $0xD000;
	s14 =	simm.s32 $0xC00  }
0x12e: {  	[hbm4b:s5+s6] =	stream.indirect.scatter [tilespmem:s15], [sflag:$0x1], $0x10, s14, s6, $0xb8;
	[tilespmem:$0x11000] =	vst v63  }
0x12f: {  	s16 =	simm.s32 $0xC80;
	s17 =	simm.s32 $0xD800  }
0x130: {  	[hbm4b:s5+s6] =	stream.indirect.scatter [tilespmem:s17], [sflag:$0x1], $0x10, s16, s6, $0xb8;
	[tilespmem:$0x11000] =	vst v63  }
0x131: {  	s19 =	simm.s32 $0xD00;
	s20 =	simm.s32 $0xE000  }
0x132: {  	[hbm4b:s5+s6] =	stream.indirect.scatter [tilespmem:s20], [sflag:$0x1], $0x10, s19, s6, $0xb8;
	[tilespmem:$0x11000] =	vst v63  }
0x133: {  	s21 =	simm.s32 $0xD80;
	s22 =	simm.s32 $0xE800  }
0x134: {  	[hbm4b:s5+s6] =	stream.indirect.scatter [tilespmem:s22], [sflag:$0x1], $0x10, s21, s6, $0xb8;
	[tilespmem:$0x11000] =	vst v63  }
0x135: {  	s23 =	simm.s32 $0xE00;
	s24 =	simm.s32 $0xF000  }
0x136: {  	[hbm4b:s5+s6] =	stream.indirect.scatter [tilespmem:s24], [sflag:$0x1], $0x10, s23, s6, $0xb8;
	[tilespmem:$0x11000] =	vst v63  }
0x137: {  	s25 =	simm.s32 $0xE80;
	s26 =	simm.s32 $0xF800  }
0x138: {  	[hbm4b:s5+s6] =	stream.indirect.scatter [tilespmem:s26], [sflag:$0x1], $0x10, s25, s6, $0xb8;
	[tilespmem:$0x11000] =	vst v63  }
0x139: {  	_ = 	snop  }
0x13a: {  	[hbm4b:s5+s6] =	stream.indirect.scatter [tilespmem:s29], [sflag:$0x1], $0x10, s28, s6, $0xb8;
	[tilespmem:$0x11000] =	vst v63  }
0x13b: {  	_ = 	snop  }
0x13c: {  	[hbm4b:s5+s6] =	stream.indirect.scatter [tilespmem:s31], [sflag:$0x1], $0x10, s30, s6, $0xb8;
	[tilespmem:$0x11000] =	vst v63  }
0x13d: {  	_ =	swait.ge [sflag:s18], $0x800  }
0x13e: {  	[sflag:s18] =	ssyncset.done $0x0  }
0x13f: {  	[sflag:s18] =	ssyncadd.s32 $0xFFFFF800  }
0x140: {  	_ =	swait.ge [sflag:s18], $0x800  }
0x141: {  	[sflag:s18] =	ssyncset.done $0x0  }
0x142: {  	[sflag:s18] =	ssyncadd.s32 $0xFFFFF800  }
0x143: {  	_ =	swait.ge [sflag:s18], $0x800  }
0x144: {  	[sflag:s18] =	ssyncset.done $0x0  }
0x145: {  	[sflag:s18] =	ssyncadd.s32 $0xFFFFF800  }
0x146: {  	_ =	swait.ge [sflag:s18], $0x800  }
0x147: {  	[sflag:s18] =	ssyncset.done $0x0  }
0x148: {  	[sflag:s18] =	ssyncadd.s32 $0xFFFFF800  }
0x149: {  	_ =	swait.ge [sflag:s18], $0x800  }
0x14a: {  	[sflag:s18] =	ssyncset.done $0x0  }
0x14b: {  	[sflag:s18] =	ssyncadd.s32 $0xFFFFF800  }
0x14c: {  	_ =	swait.ge [sflag:s18], $0x800  }
0x14d: {  	[sflag:s18] =	ssyncset.done $0x0  }
0x14e: {  	[sflag:s18] =	ssyncadd.s32 $0xFFFFF800  }
0x14f: {  	_ =	swait.ge [sflag:s18], $0x800  }
0x150: {  	[sflag:s18] =	ssyncset.done $0x0  }
0x151: {  	[sflag:s18] =	ssyncadd.s32 $0xFFFFF800  }
0x152: {  	_ =	swait.ge [sflag:s18], $0x800  }
0x153: {  	[sflag:s18] =	ssyncset.done $0x0  }
0x154: {  	[sflag:s18] =	ssyncadd.s32 $0xFFFFF800  }
0x155: {  	_ =	swait.ge [sflag:s18], $0x800  }
0x156: {  	[sflag:s18] =	ssyncset.done $0x0  }
0x157: {  	[sflag:s18] =	ssyncadd.s32 $0xFFFFF800  }
0x158: {  	_ =	swait.ge [sflag:s18], $0x800  }
0x159: {  	[sflag:s18] =	ssyncset.done $0x0  }
0x15a: {  	[sflag:s18] =	ssyncadd.s32 $0xFFFFF800  }
0x15b: {  	_ =	swait.ge [sflag:s18], $0x800  }
0x15c: {  	[sflag:s18] =	ssyncset.done $0x0  }
0x15d: {  	[sflag:s18] =	ssyncadd.s32 $0xFFFFF800  }
0x15e: {  	_ =	swait.ge [sflag:s18], $0x800  }
0x15f: {  	[sflag:s18] =	ssyncset.done $0x0  }
0x160: {  	[sflag:s18] =	ssyncadd.s32 $0xFFFFF800  }
0x161: {  	_ =	swait.ge [sflag:s18], $0x800  }
0x162: {  	[sflag:s18] =	ssyncset.done $0x0  }
0x163: {  	[sflag:s18] =	ssyncadd.s32 $0xFFFFF800  }
0x164: {  	_ =	swait.ge [sflag:s18], $0x800  }
0x165: {  	[sflag:s18] =	ssyncset.done $0x0  }
0x166: {  	[sflag:s18] =	ssyncadd.s32 $0xFFFFF800  }
0x167: {  	_ =	swait.ge [sflag:s18], $0x800  }
0x168: {  	[sflag:s18] =	ssyncset.done $0x0  }
0x169: {  	[sflag:s18] =	ssyncadd.s32 $0xFFFFF800  }
0x16a: {  	_ =	swait.ge [sflag:s18], $0x800  }
0x16b: {  	[sflag:s18] =	ssyncset.done $0x0  }
0x16c: {  	[sflag:s18] =	ssyncadd.s32 $0xFFFFF800  }
0x16d: {  	_ =	swait.ge [sflag:s18], $0x800  }
0x16e: {  	[sflag:s18] =	ssyncset.done $0x0  }
0x16f: {  	[sflag:s18] =	ssyncadd.s32 $0xFFFFF800  }
0x170: {  	_ =	swait.ge [sflag:s18], $0x800  }
0x171: {  	[sflag:s18] =	ssyncset.done $0x0  }
0x172: {  	[sflag:s18] =	ssyncadd.s32 $0xFFFFF800  }
0x173: {  	_ =	swait.ge [sflag:s18], $0x800  }
0x174: {  	[sflag:s18] =	ssyncset.done $0x0  }
0x175: {  	[sflag:s18] =	ssyncadd.s32 $0xFFFFF800  }
0x176: {  	_ =	swait.ge [sflag:s18], $0x800  }
0x177: {  	[sflag:s18] =	ssyncset.done $0x0  }
0x178: {  	[sflag:s18] =	ssyncadd.s32 $0xFFFFF800  }
0x179: {  	_ =	swait.ge [sflag:s18], $0x800  }
0x17a: {  	[sflag:s18] =	ssyncset.done $0x0  }
0x17b: {  	[sflag:s18] =	ssyncadd.s32 $0xFFFFF800  }
0x17c: {  	_ =	swait.ge [sflag:s18], $0x800  }
0x17d: {  	[sflag:s18] =	ssyncset.done $0x0  }
0x17e: {  	[sflag:s18] =	ssyncadd.s32 $0xFFFFF800  }
0x17f: {  	_ =	swait.ge [sflag:s18], $0x800  }
0x180: {  	[sflag:s18] =	ssyncset.done $0x0  }
0x181: {  	[sflag:s18] =	ssyncadd.s32 $0xFFFFF800  }
0x182: {  	_ =	swait.ge [sflag:s18], $0x800  }
0x183: {  	[sflag:s18] =	ssyncset.done $0x0  }
0x184: {  	p0 =	sne.s32 s1, $0x1;
	[sflag:s18] =	ssyncadd.s32 $0xFFFFF800  }
.Ltmp1:
0x185: {  	_ =	swait.ge [sflag:s18], $0x800;
	(pc) =	sbr.rel @p0 .LBB2_1-.Ltmp1, $4  }
0x186: {  	[sflag:s18] =	ssyncset.done $0x0  }
0x187: {  	[sflag:s18] =	ssyncadd.s32 $0xFFFFF800  }
0x188: {  	_ =	swait.ge [sflag:s18], $0x800  }
0x189: {  	s1 =	sadd.s32 $0xFFFFFFFF, s1;
	[sflag:s18] =	ssyncset.done $0x0  }
.LBB2_2:
0x18a: {  	[sflag:s18] =	ssyncadd.s32 $0xFFFFF800  }
0x18b: {  	_ =	swait.ge [sflag:s18], $0x800  }
0x18c: {  	[sflag:s18] =	ssyncset.done $0x0  }
0x18d: {  	[sflag:s18] =	ssyncadd.s32 $0xFFFFF800  }
0x18e: {  	_ =	swait.ge [sflag:s18], $0x800  }
0x18f: {  	[sflag:s18] =	ssyncset.done $0x0  }
0x190: {  	[sflag:s18] =	ssyncadd.s32 $0xFFFFF800  }
0x191: {  	_ =	swait.ge [sflag:s18], $0x800  }
0x192: {  	[sflag:s18] =	ssyncset.done $0x0  }
0x193: {  	[sflag:s18] =	ssyncadd.s32 $0xFFFFF800  }
0x194: {  	_ =	swait.ge [sflag:s18], $0x800  }
0x195: {  	[sflag:s18] =	ssyncset.done $0x0  }
0x196: {  	[sflag:s18] =	ssyncadd.s32 $0xFFFFF800  }
0x197: {  	_ =	swait.ge [sflag:s18], $0x800  }
0x198: {  	[sflag:s18] =	ssyncset.done $0x0  }
0x199: {  	[sflag:s18] =	ssyncadd.s32 $0xFFFFF800  }
0x19a: {  	_ =	swait.ge [sflag:s18], $0x800  }
0x19b: {  	[sflag:s18] =	ssyncset.done $0x0  }
0x19c: {  	[sflag:s18] =	ssyncadd.s32 $0xFFFFF800  }
0x19d: {  	_ =	sfence.sel $0x180000  }
0x19e: {  	[bflag:$0x0] =	sbarrier.arrive $0xFFFF  }
0x19f: {  	_ =	strace $0x9000004A  }
0x1a0: {  	s0 =	stileid.u32;
	[bflag:$0x2] =	sbarrier.arrive $0xFFFF  }
0x1a1: {  	p0 =	sne.s32 s0, $0x0;
	s0 =	rddreg [dreg:$0x2]  }
0x1a2: {  	s0 =	sadd.s32 @!p0 $0x100000, s0  }
0x1a3: {  	[sflag:s0] =	ssyncadd.tile.s32 @!p0 $0x1;
	_ =	shalt  }
.Lfunc_end2:
_tile_overlayer_lowered:
.L_overlay_start_2:
0x1a4: {  	(tag) =	ssettag $0x2  }
0x1a5: {  	s0 =	rddreg [dreg:$0x0];
	s2 =	stileid.u32  }
0x1a6: {  	s1 =	rddreg [dreg:$0x1];
	p0 =	sne.s32 s2, $0x0  }
0x1a7: {  	s3 =	rddreg [dreg:$0x2];
	[bflag:$0x3] =	sbarrier.arrive $0xFFFF;
	s2 =	simm.s32 @!p0 $0x1C02  }
0x1a8: {  	[timem:s3], [sflag:s2] =	dma.local @!p0 [hbm:s0], s1  }
0x1a9: {  	s0 =	simm.s32 @!p0 $0x2  }
0x1aa: {  	_ =	swait.ge @!p0 [sflag:s0], s1  }
0x1ab: {  	s1 =	ssub.s32 @!p0 $0x0, s1;
	[sflag:s0] =	ssyncset.done @!p0 $0x0  }
0x1ac: {  	[sflag:s0] =	ssyncadd.s32 @!p0 s1  }
0x1ad: {  	[bflag:$0x3] =	sbarrier.arrive $0xFFFF  }
0x1ae: {  	_ =	shalt  }

// kernel: kernel.7.cloned.1.call-start
scs
__scs_entry_jumppad:
0x0: {  	(pc) =	sbr.rel $0x88, $3  }
0x1: {  	(tag) =	ssettag $0x0;
	lr =	simm.s32 $0x1  }
0x2: {  	[smem:$0x3F8C] =	sst lr;
	_ =	strace $0xD0000000  }
0x3: {  	_ = 	snop  }
0x4: {  	_ = 	snop  }
0x5: {  	_ = 	snop  }
0x6: {  	_ = 	snop  }
0x7: {  	_ = 	snop  }
__scs_overlays_trampoline_lowered:
0x8: {  	[smem:$0x3F9B] =	sst s0  }
0x9: {  	[smem:$0x3F9C] =	sst s1  }
0xa: {  	[smem:$0x3F9D] =	sst s2  }
0xb: {  	[smem:$0x3F9E] =	sst s3  }
0xc: {  	[smem:$0x3F9F] =	sst s4  }
0xd: {  	[smem:$0x3FA0] =	sst s5  }
0xe: {  	[smem:$0x3FA1] =	sst s6  }
0xf: {  	[smem:$0x3FA2] =	sst s7  }
0x10: {  	[smem:$0x3FA3] =	sst s8  }
0x11: {  	[smem:$0x3FA4] =	sst s9;
	s0 =	simm.s32 @!p0 $0x0  }
0x12: {  	s1 =	sld [smem:$0x3F8A];
	s0 =	simm.s32 @p0 $0x1  }
0x13: {  	[smem:$0x3FA5] =	sst s0;
	s0 =	simm.s32 @!p1 $0x0  }
0x14: {  	s2 =	sld [smem:$0x3F89];
	s0 =	simm.s32 @p1 $0x1  }
0x15: {  	[smem:$0x3FA6] =	sst s0;
	s0 =	simm.s32 @!p2 $0x0  }
0x16: {  	s3 =	sld [smem:$0x3FDB];
	s0 =	simm.s32 @p2 $0x1  }
0x17: {  	s4 =	simm.s32 $0x1BF5;
	[smem:$0x3FA8] =	sst s0  }
0x18: {  	s0 =	sld [smem:$0x3F8B];
	_ =	swait.ge [sflag:s4], $0x0  }
0x19: {  	s7 =	sld [smem:$0x3F8C]  }
0x1a: {  	s8 =	sadd.s32 $0xFFFFE003, lr  }
0x1b: {  	s9 =	sadd.s32 $0xFFFFFEF7, lr;
	s5 =	simm.s32 $0xFFFFFFFF;
	p2 =	slt.u32 s8, $0xFFFFF086  }
0x1c: {  	p1 =	slt.u32 s9, $0xF7A;
	s5 =	simm.s32 @!p2 $0x0  }
0x1d: {  	s5 =	simm.s32 @p1 $0x1;
	p0 =	seq.s32 s7, s2  }
0x1e: {  	s7 =	smul.u32 @!p0 $0xF7A, s2;
	p2 =	seq.s32 @!p0 s5, $0x0  }
0x1f: {  	s9 =	smul.u32 $0xF7A, s1;
	s8 =	simm.s32 @!p0 $0x1BF5;
	p2 =	por !p2, p0  }
0x20: {  	[sflag:s8] =	ssyncset.s32 @!p0 $0xFFFFF086;
	s6 =	sadd.s32 @!p0 s3, s7;
	s7 =	simm.s32 @!p0 $0x108  }
0x21: {  	s3 =	sadd.s32 s3, s9;
	s6 =	sadd.s32 @!p0 $0x88, s6;
	s7 =	simm.s32 @p2 $0x1082  }
0x22: {  	[simem:s7], [sflag:s8] =	dma.local @!p0 [hbm:s6], $0xF7A  }
0x23: {  	s9 =	sor.u32 $0xD0000000, s2;
	s6 =	simm.s32 $0x108;
	_ =	swait.ge @!p0 [sflag:s8], $0x0  }
0x24: {  	s3 =	sadd.s32 $0x88, s3;
	s6 =	simm.s32 @!p1 $0x1082;
	[sflag:s4] =	ssyncset.s32 $0xFFFFF086  }
0x25: {  	[simem:s6], [sflag:s4] =	dma.local [hbm:s3], $0xF7A  }
0x26: {  	[smem:$0x3F8C] =	sst s1;
	(tag) =	ssettag s2;
	_ =	strace s9  }
0x27: {  	s1 =	sld [smem:$0x3F9C]  }
0x28: {  	s2 =	sld [smem:$0x3F9D]  }
0x29: {  	s4 =	sld [smem:$0x3F9F]  }
0x2a: {  	p0 =	seq.s32 s5, $0x0;
	s5 =	sld [smem:$0x3FA0]  }
0x2b: {  	s6 =	sld [smem:$0x3FA1]  }
0x2c: {  	s7 =	sld [smem:$0x3FA2]  }
0x2d: {  	s3 =	simm.s32 $0x108;
	s8 =	sld [smem:$0x3FA3]  }
0x2e: {  	s3 =	simm.s32 @!p0 $0x1082;
	s9 =	sld [smem:$0x3FA4]  }
0x2f: {  	lr =	sadd.s32 s0, s3;
	s0 =	sld [smem:$0x3F9B]  }
0x30: {  	s3 =	sld [smem:$0x3F9E]  }
0x31: {  	[smem:$0x3FA7] =	sst s10  }
0x32: {  	s10 =	sld [smem:$0x3FA5];
	_ =	sdelay $0x3  }
0x33: {  	p0 =	seq.s32 s10, $0x1;
	s10 =	sld [smem:$0x3FA7];
	_ =	sdelay $0x3  }
0x34: {  	[smem:$0x3FA7] =	sst s10  }
0x35: {  	s10 =	sld [smem:$0x3FA6];
	_ =	sdelay $0x3  }
0x36: {  	p1 =	seq.s32 s10, $0x1;
	s10 =	sld [smem:$0x3FA7];
	_ =	sdelay $0x3  }
0x37: {  	[smem:$0x3FA7] =	sst s10  }
0x38: {  	s10 =	sld [smem:$0x3FA8]  }
0x39: {  	_ = 	snop;
	(pc) =	sbr.ind lr, $3  }
0x3a: {  	_ = 	snop  }
0x3b: {  	_ = 	snop  }
0x3c: {  	p2 =	seq.s32 s10, $0x1;
	s10 =	sld [smem:$0x3FA7]  }
0x3d: {  	_ =	shalt  }
0x3e: {  	_ =	shalt  }
0x3f: {  	_ =	shalt  }
0x40: {  	_ =	shalt  }
0x41: {  	_ =	shalt  }
0x42: {  	_ =	shalt  }
0x43: {  	_ =	shalt  }
0x44: {  	_ =	shalt  }
0x45: {  	_ =	shalt  }
0x46: {  	_ =	shalt  }
0x47: {  	_ =	shalt  }
0x48: {  	_ =	shalt  }
0x49: {  	_ =	shalt  }
0x4a: {  	_ =	shalt  }
0x4b: {  	_ =	shalt  }
0x4c: {  	_ =	shalt  }
0x4d: {  	_ =	shalt  }
0x4e: {  	_ =	shalt  }
0x4f: {  	_ =	shalt  }
0x50: {  	_ =	shalt  }
0x51: {  	_ =	shalt  }
0x52: {  	_ =	shalt  }
0x53: {  	_ =	shalt  }
0x54: {  	_ =	shalt  }
0x55: {  	_ =	shalt  }
0x56: {  	_ =	shalt  }
0x57: {  	_ =	shalt  }
0x58: {  	_ =	shalt  }
0x59: {  	_ =	shalt  }
0x5a: {  	_ =	shalt  }
0x5b: {  	_ =	shalt  }
0x5c: {  	_ =	shalt  }
0x5d: {  	_ =	shalt  }
0x5e: {  	_ =	shalt  }
0x5f: {  	_ =	shalt  }
0x60: {  	_ =	shalt  }
0x61: {  	_ =	shalt  }
0x62: {  	_ =	shalt  }
0x63: {  	_ =	shalt  }
0x64: {  	_ =	shalt  }
0x65: {  	_ =	shalt  }
0x66: {  	_ =	shalt  }
0x67: {  	_ =	shalt  }
0x68: {  	_ =	shalt  }
0x69: {  	_ =	shalt  }
0x6a: {  	_ =	shalt  }
0x6b: {  	_ =	shalt  }
0x6c: {  	_ =	shalt  }
0x6d: {  	_ =	shalt  }
0x6e: {  	_ =	shalt  }
0x6f: {  	_ =	shalt  }
0x70: {  	_ =	shalt  }
0x71: {  	_ =	shalt  }
0x72: {  	_ =	shalt  }
0x73: {  	_ =	shalt  }
0x74: {  	_ =	shalt  }
0x75: {  	_ =	shalt  }
0x76: {  	_ =	shalt  }
0x77: {  	_ =	shalt  }
0x78: {  	_ =	shalt  }
0x79: {  	_ =	shalt  }
0x7a: {  	_ =	shalt  }
0x7b: {  	_ =	shalt  }
0x7c: {  	_ =	shalt  }
0x7d: {  	_ =	shalt  }
0x7e: {  	_ =	shalt  }
0x7f: {  	_ =	shalt  }
0x80: {  	_ =	shalt  }
0x81: {  	_ =	shalt  }
0x82: {  	_ =	shalt  }
0x83: {  	_ =	shalt  }
0x84: {  	_ =	shalt  }
0x85: {  	_ =	shalt  }
0x86: {  	_ =	shalt  }
0x87: {  	_ =	shalt  }
.Lfunc_end0:
.L_simem_size_0:
called_computation_lowered:
.L_overlay_start_0:
0x88: {  	s2 =	sld [smem:$0x3FD9]  }
0x89: {  	s3 =	sld [smem:$0x3FFE];
	_ =	sdelay $0x1  }
0x8a: {  	s1 =	srdreg.scid  }
0x8b: {  	s0 =	sand.u32 $0x1, s1  }
0x8c: {  	s14 =	sshll.u32 s0, $0xA;
	s2 =	sadd.s32 s3, s2  }
0x8d: {  	s2 =	sadd.s32 s2, s14  }
0x8e: {  	[smem:$0x3FB3] =	sst s2  }
0x8f: {  	_ = 	snop  }
0x90: {  	s2 =	sld [smem:$0x3FD0];
	_ =	sdelay $0x2  }
0x91: {  	s15 =	simm.s32 $0xA;
	s4 =	simm.s32 $0x10  }
0x92: {  	[smem:s4], [sflag:s15] =	dma.local [hbm:s2], $0x1  }
0x93: {  	_ =	swait.eq [sflag:s15], $0x1  }
0x94: {  	s16 =	sld [smem:$0x10];
	[sflag:s15] =	ssyncset.done $0x0  }
0x95: {  	s17 =	sld [smem:$0x11];
	[sflag:s15] =	ssyncadd.s32 $0xFFFFFFFF  }
0x96: {  	s18 =	sld [smem:$0x12];
	(tm) =	ssettm $0x1  }
0x97: {  	s5 =	sld [smem:$0x3FFB];
	_ =	sdelay $0x3  }
0x98: {  	_ =	strace s5  }
0x99: {  	s5 =	sld [smem:$0x3FFC];
	_ =	sdelay $0x3  }
0x9a: {  	_ =	strace s5  }
0x9b: {  	s5 =	sld [smem:$0x3FFD];
	_ =	sdelay $0x3  }
0x9c: {  	_ =	strace s5  }
0x9d: {  	_ =	strace $0x8FFFFFFF  }
0x9e: {  	s19 =	sld [smem:$0x3FDB];
	_ =	sdelay $0x1  }
0x9f: {  	s6 =	simm.s32 $_scs_section_size  }
0xa0: {  	s7 =	simm.s32 $_size__tile_overlayer_lowered;
	s8 =	simm.s32 $_tile_overlayer_lowered  }
0xa1: {  	s22 =	simm.s32 $0x1BFF;
	s21 =	sshll.u32 s8, $0x1;
	s5 =	sadd.s32 s6, s19  }
0xa2: {  	s9 =	simm.s32 $0x0;
	s20 =	sshll.u32 s7, $0x1;
	s7 =	sadd.s32 s21, s5  }
0xa3: {  	[timem:s9], [sflag:s22] =	dma.local [hbm:s7], s20  }
0xa4: {  	_ =	swait.ge [sflag:s22], s20  }
0xa5: {  	s6 =	ssub.s32 $0x0, s20;
	[sflag:s22] =	ssyncset.done $0x0  }
0xa6: {  	[sflag:s22] =	ssyncadd.s32 s6;
	_ =	sdelay $0x1  }
0xa7: {  	s23 =	simm.s32 $0x1B8B  }
0xa8: {  	_ =	swait.ge [sflag:s23], $0x1  }
0xa9: {  	[sflag:s23] =	ssyncset.done $0x0  }
0xaa: {  	s25 =	simm.s32 $0x1B8E;
	s24 =	sld [smem:$0x3FFE];
	[sflag:s23] =	ssyncadd.s32 $0xFFFFFFFF  }
0xab: {  	s26 =	simm.s32 $execute0_lowered;
	[smem:$0x3FD2] =	sst s25  }
0xac: {  	s7 =	sshll.u32 s26, $0x1;
	_ =	strace $0x80000046;
	[dreg:$0x1] =	wrdreg $0xFFFFFFFF  }
0xad: {  	s28 =	simm.s32 $_size_execute0_lowered;
	s5 =	sadd.s32 s5, s7;
	[dreg:$0x0] =	wrdreg $0x0  }
0xae: {  	s7 =	sshll.u32 s28, $0x1;
	[dreg:$0x2] =	wrdreg s5  }
0xaf: {  	[dreg:$0x3] =	wrdreg s7  }
0xb0: {  	[dreg:$0x4] =	wrdreg $0xC0  }
0xb1: {  	_ =	task [dreg:s9], $0x5FFFF  }
0xb2: {  	[dreg:$0x1] =	wrdreg $0xFFFFFFFF  }
0xb3: {  	[dreg:$0x0] =	wrdreg $0x60  }
0xb4: {  	[dreg:$0x2] =	wrdreg s17  }
0xb5: {  	[dreg:$0x3] =	wrdreg s16  }
0xb6: {  	[dreg:$0x4] =	wrdreg s24  }
0xb7: {  	[dreg:$0x5] =	wrdreg s18  }
0xb8: {  	[dreg:$0x6] =	wrdreg $0x9  }
0xb9: {  	_ =	task.clear_ibuf [dreg:s9], $0x7FFFF;
	_ =	strace $0x90000046  }
0xba: {  	s29 =	simm.s32 $0x9;
	_ =	strace $0x80000048  }
0xbb: {  	_ =	swait.ge [sflag:s29], $0x1  }
0xbc: {  	[sflag:s29] =	ssyncadd.s32 $0xFFFFFFFF  }
0xbd: {  	_ =	strace $0x90000048  }
0xbe: {  	_ =	sfence  }
0xbf: {  	s30 =	sld [smem:$0x0];
	_ =	sdelay $0x2  }
0xc0: {  	s31 =	sshll.u32 s1, $0xD;
	s1 =	sshrl.u32 s1, $0x2  }
0xc1: {  	s3 =	sand.u32 $0x4000, s31;
	s1 =	sadd.s32 s1, s30  }
0xc2: {  	s0 =	sor.u32 s3, s0;
	s1 =	sshll.u32 s1, $0x11  }
0xc3: {  	s0 =	sor.u32 s1, s0  }
0xc4: {  	s0 =	sadd.s32 $0x8F2B, s0  }
0xc5: {  	[sflag:s0] =	ssyncadd.remote.s32 $0x1  }
0xc6: {  	_ =	sfence.sel $0xFFFF  }
0xc7: {  	[dreg:$0x0] =	wrdreg $0xFFFFFFFF;
	(pc) =	sbr.abs _section_cstart, $3  }
0xc8: {  	[dreg:$0x1] =	wrdreg $0xFFFFFFFF  }
0xc9: {  	_ =	task.clear_ibuf [dreg:s9], $0x2FFFF;
	_ =	strace $0x9FFFFFFF  }
0xca: {  	(tm) =	ssettm $0x7FFFFFFF  }
0xcb: {  	_ =	shalt  }
tec
execute0_lowered:
.L_overlay_start_1:
0x0: {  	(tag) =	ssettag $0x1  }
0x1: {  	s1 =	rddreg [dreg:$0x0]  }
0x2: {  	s0 =	rddreg [dreg:$0x1]  }
0x3: {  	s4 =	rddreg [dreg:$0x2]  }
0x4: {  	s6 =	rddreg [dreg:$0x3]  }
0x5: {  	s2 =	srdreg.scid;
	s7 =	stileid.u32  }
0x6: {  	s3 =	simm.s32 $0x0;
	s11 =	simm.s32 $0x2010;
	s17 =	simm.s32 $0x8010  }
0x7: {  	s18 =	simm.s32 $0xC90;
	s19 =	simm.s32 $0x8410;
	s20 =	simm.s32 $0xD10  }
0x8: {  	s21 =	simm.s32 $0x8810;
	s22 =	simm.s32 $0xD90;
	s23 =	simm.s32 $0x8C10  }
0x9: {  	s28 =	simm.s32 $0x9410;
	s29 =	simm.s32 $0xF10;
	s30 =	simm.s32 $0x9810  }
0xa: {  	s31 =	simm.s32 $0xF90;
	s12 =	simm.s32 $0x1010;
	s13 =	simm.s32 $0x0  }
0xb: {  	s5 =	sand.u32 $0x1, s2;
	s24 =	sshll.u32 s7, $0x1;
	[smem:$0x7FF] =	sst s3  }
0xc: {  	s7 =	sor.u32 s5, s24;
	_ =	strace $0x80000047;
	s5 =	ssub.s32 $0x2, s5  }
0xd: {  	s24 =	simm.s32 $0xE10;
	s2 =	sshll.u32 s7, $0xC;
	s25 =	sshrl.u32 s5, $0x1  }
0xe: {  	s9 =	sshll.u32 s7, $0x1;
	s26 =	sshll.u32 s7, $0x9;
	s8 =	sadd.s32 s2, s4  }
0xf: {  	s10 =	ssub.s32 s5, s25;
	s4 =	sadd.s32 s0, s9;
	s6 =	sadd.s32 s6, s26  }
0x10: {  	s9 =	simm.s32 $0x80;
	s25 =	simm.s32 $0x9010;
	s26 =	simm.s32 $0xE90  }
0x11: {  	s0 =	simm.s32 $0x9C10;
	v0 =	vmov s2;
	s2 =	simm.s32 $0x1;
	s5 =	sadd.s32 $0x4600, s8  }
0x12: {  	v1 =	vlaneseq.u32;
	s7 =	smax.u32 s10, $0x1;
	s8 =	simm.s32 $0x2;
	s10 =	simm.s32 $0x10  }
.LBB2_1:
0x13: {  	[tilespmem:s3], [sflag:$0x2] =	stream.linear.gather [hbm4b:s4+s3], $0x10, $0x38;
	[tilespmem:$0xA010] =	vst v63  }
0x14: {  	_ =	swait.ge [sflag:s8], $0x10  }
0x15: {  	[sflag:s8] =	ssyncset.done $0x0  }
0x16: {  	[sflag:s8] =	ssyncadd.s32 $0xFFFFFFF0  }
0x17: {  	v3 =	vld [tilespmem:$0x0]  }
0x18: {  	v7 =	vmov s3;
	v8 =	vor.u32 s3, v1  }
0x19: {  	v7 =	vshrl.u32 v7, $0x6;
	v8 =	vand.u32 $0x3F, v8  }
0x1a: {  	s14 =	simm.s32 $0x10;
	v10 =	vadd.s32 v7, v8  }
0x1b: {  	v9 =	vmov s14;
	v11 =	vxor.u32 $0xFFFFFFFF, v10;
	v16 =	vadd.s32 $0x1, v10  }
0x1c: {  	v16 =	vmul.u32 v10, v16;
	v2 =	vmul.u32 v3, v3;
	v4 =	vshll.u32 v3, $0x1  }
0x1d: {  	v5 =	vsub.s32 $0x40, v3;
	vm0 =	vlt.s32 v7, v3;
	v15 =	vsub.s32 v7, v3  }
0x1e: {  	v62 =	vsub.s32 v10, v3;
	v11 =	vadd.s32 v11, v4;
	v14 =	vsub.s32 v4, v10  }
0x1f: {  	v17 =	vsub.s32 v8, v3;
	vm1 =	vgt.s32 v10, v3;
	v11 =	vmul.u32 v14, v11  }
0x20: {  	v6 =	vmul.u32 v3, v5;
	v12 =	vmul.u32 v5, v7;
	v14 =	vadd.s32 $0x1, v62  }
0x21: {  	vm13 =	vgt.s32 v17, $0x0;
	vm2 =	vgt.s32 v14, $0x0;
	v10 =	vshra.s32 v11, $0x1  }
0x22: {  	v11 =	vshrl.u32 v16, $0x1;
	v14 =	vnsel vm2, $0x0, v14;
	v10 =	vsub.s32 v2, v10  }
0x23: {  	v13 =	vadd.s32 v6, v8;
	v7 =	vsub.s32 v7, v14;
	v10 =	vsel vm1, v10, v11  }
0x24: {  	v11 =	vshll.u32 v15, $0x6;
	v7 =	vadd.s32 v10, v7;
	v10 =	vnsel vm13, $0x0, v17  }
0x25: {  	v11 =	vadd.s32 v11, v13;
	v10 =	vadd.s32 v12, v10;
	vm14 =	vgt.s32 v7, $0x0  }
0x26: {  	vm15 =	vlt.s32 v8, v3;
	v8 =	vsel vm0, v10, v11;
	v10 =	vnsel vm14, $0x0, v7  }
0x27: {  	vm0 =	vmand vm0, vm15;
	v8 =	vadd.s32 v2, v8;
	v10 =	vmin.u32 v10, $0xFFF  }
0x28: {  	v11 =	vor.u32 s14, v1;
	v10 =	vor.u32 v0, v10;
	v63 =	vsel vm0, v7, v8  }
0x29: {  	s16 =	simm.s32 $0x20;
	s15 =	simm.s32 $0x10;
	s14 =	simm.s32 $0x1010;
	v8 =	vshrl.u32 v9, $0x6;
	v7 =	vand.u32 $0x3F, v11;
	[tilespmem:s10+$0x0] =	vst v10;
	v9 =	vadd.s32 v0, v63  }
.LBB2_2:
0x2a: {  	v10 =	vmov s16;
	p0 =	sne.s32 s16, $0xFF0;
	v11 =	vadd.s32 v8, v7;
	vm0 =	vlt.s32 v8, v3;
	[tilespmem:s14+$0x0] =	vst v9  }
0x2b: {  	v12 =	vmul.u32 v5, v8;
	v13 =	vadd.s32 v6, v7;
	v9 =	vxor.u32 $0xFFFFFFFF, v11  }
0x2c: {  	v15 =	vsub.s32 v8, v3;
	v14 =	vsub.s32 v4, v11;
	v9 =	vadd.s32 v9, v4  }
0x2d: {  	v16 =	vadd.s32 $0x1, v11;
	v9 =	vmul.u32 v14, v9;
	v14 =	vsub.s32 v11, v3  }
0x2e: {  	v17 =	vsub.s32 v7, v3;
	v16 =	vmul.u32 v11, v16;
	v14 =	vadd.s32 $0x1, v14  }
0x2f: {  	vm1 =	vgt.s32 v11, v3;
	v9 =	vshra.s32 v9, $0x1;
	vm2 =	vgt.s32 v14, $0x0  }
0x30: {  	v11 =	vshrl.u32 v16, $0x1;
	v9 =	vsub.s32 v2, v9;
	v14 =	vnsel vm2, $0x0, v14  }
0x31: {  	v9 =	vsel vm1, v9, v11;
	v8 =	vsub.s32 v8, v14;
	vm1 =	vgt.s32 v17, $0x0  }
0x32: {  	v11 =	vshll.u32 v15, $0x6;
	v8 =	vadd.s32 v9, v8;
	v9 =	vnsel vm1, $0x0, v17  }
.Ltmp0:
0x33: {  	v11 =	vadd.s32 v11, v13;
	v9 =	vadd.s32 v12, v9;
	vm1 =	vgt.s32 v8, $0x0;
	(pc) =	sbr.rel @p0 .LBB2_2-.Ltmp0, $4  }
0x34: {  	vm2 =	vlt.s32 v7, v3;
	v7 =	vsel vm0, v9, v11;
	v9 =	vnsel vm1, $0x0, v8  }
0x35: {  	vm0 =	vmand vm0, vm2;
	v7 =	vadd.s32 v2, v7;
	v9 =	vmin.u32 v9, $0xFFF  }
0x36: {  	s15 =	sadd.s32 $0x10, s15;
	v11 =	vor.u32 s16, v1;
	v9 =	vor.u32 v0, v9;
	v12 =	vsel vm0, v8, v7  }
0x37: {  	s14 =	sadd.s32 $0x10, s14;
	s16 =	sadd.s32 $0x10, s16;
	v8 =	vshrl.u32 v10, $0x6;
	v7 =	vand.u32 $0x3F, v11;
	[tilespmem:s15+$0x0] =	vst v9;
	v9 =	vadd.s32 v0, v12  }
0x38: {  	v10 =	vadd.s32 v8, v7;
	vm0 =	vlt.s32 v8, v3  }
0x39: {  	v5 =	vmul.u32 v5, v8;
	v6 =	vadd.s32 v6, v7;
	v11 =	vxor.u32 $0xFFFFFFFF, v10  }
0x3a: {  	v57 =	vsub.s32 v8, v3;
	v55 =	vsub.s32 v4, v10;
	v11 =	vadd.s32 v11, v4  }
0x3b: {  	v12 =	vsub.s32 v10, v3;
	v13 =	vadd.s32 $0x1, v10;
	v4 =	vmul.u32 v55, v11  }
0x3c: {  	v59 =	vsub.s32 v7, v3;
	v56 =	vadd.s32 $0x1, v12;
	v13 =	vmul.u32 v10, v13  }
0x3d: {  	vm2 =	vgt.s32 v10, v3;
	vm1 =	vgt.s32 v56, $0x0;
	v4 =	vshra.s32 v4, $0x1  }
0x3e: {  	v58 =	vnsel vm1, $0x0, v56;
	v13 =	vshrl.u32 v13, $0x1;
	v4 =	vsub.s32 v2, v4  }
0x3f: {  	vm13 =	vgt.s32 v59, $0x0;
	v60 =	vsub.s32 v8, v58;
	v4 =	vsel vm2, v4, v13  }
0x40: {  	v62 =	vshll.u32 v57, $0x6;
	v61 =	vnsel vm13, $0x0, v59;
	v4 =	vadd.s32 v4, v60  }
0x41: {  	v6 =	vadd.s32 v62, v6;
	v5 =	vadd.s32 v5, v61;
	vm14 =	vgt.s32 v4, $0x0  }
0x42: {  	vm15 =	vlt.s32 v7, v3;
	v3 =	vsel vm0, v5, v6;
	v63 =	vnsel vm14, $0x0, v4  }
0x43: {  	vm0 =	vmand vm0, vm15;
	v2 =	vadd.s32 v2, v3;
	v3 =	vmin.u32 v63, $0xFFF  }
0x44: {  	[tilespmem:s14+$0x0] =	vst v9;
	s15 =	sadd.s32 $0x10, s15;
	v2 =	vsel vm0, v4, v2;
	v3 =	vor.u32 v0, v3  }
0x45: {  	s16 =	sadd.s32 $0x10, s14;
	v2 =	vadd.s32 v0, v2;
	[tilespmem:s15+$0x0] =	vst v3  }
0x46: {  	[tilespmem:s16+$0x0] =	vst v2  }
0x47: {  	[tilespmem:s11], [sflag:$0x1] =	stream.indirect.gather [hbm4b:s1+s9], $0x8, s10, s9, $0xb8;
	[tilespmem:$0xA010] =	vst v63  }
0x48: {  	s15 =	simm.s32 $0x90;
	s16 =	simm.s32 $0x2410  }
0x49: {  	[tilespmem:s16], [sflag:$0x1] =	stream.indirect.gather [hbm4b:s1+s9], $0x8, s15, s9, $0xb8;
	[tilespmem:$0xA010] =	vst v63  }
0x4a: {  	s15 =	simm.s32 $0x110;
	s16 =	simm.s32 $0x2810  }
0x4b: {  	[tilespmem:s16], [sflag:$0x1] =	stream.indirect.gather [hbm4b:s1+s9], $0x8, s15, s9, $0xb8;
	[tilespmem:$0xA010] =	vst v63  }
0x4c: {  	s15 =	simm.s32 $0x190;
	s16 =	simm.s32 $0x2C10  }
0x4d: {  	[tilespmem:s16], [sflag:$0x1] =	stream.indirect.gather [hbm4b:s1+s9], $0x8, s15, s9, $0xb8;
	[tilespmem:$0xA010] =	vst v63  }
0x4e: {  	s15 =	simm.s32 $0x210;
	s16 =	simm.s32 $0x3010  }
0x4f: {  	[tilespmem:s16], [sflag:$0x1] =	stream.indirect.gather [hbm4b:s1+s9], $0x8, s15, s9, $0xb8;
	[tilespmem:$0xA010] =	vst v63  }
0x50: {  	s15 =	simm.s32 $0x290;
	s16 =	simm.s32 $0x3410  }
0x51: {  	[tilespmem:s16], [sflag:$0x1] =	stream.indirect.gather [hbm4b:s1+s9], $0x8, s15, s9, $0xb8;
	[tilespmem:$0xA010] =	vst v63  }
0x52: {  	s15 =	simm.s32 $0x310;
	s16 =	simm.s32 $0x3810  }
0x53: {  	[tilespmem:s16], [sflag:$0x1] =	stream.indirect.gather [hbm4b:s1+s9], $0x8, s15, s9, $0xb8;
	[tilespmem:$0xA010] =	vst v63  }
0x54: {  	s15 =	simm.s32 $0x390;
	s16 =	simm.s32 $0x3C10  }
0x55: {  	[tilespmem:s16], [sflag:$0x1] =	stream.indirect.gather [hbm4b:s1+s9], $0x8, s15, s9, $0xb8;
	[tilespmem:$0xA010] =	vst v63  }
0x56: {  	s15 =	simm.s32 $0x410;
	s16 =	simm.s32 $0x4010  }
0x57: {  	[tilespmem:s16], [sflag:$0x1] =	stream.indirect.gather [hbm4b:s1+s9], $0x8, s15, s9, $0xb8;
	[tilespmem:$0xA010] =	vst v63  }
0x58: {  	s15 =	simm.s32 $0x490;
	s16 =	simm.s32 $0x4410  }
0x59: {  	[tilespmem:s16], [sflag:$0x1] =	stream.indirect.gather [hbm4b:s1+s9], $0x8, s15, s9, $0xb8;
	[tilespmem:$0xA010] =	vst v63  }
0x5a: {  	s15 =	simm.s32 $0x510;
	s16 =	simm.s32 $0x4810  }
0x5b: {  	[tilespmem:s16], [sflag:$0x1] =	stream.indirect.gather [hbm4b:s1+s9], $0x8, s15, s9, $0xb8;
	[tilespmem:$0xA010] =	vst v63  }
0x5c: {  	s15 =	simm.s32 $0x590;
	s16 =	simm.s32 $0x4C10  }
0x5d: {  	[tilespmem:s16], [sflag:$0x1] =	stream.indirect.gather [hbm4b:s1+s9], $0x8, s15, s9, $0xb8;
	[tilespmem:$0xA010] =	vst v63  }
0x5e: {  	s15 =	simm.s32 $0x610;
	s16 =	simm.s32 $0x5010  }
0x5f: {  	[tilespmem:s16], [sflag:$0x1] =	stream.indirect.gather [hbm4b:s1+s9], $0x8, s15, s9, $0xb8;
	[tilespmem:$0xA010] =	vst v63  }
0x60: {  	s15 =	simm.s32 $0x690;
	s16 =	simm.s32 $0x5410  }
0x61: {  	[tilespmem:s16], [sflag:$0x1] =	stream.indirect.gather [hbm4b:s1+s9], $0x8, s15, s9, $0xb8;
	[tilespmem:$0xA010] =	vst v63  }
0x62: {  	s15 =	simm.s32 $0x710;
	s16 =	simm.s32 $0x5810  }
0x63: {  	[tilespmem:s16], [sflag:$0x1] =	stream.indirect.gather [hbm4b:s1+s9], $0x8, s15, s9, $0xb8;
	[tilespmem:$0xA010] =	vst v63  }
0x64: {  	s15 =	simm.s32 $0x790;
	s16 =	simm.s32 $0x5C10  }
0x65: {  	[tilespmem:s16], [sflag:$0x1] =	stream.indirect.gather [hbm4b:s1+s9], $0x8, s15, s9, $0xb8;
	[tilespmem:$0xA010] =	vst v63  }
0x66: {  	s15 =	simm.s32 $0x810;
	s16 =	simm.s32 $0x6010  }
0x67: {  	[tilespmem:s16], [sflag:$0x1] =	stream.indirect.gather [hbm4b:s1+s9], $0x8, s15, s9, $0xb8;
	[tilespmem:$0xA010] =	vst v63  }
0x68: {  	s15 =	simm.s32 $0x890;
	s16 =	simm.s32 $0x6410  }
0x69: {  	[tilespmem:s16], [sflag:$0x1] =	stream.indirect.gather [hbm4b:s1+s9], $0x8, s15, s9, $0xb8;
	[tilespmem:$0xA010] =	vst v63  }
0x6a: {  	s15 =	simm.s32 $0x910;
	s16 =	simm.s32 $0x6810  }
0x6b: {  	[tilespmem:s16], [sflag:$0x1] =	stream.indirect.gather [hbm4b:s1+s9], $0x8, s15, s9, $0xb8;
	[tilespmem:$0xA010] =	vst v63  }
0x6c: {  	s15 =	simm.s32 $0x990;
	s16 =	simm.s32 $0x6C10  }
0x6d: {  	[tilespmem:s16], [sflag:$0x1] =	stream.indirect.gather [hbm4b:s1+s9], $0x8, s15, s9, $0xb8;
	[tilespmem:$0xA010] =	vst v63  }
0x6e: {  	s15 =	simm.s32 $0xA10;
	s16 =	simm.s32 $0x7010  }
0x6f: {  	[tilespmem:s16], [sflag:$0x1] =	stream.indirect.gather [hbm4b:s1+s9], $0x8, s15, s9, $0xb8;
	[tilespmem:$0xA010] =	vst v63  }
0x70: {  	s15 =	simm.s32 $0xA90;
	s16 =	simm.s32 $0x7410  }
0x71: {  	[tilespmem:s16], [sflag:$0x1] =	stream.indirect.gather [hbm4b:s1+s9], $0x8, s15, s9, $0xb8;
	[tilespmem:$0xA010] =	vst v63  }
0x72: {  	s15 =	simm.s32 $0xB10;
	s16 =	simm.s32 $0x7810  }
0x73: {  	[tilespmem:s16], [sflag:$0x1] =	stream.indirect.gather [hbm4b:s1+s9], $0x8, s15, s9, $0xb8;
	[tilespmem:$0xA010] =	vst v63  }
0x74: {  	s15 =	simm.s32 $0xB90;
	s16 =	simm.s32 $0x7C10  }
0x75: {  	[tilespmem:s16], [sflag:$0x1] =	stream.indirect.gather [hbm4b:s1+s9], $0x8, s15, s9, $0xb8;
	[tilespmem:$0xA010] =	vst v63  }
0x76: {  	s16 =	simm.s32 $0xC10  }
0x77: {  	[tilespmem:s17], [sflag:$0x1] =	stream.indirect.gather [hbm4b:s1+s9], $0x8, s16, s9, $0xb8;
	[tilespmem:$0xA010] =	vst v63  }
0x78: {  	_ = 	snop  }
0x79: {  	[tilespmem:s19], [sflag:$0x1] =	stream.indirect.gather [hbm4b:s1+s9], $0x8, s18, s9, $0xb8;
	[tilespmem:$0xA010] =	vst v63  }
0x7a: {  	_ = 	snop  }
0x7b: {  	[tilespmem:s21], [sflag:$0x1] =	stream.indirect.gather [hbm4b:s1+s9], $0x8, s20, s9, $0xb8;
	[tilespmem:$0xA010] =	vst v63  }
0x7c: {  	_ = 	snop  }
0x7d: {  	[tilespmem:s23], [sflag:$0x1] =	stream.indirect.gather [hbm4b:s1+s9], $0x8, s22, s9, $0xb8;
	[tilespmem:$0xA010] =	vst v63  }
0x7e: {  	_ = 	snop  }
0x7f: {  	[tilespmem:s25], [sflag:$0x1] =	stream.indirect.gather [hbm4b:s1+s9], $0x8, s24, s9, $0xb8;
	[tilespmem:$0xA010] =	vst v63  }
0x80: {  	_ = 	snop  }
0x81: {  	[tilespmem:s28], [sflag:$0x1] =	stream.indirect.gather [hbm4b:s1+s9], $0x8, s26, s9, $0xb8;
	[tilespmem:$0xA010] =	vst v63  }
0x82: {  	_ = 	snop  }
0x83: {  	[tilespmem:s30], [sflag:$0x1] =	stream.indirect.gather [hbm4b:s1+s9], $0x8, s29, s9, $0xb8;
	[tilespmem:$0xA010] =	vst v63  }
0x84: {  	_ = 	snop  }
0x85: {  	[tilespmem:s0], [sflag:$0x1] =	stream.indirect.gather [hbm4b:s1+s9], $0x8, s31, s9, $0xb8;
	[tilespmem:$0xA010] =	vst v63  }
0x86: {  	_ =	swait.ge [sflag:s2], $0x400  }
0x87: {  	[sflag:s2] =	ssyncset.done $0x0  }
0x88: {  	[sflag:s2] =	ssyncadd.s32 $0xFFFFFC00  }
0x89: {  	_ =	swait.ge [sflag:s2], $0x400  }
0x8a: {  	[sflag:s2] =	ssyncset.done $0x0  }
0x8b: {  	[sflag:s2] =	ssyncadd.s32 $0xFFFFFC00  }
0x8c: {  	_ =	swait.ge [sflag:s2], $0x400  }
0x8d: {  	[sflag:s2] =	ssyncset.done $0x0  }
0x8e: {  	[sflag:s2] =	ssyncadd.s32 $0xFFFFFC00  }
0x8f: {  	_ =	swait.ge [sflag:s2], $0x400  }
0x90: {  	[sflag:s2] =	ssyncset.done $0x0  }
0x91: {  	[sflag:s2] =	ssyncadd.s32 $0xFFFFFC00  }
0x92: {  	_ =	swait.ge [sflag:s2], $0x400  }
0x93: {  	[sflag:s2] =	ssyncset.done $0x0  }
0x94: {  	[sflag:s2] =	ssyncadd.s32 $0xFFFFFC00  }
0x95: {  	_ =	swait.ge [sflag:s2], $0x400  }
0x96: {  	[sflag:s2] =	ssyncset.done $0x0  }
0x97: {  	[sflag:s2] =	ssyncadd.s32 $0xFFFFFC00  }
0x98: {  	_ =	swait.ge [sflag:s2], $0x400  }
0x99: {  	[sflag:s2] =	ssyncset.done $0x0  }
0x9a: {  	[sflag:s2] =	ssyncadd.s32 $0xFFFFFC00  }
0x9b: {  	_ =	swait.ge [sflag:s2], $0x400  }
0x9c: {  	[sflag:s2] =	ssyncset.done $0x0  }
0x9d: {  	[sflag:s2] =	ssyncadd.s32 $0xFFFFFC00  }
0x9e: {  	_ =	swait.ge [sflag:s2], $0x400  }
0x9f: {  	[sflag:s2] =	ssyncset.done $0x0  }
0xa0: {  	[sflag:s2] =	ssyncadd.s32 $0xFFFFFC00  }
0xa1: {  	_ =	swait.ge [sflag:s2], $0x400  }
0xa2: {  	[sflag:s2] =	ssyncset.done $0x0  }
0xa3: {  	[sflag:s2] =	ssyncadd.s32 $0xFFFFFC00  }
0xa4: {  	_ =	swait.ge [sflag:s2], $0x400  }
0xa5: {  	[sflag:s2] =	ssyncset.done $0x0  }
0xa6: {  	[sflag:s2] =	ssyncadd.s32 $0xFFFFFC00  }
0xa7: {  	_ =	swait.ge [sflag:s2], $0x400  }
0xa8: {  	[sflag:s2] =	ssyncset.done $0x0  }
0xa9: {  	[sflag:s2] =	ssyncadd.s32 $0xFFFFFC00  }
0xaa: {  	_ =	swait.ge [sflag:s2], $0x400  }
0xab: {  	[sflag:s2] =	ssyncset.done $0x0  }
0xac: {  	[sflag:s2] =	ssyncadd.s32 $0xFFFFFC00  }
0xad: {  	_ =	swait.ge [sflag:s2], $0x400  }
0xae: {  	[sflag:s2] =	ssyncset.done $0x0  }
0xaf: {  	[sflag:s2] =	ssyncadd.s32 $0xFFFFFC00  }
0xb0: {  	_ =	swait.ge [sflag:s2], $0x400  }
0xb1: {  	[sflag:s2] =	ssyncset.done $0x0  }
0xb2: {  	[sflag:s2] =	ssyncadd.s32 $0xFFFFFC00  }
0xb3: {  	_ =	swait.ge [sflag:s2], $0x400  }
0xb4: {  	[sflag:s2] =	ssyncset.done $0x0  }
0xb5: {  	[sflag:s2] =	ssyncadd.s32 $0xFFFFFC00  }
0xb6: {  	_ =	swait.ge [sflag:s2], $0x400  }
0xb7: {  	[sflag:s2] =	ssyncset.done $0x0  }
0xb8: {  	[sflag:s2] =	ssyncadd.s32 $0xFFFFFC00  }
0xb9: {  	_ =	swait.ge [sflag:s2], $0x400  }
0xba: {  	[sflag:s2] =	ssyncset.done $0x0  }
0xbb: {  	[sflag:s2] =	ssyncadd.s32 $0xFFFFFC00  }
0xbc: {  	_ =	swait.ge [sflag:s2], $0x400  }
0xbd: {  	[sflag:s2] =	ssyncset.done $0x0  }
0xbe: {  	[sflag:s2] =	ssyncadd.s32 $0xFFFFFC00  }
0xbf: {  	_ =	swait.ge [sflag:s2], $0x400  }
0xc0: {  	[sflag:s2] =	ssyncset.done $0x0  }
0xc1: {  	[sflag:s2] =	ssyncadd.s32 $0xFFFFFC00  }
0xc2: {  	_ =	swait.ge [sflag:s2], $0x400  }
0xc3: {  	[sflag:s2] =	ssyncset.done $0x0  }
0xc4: {  	[sflag:s2] =	ssyncadd.s32 $0xFFFFFC00  }
0xc5: {  	_ =	swait.ge [sflag:s2], $0x400  }
0xc6: {  	[sflag:s2] =	ssyncset.done $0x0  }
0xc7: {  	[sflag:s2] =	ssyncadd.s32 $0xFFFFFC00  }
0xc8: {  	_ =	swait.ge [sflag:s2], $0x400  }
0xc9: {  	[sflag:s2] =	ssyncset.done $0x0  }
0xca: {  	[sflag:s2] =	ssyncadd.s32 $0xFFFFFC00  }
0xcb: {  	_ =	swait.ge [sflag:s2], $0x400  }
0xcc: {  	[sflag:s2] =	ssyncset.done $0x0  }
0xcd: {  	[sflag:s2] =	ssyncadd.s32 $0xFFFFFC00  }
0xce: {  	_ =	swait.ge [sflag:s2], $0x400  }
0xcf: {  	[sflag:s2] =	ssyncset.done $0x0  }
0xd0: {  	[sflag:s2] =	ssyncadd.s32 $0xFFFFFC00  }
0xd1: {  	_ =	swait.ge [sflag:s2], $0x400  }
0xd2: {  	[sflag:s2] =	ssyncset.done $0x0  }
0xd3: {  	[sflag:s2] =	ssyncadd.s32 $0xFFFFFC00  }
0xd4: {  	_ =	swait.ge [sflag:s2], $0x400  }
0xd5: {  	[sflag:s2] =	ssyncset.done $0x0  }
0xd6: {  	[sflag:s2] =	ssyncadd.s32 $0xFFFFFC00  }
0xd7: {  	_ =	swait.ge [sflag:s2], $0x400  }
0xd8: {  	[sflag:s2] =	ssyncset.done $0x0  }
0xd9: {  	[sflag:s2] =	ssyncadd.s32 $0xFFFFFC00  }
0xda: {  	_ =	swait.ge [sflag:s2], $0x400  }
0xdb: {  	[sflag:s2] =	ssyncset.done $0x0  }
0xdc: {  	[sflag:s2] =	ssyncadd.s32 $0xFFFFFC00  }
0xdd: {  	_ =	swait.ge [sflag:s2], $0x400  }
0xde: {  	[sflag:s2] =	ssyncset.done $0x0  }
0xdf: {  	[sflag:s2] =	ssyncadd.s32 $0xFFFFFC00  }
0xe0: {  	_ =	swait.ge [sflag:s2], $0x400  }
0xe1: {  	[sflag:s2] =	ssyncset.done $0x0  }
0xe2: {  	[sflag:s2] =	ssyncadd.s32 $0xFFFFFC00  }
0xe3: {  	_ =	swait.ge [sflag:s2], $0x400  }
0xe4: {  	[sflag:s2] =	ssyncset.done $0x0  }
0xe5: {  	[sflag:s2] =	ssyncadd.s32 $0xFFFFFC00  }
0xe6: {  	[hbm4b:s5+s3] =	stream.linear.scatter [tilespmem:s11], [sflag:$0x2], $0x8000, $0x38;
	[tilespmem:$0xA010] =	vst v63  }
0xe7: {  	s13 =	sadd.s32 $0x1, s13;
	_ =	swait.ge [sflag:s8], $0x8000  }
0xe8: {  	p0 =	sne.s32 s13, s7;
	[sflag:s8] =	ssyncset.done $0x0  }
.Ltmp1:
0xe9: {  	[sflag:s8] =	ssyncadd.s32 $0xFFFF8000;
	(pc) =	sbr.rel @p0 .LBB2_1-.Ltmp1, $4  }
0xea: {  	[hbm4b:s6+s3] =	stream.linear.scatter [tilespmem:s12], [sflag:$0x2], $0x1000, $0x38;
	[tilespmem:$0xA010] =	vst v63  }
0xeb: {  	_ =	swait.ge [sflag:s8], $0x1000  }
0xec: {  	[sflag:s8] =	ssyncset.done $0x0  }
0xed: {  	[sflag:s8] =	ssyncadd.s32 $0xFFFFF000  }
0xee: {  	_ =	sfence.sel $0x180000  }
0xef: {  	[bflag:$0x0] =	sbarrier.arrive $0xFFFF  }
0xf0: {  	_ =	strace $0x90000047  }
0xf1: {  	s0 =	stileid.u32;
	[bflag:$0x2] =	sbarrier.arrive $0xFFFF  }
0xf2: {  	p0 =	sne.s32 s0, $0x0;
	s0 =	rddreg [dreg:$0x4]  }
0xf3: {  	s0 =	sadd.s32 @!p0 $0x100000, s0  }
0xf4: {  	[sflag:s0] =	ssyncadd.tile.s32 @!p0 $0x1;
	_ =	shalt  }
.Lfunc_end2:
_tile_overlayer_lowered:
.L_overlay_start_2:
0xf5: {  	(tag) =	ssettag $0x2  }
0xf6: {  	s0 =	rddreg [dreg:$0x0];
	s2 =	stileid.u32  }
0xf7: {  	s1 =	rddreg [dreg:$0x1];
	p0 =	sne.s32 s2, $0x0  }
0xf8: {  	s3 =	rddreg [dreg:$0x2];
	[bflag:$0x3] =	sbarrier.arrive $0xFFFF;
	s2 =	simm.s32 @!p0 $0x1C02  }
0xf9: {  	[timem:s3], [sflag:s2] =	dma.local @!p0 [hbm:s0], s1  }
0xfa: {  	s0 =	simm.s32 @!p0 $0x2  }
0xfb: {  	_ =	swait.ge @!p0 [sflag:s0], s1  }
0xfc: {  	s1 =	ssub.s32 @!p0 $0x0, s1;
	[sflag:s0] =	ssyncset.done @!p0 $0x0  }
0xfd: {  	[sflag:s0] =	ssyncadd.s32 @!p0 s1  }
0xfe: {  	[bflag:$0x3] =	sbarrier.arrive $0xFFFF  }
0xff: {  	_ =	shalt  }

</sc_bundles>
